<compile_context>
chip_gen: v7x
topology: tpu7x:2x2x1
jax: 0.10.2.dev20260603
libtpu: 0.0.44.dev20260713+nightly
codegen_flags: <defaults>
</compile_context>

<pallas_src>
import functools

import jax
import jax.numpy as jnp
from jax import lax
from jax.experimental import pallas as pl
from jax.experimental.pallas import tpu as pltpu
from jax.experimental.pallas import tpu_sc as plsc

K = 20
EPS = 1e-5
NEG = -3.0e38


def _lrelu(x):
    return jnp.where(x >= 0, x, 0.2 * x)


def _knn_feat(XT, W, blk=128):
    B, N, C = XT.shape
    O = W.shape[0]

    def body(xr_ref, xb_ref, w_ref, idx_ref, g_ref, c_ref):
        b = pl.program_id(0)
        xr = xr_ref[0]
        xb = xb_ref[0]
        w = w_ref[...]
        dn = (((1,), (1,)), ((), ()))
        g_ref[0] = lax.dot_general(xr, w[:, :C], dn,
                                   preferred_element_type=jnp.float32)
        c_ref[0] = lax.dot_general(xr, w[:, C:], dn,
                                   preferred_element_type=jnp.float32)
        in2 = lax.dot_general(xr, xb, (((1,), (0,)), ((), ())),
                              preferred_element_type=jnp.float32)
        xx_row = jnp.sum(xb * xb, axis=0, keepdims=True)
        xx_col = jnp.sum(xr * xr, axis=1, keepdims=True)
        pd = (2.0 * in2 - xx_row) - xx_col
        iota = lax.broadcasted_iota(jnp.int32, (blk, N), 1)
        cols = []
        for _ in range(K):
            m = jnp.max(pd, axis=1, keepdims=True)
            hit = pd == m
            idxk = jnp.min(jnp.where(hit, iota, N), axis=1, keepdims=True)
            cols.append(idxk)
            pd = jnp.where(iota == idxk, NEG, pd)
        idx = jnp.concatenate(cols, axis=1) + b * N
        idx_ref[0] = idx

    return pl.pallas_call(
        body,
        grid=(B, N // blk),
        in_specs=[
            pl.BlockSpec((1, blk, C), lambda b, i: (b, i, 0)),
            pl.BlockSpec((1, C, N), lambda b, i: (b, 0, 0)),
            pl.BlockSpec((O, 2 * C), lambda b, i: (0, 0)),
        ],
        out_specs=[
            pl.BlockSpec((1, blk, K), lambda b, i: (b, i, 0)),
            pl.BlockSpec((1, blk, O), lambda b, i: (b, i, 0)),
            pl.BlockSpec((1, blk, O), lambda b, i: (b, i, 0)),
        ],
        out_shape=[
            jax.ShapeDtypeStruct((B, N, K), jnp.int32),
            jax.ShapeDtypeStruct((B, N, O), jnp.float32),
            jax.ShapeDtypeStruct((B, N, O), jnp.float32),
        ],
    )(XT, jnp.transpose(XT, (0, 2, 1)), W)


def _gather_reduce(gT, idxf, O):
    R = gT.shape[0]
    info = plsc.get_sparse_core_info()
    NC, NS = info.num_cores, info.num_subcores
    NW = NC * NS
    PW = R // NW
    P = 4
    CH = PW // P

    mesh = plsc.VectorSubcoreMesh(core_axis_name="c", subcore_axis_name="s")

    @functools.partial(
        pl.kernel,
        out_type=[
            jax.ShapeDtypeStruct((R, O), jnp.float32),
            jax.ShapeDtypeStruct((R, O), jnp.float32),
            jax.ShapeDtypeStruct((NW, O), jnp.float32),
        ],
        mesh=mesh,
        compiler_params=pltpu.CompilerParams(use_tc_tiling_on_sc=False),
        scratch_types=[
            pltpu.VMEM((P * K,), jnp.int32),
            pltpu.VMEM((P * K, O), jnp.float32),
            pltpu.VMEM((P, O), jnp.float32),
            pltpu.VMEM((P, O), jnp.float32),
            pltpu.VMEM((O,), jnp.float32),
            pltpu.SemaphoreType.DMA,
        ],
    )
    def run(g_hbm, idx_hbm, pmax_hbm, tsum_hbm, qpart_hbm,
            idx_v, rows_v, pm_v, ts_v, q_v, sem):
        wid = lax.axis_index("s") * NC + lax.axis_index("c")
        zeros16 = jnp.zeros((16,), jnp.float32)

        def zq(j, carry):
            q_v[pl.ds(j * 16, 16)] = zeros16
            return carry

        lax.fori_loop(0, O // 16, zq, 0)

        def chunk(ch, carry):
            base = wid * PW + ch * P
            pltpu.sync_copy(idx_hbm.at[pl.ds(base * K, P * K)], idx_v)
            pltpu.async_copy(g_hbm.at[idx_v], rows_v, sem).wait()

            def colj(j, c2):
                o0 = j * 16
                for p in range(P):
                    r0 = p * K
                    v = rows_v[r0, pl.ds(o0, 16)]
                    mx = v
                    sm = v
                    sq = v * v
                    for kk in range(1, K):
                        v = rows_v[r0 + kk, pl.ds(o0, 16)]
                        mx = jnp.maximum(mx, v)
                        sm = sm + v
                        sq = sq + v * v
                    pm_v[p, pl.ds(o0, 16)] = mx
                    ts_v[p, pl.ds(o0, 16)] = sm
                    q_v[pl.ds(o0, 16)] = q_v[pl.ds(o0, 16)] + sq
                return c2

            lax.fori_loop(0, O // 16, colj, 0)
            pltpu.sync_copy(pm_v, pmax_hbm.at[pl.ds(base, P)])
            pltpu.sync_copy(ts_v, tsum_hbm.at[pl.ds(base, P)])
            return carry

        lax.fori_loop(0, CH, chunk, 0)
        pltpu.sync_copy(q_v, qpart_hbm.at[wid])

    return run(gT, idxf)


def _sc_gather(table, idxf):
    R, C = table.shape
    T = idxf.shape[0]
    info = plsc.get_sparse_core_info()
    NC, NS = info.num_cores, info.num_subcores
    NW = NC * NS
    PW = (T // K) // NW
    P = 4
    CH = PW // P

    mesh = plsc.VectorSubcoreMesh(core_axis_name="c", subcore_axis_name="s")

    @functools.partial(
        pl.kernel,
        out_type=jax.ShapeDtypeStruct((T, C), jnp.float32),
        mesh=mesh,
        compiler_params=pltpu.CompilerParams(use_tc_tiling_on_sc=False),
        scratch_types=[
            pltpu.VMEM((P * K,), jnp.int32),
            pltpu.VMEM((P * K, C), jnp.float32),
            pltpu.SemaphoreType.DMA,
        ],
    )
    def run(t_hbm, idx_hbm, out_hbm, idx_v, rows_v, sem):
        wid = lax.axis_index("s") * NC + lax.axis_index("c")

        def chunk(ch, carry):
            base = (wid * PW + ch * P) * K
            pltpu.sync_copy(idx_hbm.at[pl.ds(base, P * K)], idx_v)
            pltpu.async_copy(t_hbm.at[idx_v], rows_v, sem).wait()
            pltpu.sync_copy(rows_v, out_hbm.at[pl.ds(base, P * K)])
            return carry

        lax.fori_loop(0, CH, chunk, 0)

    return run(table, idxf)


def _econv_exact(fnb, xf, W, Cf, pts=64):
    T, Cp = fnb.shape
    R = xf.shape[0]
    O = W.shape[0]
    nb = R // pts

    def body(f_ref, x_ref, w_ref, pm_ref, s1_ref, s2_ref):
        fn = f_ref[...][:, :Cf]
        xc = x_ref[...][:, :Cf]
        xr = jnp.broadcast_to(
            xc[:, None, :], (pts, K, Cf)).reshape(pts * K, Cf)
        f = jnp.concatenate([fn, xr], axis=1)
        h = lax.dot_general(f, w_ref[...], (((1,), (1,)), ((), ())),
                            preferred_element_type=jnp.float32)
        h3 = h.reshape(pts, K, O)
        s1_ref[0] = jnp.sum(jnp.sum(h3, axis=1), axis=0, keepdims=True)
        s2_ref[0] = jnp.sum(jnp.sum(h3 * h3, axis=1), axis=0, keepdims=True)
        pm_ref[...] = jnp.max(h3, axis=1)

    return pl.pallas_call(
        body,
        grid=(nb,),
        in_specs=[
            pl.BlockSpec((pts * K, Cp), lambda i: (i, 0)),
            pl.BlockSpec((pts, Cp), lambda i: (i, 0)),
            pl.BlockSpec((O, 2 * Cf), lambda i: (0, 0)),
        ],
        out_specs=[
            pl.BlockSpec((pts, O), lambda i: (i, 0)),
            pl.BlockSpec((1, 1, O), lambda i: (i, 0, 0)),
            pl.BlockSpec((1, 1, O), lambda i: (i, 0, 0)),
        ],
        out_shape=[
            jax.ShapeDtypeStruct((R, O), jnp.float32),
            jax.ShapeDtypeStruct((nb, 1, O), jnp.float32),
            jax.ShapeDtypeStruct((nb, 1, O), jnp.float32),
        ],
    )(fnb, xf, W)


def _econv_var(fnb, xf, W, Cf, s1p, M, pts=64):
    T, Cp = fnb.shape
    R = xf.shape[0]
    O = W.shape[0]
    nb = R // pts
    nbp = s1p.shape[0]

    def body(f_ref, x_ref, w_ref, s1_ref, sc_ref):
        mean = jnp.sum(s1_ref[:, 0, :], axis=0, keepdims=True) / M
        fn = f_ref[...][:, :Cf]
        xc = x_ref[...][:, :Cf]
        xr = jnp.broadcast_to(
            xc[:, None, :], (pts, K, Cf)).reshape(pts * K, Cf)
        f = jnp.concatenate([fn, xr], axis=1)
        h = lax.dot_general(f, w_ref[...], (((1,), (1,)), ((), ())),
                            preferred_element_type=jnp.float32)
        d = h - mean
        d3 = (d * d).reshape(pts, K, O)
        sc_ref[0] = jnp.sum(jnp.sum(d3, axis=1), axis=0, keepdims=True)

    return pl.pallas_call(
        body,
        grid=(nb,),
        in_specs=[
            pl.BlockSpec((pts * K, Cp), lambda i: (i, 0)),
            pl.BlockSpec((pts, Cp), lambda i: (i, 0)),
            pl.BlockSpec((O, 2 * Cf), lambda i: (0, 0)),
            pl.BlockSpec((nbp, 1, O), lambda i: (0, 0, 0)),
        ],
        out_specs=pl.BlockSpec((1, 1, O), lambda i: (i, 0, 0)),
        out_shape=jax.ShapeDtypeStruct((nb, 1, O), jnp.float32),
    )(fnb, xf, W, s1p)


def _normalize2(pmax, s1p, s2p, M, blk=1024):
    R, O = pmax.shape
    nb = s1p.shape[0]

    def body(p_ref, s1_ref, s2_ref, o_ref):
        mean = jnp.sum(s1_ref[:, 0, :], axis=0, keepdims=True) / M
        var = jnp.sum(s2_ref[:, 0, :], axis=0, keepdims=True) / M
        y = (p_ref[...] - mean) / jnp.sqrt(var + EPS)
        o_ref[...] = _lrelu(y)

    return pl.pallas_call(
        body,
        grid=(R // blk,),
        in_specs=[
            pl.BlockSpec((blk, O), lambda i: (i, 0)),
            pl.BlockSpec((nb, 1, O), lambda i: (0, 0, 0)),
            pl.BlockSpec((nb, 1, O), lambda i: (0, 0, 0)),
        ],
        out_specs=pl.BlockSpec((blk, O), lambda i: (i, 0)),
        out_shape=jax.ShapeDtypeStruct((R, O), jnp.float32),
    )(pmax, s1p, s2p)


def _edgeconv_exact(XT, W, Cf):
    B, N, C = XT.shape
    O = W.shape[0]
    idx, _, _ = _knn_feat(XT, W)
    if C < 8:
        table = jnp.pad(XT.reshape(B * N, C), ((0, 0), (0, 8 - C)))
    else:
        table = XT.reshape(B * N, C)
    fnb = _sc_gather(table, idx.reshape(B * N * K))
    M = float(B * N * K)
    pmax, s1, _ = _econv_exact(fnb, table, W, Cf)
    s2c = _econv_var(fnb, table, W, Cf, s1, M)
    xn = _normalize2(pmax, s1, s2c, M)
    return xn.reshape(B, N, O)


def _stats(tsum, cT, blk=1024):
    R, O = tsum.shape

    def body(t_ref, c_ref, s1_ref, s2_ref):
        @pl.when(pl.program_id(0) == 0)
        def _():
            s1_ref[...] = jnp.zeros_like(s1_ref)
            s2_ref[...] = jnp.zeros_like(s2_ref)

        t = t_ref[...]
        c = c_ref[...]
        s1_ref[...] += jnp.sum(t + K * c, axis=0, keepdims=True)
        s2_ref[...] += jnp.sum(2.0 * c * t + K * c * c, axis=0, keepdims=True)

    return pl.pallas_call(
        body,
        grid=(R // blk,),
        in_specs=[
            pl.BlockSpec((blk, O), lambda i: (i, 0)),
            pl.BlockSpec((blk, O), lambda i: (i, 0)),
        ],
        out_specs=[
            pl.BlockSpec((1, O), lambda i: (0, 0)),
            pl.BlockSpec((1, O), lambda i: (0, 0)),
        ],
        out_shape=[
            jax.ShapeDtypeStruct((1, O), jnp.float32),
            jax.ShapeDtypeStruct((1, O), jnp.float32),
        ],
    )(tsum, cT)


def _normalize(pmax, cT, s1, s2, qpart, M, blk=1024):
    R, O = pmax.shape
    NW = qpart.shape[0]

    def body(p_ref, c_ref, s1_ref, s2_ref, q_ref, o_ref):
        q = jnp.sum(q_ref[...], axis=0, keepdims=True)
        mean = s1_ref[...] / M
        ex2 = (s2_ref[...] + q) / M
        var = ex2 - mean * mean
        y = (p_ref[...] + c_ref[...] - mean) / jnp.sqrt(var + EPS)
        o_ref[...] = _lrelu(y)

    return pl.pallas_call(
        body,
        grid=(R // blk,),
        in_specs=[
            pl.BlockSpec((blk, O), lambda i: (i, 0)),
            pl.BlockSpec((blk, O), lambda i: (i, 0)),
            pl.BlockSpec((1, O), lambda i: (0, 0)),
            pl.BlockSpec((1, O), lambda i: (0, 0)),
            pl.BlockSpec((NW, O), lambda i: (0, 0)),
        ],
        out_specs=pl.BlockSpec((blk, O), lambda i: (i, 0)),
        out_shape=jax.ShapeDtypeStruct((R, O), jnp.float32),
    )(pmax, cT, s1, s2, qpart)


def _edgeconv(XT, W):
    B, N, C = XT.shape
    O = W.shape[0]
    idx, gT, cT = _knn_feat(XT, W)
    pmax, tsum, qpart = _gather_reduce(
        gT.reshape(B * N, O), idx.reshape(B * N * K), O)
    cf = cT.reshape(B * N, O)
    s1, s2 = _stats(tsum, cf)
    xn = _normalize(pmax, cf, s1, s2, qpart, float(B * N * K))
    return xn.reshape(B, N, O)


def _l5a(xs, W5, B, N, blk=512):
    R = B * N
    Cs = [x.shape[1] for x in xs]
    O5 = W5.shape[0]
    nb = N // blk
    offs = [0]
    for c in Cs:
        offs.append(offs[-1] + c)

    def body(x1_ref, x2_ref, x3_ref, x4_ref, w_ref, h_ref, s1_ref, s2_ref,
             hm_ref):
        b = pl.program_id(0)
        j = pl.program_id(1)

        @pl.when((b == 0) & (j == 0))
        def _():
            s1_ref[...] = jnp.zeros_like(s1_ref)
            s2_ref[...] = jnp.zeros_like(s2_ref)

        @pl.when(j == 0)
        def _():
            hm_ref[0] = jnp.full((1, O5), NEG, jnp.float32)

        w = w_ref[...]
        dn = (((1,), (1,)), ((), ()))
        h = lax.dot_general(x1_ref[...], w[:, offs[0]:offs[1]], dn,
                            preferred_element_type=jnp.float32)
        h += lax.dot_general(x2_ref[...], w[:, offs[1]:offs[2]], dn,
                             preferred_element_type=jnp.float32)
        h += lax.dot_general(x3_ref[...], w[:, offs[2]:offs[3]], dn,
                             preferred_element_type=jnp.float32)
        h += lax.dot_general(x4_ref[...], w[:, offs[3]:offs[4]], dn,
                             preferred_element_type=jnp.float32)
        h_ref[...] = h
        s1_ref[...] += jnp.sum(h, axis=0, keepdims=True)
        s2_ref[...] += jnp.sum(h * h, axis=0, keepdims=True)
        hm_ref[0] = jnp.maximum(hm_ref[0], jnp.max(h, 0, keepdims=True))

    rowmap = lambda b, j: (b * nb + j, 0)
    return pl.pallas_call(
        body,
        grid=(B, nb),
        in_specs=[pl.BlockSpec((blk, c), rowmap) for c in Cs]
        + [pl.BlockSpec((O5, offs[-1]), lambda b, j: (0, 0))],
        out_specs=[
            pl.BlockSpec((blk, O5), rowmap),
            pl.BlockSpec((1, O5), lambda b, j: (0, 0)),
            pl.BlockSpec((1, O5), lambda b, j: (0, 0)),
            pl.BlockSpec((1, 1, O5), lambda b, j: (b, 0, 0)),
        ],
        out_shape=[
            jax.ShapeDtypeStruct((R, O5), jnp.float32),
            jax.ShapeDtypeStruct((1, O5), jnp.float32),
            jax.ShapeDtypeStruct((1, O5), jnp.float32),
            jax.ShapeDtypeStruct((B, 1, O5), jnp.float32),
        ],
    )(*xs, W5)


def _l5b(h5, s1, s2, B, N, blk=512):
    R, O5 = h5.shape
    nb = N // blk
    M5 = float(R)

    def body(h_ref, s1_ref, s2_ref, p2_ref):
        j = pl.program_id(1)

        @pl.when(j == 0)
        def _():
            p2_ref[0] = jnp.zeros((1, O5), jnp.float32)

        mean = s1_ref[...] / M5
        var = s2_ref[...] / M5 - mean * mean
        y = _lrelu((h_ref[...] - mean) / jnp.sqrt(var + EPS))
        p2_ref[0] += jnp.sum(y, axis=0, keepdims=True) / N

    return pl.pallas_call(
        body,
        grid=(B, nb),
        in_specs=[
            pl.BlockSpec((blk, O5), lambda b, j: (b * nb + j, 0)),
            pl.BlockSpec((1, O5), lambda b, j: (0, 0)),
            pl.BlockSpec((1, O5), lambda b, j: (0, 0)),
        ],
        out_specs=pl.BlockSpec((1, 1, O5), lambda b, j: (b, 0, 0)),
        out_shape=jax.ShapeDtypeStruct((B, 1, O5), jnp.float32),
    )(h5, s1, s2)


def _head(hmax, p2, s1, s2, M5, L1, L2w, L2b, L3w, L3b, L4w, L4b, L5w, L5b):
    B = hmax.shape[0]

    def bn0(z):
        m = jnp.mean(z, axis=0, keepdims=True)
        v = jnp.mean((z - m) * (z - m), axis=0, keepdims=True)
        return (z - m) / jnp.sqrt(v + EPS)

    def body(hm_ref, p2_ref, s1_ref, s2_ref, l1_ref, l2w_ref, l2b_ref,
             l3w_ref, l3b_ref, l4w_ref, l4b_ref, l5w_ref, l5b_ref, o_ref):
        mean = s1_ref[...] / M5
        var = s2_ref[...] / M5 - mean * mean
        p1 = _lrelu((hm_ref[...] - mean) / jnp.sqrt(var + EPS))
        h = jnp.concatenate([p1, p2_ref[...]], axis=1)
        dn = (((1,), (1,)), ((), ()))
        z = lax.dot_general(h, l1_ref[...], dn,
                            preferred_element_type=jnp.float32)
        h = _lrelu(bn0(z))
        z = lax.dot_general(h, l2w_ref[...], dn,
                            preferred_element_type=jnp.float32) + l2b_ref[...]
        h = _lrelu(bn0(z))
        h = lax.dot_general(h, l3w_ref[...], dn,
                            preferred_element_type=jnp.float32) + l3b_ref[...]
        h = lax.dot_general(h, l4w_ref[...], dn,
                            preferred_element_type=jnp.float32) + l4b_ref[...]
        h = lax.dot_general(h, l5w_ref[...], dn,
                            preferred_element_type=jnp.float32) + l5b_ref[...]
        o_ref[...] = h

    args = [hmax, p2, s1, s2, L1, L2w, L2b.reshape(1, -1), L3w,
            L3b.reshape(1, -1), L4w, L4b.reshape(1, -1), L5w,
            L5b.reshape(1, -1)]
    return pl.pallas_call(
        body,
        in_specs=[pl.BlockSpec(a.shape, lambda: (0,) * a.ndim) for a in args],
        out_specs=pl.BlockSpec((B, 40), lambda: (0, 0)),
        out_shape=jax.ShapeDtypeStruct((B, 40), jnp.float32),
    )(*args)


def kernel(x, W1, W2, W3, W4, W5, L1, L2w, L2b, L3w, L3b, L4w, L4b, L5w,
           L5b):
    B, _, N = x.shape
    XT = jnp.transpose(x, (0, 2, 1))
    x1 = _edgeconv_exact(XT, W1, 3)
    x2 = _edgeconv_exact(x1, W2, 64)
    x3 = _edgeconv_exact(x2, W3, 64)
    x4 = _edgeconv(x3, W4)
    xs = [x1.reshape(B * N, -1), x2.reshape(B * N, -1),
          x3.reshape(B * N, -1), x4.reshape(B * N, -1)]
    h5, s1, s2, hmax = _l5a(xs, W5, B, N)
    p2 = _l5b(h5, s1, s2, B, N)
    return _head(hmax.reshape(B, -1), p2.reshape(B, -1), s1, s2,
                 float(B * N), L1, L2w, L2b, L3w, L3b, L4w, L4b, L5w, L5b)

# --- scband reference (transcript-rebuilt; emitter-appended) ---
"""Pipeline reference for scband-dgcnn-cls-7206955123075 (READ-ONLY COPY).

The authoritative reference and input builder live on the scoring server;
editing this copy changes nothing except your own understanding.
"""

import jax, jax.numpy as jnp
import numpy as np

K = 20
EPS = 1e-5

def lrelu(x):
    return jnp.where(x >= 0, x, 0.2 * x)

def bn(x, axes):
    m = jnp.mean(x, axis=axes, keepdims=True)
    v = jnp.var(x, axis=axes, keepdims=True)
    return (x - m) / jnp.sqrt(v + EPS)

def knn(x, k):
    # x: [B, C, N]
    inner = -2.0 * jnp.einsum('bcn,bcm->bnm', x, x)
    xx = jnp.sum(x ** 2, axis=1, keepdims=True)  # [B,1,N]
    pd = -xx - inner - jnp.transpose(xx, (0, 2, 1))  # [B,N,N]
    idx = jax.lax.top_k(pd, k)[1]  # [B,N,k]
    return idx

def get_graph_feature(x, k):
    # x: [B, C, N] -> [B, 2C, N, k]
    idx = knn(x, k)
    x_t = jnp.transpose(x, (0, 2, 1))  # [B,N,C]
    feature = jax.vmap(lambda xt, id_: xt[id_])(x_t, idx)  # [B,N,k,C]
    center = jnp.broadcast_to(x_t[:, :, None, :], feature.shape)
    out = jnp.concatenate([feature, center], axis=3)  # [B,N,k,2C]
    return jnp.transpose(out, (0, 3, 1, 2))

def setup_inputs(seed: int = 0) -> dict:
    key = jax.random.key(seed)
    ks = [jax.random.fold_in(key, i) for i in range(16)]
    B, N = 8, 2048
    inp = {}
    inp['x'] = jax.random.normal(ks[0], (B, 3, N), dtype=jnp.float32)
    s = 0.1
    inp['W1'] = jax.random.normal(ks[1], (64, 6), dtype=jnp.float32) * s
    inp['W2'] = jax.random.normal(ks[2], (64, 128), dtype=jnp.float32) * s
    inp['W3'] = jax.random.normal(ks[3], (128, 128), dtype=jnp.float32) * s
    inp['W4'] = jax.random.normal(ks[4], (256, 256), dtype=jnp.float32) * s
    inp['W5'] = jax.random.normal(ks[5], (128, 512), dtype=jnp.float32) * s
    inp['L1'] = jax.random.normal(ks[6], (512, 256), dtype=jnp.float32) * s
    inp['L2w'] = jax.random.normal(ks[7], (256, 512), dtype=jnp.float32) * s
    inp['L2b'] = jax.random.normal(ks[8], (256,), dtype=jnp.float32) * s
    inp['L3w'] = jax.random.normal(ks[9], (128, 256), dtype=jnp.float32) * s
    inp['L3b'] = jax.random.normal(ks[10], (128,), dtype=jnp.float32) * s
    inp['L4w'] = jax.random.normal(ks[11], (32, 128), dtype=jnp.float32) * s
    inp['L4b'] = jax.random.normal(ks[12], (32,), dtype=jnp.float32) * s
    inp['L5w'] = jax.random.normal(ks[13], (40, 32), dtype=jnp.float32) * s
    inp['L5b'] = jax.random.normal(ks[14], (40,), dtype=jnp.float32) * s
    return inp

def reference(x, W1, W2, W3, W4, W5, L1, L2w, L2b, L3w, L3b, L4w, L4b, L5w, L5b):
    # x: [B, 3, N]
    f = get_graph_feature(x, K)                                  # [B,6,N,k]
    h = lrelu(bn(jnp.einsum('oc,bcnk->bonk', W1, f), (0, 2, 3)))
    x1 = jnp.max(h, axis=-1)                                     # [B,64,N]
    f = get_graph_feature(x1, K)                                 # [B,128,N,k]
    h = lrelu(bn(jnp.einsum('oc,bcnk->bonk', W2, f), (0, 2, 3)))
    x2 = jnp.max(h, axis=-1)                                     # [B,64,N]
    f = get_graph_feature(x2, K)
    h = lrelu(bn(jnp.einsum('oc,bcnk->bonk', W3, f), (0, 2, 3)))
    x3 = jnp.max(h, axis=-1)                                     # [B,128,N]
    f = get_graph_feature(x3, K)
    h = lrelu(bn(jnp.einsum('oc,bcnk->bonk', W4, f), (0, 2, 3)))
    x4 = jnp.max(h, axis=-1)                                     # [B,256,N]
    xc = jnp.concatenate([x1, x2, x3, x4], axis=1)               # [B,512,N]
    h5 = lrelu(bn(jnp.einsum('oc,bcn->bon', W5, xc), (0, 2)))    # [B,128,N]
    p1 = jnp.max(h5, axis=-1)
    p2 = jnp.mean(h5, axis=-1)
    h = jnp.concatenate([p1, p2], axis=1)                        # [B,256]
    h = lrelu(bn(h @ L1.T, (0,)))
    h = lrelu(bn(h @ L2w.T + L2b, (0,)))  # dropout = identity (eval)
    h = h @ L3w.T + L3b
    h = h @ L4w.T + L4b
    h = h @ L5w.T + L5b
    return h

if __name__ == "__main__":
    import jax
    _d = setup_inputs()
    print(jax.jit(kernel)(*tuple(_d.values())))

</pallas_src>

<mosaic_0001>
#map = affine_map<(d0, d1) -> (0, 0)>
#map1 = affine_map<(d0, d1) -> (0)>
module attributes {stable_mosaic.version = 14 : i64} {
  func.func @run(%arg0: i32, %arg1: i32, %arg2: memref<16384x8xf32, #tpu.memory_space<hbm>>, %arg3: memref<327680xi32, #tpu.memory_space<hbm>>, %arg4: memref<327680x8xf32, #tpu.memory_space<hbm>>, %arg5: memref<80xi32, #tpu.memory_space<vmem>>, %arg6: memref<80x8xf32, #tpu.memory_space<vmem>>, %arg7: memref<!tpu.dma_semaphore, #tpu.memory_space<semaphore_mem>>) attributes {dimension_semantics = [#tpu.dimension_semantics<core_parallel>, #tpu.dimension_semantics<subcore_parallel>], iteration_bounds = array<i64: 2, 16>, scalar_prefetch = 0 : i64, scratch_operands = 3 : i64, tpu.core_type = #tpu.core_type<sc_vector_subcore>, window_params = [{transform_indices = #map}, {transform_indices = #map1}, {transform_indices = #map}]} {
    %mul3A = arith.constant 2 : i32
    %mul3A_0 = arith.muli %arg1, %mul3A : i32
    %add3A = arith.addi %mul3A_0, %arg0 : i32
    %scan3A = arith.constant 0 : i32
    %scan3A_1 = arith.constant 0 : i32
    %scan3A_2 = arith.constant 128 : i32
    %scan3A_3 = arith.addi %scan3A_1, %scan3A_2 : i32
    %scan3A_4 = arith.constant 1 : i32
    scf.for %scan3A_6 = %scan3A_1 to %scan3A_3 step %scan3A_4  : i32 {
      %mul3A_7 = arith.constant 512 : i32
      %mul3A_8 = arith.muli %add3A, %mul3A_7 : i32
      %mul3A_9 = arith.constant 4 : i32
      %mul3A_10 = arith.muli %scan3A_6, %mul3A_9 : i32
      %add3A_11 = arith.addi %mul3A_8, %mul3A_10 : i32
      %mul3A_12 = arith.constant 20 : i32
      %mul3A_13 = arith.muli %add3A_11, %mul3A_12 : i32
      "tpu.region"() ({
        %run_scoped3A = tpu.sem_alloc : memref<!tpu.dma_semaphore, #tpu.memory_space<semaphore_mem>>
        %dma_start3A_18 = tpu.memref_slice %arg3[%mul3A_13] : memref<327680xi32, #tpu.memory_space<hbm>> -> memref<80xi32, #tpu.memory_space<hbm>>
        %dma_start3A_19 = tpu.memref_slice %arg3[%mul3A_13] : memref<327680xi32, #tpu.memory_space<hbm>> -> memref<80xi32, #tpu.memory_space<hbm>>
        tpu.enqueue_dma source(%dma_start3A_19 : memref<80xi32, #tpu.memory_space<hbm>>) target(%arg5 : memref<80xi32, #tpu.memory_space<vmem>>) target_semaphore(%run_scoped3A : memref<!tpu.dma_semaphore, #tpu.memory_space<semaphore_mem>>)
        %dma_wait3A_20 = tpu.memref_slice %arg3[%mul3A_13] : memref<327680xi32, #tpu.memory_space<hbm>> -> memref<80xi32, #tpu.memory_space<hbm>>
        %dma_wait3A_21 = tpu.memref_slice %arg3[%mul3A_13] : memref<327680xi32, #tpu.memory_space<hbm>> -> memref<80xi32, #tpu.memory_space<hbm>>
        tpu.wait_dma2 semaphore(%run_scoped3A : memref<!tpu.dma_semaphore, #tpu.memory_space<semaphore_mem>>) src(%dma_wait3A_21 : memref<80xi32, #tpu.memory_space<hbm>>) dst(%arg5 : memref<80xi32, #tpu.memory_space<vmem>>)
        tpu.yield
      }) : () -> ()
      %dma_start3A = arith.constant 0 : i32
      %dma_start3A_14 = arith.constant 0 : i32
      %dma_start3A_15 = tpu.memref_slice %arg2[%dma_start3A, %dma_start3A_14] : memref<16384x8xf32, #tpu.memory_space<hbm>> -> memref<16384x8xf32, #tpu.memory_space<hbm>>
      tpu.enqueue_indirect_dma source(%dma_start3A_15 : memref<16384x8xf32, #tpu.memory_space<hbm>>) target(%arg6 : memref<80x8xf32, #tpu.memory_space<vmem>>) offsets(%arg5 : memref<80xi32, #tpu.memory_space<vmem>>) semaphore(%arg7 : memref<!tpu.dma_semaphore, #tpu.memory_space<semaphore_mem>>)
      %dma_wait3A = arith.constant 0 : i32
      %dma_wait3A_16 = arith.constant 0 : i32
      %dma_wait3A_17 = tpu.memref_slice %arg2[%dma_wait3A, %dma_wait3A_16] : memref<16384x8xf32, #tpu.memory_space<hbm>> -> memref<16384x8xf32, #tpu.memory_space<hbm>>
      tpu.wait_indirect_dma semaphore(%arg7 : memref<!tpu.dma_semaphore, #tpu.memory_space<semaphore_mem>>) src(%dma_wait3A_17 : memref<16384x8xf32, #tpu.memory_space<hbm>>) dst(%arg6 : memref<80x8xf32, #tpu.memory_space<vmem>>)
      "tpu.region"() ({
        %run_scoped3A = tpu.sem_alloc : memref<!tpu.dma_semaphore, #tpu.memory_space<semaphore_mem>>
        %dma_start3A_18 = arith.constant 0 : i32
        %dma_start3A_19 = tpu.memref_slice %arg4[%mul3A_13, %dma_start3A_18] : memref<327680x8xf32, #tpu.memory_space<hbm>> -> memref<80x8xf32, #tpu.memory_space<hbm>>
        %dma_start3A_20 = arith.constant 0 : i32
        %dma_start3A_21 = tpu.memref_slice %arg4[%mul3A_13, %dma_start3A_20] : memref<327680x8xf32, #tpu.memory_space<hbm>> -> memref<80x8xf32, #tpu.memory_space<hbm>>
        tpu.enqueue_dma source(%arg6 : memref<80x8xf32, #tpu.memory_space<vmem>>) target(%dma_start3A_21 : memref<80x8xf32, #tpu.memory_space<hbm>>) target_semaphore(%run_scoped3A : memref<!tpu.dma_semaphore, #tpu.memory_space<semaphore_mem>>)
        %dma_wait3A_22 = arith.constant 0 : i32
        %dma_wait3A_23 = tpu.memref_slice %arg4[%mul3A_13, %dma_wait3A_22] : memref<327680x8xf32, #tpu.memory_space<hbm>> -> memref<80x8xf32, #tpu.memory_space<hbm>>
        %dma_wait3A_24 = arith.constant 0 : i32
        %dma_wait3A_25 = tpu.memref_slice %arg4[%mul3A_13, %dma_wait3A_24] : memref<327680x8xf32, #tpu.memory_space<hbm>> -> memref<80x8xf32, #tpu.memory_space<hbm>>
        tpu.wait_dma2 semaphore(%run_scoped3A : memref<!tpu.dma_semaphore, #tpu.memory_space<semaphore_mem>>) src(%arg6 : memref<80x8xf32, #tpu.memory_space<vmem>>) dst(%dma_wait3A_25 : memref<80x8xf32, #tpu.memory_space<hbm>>)
        tpu.yield
      }) : () -> ()
    }
    %scan3A_5 = arith.constant 128 : i32
    return
  }
}

#map = affine_map<(d0, d1) -> (0, 0)>
#map1 = affine_map<(d0, d1) -> (0)>
module attributes {stable_mosaic.version = 14 : i64} {
  func.func @run(%arg0: i32, %arg1: i32, %arg2: memref<16384x64xf32, #tpu.memory_space<hbm>>, %arg3: memref<327680xi32, #tpu.memory_space<hbm>>, %arg4: memref<327680x64xf32, #tpu.memory_space<hbm>>, %arg5: memref<80xi32, #tpu.memory_space<vmem>>, %arg6: memref<80x64xf32, #tpu.memory_space<vmem>>, %arg7: memref<!tpu.dma_semaphore, #tpu.memory_space<semaphore_mem>>) attributes {dimension_semantics = [#tpu.dimension_semantics<core_parallel>, #tpu.dimension_semantics<subcore_parallel>], iteration_bounds = array<i64: 2, 16>, scalar_prefetch = 0 : i64, scratch_operands = 3 : i64, tpu.core_type = #tpu.core_type<sc_vector_subcore>, window_params = [{transform_indices = #map}, {transform_indices = #map1}, {transform_indices = #map}]} {
    %mul3A = arith.constant 2 : i32
    %mul3A_0 = arith.muli %arg1, %mul3A : i32
    %add3A = arith.addi %mul3A_0, %arg0 : i32
    %scan3A = arith.constant 0 : i32
    %scan3A_1 = arith.constant 0 : i32
    %scan3A_2 = arith.constant 128 : i32
    %scan3A_3 = arith.addi %scan3A_1, %scan3A_2 : i32
    %scan3A_4 = arith.constant 1 : i32
    scf.for %scan3A_6 = %scan3A_1 to %scan3A_3 step %scan3A_4  : i32 {
      %mul3A_7 = arith.constant 512 : i32
      %mul3A_8 = arith.muli %add3A, %mul3A_7 : i32
      %mul3A_9 = arith.constant 4 : i32
      %mul3A_10 = arith.muli %scan3A_6, %mul3A_9 : i32
      %add3A_11 = arith.addi %mul3A_8, %mul3A_10 : i32
      %mul3A_12 = arith.constant 20 : i32
      %mul3A_13 = arith.muli %add3A_11, %mul3A_12 : i32
      "tpu.region"() ({
        %run_scoped3A = tpu.sem_alloc : memref<!tpu.dma_semaphore, #tpu.memory_space<semaphore_mem>>
        %dma_start3A_18 = tpu.memref_slice %arg3[%mul3A_13] : memref<327680xi32, #tpu.memory_space<hbm>> -> memref<80xi32, #tpu.memory_space<hbm>>
        %dma_start3A_19 = tpu.memref_slice %arg3[%mul3A_13] : memref<327680xi32, #tpu.memory_space<hbm>> -> memref<80xi32, #tpu.memory_space<hbm>>
        tpu.enqueue_dma source(%dma_start3A_19 : memref<80xi32, #tpu.memory_space<hbm>>) target(%arg5 : memref<80xi32, #tpu.memory_space<vmem>>) target_semaphore(%run_scoped3A : memref<!tpu.dma_semaphore, #tpu.memory_space<semaphore_mem>>)
        %dma_wait3A_20 = tpu.memref_slice %arg3[%mul3A_13] : memref<327680xi32, #tpu.memory_space<hbm>> -> memref<80xi32, #tpu.memory_space<hbm>>
        %dma_wait3A_21 = tpu.memref_slice %arg3[%mul3A_13] : memref<327680xi32, #tpu.memory_space<hbm>> -> memref<80xi32, #tpu.memory_space<hbm>>
        tpu.wait_dma2 semaphore(%run_scoped3A : memref<!tpu.dma_semaphore, #tpu.memory_space<semaphore_mem>>) src(%dma_wait3A_21 : memref<80xi32, #tpu.memory_space<hbm>>) dst(%arg5 : memref<80xi32, #tpu.memory_space<vmem>>)
        tpu.yield
      }) : () -> ()
      %dma_start3A = arith.constant 0 : i32
      %dma_start3A_14 = arith.constant 0 : i32
      %dma_start3A_15 = tpu.memref_slice %arg2[%dma_start3A, %dma_start3A_14] : memref<16384x64xf32, #tpu.memory_space<hbm>> -> memref<16384x64xf32, #tpu.memory_space<hbm>>
      tpu.enqueue_indirect_dma source(%dma_start3A_15 : memref<16384x64xf32, #tpu.memory_space<hbm>>) target(%arg6 : memref<80x64xf32, #tpu.memory_space<vmem>>) offsets(%arg5 : memref<80xi32, #tpu.memory_space<vmem>>) semaphore(%arg7 : memref<!tpu.dma_semaphore, #tpu.memory_space<semaphore_mem>>)
      %dma_wait3A = arith.constant 0 : i32
      %dma_wait3A_16 = arith.constant 0 : i32
      %dma_wait3A_17 = tpu.memref_slice %arg2[%dma_wait3A, %dma_wait3A_16] : memref<16384x64xf32, #tpu.memory_space<hbm>> -> memref<16384x64xf32, #tpu.memory_space<hbm>>
      tpu.wait_indirect_dma semaphore(%arg7 : memref<!tpu.dma_semaphore, #tpu.memory_space<semaphore_mem>>) src(%dma_wait3A_17 : memref<16384x64xf32, #tpu.memory_space<hbm>>) dst(%arg6 : memref<80x64xf32, #tpu.memory_space<vmem>>)
      "tpu.region"() ({
        %run_scoped3A = tpu.sem_alloc : memref<!tpu.dma_semaphore, #tpu.memory_space<semaphore_mem>>
        %dma_start3A_18 = arith.constant 0 : i32
        %dma_start3A_19 = tpu.memref_slice %arg4[%mul3A_13, %dma_start3A_18] : memref<327680x64xf32, #tpu.memory_space<hbm>> -> memref<80x64xf32, #tpu.memory_space<hbm>>
        %dma_start3A_20 = arith.constant 0 : i32
        %dma_start3A_21 = tpu.memref_slice %arg4[%mul3A_13, %dma_start3A_20] : memref<327680x64xf32, #tpu.memory_space<hbm>> -> memref<80x64xf32, #tpu.memory_space<hbm>>
        tpu.enqueue_dma source(%arg6 : memref<80x64xf32, #tpu.memory_space<vmem>>) target(%dma_start3A_21 : memref<80x64xf32, #tpu.memory_space<hbm>>) target_semaphore(%run_scoped3A : memref<!tpu.dma_semaphore, #tpu.memory_space<semaphore_mem>>)
        %dma_wait3A_22 = arith.constant 0 : i32
        %dma_wait3A_23 = tpu.memref_slice %arg4[%mul3A_13, %dma_wait3A_22] : memref<327680x64xf32, #tpu.memory_space<hbm>> -> memref<80x64xf32, #tpu.memory_space<hbm>>
        %dma_wait3A_24 = arith.constant 0 : i32
        %dma_wait3A_25 = tpu.memref_slice %arg4[%mul3A_13, %dma_wait3A_24] : memref<327680x64xf32, #tpu.memory_space<hbm>> -> memref<80x64xf32, #tpu.memory_space<hbm>>
        tpu.wait_dma2 semaphore(%run_scoped3A : memref<!tpu.dma_semaphore, #tpu.memory_space<semaphore_mem>>) src(%arg6 : memref<80x64xf32, #tpu.memory_space<vmem>>) dst(%dma_wait3A_25 : memref<80x64xf32, #tpu.memory_space<hbm>>)
        tpu.yield
      }) : () -> ()
    }
    %scan3A_5 = arith.constant 128 : i32
    return
  }
}

#map = affine_map<(d0, d1) -> (0, 0)>
#map1 = affine_map<(d0, d1) -> (0)>
module attributes {stable_mosaic.version = 14 : i64} {
  func.func @run(%arg0: i32, %arg1: i32, %arg2: memref<16384x256xf32, #tpu.memory_space<hbm>>, %arg3: memref<327680xi32, #tpu.memory_space<hbm>>, %arg4: memref<16384x256xf32, #tpu.memory_space<hbm>>, %arg5: memref<16384x256xf32, #tpu.memory_space<hbm>>, %arg6: memref<32x256xf32, #tpu.memory_space<hbm>>, %arg7: memref<80xi32, #tpu.memory_space<vmem>>, %arg8: memref<80x256xf32, #tpu.memory_space<vmem>>, %arg9: memref<4x256xf32, #tpu.memory_space<vmem>>, %arg10: memref<4x256xf32, #tpu.memory_space<vmem>>, %arg11: memref<256xf32, #tpu.memory_space<vmem>>, %arg12: memref<!tpu.dma_semaphore, #tpu.memory_space<semaphore_mem>>) attributes {dimension_semantics = [#tpu.dimension_semantics<core_parallel>, #tpu.dimension_semantics<subcore_parallel>], iteration_bounds = array<i64: 2, 16>, scalar_prefetch = 0 : i64, scratch_operands = 6 : i64, tpu.core_type = #tpu.core_type<sc_vector_subcore>, window_params = [{transform_indices = #map}, {transform_indices = #map1}, {transform_indices = #map}, {transform_indices = #map}, {transform_indices = #map}]} {
    %mul3A = arith.constant 2 : i32
    %mul3A_0 = arith.muli %arg1, %mul3A : i32
    %add3A = arith.addi %mul3A_0, %arg0 : i32
    %broadcast_in_dim3A = arith.constant 0.000000e+00 : f32
    %broadcast_in_dim3A_1 = vector.broadcast %broadcast_in_dim3A : f32 to vector<16xf32>
    %scan3A = arith.constant 0 : i32
    %scan3A_2 = arith.constant 0 : i32
    %scan3A_3 = arith.constant 16 : i32
    %scan3A_4 = arith.addi %scan3A_2, %scan3A_3 : i32
    %scan3A_5 = arith.constant 1 : i32
    scf.for %scan3A_13 = %scan3A_2 to %scan3A_4 step %scan3A_5  : i32 {
      %mul3A_14 = arith.constant 16 : i32
      %mul3A_15 = arith.muli %scan3A_13, %mul3A_14 : i32
      %swap3A = arith.index_cast %mul3A_15 : i32 to index
      %swap3A_16 = tpu.vector_load %arg11[%swap3A] {strides = array<i32>} : memref<256xf32, #tpu.memory_space<vmem>>, vector<16xf32>,
      %swap3A_17 = vector.shape_cast %swap3A_16 : vector<16xf32> to vector<16xf32>
      %swap3A_18 = vector.shape_cast %broadcast_in_dim3A_1 : vector<16xf32> to vector<16xf32>
      tpu.vector_store %arg11[%swap3A], %swap3A_18 {strides = array<i32>} : memref<256xf32, #tpu.memory_space<vmem>>, vector<16xf32>,
    }
    %scan3A_6 = arith.constant 16 : i32
    %scan3A_7 = arith.constant 0 : i32
    %scan3A_8 = arith.constant 0 : i32
    %scan3A_9 = arith.constant 128 : i32
    %scan3A_10 = arith.addi %scan3A_8, %scan3A_9 : i32
    %scan3A_11 = arith.constant 1 : i32
    scf.for %scan3A_13 = %scan3A_8 to %scan3A_10 step %scan3A_11  : i32 {
      %mul3A_14 = arith.constant 512 : i32
      %mul3A_15 = arith.muli %add3A, %mul3A_14 : i32
      %mul3A_16 = arith.constant 4 : i32
      %mul3A_17 = arith.muli %scan3A_13, %mul3A_16 : i32
      %add3A_18 = arith.addi %mul3A_15, %mul3A_17 : i32
      %mul3A_19 = arith.constant 20 : i32
      %mul3A_20 = arith.muli %add3A_18, %mul3A_19 : i32
      "tpu.region"() ({
        %run_scoped3A = tpu.sem_alloc : memref<!tpu.dma_semaphore, #tpu.memory_space<semaphore_mem>>
        %dma_start3A_31 = tpu.memref_slice %arg3[%mul3A_20] : memref<327680xi32, #tpu.memory_space<hbm>> -> memref<80xi32, #tpu.memory_space<hbm>>
        %dma_start3A_32 = tpu.memref_slice %arg3[%mul3A_20] : memref<327680xi32, #tpu.memory_space<hbm>> -> memref<80xi32, #tpu.memory_space<hbm>>
        tpu.enqueue_dma source(%dma_start3A_32 : memref<80xi32, #tpu.memory_space<hbm>>) target(%arg7 : memref<80xi32, #tpu.memory_space<vmem>>) target_semaphore(%run_scoped3A : memref<!tpu.dma_semaphore, #tpu.memory_space<semaphore_mem>>)
        %dma_wait3A_33 = tpu.memref_slice %arg3[%mul3A_20] : memref<327680xi32, #tpu.memory_space<hbm>> -> memref<80xi32, #tpu.memory_space<hbm>>
        %dma_wait3A_34 = tpu.memref_slice %arg3[%mul3A_20] : memref<327680xi32, #tpu.memory_space<hbm>> -> memref<80xi32, #tpu.memory_space<hbm>>
        tpu.wait_dma2 semaphore(%run_scoped3A : memref<!tpu.dma_semaphore, #tpu.memory_space<semaphore_mem>>) src(%dma_wait3A_34 : memref<80xi32, #tpu.memory_space<hbm>>) dst(%arg7 : memref<80xi32, #tpu.memory_space<vmem>>)
        tpu.yield
      }) : () -> ()
      %dma_start3A = arith.constant 0 : i32
      %dma_start3A_21 = arith.constant 0 : i32
      %dma_start3A_22 = tpu.memref_slice %arg2[%dma_start3A, %dma_start3A_21] : memref<16384x256xf32, #tpu.memory_space<hbm>> -> memref<16384x256xf32, #tpu.memory_space<hbm>>
      tpu.enqueue_indirect_dma source(%dma_start3A_22 : memref<16384x256xf32, #tpu.memory_space<hbm>>) target(%arg8 : memref<80x256xf32, #tpu.memory_space<vmem>>) offsets(%arg7 : memref<80xi32, #tpu.memory_space<vmem>>) semaphore(%arg12 : memref<!tpu.dma_semaphore, #tpu.memory_space<semaphore_mem>>)
      %dma_wait3A = arith.constant 0 : i32
      %dma_wait3A_23 = arith.constant 0 : i32
      %dma_wait3A_24 = tpu.memref_slice %arg2[%dma_wait3A, %dma_wait3A_23] : memref<16384x256xf32, #tpu.memory_space<hbm>> -> memref<16384x256xf32, #tpu.memory_space<hbm>>
      tpu.wait_indirect_dma semaphore(%arg12 : memref<!tpu.dma_semaphore, #tpu.memory_space<semaphore_mem>>) src(%dma_wait3A_24 : memref<16384x256xf32, #tpu.memory_space<hbm>>) dst(%arg8 : memref<80x256xf32, #tpu.memory_space<vmem>>)
      %scan3A_25 = arith.constant 0 : i32
      %scan3A_26 = arith.constant 0 : i32
      %scan3A_27 = arith.constant 16 : i32
      %scan3A_28 = arith.addi %scan3A_26, %scan3A_27 : i32
      %scan3A_29 = arith.constant 1 : i32
      scf.for %scan3A_31 = %scan3A_26 to %scan3A_28 step %scan3A_29  : i32 {
        %mul3A_32 = arith.constant 16 : i32
        %mul3A_33 = arith.muli %scan3A_31, %mul3A_32 : i32
        %get3A = arith.constant 0 : i32
        %get3A_34 = arith.index_cast %get3A : i32 to index
        %get3A_35 = arith.index_cast %mul3A_33 : i32 to index
        %get3A_36 = tpu.vector_load %arg8[%get3A_34, %get3A_35] {strides = array<i32>} : memref<80x256xf32, #tpu.memory_space<vmem>>, vector<1x16xf32>,
        %get3A_37 = vector.shape_cast %get3A_36 : vector<1x16xf32> to vector<16xf32>
        %mul3A_38 = arith.mulf %get3A_37, %get3A_37 : vector<16xf32>
        %get3A_39 = arith.constant 1 : i32
        %get3A_40 = arith.index_cast %get3A_39 : i32 to index
        %get3A_41 = arith.index_cast %mul3A_33 : i32 to index
        %get3A_42 = tpu.vector_load %arg8[%get3A_40, %get3A_41] {strides = array<i32>} : memref<80x256xf32, #tpu.memory_space<vmem>>, vector<1x16xf32>,
        %get3A_43 = vector.shape_cast %get3A_42 : vector<1x16xf32> to vector<16xf32>
        %max3A = arith.maximumf %get3A_37, %get3A_43 : vector<16xf32>
        %add3A_44 = arith.addf %get3A_37, %get3A_43 : vector<16xf32>
        %mul3A_45 = arith.mulf %get3A_43, %get3A_43 : vector<16xf32>
        %add3A_46 = arith.addf %mul3A_38, %mul3A_45 : vector<16xf32>
        %get3A_47 = arith.constant 2 : i32
        %get3A_48 = arith.index_cast %get3A_47 : i32 to index
        %get3A_49 = arith.index_cast %mul3A_33 : i32 to index
        %get3A_50 = tpu.vector_load %arg8[%get3A_48, %get3A_49] {strides = array<i32>} : memref<80x256xf32, #tpu.memory_space<vmem>>, vector<1x16xf32>,
        %get3A_51 = vector.shape_cast %get3A_50 : vector<1x16xf32> to vector<16xf32>
        %max3A_52 = arith.maximumf %max3A, %get3A_51 : vector<16xf32>
        %add3A_53 = arith.addf %add3A_44, %get3A_51 : vector<16xf32>
        %mul3A_54 = arith.mulf %get3A_51, %get3A_51 : vector<16xf32>
        %add3A_55 = arith.addf %add3A_46, %mul3A_54 : vector<16xf32>
        %get3A_56 = arith.constant 3 : i32
        %get3A_57 = arith.index_cast %get3A_56 : i32 to index
        %get3A_58 = arith.index_cast %mul3A_33 : i32 to index
        %get3A_59 = tpu.vector_load %arg8[%get3A_57, %get3A_58] {strides = array<i32>} : memref<80x256xf32, #tpu.memory_space<vmem>>, vector<1x16xf32>,
        %get3A_60 = vector.shape_cast %get3A_59 : vector<1x16xf32> to vector<16xf32>
        %max3A_61 = arith.maximumf %max3A_52, %get3A_60 : vector<16xf32>
        %add3A_62 = arith.addf %add3A_53, %get3A_60 : vector<16xf32>
        %mul3A_63 = arith.mulf %get3A_60, %get3A_60 : vector<16xf32>
        %add3A_64 = arith.addf %add3A_55, %mul3A_63 : vector<16xf32>
        %get3A_65 = arith.constant 4 : i32
        %get3A_66 = arith.index_cast %get3A_65 : i32 to index
        %get3A_67 = arith.index_cast %mul3A_33 : i32 to index
        %get3A_68 = tpu.vector_load %arg8[%get3A_66, %get3A_67] {strides = array<i32>} : memref<80x256xf32, #tpu.memory_space<vmem>>, vector<1x16xf32>,
        %get3A_69 = vector.shape_cast %get3A_68 : vector<1x16xf32> to vector<16xf32>
        %max3A_70 = arith.maximumf %max3A_61, %get3A_69 : vector<16xf32>
        %add3A_71 = arith.addf %add3A_62, %get3A_69 : vector<16xf32>
        %mul3A_72 = arith.mulf %get3A_69, %get3A_69 : vector<16xf32>
        %add3A_73 = arith.addf %add3A_64, %mul3A_72 : vector<16xf32>
        %get3A_74 = arith.constant 5 : i32
        %get3A_75 = arith.index_cast %get3A_74 : i32 to index
        %get3A_76 = arith.index_cast %mul3A_33 : i32 to index
        %get3A_77 = tpu.vector_load %arg8[%get3A_75, %get3A_76] {strides = array<i32>} : memref<80x256xf32, #tpu.memory_space<vmem>>, vector<1x16xf32>,
        %get3A_78 = vector.shape_cast %get3A_77 : vector<1x16xf32> to vector<16xf32>
        %max3A_79 = arith.maximumf %max3A_70, %get3A_78 : vector<16xf32>
        %add3A_80 = arith.addf %add3A_71, %get3A_78 : vector<16xf32>
        %mul3A_81 = arith.mulf %get3A_78, %get3A_78 : vector<16xf32>
        %add3A_82 = arith.addf %add3A_73, %mul3A_81 : vector<16xf32>
        %get3A_83 = arith.constant 6 : i32
        %get3A_84 = arith.index_cast %get3A_83 : i32 to index
        %get3A_85 = arith.index_cast %mul3A_33 : i32 to index
        %get3A_86 = tpu.vector_load %arg8[%get3A_84, %get3A_85] {strides = array<i32>} : memref<80x256xf32, #tpu.memory_space<vmem>>, vector<1x16xf32>,
        %get3A_87 = vector.shape_cast %get3A_86 : vector<1x16xf32> to vector<16xf32>
        %max3A_88 = arith.maximumf %max3A_79, %get3A_87 : vector<16xf32>
        %add3A_89 = arith.addf %add3A_80, %get3A_87 : vector<16xf32>
        %mul3A_90 = arith.mulf %get3A_87, %get3A_87 : vector<16xf32>
        %add3A_91 = arith.addf %add3A_82, %mul3A_90 : vector<16xf32>
        %get3A_92 = arith.constant 7 : i32
        %get3A_93 = arith.index_cast %get3A_92 : i32 to index
        %get3A_94 = arith.index_cast %mul3A_33 : i32 to index
        %get3A_95 = tpu.vector_load %arg8[%get3A_93, %get3A_94] {strides = array<i32>} : memref<80x256xf32, #tpu.memory_space<vmem>>, vector<1x16xf32>,
        %get3A_96 = vector.shape_cast %get3A_95 : vector<1x16xf32> to vector<16xf32>
        %max3A_97 = arith.maximumf %max3A_88, %get3A_96 : vector<16xf32>
        %add3A_98 = arith.addf %add3A_89, %get3A_96 : vector<16xf32>
        %mul3A_99 = arith.mulf %get3A_96, %get3A_96 : vector<16xf32>
        %add3A_100 = arith.addf %add3A_91, %mul3A_99 : vector<16xf32>
        %get3A_101 = arith.constant 8 : i32
        %get3A_102 = arith.index_cast %get3A_101 : i32 to index
        %get3A_103 = arith.index_cast %mul3A_33 : i32 to index
        %get3A_104 = tpu.vector_load %arg8[%get3A_102, %get3A_103] {strides = array<i32>} : memref<80x256xf32, #tpu.memory_space<vmem>>, vector<1x16xf32>,
        %get3A_105 = vector.shape_cast %get3A_104 : vector<1x16xf32> to vector<16xf32>
        %max3A_106 = arith.maximumf %max3A_97, %get3A_105 : vector<16xf32>
        %add3A_107 = arith.addf %add3A_98, %get3A_105 : vector<16xf32>
        %mul3A_108 = arith.mulf %get3A_105, %get3A_105 : vector<16xf32>
        %add3A_109 = arith.addf %add3A_100, %mul3A_108 : vector<16xf32>
        %get3A_110 = arith.constant 9 : i32
        %get3A_111 = arith.index_cast %get3A_110 : i32 to index
        %get3A_112 = arith.index_cast %mul3A_33 : i32 to index
        %get3A_113 = tpu.vector_load %arg8[%get3A_111, %get3A_112] {strides = array<i32>} : memref<80x256xf32, #tpu.memory_space<vmem>>, vector<1x16xf32>,
        %get3A_114 = vector.shape_cast %get3A_113 : vector<1x16xf32> to vector<16xf32>
        %max3A_115 = arith.maximumf %max3A_106, %get3A_114 : vector<16xf32>
        %add3A_116 = arith.addf %add3A_107, %get3A_114 : vector<16xf32>
        %mul3A_117 = arith.mulf %get3A_114, %get3A_114 : vector<16xf32>
        %add3A_118 = arith.addf %add3A_109, %mul3A_117 : vector<16xf32>
        %get3A_119 = arith.constant 10 : i32
        %get3A_120 = arith.index_cast %get3A_119 : i32 to index
        %get3A_121 = arith.index_cast %mul3A_33 : i32 to index
        %get3A_122 = tpu.vector_load %arg8[%get3A_120, %get3A_121] {strides = array<i32>} : memref<80x256xf32, #tpu.memory_space<vmem>>, vector<1x16xf32>,
        %get3A_123 = vector.shape_cast %get3A_122 : vector<1x16xf32> to vector<16xf32>
        %max3A_124 = arith.maximumf %max3A_115, %get3A_123 : vector<16xf32>
        %add3A_125 = arith.addf %add3A_116, %get3A_123 : vector<16xf32>
        %mul3A_126 = arith.mulf %get3A_123, %get3A_123 : vector<16xf32>
        %add3A_127 = arith.addf %add3A_118, %mul3A_126 : vector<16xf32>
        %get3A_128 = arith.constant 11 : i32
        %get3A_129 = arith.index_cast %get3A_128 : i32 to index
        %get3A_130 = arith.index_cast %mul3A_33 : i32 to index
        %get3A_131 = tpu.vector_load %arg8[%get3A_129, %get3A_130] {strides = array<i32>} : memref<80x256xf32, #tpu.memory_space<vmem>>, vector<1x16xf32>,
        %get3A_132 = vector.shape_cast %get3A_131 : vector<1x16xf32> to vector<16xf32>
        %max3A_133 = arith.maximumf %max3A_124, %get3A_132 : vector<16xf32>
        %add3A_134 = arith.addf %add3A_125, %get3A_132 : vector<16xf32>
        %mul3A_135 = arith.mulf %get3A_132, %get3A_132 : vector<16xf32>
        %add3A_136 = arith.addf %add3A_127, %mul3A_135 : vector<16xf32>
        %get3A_137 = arith.constant 12 : i32
        %get3A_138 = arith.index_cast %get3A_137 : i32 to index
        %get3A_139 = arith.index_cast %mul3A_33 : i32 to index
        %get3A_140 = tpu.vector_load %arg8[%get3A_138, %get3A_139] {strides = array<i32>} : memref<80x256xf32, #tpu.memory_space<vmem>>, vector<1x16xf32>,
        %get3A_141 = vector.shape_cast %get3A_140 : vector<1x16xf32> to vector<16xf32>
        %max3A_142 = arith.maximumf %max3A_133, %get3A_141 : vector<16xf32>
        %add3A_143 = arith.addf %add3A_134, %get3A_141 : vector<16xf32>
        %mul3A_144 = arith.mulf %get3A_141, %get3A_141 : vector<16xf32>
        %add3A_145 = arith.addf %add3A_136, %mul3A_144 : vector<16xf32>
        %get3A_146 = arith.constant 13 : i32
        %get3A_147 = arith.index_cast %get3A_146 : i32 to index
        %get3A_148 = arith.index_cast %mul3A_33 : i32 to index
        %get3A_149 = tpu.vector_load %arg8[%get3A_147, %get3A_148] {strides = array<i32>} : memref<80x256xf32, #tpu.memory_space<vmem>>, vector<1x16xf32>,
        %get3A_150 = vector.shape_cast %get3A_149 : vector<1x16xf32> to vector<16xf32>
        %max3A_151 = arith.maximumf %max3A_142, %get3A_150 : vector<16xf32>
        %add3A_152 = arith.addf %add3A_143, %get3A_150 : vector<16xf32>
        %mul3A_153 = arith.mulf %get3A_150, %get3A_150 : vector<16xf32>
        %add3A_154 = arith.addf %add3A_145, %mul3A_153 : vector<16xf32>
        %get3A_155 = arith.constant 14 : i32
        %get3A_156 = arith.index_cast %get3A_155 : i32 to index
        %get3A_157 = arith.index_cast %mul3A_33 : i32 to index
        %get3A_158 = tpu.vector_load %arg8[%get3A_156, %get3A_157] {strides = array<i32>} : memref<80x256xf32, #tpu.memory_space<vmem>>, vector<1x16xf32>,
        %get3A_159 = vector.shape_cast %get3A_158 : vector<1x16xf32> to vector<16xf32>
        %max3A_160 = arith.maximumf %max3A_151, %get3A_159 : vector<16xf32>
        %add3A_161 = arith.addf %add3A_152, %get3A_159 : vector<16xf32>
        %mul3A_162 = arith.mulf %get3A_159, %get3A_159 : vector<16xf32>
        %add3A_163 = arith.addf %add3A_154, %mul3A_162 : vector<16xf32>
        %get3A_164 = arith.constant 15 : i32
        %get3A_165 = arith.index_cast %get3A_164 : i32 to index
        %get3A_166 = arith.index_cast %mul3A_33 : i32 to index
        %get3A_167 = tpu.vector_load %arg8[%get3A_165, %get3A_166] {strides = array<i32>} : memref<80x256xf32, #tpu.memory_space<vmem>>, vector<1x16xf32>,
        %get3A_168 = vector.shape_cast %get3A_167 : vector<1x16xf32> to vector<16xf32>
        %max3A_169 = arith.maximumf %max3A_160, %get3A_168 : vector<16xf32>
        %add3A_170 = arith.addf %add3A_161, %get3A_168 : vector<16xf32>
        %mul3A_171 = arith.mulf %get3A_168, %get3A_168 : vector<16xf32>
        %add3A_172 = arith.addf %add3A_163, %mul3A_171 : vector<16xf32>
        %get3A_173 = arith.constant 16 : i32
        %get3A_174 = arith.index_cast %get3A_173 : i32 to index
        %get3A_175 = arith.index_cast %mul3A_33 : i32 to index
        %get3A_176 = tpu.vector_load %arg8[%get3A_174, %get3A_175] {strides = array<i32>} : memref<80x256xf32, #tpu.memory_space<vmem>>, vector<1x16xf32>,
        %get3A_177 = vector.shape_cast %get3A_176 : vector<1x16xf32> to vector<16xf32>
        %max3A_178 = arith.maximumf %max3A_169, %get3A_177 : vector<16xf32>
        %add3A_179 = arith.addf %add3A_170, %get3A_177 : vector<16xf32>
        %mul3A_180 = arith.mulf %get3A_177, %get3A_177 : vector<16xf32>
        %add3A_181 = arith.addf %add3A_172, %mul3A_180 : vector<16xf32>
        %get3A_182 = arith.constant 17 : i32
        %get3A_183 = arith.index_cast %get3A_182 : i32 to index
        %get3A_184 = arith.index_cast %mul3A_33 : i32 to index
        %get3A_185 = tpu.vector_load %arg8[%get3A_183, %get3A_184] {strides = array<i32>} : memref<80x256xf32, #tpu.memory_space<vmem>>, vector<1x16xf32>,
        %get3A_186 = vector.shape_cast %get3A_185 : vector<1x16xf32> to vector<16xf32>
        %max3A_187 = arith.maximumf %max3A_178, %get3A_186 : vector<16xf32>
        %add3A_188 = arith.addf %add3A_179, %get3A_186 : vector<16xf32>
        %mul3A_189 = arith.mulf %get3A_186, %get3A_186 : vector<16xf32>
        %add3A_190 = arith.addf %add3A_181, %mul3A_189 : vector<16xf32>
        %get3A_191 = arith.constant 18 : i32
        %get3A_192 = arith.index_cast %get3A_191 : i32 to index
        %get3A_193 = arith.index_cast %mul3A_33 : i32 to index
        %get3A_194 = tpu.vector_load %arg8[%get3A_192, %get3A_193] {strides = array<i32>} : memref<80x256xf32, #tpu.memory_space<vmem>>, vector<1x16xf32>,
        %get3A_195 = vector.shape_cast %get3A_194 : vector<1x16xf32> to vector<16xf32>
        %max3A_196 = arith.maximumf %max3A_187, %get3A_195 : vector<16xf32>
        %add3A_197 = arith.addf %add3A_188, %get3A_195 : vector<16xf32>
        %mul3A_198 = arith.mulf %get3A_195, %get3A_195 : vector<16xf32>
        %add3A_199 = arith.addf %add3A_190, %mul3A_198 : vector<16xf32>
        %get3A_200 = arith.constant 19 : i32
        %get3A_201 = arith.index_cast %get3A_200 : i32 to index
        %get3A_202 = arith.index_cast %mul3A_33 : i32 to index
        %get3A_203 = tpu.vector_load %arg8[%get3A_201, %get3A_202] {strides = array<i32>} : memref<80x256xf32, #tpu.memory_space<vmem>>, vector<1x16xf32>,
        %get3A_204 = vector.shape_cast %get3A_203 : vector<1x16xf32> to vector<16xf32>
        %max3A_205 = arith.maximumf %max3A_196, %get3A_204 : vector<16xf32>
        %add3A_206 = arith.addf %add3A_197, %get3A_204 : vector<16xf32>
        %mul3A_207 = arith.mulf %get3A_204, %get3A_204 : vector<16xf32>
        %add3A_208 = arith.addf %add3A_199, %mul3A_207 : vector<16xf32>
        %swap3A = arith.constant 0 : i32
        %swap3A_209 = arith.index_cast %swap3A : i32 to index
        %swap3A_210 = arith.index_cast %mul3A_33 : i32 to index
        %swap3A_211 = tpu.vector_load %arg9[%swap3A_209, %swap3A_210] {strides = array<i32>} : memref<4x256xf32, #tpu.memory_space<vmem>>, vector<1x16xf32>,
        %swap3A_212 = vector.shape_cast %swap3A_211 : vector<1x16xf32> to vector<16xf32>
        %swap3A_213 = vector.shape_cast %max3A_205 : vector<16xf32> to vector<1x16xf32>
        tpu.vector_store %arg9[%swap3A_209, %swap3A_210], %swap3A_213 {strides = array<i32>} : memref<4x256xf32, #tpu.memory_space<vmem>>, vector<1x16xf32>,
        %swap3A_214 = arith.constant 0 : i32
        %swap3A_215 = arith.index_cast %swap3A_214 : i32 to index
        %swap3A_216 = arith.index_cast %mul3A_33 : i32 to index
        %swap3A_217 = tpu.vector_load %arg10[%swap3A_215, %swap3A_216] {strides = array<i32>} : memref<4x256xf32, #tpu.memory_space<vmem>>, vector<1x16xf32>,
        %swap3A_218 = vector.shape_cast %swap3A_217 : vector<1x16xf32> to vector<16xf32>
        %swap3A_219 = vector.shape_cast %add3A_206 : vector<16xf32> to vector<1x16xf32>
        tpu.vector_store %arg10[%swap3A_215, %swap3A_216], %swap3A_219 {strides = array<i32>} : memref<4x256xf32, #tpu.memory_space<vmem>>, vector<1x16xf32>,
        %get3A_220 = arith.index_cast %mul3A_33 : i32 to index
        %get3A_221 = tpu.vector_load %arg11[%get3A_220] {strides = array<i32>} : memref<256xf32, #tpu.memory_space<vmem>>, vector<16xf32>,
        %get3A_222 = vector.shape_cast %get3A_221 : vector<16xf32> to vector<16xf32>
        %add3A_223 = arith.addf %get3A_222, %add3A_208 : vector<16xf32>
        %swap3A_224 = arith.index_cast %mul3A_33 : i32 to index
        %swap3A_225 = tpu.vector_load %arg11[%swap3A_224] {strides = array<i32>} : memref<256xf32, #tpu.memory_space<vmem>>, vector<16xf32>,
        %swap3A_226 = vector.shape_cast %swap3A_225 : vector<16xf32> to vector<16xf32>
        %swap3A_227 = vector.shape_cast %add3A_223 : vector<16xf32> to vector<16xf32>
        tpu.vector_store %arg11[%swap3A_224], %swap3A_227 {strides = array<i32>} : memref<256xf32, #tpu.memory_space<vmem>>, vector<16xf32>,
        %get3A_228 = arith.constant 20 : i32
        %get3A_229 = arith.index_cast %get3A_228 : i32 to index
        %get3A_230 = arith.index_cast %mul3A_33 : i32 to index
        %get3A_231 = tpu.vector_load %arg8[%get3A_229, %get3A_230] {strides = array<i32>} : memref<80x256xf32, #tpu.memory_space<vmem>>, vector<1x16xf32>,
        %get3A_232 = vector.shape_cast %get3A_231 : vector<1x16xf32> to vector<16xf32>
        %mul3A_233 = arith.mulf %get3A_232, %get3A_232 : vector<16xf32>
        %get3A_234 = arith.constant 21 : i32
        %get3A_235 = arith.index_cast %get3A_234 : i32 to index
        %get3A_236 = arith.index_cast %mul3A_33 : i32 to index
        %get3A_237 = tpu.vector_load %arg8[%get3A_235, %get3A_236] {strides = array<i32>} : memref<80x256xf32, #tpu.memory_space<vmem>>, vector<1x16xf32>,
        %get3A_238 = vector.shape_cast %get3A_237 : vector<1x16xf32> to vector<16xf32>
        %max3A_239 = arith.maximumf %get3A_232, %get3A_238 : vector<16xf32>
        %add3A_240 = arith.addf %get3A_232, %get3A_238 : vector<16xf32>
        %mul3A_241 = arith.mulf %get3A_238, %get3A_238 : vector<16xf32>
        %add3A_242 = arith.addf %mul3A_233, %mul3A_241 : vector<16xf32>
        %get3A_243 = arith.constant 22 : i32
        %get3A_244 = arith.index_cast %get3A_243 : i32 to index
        %get3A_245 = arith.index_cast %mul3A_33 : i32 to index
        %get3A_246 = tpu.vector_load %arg8[%get3A_244, %get3A_245] {strides = array<i32>} : memref<80x256xf32, #tpu.memory_space<vmem>>, vector<1x16xf32>,
        %get3A_247 = vector.shape_cast %get3A_246 : vector<1x16xf32> to vector<16xf32>
        %max3A_248 = arith.maximumf %max3A_239, %get3A_247 : vector<16xf32>
        %add3A_249 = arith.addf %add3A_240, %get3A_247 : vector<16xf32>
        %mul3A_250 = arith.mulf %get3A_247, %get3A_247 : vector<16xf32>
        %add3A_251 = arith.addf %add3A_242, %mul3A_250 : vector<16xf32>
        %get3A_252 = arith.constant 23 : i32
        %get3A_253 = arith.index_cast %get3A_252 : i32 to index
        %get3A_254 = arith.index_cast %mul3A_33 : i32 to index
        %get3A_255 = tpu.vector_load %arg8[%get3A_253, %get3A_254] {strides = array<i32>} : memref<80x256xf32, #tpu.memory_space<vmem>>, vector<1x16xf32>,
        %get3A_256 = vector.shape_cast %get3A_255 : vector<1x16xf32> to vector<16xf32>
        %max3A_257 = arith.maximumf %max3A_248, %get3A_256 : vector<16xf32>
        %add3A_258 = arith.addf %add3A_249, %get3A_256 : vector<16xf32>
        %mul3A_259 = arith.mulf %get3A_256, %get3A_256 : vector<16xf32>
        %add3A_260 = arith.addf %add3A_251, %mul3A_259 : vector<16xf32>
        %get3A_261 = arith.constant 24 : i32
        %get3A_262 = arith.index_cast %get3A_261 : i32 to index
        %get3A_263 = arith.index_cast %mul3A_33 : i32 to index
        %get3A_264 = tpu.vector_load %arg8[%get3A_262, %get3A_263] {strides = array<i32>} : memref<80x256xf32, #tpu.memory_space<vmem>>, vector<1x16xf32>,
        %get3A_265 = vector.shape_cast %get3A_264 : vector<1x16xf32> to vector<16xf32>
        %max3A_266 = arith.maximumf %max3A_257, %get3A_265 : vector<16xf32>
        %add3A_267 = arith.addf %add3A_258, %get3A_265 : vector<16xf32>
        %mul3A_268 = arith.mulf %get3A_265, %get3A_265 : vector<16xf32>
        %add3A_269 = arith.addf %add3A_260, %mul3A_268 : vector<16xf32>
        %get3A_270 = arith.constant 25 : i32
        %get3A_271 = arith.index_cast %get3A_270 : i32 to index
        %get3A_272 = arith.index_cast %mul3A_33 : i32 to index
        %get3A_273 = tpu.vector_load %arg8[%get3A_271, %get3A_272] {strides = array<i32>} : memref<80x256xf32, #tpu.memory_space<vmem>>, vector<1x16xf32>,
        %get3A_274 = vector.shape_cast %get3A_273 : vector<1x16xf32> to vector<16xf32>
        %max3A_275 = arith.maximumf %max3A_266, %get3A_274 : vector<16xf32>
        %add3A_276 = arith.addf %add3A_267, %get3A_274 : vector<16xf32>
        %mul3A_277 = arith.mulf %get3A_274, %get3A_274 : vector<16xf32>
        %add3A_278 = arith.addf %add3A_269, %mul3A_277 : vector<16xf32>
        %get3A_279 = arith.constant 26 : i32
        %get3A_280 = arith.index_cast %get3A_279 : i32 to index
        %get3A_281 = arith.index_cast %mul3A_33 : i32 to index
        %get3A_282 = tpu.vector_load %arg8[%get3A_280, %get3A_281] {strides = array<i32>} : memref<80x256xf32, #tpu.memory_space<vmem>>, vector<1x16xf32>,
        %get3A_283 = vector.shape_cast %get3A_282 : vector<1x16xf32> to vector<16xf32>
        %max3A_284 = arith.maximumf %max3A_275, %get3A_283 : vector<16xf32>
        %add3A_285 = arith.addf %add3A_276, %get3A_283 : vector<16xf32>
        %mul3A_286 = arith.mulf %get3A_283, %get3A_283 : vector<16xf32>
        %add3A_287 = arith.addf %add3A_278, %mul3A_286 : vector<16xf32>
        %get3A_288 = arith.constant 27 : i32
        %get3A_289 = arith.index_cast %get3A_288 : i32 to index
        %get3A_290 = arith.index_cast %mul3A_33 : i32 to index
        %get3A_291 = tpu.vector_load %arg8[%get3A_289, %get3A_290] {strides = array<i32>} : memref<80x256xf32, #tpu.memory_space<vmem>>, vector<1x16xf32>,
        %get3A_292 = vector.shape_cast %get3A_291 : vector<1x16xf32> to vector<16xf32>
        %max3A_293 = arith.maximumf %max3A_284, %get3A_292 : vector<16xf32>
        %add3A_294 = arith.addf %add3A_285, %get3A_292 : vector<16xf32>
        %mul3A_295 = arith.mulf %get3A_292, %get3A_292 : vector<16xf32>
        %add3A_296 = arith.addf %add3A_287, %mul3A_295 : vector<16xf32>
        %get3A_297 = arith.constant 28 : i32
        %get3A_298 = arith.index_cast %get3A_297 : i32 to index
        %get3A_299 = arith.index_cast %mul3A_33 : i32 to index
        %get3A_300 = tpu.vector_load %arg8[%get3A_298, %get3A_299] {strides = array<i32>} : memref<80x256xf32, #tpu.memory_space<vmem>>, vector<1x16xf32>,
        %get3A_301 = vector.shape_cast %get3A_300 : vector<1x16xf32> to vector<16xf32>
        %max3A_302 = arith.maximumf %max3A_293, %get3A_301 : vector<16xf32>
        %add3A_303 = arith.addf %add3A_294, %get3A_301 : vector<16xf32>
        %mul3A_304 = arith.mulf %get3A_301, %get3A_301 : vector<16xf32>
        %add3A_305 = arith.addf %add3A_296, %mul3A_304 : vector<16xf32>
        %get3A_306 = arith.constant 29 : i32
        %get3A_307 = arith.index_cast %get3A_306 : i32 to index
        %get3A_308 = arith.index_cast %mul3A_33 : i32 to index
        %get3A_309 = tpu.vector_load %arg8[%get3A_307, %get3A_308] {strides = array<i32>} : memref<80x256xf32, #tpu.memory_space<vmem>>, vector<1x16xf32>,
        %get3A_310 = vector.shape_cast %get3A_309 : vector<1x16xf32> to vector<16xf32>
        %max3A_311 = arith.maximumf %max3A_302, %get3A_310 : vector<16xf32>
        %add3A_312 = arith.addf %add3A_303, %get3A_310 : vector<16xf32>
        %mul3A_313 = arith.mulf %get3A_310, %get3A_310 : vector<16xf32>
        %add3A_314 = arith.addf %add3A_305, %mul3A_313 : vector<16xf32>
        %get3A_315 = arith.constant 30 : i32
        %get3A_316 = arith.index_cast %get3A_315 : i32 to index
        %get3A_317 = arith.index_cast %mul3A_33 : i32 to index
        %get3A_318 = tpu.vector_load %arg8[%get3A_316, %get3A_317] {strides = array<i32>} : memref<80x256xf32, #tpu.memory_space<vmem>>, vector<1x16xf32>,
        %get3A_319 = vector.shape_cast %get3A_318 : vector<1x16xf32> to vector<16xf32>
        %max3A_320 = arith.maximumf %max3A_311, %get3A_319 : vector<16xf32>
        %add3A_321 = arith.addf %add3A_312, %get3A_319 : vector<16xf32>
        %mul3A_322 = arith.mulf %get3A_319, %get3A_319 : vector<16xf32>
        %add3A_323 = arith.addf %add3A_314, %mul3A_322 : vector<16xf32>
        %get3A_324 = arith.constant 31 : i32
        %get3A_325 = arith.index_cast %get3A_324 : i32 to index
        %get3A_326 = arith.index_cast %mul3A_33 : i32 to index
        %get3A_327 = tpu.vector_load %arg8[%get3A_325, %get3A_326] {strides = array<i32>} : memref<80x256xf32, #tpu.memory_space<vmem>>, vector<1x16xf32>,
        %get3A_328 = vector.shape_cast %get3A_327 : vector<1x16xf32> to vector<16xf32>
        %max3A_329 = arith.maximumf %max3A_320, %get3A_328 : vector<16xf32>
        %add3A_330 = arith.addf %add3A_321, %get3A_328 : vector<16xf32>
        %mul3A_331 = arith.mulf %get3A_328, %get3A_328 : vector<16xf32>
        %add3A_332 = arith.addf %add3A_323, %mul3A_331 : vector<16xf32>
        %get3A_333 = arith.constant 32 : i32
        %get3A_334 = arith.index_cast %get3A_333 : i32 to index
        %get3A_335 = arith.index_cast %mul3A_33 : i32 to index
        %get3A_336 = tpu.vector_load %arg8[%get3A_334, %get3A_335] {strides = array<i32>} : memref<80x256xf32, #tpu.memory_space<vmem>>, vector<1x16xf32>,
        %get3A_337 = vector.shape_cast %get3A_336 : vector<1x16xf32> to vector<16xf32>
        %max3A_338 = arith.maximumf %max3A_329, %get3A_337 : vector<16xf32>
        %add3A_339 = arith.addf %add3A_330, %get3A_337 : vector<16xf32>
        %mul3A_340 = arith.mulf %get3A_337, %get3A_337 : vector<16xf32>
        %add3A_341 = arith.addf %add3A_332, %mul3A_340 : vector<16xf32>
        %get3A_342 = arith.constant 33 : i32
        %get3A_343 = arith.index_cast %get3A_342 : i32 to index
        %get3A_344 = arith.index_cast %mul3A_33 : i32 to index
        %get3A_345 = tpu.vector_load %arg8[%get3A_343, %get3A_344] {strides = array<i32>} : memref<80x256xf32, #tpu.memory_space<vmem>>, vector<1x16xf32>,
        %get3A_346 = vector.shape_cast %get3A_345 : vector<1x16xf32> to vector<16xf32>
        %max3A_347 = arith.maximumf %max3A_338, %get3A_346 : vector<16xf32>
        %add3A_348 = arith.addf %add3A_339, %get3A_346 : vector<16xf32>
        %mul3A_349 = arith.mulf %get3A_346, %get3A_346 : vector<16xf32>
        %add3A_350 = arith.addf %add3A_341, %mul3A_349 : vector<16xf32>
        %get3A_351 = arith.constant 34 : i32
        %get3A_352 = arith.index_cast %get3A_351 : i32 to index
        %get3A_353 = arith.index_cast %mul3A_33 : i32 to index
        %get3A_354 = tpu.vector_load %arg8[%get3A_352, %get3A_353] {strides = array<i32>} : memref<80x256xf32, #tpu.memory_space<vmem>>, vector<1x16xf32>,
        %get3A_355 = vector.shape_cast %get3A_354 : vector<1x16xf32> to vector<16xf32>
        %max3A_356 = arith.maximumf %max3A_347, %get3A_355 : vector<16xf32>
        %add3A_357 = arith.addf %add3A_348, %get3A_355 : vector<16xf32>
        %mul3A_358 = arith.mulf %get3A_355, %get3A_355 : vector<16xf32>
        %add3A_359 = arith.addf %add3A_350, %mul3A_358 : vector<16xf32>
        %get3A_360 = arith.constant 35 : i32
        %get3A_361 = arith.index_cast %get3A_360 : i32 to index
        %get3A_362 = arith.index_cast %mul3A_33 : i32 to index
        %get3A_363 = tpu.vector_load %arg8[%get3A_361, %get3A_362] {strides = array<i32>} : memref<80x256xf32, #tpu.memory_space<vmem>>, vector<1x16xf32>,
        %get3A_364 = vector.shape_cast %get3A_363 : vector<1x16xf32> to vector<16xf32>
        %max3A_365 = arith.maximumf %max3A_356, %get3A_364 : vector<16xf32>
        %add3A_366 = arith.addf %add3A_357, %get3A_364 : vector<16xf32>
        %mul3A_367 = arith.mulf %get3A_364, %get3A_364 : vector<16xf32>
        %add3A_368 = arith.addf %add3A_359, %mul3A_367 : vector<16xf32>
        %get3A_369 = arith.constant 36 : i32
        %get3A_370 = arith.index_cast %get3A_369 : i32 to index
        %get3A_371 = arith.index_cast %mul3A_33 : i32 to index
        %get3A_372 = tpu.vector_load %arg8[%get3A_370, %get3A_371] {strides = array<i32>} : memref<80x256xf32, #tpu.memory_space<vmem>>, vector<1x16xf32>,
        %get3A_373 = vector.shape_cast %get3A_372 : vector<1x16xf32> to vector<16xf32>
        %max3A_374 = arith.maximumf %max3A_365, %get3A_373 : vector<16xf32>
        %add3A_375 = arith.addf %add3A_366, %get3A_373 : vector<16xf32>
        %mul3A_376 = arith.mulf %get3A_373, %get3A_373 : vector<16xf32>
        %add3A_377 = arith.addf %add3A_368, %mul3A_376 : vector<16xf32>
        %get3A_378 = arith.constant 37 : i32
        %get3A_379 = arith.index_cast %get3A_378 : i32 to index
        %get3A_380 = arith.index_cast %mul3A_33 : i32 to index
        %get3A_381 = tpu.vector_load %arg8[%get3A_379, %get3A_380] {strides = array<i32>} : memref<80x256xf32, #tpu.memory_space<vmem>>, vector<1x16xf32>,
        %get3A_382 = vector.shape_cast %get3A_381 : vector<1x16xf32> to vector<16xf32>
        %max3A_383 = arith.maximumf %max3A_374, %get3A_382 : vector<16xf32>
        %add3A_384 = arith.addf %add3A_375, %get3A_382 : vector<16xf32>
        %mul3A_385 = arith.mulf %get3A_382, %get3A_382 : vector<16xf32>
        %add3A_386 = arith.addf %add3A_377, %mul3A_385 : vector<16xf32>
        %get3A_387 = arith.constant 38 : i32
        %get3A_388 = arith.index_cast %get3A_387 : i32 to index
        %get3A_389 = arith.index_cast %mul3A_33 : i32 to index
        %get3A_390 = tpu.vector_load %arg8[%get3A_388, %get3A_389] {strides = array<i32>} : memref<80x256xf32, #tpu.memory_space<vmem>>, vector<1x16xf32>,
        %get3A_391 = vector.shape_cast %get3A_390 : vector<1x16xf32> to vector<16xf32>
        %max3A_392 = arith.maximumf %max3A_383, %get3A_391 : vector<16xf32>
        %add3A_393 = arith.addf %add3A_384, %get3A_391 : vector<16xf32>
        %mul3A_394 = arith.mulf %get3A_391, %get3A_391 : vector<16xf32>
        %add3A_395 = arith.addf %add3A_386, %mul3A_394 : vector<16xf32>
        %get3A_396 = arith.constant 39 : i32
        %get3A_397 = arith.index_cast %get3A_396 : i32 to index
        %get3A_398 = arith.index_cast %mul3A_33 : i32 to index
        %get3A_399 = tpu.vector_load %arg8[%get3A_397, %get3A_398] {strides = array<i32>} : memref<80x256xf32, #tpu.memory_space<vmem>>, vector<1x16xf32>,
        %get3A_400 = vector.shape_cast %get3A_399 : vector<1x16xf32> to vector<16xf32>
        %max3A_401 = arith.maximumf %max3A_392, %get3A_400 : vector<16xf32>
        %add3A_402 = arith.addf %add3A_393, %get3A_400 : vector<16xf32>
        %mul3A_403 = arith.mulf %get3A_400, %get3A_400 : vector<16xf32>
        %add3A_404 = arith.addf %add3A_395, %mul3A_403 : vector<16xf32>
        %swap3A_405 = arith.constant 1 : i32
        %swap3A_406 = arith.index_cast %swap3A_405 : i32 to index
        %swap3A_407 = arith.index_cast %mul3A_33 : i32 to index
        %swap3A_408 = tpu.vector_load %arg9[%swap3A_406, %swap3A_407] {strides = array<i32>} : memref<4x256xf32, #tpu.memory_space<vmem>>, vector<1x16xf32>,
        %swap3A_409 = vector.shape_cast %swap3A_408 : vector<1x16xf32> to vector<16xf32>
        %swap3A_410 = vector.shape_cast %max3A_401 : vector<16xf32> to vector<1x16xf32>
        tpu.vector_store %arg9[%swap3A_406, %swap3A_407], %swap3A_410 {strides = array<i32>} : memref<4x256xf32, #tpu.memory_space<vmem>>, vector<1x16xf32>,
        %swap3A_411 = arith.constant 1 : i32
        %swap3A_412 = arith.index_cast %swap3A_411 : i32 to index
        %swap3A_413 = arith.index_cast %mul3A_33 : i32 to index
        %swap3A_414 = tpu.vector_load %arg10[%swap3A_412, %swap3A_413] {strides = array<i32>} : memref<4x256xf32, #tpu.memory_space<vmem>>, vector<1x16xf32>,
        %swap3A_415 = vector.shape_cast %swap3A_414 : vector<1x16xf32> to vector<16xf32>
        %swap3A_416 = vector.shape_cast %add3A_402 : vector<16xf32> to vector<1x16xf32>
        tpu.vector_store %arg10[%swap3A_412, %swap3A_413], %swap3A_416 {strides = array<i32>} : memref<4x256xf32, #tpu.memory_space<vmem>>, vector<1x16xf32>,
        %get3A_417 = arith.index_cast %mul3A_33 : i32 to index
        %get3A_418 = tpu.vector_load %arg11[%get3A_417] {strides = array<i32>} : memref<256xf32, #tpu.memory_space<vmem>>, vector<16xf32>,
        %get3A_419 = vector.shape_cast %get3A_418 : vector<16xf32> to vector<16xf32>
        %add3A_420 = arith.addf %get3A_419, %add3A_404 : vector<16xf32>
        %swap3A_421 = arith.index_cast %mul3A_33 : i32 to index
        %swap3A_422 = tpu.vector_load %arg11[%swap3A_421] {strides = array<i32>} : memref<256xf32, #tpu.memory_space<vmem>>, vector<16xf32>,
        %swap3A_423 = vector.shape_cast %swap3A_422 : vector<16xf32> to vector<16xf32>
        %swap3A_424 = vector.shape_cast %add3A_420 : vector<16xf32> to vector<16xf32>
        tpu.vector_store %arg11[%swap3A_421], %swap3A_424 {strides = array<i32>} : memref<256xf32, #tpu.memory_space<vmem>>, vector<16xf32>,
        %get3A_425 = arith.constant 40 : i32
        %get3A_426 = arith.index_cast %get3A_425 : i32 to index
        %get3A_427 = arith.index_cast %mul3A_33 : i32 to index
        %get3A_428 = tpu.vector_load %arg8[%get3A_426, %get3A_427] {strides = array<i32>} : memref<80x256xf32, #tpu.memory_space<vmem>>, vector<1x16xf32>,
        %get3A_429 = vector.shape_cast %get3A_428 : vector<1x16xf32> to vector<16xf32>
        %mul3A_430 = arith.mulf %get3A_429, %get3A_429 : vector<16xf32>
        %get3A_431 = arith.constant 41 : i32
        %get3A_432 = arith.index_cast %get3A_431 : i32 to index
        %get3A_433 = arith.index_cast %mul3A_33 : i32 to index
        %get3A_434 = tpu.vector_load %arg8[%get3A_432, %get3A_433] {strides = array<i32>} : memref<80x256xf32, #tpu.memory_space<vmem>>, vector<1x16xf32>,
        %get3A_435 = vector.shape_cast %get3A_434 : vector<1x16xf32> to vector<16xf32>
        %max3A_436 = arith.maximumf %get3A_429, %get3A_435 : vector<16xf32>
        %add3A_437 = arith.addf %get3A_429, %get3A_435 : vector<16xf32>
        %mul3A_438 = arith.mulf %get3A_435, %get3A_435 : vector<16xf32>
        %add3A_439 = arith.addf %mul3A_430, %mul3A_438 : vector<16xf32>
        %get3A_440 = arith.constant 42 : i32
        %get3A_441 = arith.index_cast %get3A_440 : i32 to index
        %get3A_442 = arith.index_cast %mul3A_33 : i32 to index
        %get3A_443 = tpu.vector_load %arg8[%get3A_441, %get3A_442] {strides = array<i32>} : memref<80x256xf32, #tpu.memory_space<vmem>>, vector<1x16xf32>,
        %get3A_444 = vector.shape_cast %get3A_443 : vector<1x16xf32> to vector<16xf32>
        %max3A_445 = arith.maximumf %max3A_436, %get3A_444 : vector<16xf32>
        %add3A_446 = arith.addf %add3A_437, %get3A_444 : vector<16xf32>
        %mul3A_447 = arith.mulf %get3A_444, %get3A_444 : vector<16xf32>
        %add3A_448 = arith.addf %add3A_439, %mul3A_447 : vector<16xf32>
        %get3A_449 = arith.constant 43 : i32
        %get3A_450 = arith.index_cast %get3A_449 : i32 to index
        %get3A_451 = arith.index_cast %mul3A_33 : i32 to index
        %get3A_452 = tpu.vector_load %arg8[%get3A_450, %get3A_451] {strides = array<i32>} : memref<80x256xf32, #tpu.memory_space<vmem>>, vector<1x16xf32>,
        %get3A_453 = vector.shape_cast %get3A_452 : vector<1x16xf32> to vector<16xf32>
        %max3A_454 = arith.maximumf %max3A_445, %get3A_453 : vector<16xf32>
        %add3A_455 = arith.addf %add3A_446, %get3A_453 : vector<16xf32>
        %mul3A_456 = arith.mulf %get3A_453, %get3A_453 : vector<16xf32>
        %add3A_457 = arith.addf %add3A_448, %mul3A_456 : vector<16xf32>
        %get3A_458 = arith.constant 44 : i32
        %get3A_459 = arith.index_cast %get3A_458 : i32 to index
        %get3A_460 = arith.index_cast %mul3A_33 : i32 to index
        %get3A_461 = tpu.vector_load %arg8[%get3A_459, %get3A_460] {strides = array<i32>} : memref<80x256xf32, #tpu.memory_space<vmem>>, vector<1x16xf32>,
        %get3A_462 = vector.shape_cast %get3A_461 : vector<1x16xf32> to vector<16xf32>
        %max3A_463 = arith.maximumf %max3A_454, %get3A_462 : vector<16xf32>
        %add3A_464 = arith.addf %add3A_455, %get3A_462 : vector<16xf32>
        %mul3A_465 = arith.mulf %get3A_462, %get3A_462 : vector<16xf32>
        %add3A_466 = arith.addf %add3A_457, %mul3A_465 : vector<16xf32>
        %get3A_467 = arith.constant 45 : i32
        %get3A_468 = arith.index_cast %get3A_467 : i32 to index
        %get3A_469 = arith.index_cast %mul3A_33 : i32 to index
        %get3A_470 = tpu.vector_load %arg8[%get3A_468, %get3A_469] {strides = array<i32>} : memref<80x256xf32, #tpu.memory_space<vmem>>, vector<1x16xf32>,
        %get3A_471 = vector.shape_cast %get3A_470 : vector<1x16xf32> to vector<16xf32>
        %max3A_472 = arith.maximumf %max3A_463, %get3A_471 : vector<16xf32>
        %add3A_473 = arith.addf %add3A_464, %get3A_471 : vector<16xf32>
        %mul3A_474 = arith.mulf %get3A_471, %get3A_471 : vector<16xf32>
        %add3A_475 = arith.addf %add3A_466, %mul3A_474 : vector<16xf32>
        %get3A_476 = arith.constant 46 : i32
        %get3A_477 = arith.index_cast %get3A_476 : i32 to index
        %get3A_478 = arith.index_cast %mul3A_33 : i32 to index
        %get3A_479 = tpu.vector_load %arg8[%get3A_477, %get3A_478] {strides = array<i32>} : memref<80x256xf32, #tpu.memory_space<vmem>>, vector<1x16xf32>,
        %get3A_480 = vector.shape_cast %get3A_479 : vector<1x16xf32> to vector<16xf32>
        %max3A_481 = arith.maximumf %max3A_472, %get3A_480 : vector<16xf32>
        %add3A_482 = arith.addf %add3A_473, %get3A_480 : vector<16xf32>
        %mul3A_483 = arith.mulf %get3A_480, %get3A_480 : vector<16xf32>
        %add3A_484 = arith.addf %add3A_475, %mul3A_483 : vector<16xf32>
        %get3A_485 = arith.constant 47 : i32
        %get3A_486 = arith.index_cast %get3A_485 : i32 to index
        %get3A_487 = arith.index_cast %mul3A_33 : i32 to index
        %get3A_488 = tpu.vector_load %arg8[%get3A_486, %get3A_487] {strides = array<i32>} : memref<80x256xf32, #tpu.memory_space<vmem>>, vector<1x16xf32>,
        %get3A_489 = vector.shape_cast %get3A_488 : vector<1x16xf32> to vector<16xf32>
        %max3A_490 = arith.maximumf %max3A_481, %get3A_489 : vector<16xf32>
        %add3A_491 = arith.addf %add3A_482, %get3A_489 : vector<16xf32>
        %mul3A_492 = arith.mulf %get3A_489, %get3A_489 : vector<16xf32>
        %add3A_493 = arith.addf %add3A_484, %mul3A_492 : vector<16xf32>
        %get3A_494 = arith.constant 48 : i32
        %get3A_495 = arith.index_cast %get3A_494 : i32 to index
        %get3A_496 = arith.index_cast %mul3A_33 : i32 to index
        %get3A_497 = tpu.vector_load %arg8[%get3A_495, %get3A_496] {strides = array<i32>} : memref<80x256xf32, #tpu.memory_space<vmem>>, vector<1x16xf32>,
        %get3A_498 = vector.shape_cast %get3A_497 : vector<1x16xf32> to vector<16xf32>
        %max3A_499 = arith.maximumf %max3A_490, %get3A_498 : vector<16xf32>
        %add3A_500 = arith.addf %add3A_491, %get3A_498 : vector<16xf32>
        %mul3A_501 = arith.mulf %get3A_498, %get3A_498 : vector<16xf32>
        %add3A_502 = arith.addf %add3A_493, %mul3A_501 : vector<16xf32>
        %get3A_503 = arith.constant 49 : i32
        %get3A_504 = arith.index_cast %get3A_503 : i32 to index
        %get3A_505 = arith.index_cast %mul3A_33 : i32 to index
        %get3A_506 = tpu.vector_load %arg8[%get3A_504, %get3A_505] {strides = array<i32>} : memref<80x256xf32, #tpu.memory_space<vmem>>, vector<1x16xf32>,
        %get3A_507 = vector.shape_cast %get3A_506 : vector<1x16xf32> to vector<16xf32>
        %max3A_508 = arith.maximumf %max3A_499, %get3A_507 : vector<16xf32>
        %add3A_509 = arith.addf %add3A_500, %get3A_507 : vector<16xf32>
        %mul3A_510 = arith.mulf %get3A_507, %get3A_507 : vector<16xf32>
        %add3A_511 = arith.addf %add3A_502, %mul3A_510 : vector<16xf32>
        %get3A_512 = arith.constant 50 : i32
        %get3A_513 = arith.index_cast %get3A_512 : i32 to index
        %get3A_514 = arith.index_cast %mul3A_33 : i32 to index
        %get3A_515 = tpu.vector_load %arg8[%get3A_513, %get3A_514] {strides = array<i32>} : memref<80x256xf32, #tpu.memory_space<vmem>>, vector<1x16xf32>,
        %get3A_516 = vector.shape_cast %get3A_515 : vector<1x16xf32> to vector<16xf32>
        %max3A_517 = arith.maximumf %max3A_508, %get3A_516 : vector<16xf32>
        %add3A_518 = arith.addf %add3A_509, %get3A_516 : vector<16xf32>
        %mul3A_519 = arith.mulf %get3A_516, %get3A_516 : vector<16xf32>
        %add3A_520 = arith.addf %add3A_511, %mul3A_519 : vector<16xf32>
        %get3A_521 = arith.constant 51 : i32
        %get3A_522 = arith.index_cast %get3A_521 : i32 to index
        %get3A_523 = arith.index_cast %mul3A_33 : i32 to index
        %get3A_524 = tpu.vector_load %arg8[%get3A_522, %get3A_523] {strides = array<i32>} : memref<80x256xf32, #tpu.memory_space<vmem>>, vector<1x16xf32>,
        %get3A_525 = vector.shape_cast %get3A_524 : vector<1x16xf32> to vector<16xf32>
        %max3A_526 = arith.maximumf %max3A_517, %get3A_525 : vector<16xf32>
        %add3A_527 = arith.addf %add3A_518, %get3A_525 : vector<16xf32>
        %mul3A_528 = arith.mulf %get3A_525, %get3A_525 : vector<16xf32>
        %add3A_529 = arith.addf %add3A_520, %mul3A_528 : vector<16xf32>
        %get3A_530 = arith.constant 52 : i32
        %get3A_531 = arith.index_cast %get3A_530 : i32 to index
        %get3A_532 = arith.index_cast %mul3A_33 : i32 to index
        %get3A_533 = tpu.vector_load %arg8[%get3A_531, %get3A_532] {strides = array<i32>} : memref<80x256xf32, #tpu.memory_space<vmem>>, vector<1x16xf32>,
        %get3A_534 = vector.shape_cast %get3A_533 : vector<1x16xf32> to vector<16xf32>
        %max3A_535 = arith.maximumf %max3A_526, %get3A_534 : vector<16xf32>
        %add3A_536 = arith.addf %add3A_527, %get3A_534 : vector<16xf32>
        %mul3A_537 = arith.mulf %get3A_534, %get3A_534 : vector<16xf32>
        %add3A_538 = arith.addf %add3A_529, %mul3A_537 : vector<16xf32>
        %get3A_539 = arith.constant 53 : i32
        %get3A_540 = arith.index_cast %get3A_539 : i32 to index
        %get3A_541 = arith.index_cast %mul3A_33 : i32 to index
        %get3A_542 = tpu.vector_load %arg8[%get3A_540, %get3A_541] {strides = array<i32>} : memref<80x256xf32, #tpu.memory_space<vmem>>, vector<1x16xf32>,
        %get3A_543 = vector.shape_cast %get3A_542 : vector<1x16xf32> to vector<16xf32>
        %max3A_544 = arith.maximumf %max3A_535, %get3A_543 : vector<16xf32>
        %add3A_545 = arith.addf %add3A_536, %get3A_543 : vector<16xf32>
        %mul3A_546 = arith.mulf %get3A_543, %get3A_543 : vector<16xf32>
        %add3A_547 = arith.addf %add3A_538, %mul3A_546 : vector<16xf32>
        %get3A_548 = arith.constant 54 : i32
        %get3A_549 = arith.index_cast %get3A_548 : i32 to index
        %get3A_550 = arith.index_cast %mul3A_33 : i32 to index
        %get3A_551 = tpu.vector_load %arg8[%get3A_549, %get3A_550] {strides = array<i32>} : memref<80x256xf32, #tpu.memory_space<vmem>>, vector<1x16xf32>,
        %get3A_552 = vector.shape_cast %get3A_551 : vector<1x16xf32> to vector<16xf32>
        %max3A_553 = arith.maximumf %max3A_544, %get3A_552 : vector<16xf32>
        %add3A_554 = arith.addf %add3A_545, %get3A_552 : vector<16xf32>
        %mul3A_555 = arith.mulf %get3A_552, %get3A_552 : vector<16xf32>
        %add3A_556 = arith.addf %add3A_547, %mul3A_555 : vector<16xf32>
        %get3A_557 = arith.constant 55 : i32
        %get3A_558 = arith.index_cast %get3A_557 : i32 to index
        %get3A_559 = arith.index_cast %mul3A_33 : i32 to index
        %get3A_560 = tpu.vector_load %arg8[%get3A_558, %get3A_559] {strides = array<i32>} : memref<80x256xf32, #tpu.memory_space<vmem>>, vector<1x16xf32>,
        %get3A_561 = vector.shape_cast %get3A_560 : vector<1x16xf32> to vector<16xf32>
        %max3A_562 = arith.maximumf %max3A_553, %get3A_561 : vector<16xf32>
        %add3A_563 = arith.addf %add3A_554, %get3A_561 : vector<16xf32>
        %mul3A_564 = arith.mulf %get3A_561, %get3A_561 : vector<16xf32>
        %add3A_565 = arith.addf %add3A_556, %mul3A_564 : vector<16xf32>
        %get3A_566 = arith.constant 56 : i32
        %get3A_567 = arith.index_cast %get3A_566 : i32 to index
        %get3A_568 = arith.index_cast %mul3A_33 : i32 to index
        %get3A_569 = tpu.vector_load %arg8[%get3A_567, %get3A_568] {strides = array<i32>} : memref<80x256xf32, #tpu.memory_space<vmem>>, vector<1x16xf32>,
        %get3A_570 = vector.shape_cast %get3A_569 : vector<1x16xf32> to vector<16xf32>
        %max3A_571 = arith.maximumf %max3A_562, %get3A_570 : vector<16xf32>
        %add3A_572 = arith.addf %add3A_563, %get3A_570 : vector<16xf32>
        %mul3A_573 = arith.mulf %get3A_570, %get3A_570 : vector<16xf32>
        %add3A_574 = arith.addf %add3A_565, %mul3A_573 : vector<16xf32>
        %get3A_575 = arith.constant 57 : i32
        %get3A_576 = arith.index_cast %get3A_575 : i32 to index
        %get3A_577 = arith.index_cast %mul3A_33 : i32 to index
        %get3A_578 = tpu.vector_load %arg8[%get3A_576, %get3A_577] {strides = array<i32>} : memref<80x256xf32, #tpu.memory_space<vmem>>, vector<1x16xf32>,
        %get3A_579 = vector.shape_cast %get3A_578 : vector<1x16xf32> to vector<16xf32>
        %max3A_580 = arith.maximumf %max3A_571, %get3A_579 : vector<16xf32>
        %add3A_581 = arith.addf %add3A_572, %get3A_579 : vector<16xf32>
        %mul3A_582 = arith.mulf %get3A_579, %get3A_579 : vector<16xf32>
        %add3A_583 = arith.addf %add3A_574, %mul3A_582 : vector<16xf32>
        %get3A_584 = arith.constant 58 : i32
        %get3A_585 = arith.index_cast %get3A_584 : i32 to index
        %get3A_586 = arith.index_cast %mul3A_33 : i32 to index
        %get3A_587 = tpu.vector_load %arg8[%get3A_585, %get3A_586] {strides = array<i32>} : memref<80x256xf32, #tpu.memory_space<vmem>>, vector<1x16xf32>,
        %get3A_588 = vector.shape_cast %get3A_587 : vector<1x16xf32> to vector<16xf32>
        %max3A_589 = arith.maximumf %max3A_580, %get3A_588 : vector<16xf32>
        %add3A_590 = arith.addf %add3A_581, %get3A_588 : vector<16xf32>
        %mul3A_591 = arith.mulf %get3A_588, %get3A_588 : vector<16xf32>
        %add3A_592 = arith.addf %add3A_583, %mul3A_591 : vector<16xf32>
        %get3A_593 = arith.constant 59 : i32
        %get3A_594 = arith.index_cast %get3A_593 : i32 to index
        %get3A_595 = arith.index_cast %mul3A_33 : i32 to index
        %get3A_596 = tpu.vector_load %arg8[%get3A_594, %get3A_595] {strides = array<i32>} : memref<80x256xf32, #tpu.memory_space<vmem>>, vector<1x16xf32>,
        %get3A_597 = vector.shape_cast %get3A_596 : vector<1x16xf32> to vector<16xf32>
        %max3A_598 = arith.maximumf %max3A_589, %get3A_597 : vector<16xf32>
        %add3A_599 = arith.addf %add3A_590, %get3A_597 : vector<16xf32>
        %mul3A_600 = arith.mulf %get3A_597, %get3A_597 : vector<16xf32>
        %add3A_601 = arith.addf %add3A_592, %mul3A_600 : vector<16xf32>
        %swap3A_602 = arith.constant 2 : i32
        %swap3A_603 = arith.index_cast %swap3A_602 : i32 to index
        %swap3A_604 = arith.index_cast %mul3A_33 : i32 to index
        %swap3A_605 = tpu.vector_load %arg9[%swap3A_603, %swap3A_604] {strides = array<i32>} : memref<4x256xf32, #tpu.memory_space<vmem>>, vector<1x16xf32>,
        %swap3A_606 = vector.shape_cast %swap3A_605 : vector<1x16xf32> to vector<16xf32>
        %swap3A_607 = vector.shape_cast %max3A_598 : vector<16xf32> to vector<1x16xf32>
        tpu.vector_store %arg9[%swap3A_603, %swap3A_604], %swap3A_607 {strides = array<i32>} : memref<4x256xf32, #tpu.memory_space<vmem>>, vector<1x16xf32>,
        %swap3A_608 = arith.constant 2 : i32
        %swap3A_609 = arith.index_cast %swap3A_608 : i32 to index
        %swap3A_610 = arith.index_cast %mul3A_33 : i32 to index
        %swap3A_611 = tpu.vector_load %arg10[%swap3A_609, %swap3A_610] {strides = array<i32>} : memref<4x256xf32, #tpu.memory_space<vmem>>, vector<1x16xf32>,
        %swap3A_612 = vector.shape_cast %swap3A_611 : vector<1x16xf32> to vector<16xf32>
        %swap3A_613 = vector.shape_cast %add3A_599 : vector<16xf32> to vector<1x16xf32>
        tpu.vector_store %arg10[%swap3A_609, %swap3A_610], %swap3A_613 {strides = array<i32>} : memref<4x256xf32, #tpu.memory_space<vmem>>, vector<1x16xf32>,
        %get3A_614 = arith.index_cast %mul3A_33 : i32 to index
        %get3A_615 = tpu.vector_load %arg11[%get3A_614] {strides = array<i32>} : memref<256xf32, #tpu.memory_space<vmem>>, vector<16xf32>,
        %get3A_616 = vector.shape_cast %get3A_615 : vector<16xf32> to vector<16xf32>
        %add3A_617 = arith.addf %get3A_616, %add3A_601 : vector<16xf32>
        %swap3A_618 = arith.index_cast %mul3A_33 : i32 to index
        %swap3A_619 = tpu.vector_load %arg11[%swap3A_618] {strides = array<i32>} : memref<256xf32, #tpu.memory_space<vmem>>, vector<16xf32>,
        %swap3A_620 = vector.shape_cast %swap3A_619 : vector<16xf32> to vector<16xf32>
        %swap3A_621 = vector.shape_cast %add3A_617 : vector<16xf32> to vector<16xf32>
        tpu.vector_store %arg11[%swap3A_618], %swap3A_621 {strides = array<i32>} : memref<256xf32, #tpu.memory_space<vmem>>, vector<16xf32>,
        %get3A_622 = arith.constant 60 : i32
        %get3A_623 = arith.index_cast %get3A_622 : i32 to index
        %get3A_624 = arith.index_cast %mul3A_33 : i32 to index
        %get3A_625 = tpu.vector_load %arg8[%get3A_623, %get3A_624] {strides = array<i32>} : memref<80x256xf32, #tpu.memory_space<vmem>>, vector<1x16xf32>,
        %get3A_626 = vector.shape_cast %get3A_625 : vector<1x16xf32> to vector<16xf32>
        %mul3A_627 = arith.mulf %get3A_626, %get3A_626 : vector<16xf32>
        %get3A_628 = arith.constant 61 : i32
        %get3A_629 = arith.index_cast %get3A_628 : i32 to index
        %get3A_630 = arith.index_cast %mul3A_33 : i32 to index
        %get3A_631 = tpu.vector_load %arg8[%get3A_629, %get3A_630] {strides = array<i32>} : memref<80x256xf32, #tpu.memory_space<vmem>>, vector<1x16xf32>,
        %get3A_632 = vector.shape_cast %get3A_631 : vector<1x16xf32> to vector<16xf32>
        %max3A_633 = arith.maximumf %get3A_626, %get3A_632 : vector<16xf32>
        %add3A_634 = arith.addf %get3A_626, %get3A_632 : vector<16xf32>
        %mul3A_635 = arith.mulf %get3A_632, %get3A_632 : vector<16xf32>
        %add3A_636 = arith.addf %mul3A_627, %mul3A_635 : vector<16xf32>
        %get3A_637 = arith.constant 62 : i32
        %get3A_638 = arith.index_cast %get3A_637 : i32 to index
        %get3A_639 = arith.index_cast %mul3A_33 : i32 to index
        %get3A_640 = tpu.vector_load %arg8[%get3A_638, %get3A_639] {strides = array<i32>} : memref<80x256xf32, #tpu.memory_space<vmem>>, vector<1x16xf32>,
        %get3A_641 = vector.shape_cast %get3A_640 : vector<1x16xf32> to vector<16xf32>
        %max3A_642 = arith.maximumf %max3A_633, %get3A_641 : vector<16xf32>
        %add3A_643 = arith.addf %add3A_634, %get3A_641 : vector<16xf32>
        %mul3A_644 = arith.mulf %get3A_641, %get3A_641 : vector<16xf32>
        %add3A_645 = arith.addf %add3A_636, %mul3A_644 : vector<16xf32>
        %get3A_646 = arith.constant 63 : i32
        %get3A_647 = arith.index_cast %get3A_646 : i32 to index
        %get3A_648 = arith.index_cast %mul3A_33 : i32 to index
        %get3A_649 = tpu.vector_load %arg8[%get3A_647, %get3A_648] {strides = array<i32>} : memref<80x256xf32, #tpu.memory_space<vmem>>, vector<1x16xf32>,
        %get3A_650 = vector.shape_cast %get3A_649 : vector<1x16xf32> to vector<16xf32>
        %max3A_651 = arith.maximumf %max3A_642, %get3A_650 : vector<16xf32>
        %add3A_652 = arith.addf %add3A_643, %get3A_650 : vector<16xf32>
        %mul3A_653 = arith.mulf %get3A_650, %get3A_650 : vector<16xf32>
        %add3A_654 = arith.addf %add3A_645, %mul3A_653 : vector<16xf32>
        %get3A_655 = arith.constant 64 : i32
        %get3A_656 = arith.index_cast %get3A_655 : i32 to index
        %get3A_657 = arith.index_cast %mul3A_33 : i32 to index
        %get3A_658 = tpu.vector_load %arg8[%get3A_656, %get3A_657] {strides = array<i32>} : memref<80x256xf32, #tpu.memory_space<vmem>>, vector<1x16xf32>,
        %get3A_659 = vector.shape_cast %get3A_658 : vector<1x16xf32> to vector<16xf32>
        %max3A_660 = arith.maximumf %max3A_651, %get3A_659 : vector<16xf32>
        %add3A_661 = arith.addf %add3A_652, %get3A_659 : vector<16xf32>
        %mul3A_662 = arith.mulf %get3A_659, %get3A_659 : vector<16xf32>
        %add3A_663 = arith.addf %add3A_654, %mul3A_662 : vector<16xf32>
        %get3A_664 = arith.constant 65 : i32
        %get3A_665 = arith.index_cast %get3A_664 : i32 to index
        %get3A_666 = arith.index_cast %mul3A_33 : i32 to index
        %get3A_667 = tpu.vector_load %arg8[%get3A_665, %get3A_666] {strides = array<i32>} : memref<80x256xf32, #tpu.memory_space<vmem>>, vector<1x16xf32>,
        %get3A_668 = vector.shape_cast %get3A_667 : vector<1x16xf32> to vector<16xf32>
        %max3A_669 = arith.maximumf %max3A_660, %get3A_668 : vector<16xf32>
        %add3A_670 = arith.addf %add3A_661, %get3A_668 : vector<16xf32>
        %mul3A_671 = arith.mulf %get3A_668, %get3A_668 : vector<16xf32>
        %add3A_672 = arith.addf %add3A_663, %mul3A_671 : vector<16xf32>
        %get3A_673 = arith.constant 66 : i32
        %get3A_674 = arith.index_cast %get3A_673 : i32 to index
        %get3A_675 = arith.index_cast %mul3A_33 : i32 to index
        %get3A_676 = tpu.vector_load %arg8[%get3A_674, %get3A_675] {strides = array<i32>} : memref<80x256xf32, #tpu.memory_space<vmem>>, vector<1x16xf32>,
        %get3A_677 = vector.shape_cast %get3A_676 : vector<1x16xf32> to vector<16xf32>
        %max3A_678 = arith.maximumf %max3A_669, %get3A_677 : vector<16xf32>
        %add3A_679 = arith.addf %add3A_670, %get3A_677 : vector<16xf32>
        %mul3A_680 = arith.mulf %get3A_677, %get3A_677 : vector<16xf32>
        %add3A_681 = arith.addf %add3A_672, %mul3A_680 : vector<16xf32>
        %get3A_682 = arith.constant 67 : i32
        %get3A_683 = arith.index_cast %get3A_682 : i32 to index
        %get3A_684 = arith.index_cast %mul3A_33 : i32 to index
        %get3A_685 = tpu.vector_load %arg8[%get3A_683, %get3A_684] {strides = array<i32>} : memref<80x256xf32, #tpu.memory_space<vmem>>, vector<1x16xf32>,
        %get3A_686 = vector.shape_cast %get3A_685 : vector<1x16xf32> to vector<16xf32>
        %max3A_687 = arith.maximumf %max3A_678, %get3A_686 : vector<16xf32>
        %add3A_688 = arith.addf %add3A_679, %get3A_686 : vector<16xf32>
        %mul3A_689 = arith.mulf %get3A_686, %get3A_686 : vector<16xf32>
        %add3A_690 = arith.addf %add3A_681, %mul3A_689 : vector<16xf32>
        %get3A_691 = arith.constant 68 : i32
        %get3A_692 = arith.index_cast %get3A_691 : i32 to index
        %get3A_693 = arith.index_cast %mul3A_33 : i32 to index
        %get3A_694 = tpu.vector_load %arg8[%get3A_692, %get3A_693] {strides = array<i32>} : memref<80x256xf32, #tpu.memory_space<vmem>>, vector<1x16xf32>,
        %get3A_695 = vector.shape_cast %get3A_694 : vector<1x16xf32> to vector<16xf32>
        %max3A_696 = arith.maximumf %max3A_687, %get3A_695 : vector<16xf32>
        %add3A_697 = arith.addf %add3A_688, %get3A_695 : vector<16xf32>
        %mul3A_698 = arith.mulf %get3A_695, %get3A_695 : vector<16xf32>
        %add3A_699 = arith.addf %add3A_690, %mul3A_698 : vector<16xf32>
        %get3A_700 = arith.constant 69 : i32
        %get3A_701 = arith.index_cast %get3A_700 : i32 to index
        %get3A_702 = arith.index_cast %mul3A_33 : i32 to index
        %get3A_703 = tpu.vector_load %arg8[%get3A_701, %get3A_702] {strides = array<i32>} : memref<80x256xf32, #tpu.memory_space<vmem>>, vector<1x16xf32>,
        %get3A_704 = vector.shape_cast %get3A_703 : vector<1x16xf32> to vector<16xf32>
        %max3A_705 = arith.maximumf %max3A_696, %get3A_704 : vector<16xf32>
        %add3A_706 = arith.addf %add3A_697, %get3A_704 : vector<16xf32>
        %mul3A_707 = arith.mulf %get3A_704, %get3A_704 : vector<16xf32>
        %add3A_708 = arith.addf %add3A_699, %mul3A_707 : vector<16xf32>
        %get3A_709 = arith.constant 70 : i32
        %get3A_710 = arith.index_cast %get3A_709 : i32 to index
        %get3A_711 = arith.index_cast %mul3A_33 : i32 to index
        %get3A_712 = tpu.vector_load %arg8[%get3A_710, %get3A_711] {strides = array<i32>} : memref<80x256xf32, #tpu.memory_space<vmem>>, vector<1x16xf32>,
        %get3A_713 = vector.shape_cast %get3A_712 : vector<1x16xf32> to vector<16xf32>
        %max3A_714 = arith.maximumf %max3A_705, %get3A_713 : vector<16xf32>
        %add3A_715 = arith.addf %add3A_706, %get3A_713 : vector<16xf32>
        %mul3A_716 = arith.mulf %get3A_713, %get3A_713 : vector<16xf32>
        %add3A_717 = arith.addf %add3A_708, %mul3A_716 : vector<16xf32>
        %get3A_718 = arith.constant 71 : i32
        %get3A_719 = arith.index_cast %get3A_718 : i32 to index
        %get3A_720 = arith.index_cast %mul3A_33 : i32 to index
        %get3A_721 = tpu.vector_load %arg8[%get3A_719, %get3A_720] {strides = array<i32>} : memref<80x256xf32, #tpu.memory_space<vmem>>, vector<1x16xf32>,
        %get3A_722 = vector.shape_cast %get3A_721 : vector<1x16xf32> to vector<16xf32>
        %max3A_723 = arith.maximumf %max3A_714, %get3A_722 : vector<16xf32>
        %add3A_724 = arith.addf %add3A_715, %get3A_722 : vector<16xf32>
        %mul3A_725 = arith.mulf %get3A_722, %get3A_722 : vector<16xf32>
        %add3A_726 = arith.addf %add3A_717, %mul3A_725 : vector<16xf32>
        %get3A_727 = arith.constant 72 : i32
        %get3A_728 = arith.index_cast %get3A_727 : i32 to index
        %get3A_729 = arith.index_cast %mul3A_33 : i32 to index
        %get3A_730 = tpu.vector_load %arg8[%get3A_728, %get3A_729] {strides = array<i32>} : memref<80x256xf32, #tpu.memory_space<vmem>>, vector<1x16xf32>,
        %get3A_731 = vector.shape_cast %get3A_730 : vector<1x16xf32> to vector<16xf32>
        %max3A_732 = arith.maximumf %max3A_723, %get3A_731 : vector<16xf32>
        %add3A_733 = arith.addf %add3A_724, %get3A_731 : vector<16xf32>
        %mul3A_734 = arith.mulf %get3A_731, %get3A_731 : vector<16xf32>
        %add3A_735 = arith.addf %add3A_726, %mul3A_734 : vector<16xf32>
        %get3A_736 = arith.constant 73 : i32
        %get3A_737 = arith.index_cast %get3A_736 : i32 to index
        %get3A_738 = arith.index_cast %mul3A_33 : i32 to index
        %get3A_739 = tpu.vector_load %arg8[%get3A_737, %get3A_738] {strides = array<i32>} : memref<80x256xf32, #tpu.memory_space<vmem>>, vector<1x16xf32>,
        %get3A_740 = vector.shape_cast %get3A_739 : vector<1x16xf32> to vector<16xf32>
        %max3A_741 = arith.maximumf %max3A_732, %get3A_740 : vector<16xf32>
        %add3A_742 = arith.addf %add3A_733, %get3A_740 : vector<16xf32>
        %mul3A_743 = arith.mulf %get3A_740, %get3A_740 : vector<16xf32>
        %add3A_744 = arith.addf %add3A_735, %mul3A_743 : vector<16xf32>
        %get3A_745 = arith.constant 74 : i32
        %get3A_746 = arith.index_cast %get3A_745 : i32 to index
        %get3A_747 = arith.index_cast %mul3A_33 : i32 to index
        %get3A_748 = tpu.vector_load %arg8[%get3A_746, %get3A_747] {strides = array<i32>} : memref<80x256xf32, #tpu.memory_space<vmem>>, vector<1x16xf32>,
        %get3A_749 = vector.shape_cast %get3A_748 : vector<1x16xf32> to vector<16xf32>
        %max3A_750 = arith.maximumf %max3A_741, %get3A_749 : vector<16xf32>
        %add3A_751 = arith.addf %add3A_742, %get3A_749 : vector<16xf32>
        %mul3A_752 = arith.mulf %get3A_749, %get3A_749 : vector<16xf32>
        %add3A_753 = arith.addf %add3A_744, %mul3A_752 : vector<16xf32>
        %get3A_754 = arith.constant 75 : i32
        %get3A_755 = arith.index_cast %get3A_754 : i32 to index
        %get3A_756 = arith.index_cast %mul3A_33 : i32 to index
        %get3A_757 = tpu.vector_load %arg8[%get3A_755, %get3A_756] {strides = array<i32>} : memref<80x256xf32, #tpu.memory_space<vmem>>, vector<1x16xf32>,
        %get3A_758 = vector.shape_cast %get3A_757 : vector<1x16xf32> to vector<16xf32>
        %max3A_759 = arith.maximumf %max3A_750, %get3A_758 : vector<16xf32>
        %add3A_760 = arith.addf %add3A_751, %get3A_758 : vector<16xf32>
        %mul3A_761 = arith.mulf %get3A_758, %get3A_758 : vector<16xf32>
        %add3A_762 = arith.addf %add3A_753, %mul3A_761 : vector<16xf32>
        %get3A_763 = arith.constant 76 : i32
        %get3A_764 = arith.index_cast %get3A_763 : i32 to index
        %get3A_765 = arith.index_cast %mul3A_33 : i32 to index
        %get3A_766 = tpu.vector_load %arg8[%get3A_764, %get3A_765] {strides = array<i32>} : memref<80x256xf32, #tpu.memory_space<vmem>>, vector<1x16xf32>,
        %get3A_767 = vector.shape_cast %get3A_766 : vector<1x16xf32> to vector<16xf32>
        %max3A_768 = arith.maximumf %max3A_759, %get3A_767 : vector<16xf32>
        %add3A_769 = arith.addf %add3A_760, %get3A_767 : vector<16xf32>
        %mul3A_770 = arith.mulf %get3A_767, %get3A_767 : vector<16xf32>
        %add3A_771 = arith.addf %add3A_762, %mul3A_770 : vector<16xf32>
        %get3A_772 = arith.constant 77 : i32
        %get3A_773 = arith.index_cast %get3A_772 : i32 to index
        %get3A_774 = arith.index_cast %mul3A_33 : i32 to index
        %get3A_775 = tpu.vector_load %arg8[%get3A_773, %get3A_774] {strides = array<i32>} : memref<80x256xf32, #tpu.memory_space<vmem>>, vector<1x16xf32>,
        %get3A_776 = vector.shape_cast %get3A_775 : vector<1x16xf32> to vector<16xf32>
        %max3A_777 = arith.maximumf %max3A_768, %get3A_776 : vector<16xf32>
        %add3A_778 = arith.addf %add3A_769, %get3A_776 : vector<16xf32>
        %mul3A_779 = arith.mulf %get3A_776, %get3A_776 : vector<16xf32>
        %add3A_780 = arith.addf %add3A_771, %mul3A_779 : vector<16xf32>
        %get3A_781 = arith.constant 78 : i32
        %get3A_782 = arith.index_cast %get3A_781 : i32 to index
        %get3A_783 = arith.index_cast %mul3A_33 : i32 to index
        %get3A_784 = tpu.vector_load %arg8[%get3A_782, %get3A_783] {strides = array<i32>} : memref<80x256xf32, #tpu.memory_space<vmem>>, vector<1x16xf32>,
        %get3A_785 = vector.shape_cast %get3A_784 : vector<1x16xf32> to vector<16xf32>
        %max3A_786 = arith.maximumf %max3A_777, %get3A_785 : vector<16xf32>
        %add3A_787 = arith.addf %add3A_778, %get3A_785 : vector<16xf32>
        %mul3A_788 = arith.mulf %get3A_785, %get3A_785 : vector<16xf32>
        %add3A_789 = arith.addf %add3A_780, %mul3A_788 : vector<16xf32>
        %get3A_790 = arith.constant 79 : i32
        %get3A_791 = arith.index_cast %get3A_790 : i32 to index
        %get3A_792 = arith.index_cast %mul3A_33 : i32 to index
        %get3A_793 = tpu.vector_load %arg8[%get3A_791, %get3A_792] {strides = array<i32>} : memref<80x256xf32, #tpu.memory_space<vmem>>, vector<1x16xf32>,
        %get3A_794 = vector.shape_cast %get3A_793 : vector<1x16xf32> to vector<16xf32>
        %max3A_795 = arith.maximumf %max3A_786, %get3A_794 : vector<16xf32>
        %add3A_796 = arith.addf %add3A_787, %get3A_794 : vector<16xf32>
        %mul3A_797 = arith.mulf %get3A_794, %get3A_794 : vector<16xf32>
        %add3A_798 = arith.addf %add3A_789, %mul3A_797 : vector<16xf32>
        %swap3A_799 = arith.constant 3 : i32
        %swap3A_800 = arith.index_cast %swap3A_799 : i32 to index
        %swap3A_801 = arith.index_cast %mul3A_33 : i32 to index
        %swap3A_802 = tpu.vector_load %arg9[%swap3A_800, %swap3A_801] {strides = array<i32>} : memref<4x256xf32, #tpu.memory_space<vmem>>, vector<1x16xf32>,
        %swap3A_803 = vector.shape_cast %swap3A_802 : vector<1x16xf32> to vector<16xf32>
        %swap3A_804 = vector.shape_cast %max3A_795 : vector<16xf32> to vector<1x16xf32>
        tpu.vector_store %arg9[%swap3A_800, %swap3A_801], %swap3A_804 {strides = array<i32>} : memref<4x256xf32, #tpu.memory_space<vmem>>, vector<1x16xf32>,
        %swap3A_805 = arith.constant 3 : i32
        %swap3A_806 = arith.index_cast %swap3A_805 : i32 to index
        %swap3A_807 = arith.index_cast %mul3A_33 : i32 to index
        %swap3A_808 = tpu.vector_load %arg10[%swap3A_806, %swap3A_807] {strides = array<i32>} : memref<4x256xf32, #tpu.memory_space<vmem>>, vector<1x16xf32>,
        %swap3A_809 = vector.shape_cast %swap3A_808 : vector<1x16xf32> to vector<16xf32>
        %swap3A_810 = vector.shape_cast %add3A_796 : vector<16xf32> to vector<1x16xf32>
        tpu.vector_store %arg10[%swap3A_806, %swap3A_807], %swap3A_810 {strides = array<i32>} : memref<4x256xf32, #tpu.memory_space<vmem>>, vector<1x16xf32>,
        %get3A_811 = arith.index_cast %mul3A_33 : i32 to index
        %get3A_812 = tpu.vector_load %arg11[%get3A_811] {strides = array<i32>} : memref<256xf32, #tpu.memory_space<vmem>>, vector<16xf32>,
        %get3A_813 = vector.shape_cast %get3A_812 : vector<16xf32> to vector<16xf32>
        %add3A_814 = arith.addf %get3A_813, %add3A_798 : vector<16xf32>
        %swap3A_815 = arith.index_cast %mul3A_33 : i32 to index
        %swap3A_816 = tpu.vector_load %arg11[%swap3A_815] {strides = array<i32>} : memref<256xf32, #tpu.memory_space<vmem>>, vector<16xf32>,
        %swap3A_817 = vector.shape_cast %swap3A_816 : vector<16xf32> to vector<16xf32>
        %swap3A_818 = vector.shape_cast %add3A_814 : vector<16xf32> to vector<16xf32>
        tpu.vector_store %arg11[%swap3A_815], %swap3A_818 {strides = array<i32>} : memref<256xf32, #tpu.memory_space<vmem>>, vector<16xf32>,
      }
      %scan3A_30 = arith.constant 16 : i32
      "tpu.region"() ({
        %run_scoped3A = tpu.sem_alloc : memref<!tpu.dma_semaphore, #tpu.memory_space<semaphore_mem>>
        %dma_start3A_31 = arith.constant 0 : i32
        %dma_start3A_32 = tpu.memref_slice %arg4[%add3A_18, %dma_start3A_31] : memref<16384x256xf32, #tpu.memory_space<hbm>> -> memref<4x256xf32, #tpu.memory_space<hbm>>
        %dma_start3A_33 = arith.constant 0 : i32
        %dma_start3A_34 = tpu.memref_slice %arg4[%add3A_18, %dma_start3A_33] : memref<16384x256xf32, #tpu.memory_space<hbm>> -> memref<4x256xf32, #tpu.memory_space<hbm>>
        tpu.enqueue_dma source(%arg9 : memref<4x256xf32, #tpu.memory_space<vmem>>) target(%dma_start3A_34 : memref<4x256xf32, #tpu.memory_space<hbm>>) target_semaphore(%run_scoped3A : memref<!tpu.dma_semaphore, #tpu.memory_space<semaphore_mem>>)
        %dma_wait3A_35 = arith.constant 0 : i32
        %dma_wait3A_36 = tpu.memref_slice %arg4[%add3A_18, %dma_wait3A_35] : memref<16384x256xf32, #tpu.memory_space<hbm>> -> memref<4x256xf32, #tpu.memory_space<hbm>>
        %dma_wait3A_37 = arith.constant 0 : i32
        %dma_wait3A_38 = tpu.memref_slice %arg4[%add3A_18, %dma_wait3A_37] : memref<16384x256xf32, #tpu.memory_space<hbm>> -> memref<4x256xf32, #tpu.memory_space<hbm>>
        tpu.wait_dma2 semaphore(%run_scoped3A : memref<!tpu.dma_semaphore, #tpu.memory_space<semaphore_mem>>) src(%arg9 : memref<4x256xf32, #tpu.memory_space<vmem>>) dst(%dma_wait3A_38 : memref<4x256xf32, #tpu.memory_space<hbm>>)
        tpu.yield
      }) : () -> ()
      "tpu.region"() ({
        %run_scoped3A = tpu.sem_alloc : memref<!tpu.dma_semaphore, #tpu.memory_space<semaphore_mem>>
        %dma_start3A_31 = arith.constant 0 : i32
        %dma_start3A_32 = tpu.memref_slice %arg5[%add3A_18, %dma_start3A_31] : memref<16384x256xf32, #tpu.memory_space<hbm>> -> memref<4x256xf32, #tpu.memory_space<hbm>>
        %dma_start3A_33 = arith.constant 0 : i32
        %dma_start3A_34 = tpu.memref_slice %arg5[%add3A_18, %dma_start3A_33] : memref<16384x256xf32, #tpu.memory_space<hbm>> -> memref<4x256xf32, #tpu.memory_space<hbm>>
        tpu.enqueue_dma source(%arg10 : memref<4x256xf32, #tpu.memory_space<vmem>>) target(%dma_start3A_34 : memref<4x256xf32, #tpu.memory_space<hbm>>) target_semaphore(%run_scoped3A : memref<!tpu.dma_semaphore, #tpu.memory_space<semaphore_mem>>)
        %dma_wait3A_35 = arith.constant 0 : i32
        %dma_wait3A_36 = tpu.memref_slice %arg5[%add3A_18, %dma_wait3A_35] : memref<16384x256xf32, #tpu.memory_space<hbm>> -> memref<4x256xf32, #tpu.memory_space<hbm>>
        %dma_wait3A_37 = arith.constant 0 : i32
        %dma_wait3A_38 = tpu.memref_slice %arg5[%add3A_18, %dma_wait3A_37] : memref<16384x256xf32, #tpu.memory_space<hbm>> -> memref<4x256xf32, #tpu.memory_space<hbm>>
        tpu.wait_dma2 semaphore(%run_scoped3A : memref<!tpu.dma_semaphore, #tpu.memory_space<semaphore_mem>>) src(%arg10 : memref<4x256xf32, #tpu.memory_space<vmem>>) dst(%dma_wait3A_38 : memref<4x256xf32, #tpu.memory_space<hbm>>)
        tpu.yield
      }) : () -> ()
    }
    %scan3A_12 = arith.constant 128 : i32
    "tpu.region"() ({
      %run_scoped3A = tpu.sem_alloc : memref<!tpu.dma_semaphore, #tpu.memory_space<semaphore_mem>>
      %dma_start3A = arith.constant 0 : i32
      %dma_start3A_13 = tpu.memref_slice %arg6[%add3A, %dma_start3A] : memref<32x256xf32, #tpu.memory_space<hbm>> -> memref<1x256xf32, #tpu.memory_space<hbm>>
      %dma_start3A_14 = tpu.memref_squeeze %dma_start3A_13 : memref<1x256xf32, #tpu.memory_space<hbm>> -> memref<256xf32, #tpu.memory_space<hbm>>
      %dma_start3A_15 = arith.constant 0 : i32
      %dma_start3A_16 = tpu.memref_slice %arg6[%add3A, %dma_start3A_15] : memref<32x256xf32, #tpu.memory_space<hbm>> -> memref<1x256xf32, #tpu.memory_space<hbm>>
      %dma_start3A_17 = tpu.memref_squeeze %dma_start3A_16 : memref<1x256xf32, #tpu.memory_space<hbm>> -> memref<256xf32, #tpu.memory_space<hbm>>
      tpu.enqueue_dma source(%arg11 : memref<256xf32, #tpu.memory_space<vmem>>) target(%dma_start3A_17 : memref<256xf32, #tpu.memory_space<hbm>>) target_semaphore(%run_scoped3A : memref<!tpu.dma_semaphore, #tpu.memory_space<semaphore_mem>>)
      %dma_wait3A = arith.constant 0 : i32
      %dma_wait3A_18 = tpu.memref_slice %arg6[%add3A, %dma_wait3A] : memref<32x256xf32, #tpu.memory_space<hbm>> -> memref<1x256xf32, #tpu.memory_space<hbm>>
      %dma_wait3A_19 = tpu.memref_squeeze %dma_wait3A_18 : memref<1x256xf32, #tpu.memory_space<hbm>> -> memref<256xf32, #tpu.memory_space<hbm>>
      %dma_wait3A_20 = arith.constant 0 : i32
      %dma_wait3A_21 = tpu.memref_slice %arg6[%add3A, %dma_wait3A_20] : memref<32x256xf32, #tpu.memory_space<hbm>> -> memref<1x256xf32, #tpu.memory_space<hbm>>
      %dma_wait3A_22 = tpu.memref_squeeze %dma_wait3A_21 : memref<1x256xf32, #tpu.memory_space<hbm>> -> memref<256xf32, #tpu.memory_space<hbm>>
      tpu.wait_dma2 semaphore(%run_scoped3A : memref<!tpu.dma_semaphore, #tpu.memory_space<semaphore_mem>>) src(%arg11 : memref<256xf32, #tpu.memory_space<vmem>>) dst(%dma_wait3A_22 : memref<256xf32, #tpu.memory_space<hbm>>)
      tpu.yield
    }) : () -> ()
    return
  }
}

#map = affine_map<(d0, d1) -> (0, 0)>
#map1 = affine_map<(d0, d1) -> (0)>
module attributes {stable_mosaic.version = 14 : i64} {
  func.func @run(%arg0: i32, %arg1: i32, %arg2: memref<16384x64xf32, #tpu.memory_space<hbm>>, %arg3: memref<327680xi32, #tpu.memory_space<hbm>>, %arg4: memref<327680x64xf32, #tpu.memory_space<hbm>>, %arg5: memref<80xi32, #tpu.memory_space<vmem>>, %arg6: memref<80x64xf32, #tpu.memory_space<vmem>>, %arg7: memref<!tpu.dma_semaphore, #tpu.memory_space<semaphore_mem>>) attributes {dimension_semantics = [#tpu.dimension_semantics<core_parallel>, #tpu.dimension_semantics<subcore_parallel>], iteration_bounds = array<i64: 2, 16>, scalar_prefetch = 0 : i64, scratch_operands = 3 : i64, tpu.core_type = #tpu.core_type<sc_vector_subcore>, window_params = [{transform_indices = #map}, {transform_indices = #map1}, {transform_indices = #map}]} {
    %mul3A = arith.constant 2 : i32
    %mul3A_0 = arith.muli %arg1, %mul3A : i32
    %add3A = arith.addi %mul3A_0, %arg0 : i32
    %scan3A = arith.constant 0 : i32
    %scan3A_1 = arith.constant 0 : i32
    %scan3A_2 = arith.constant 128 : i32
    %scan3A_3 = arith.addi %scan3A_1, %scan3A_2 : i32
    %scan3A_4 = arith.constant 1 : i32
    scf.for %scan3A_6 = %scan3A_1 to %scan3A_3 step %scan3A_4  : i32 {
      %mul3A_7 = arith.constant 512 : i32
      %mul3A_8 = arith.muli %add3A, %mul3A_7 : i32
      %mul3A_9 = arith.constant 4 : i32
      %mul3A_10 = arith.muli %scan3A_6, %mul3A_9 : i32
      %add3A_11 = arith.addi %mul3A_8, %mul3A_10 : i32
      %mul3A_12 = arith.constant 20 : i32
      %mul3A_13 = arith.muli %add3A_11, %mul3A_12 : i32
      "tpu.region"() ({
        %run_scoped3A = tpu.sem_alloc : memref<!tpu.dma_semaphore, #tpu.memory_space<semaphore_mem>>
        %dma_start3A_18 = tpu.memref_slice %arg3[%mul3A_13] : memref<327680xi32, #tpu.memory_space<hbm>> -> memref<80xi32, #tpu.memory_space<hbm>>
        %dma_start3A_19 = tpu.memref_slice %arg3[%mul3A_13] : memref<327680xi32, #tpu.memory_space<hbm>> -> memref<80xi32, #tpu.memory_space<hbm>>
        tpu.enqueue_dma source(%dma_start3A_19 : memref<80xi32, #tpu.memory_space<hbm>>) target(%arg5 : memref<80xi32, #tpu.memory_space<vmem>>) target_semaphore(%run_scoped3A : memref<!tpu.dma_semaphore, #tpu.memory_space<semaphore_mem>>)
        %dma_wait3A_20 = tpu.memref_slice %arg3[%mul3A_13] : memref<327680xi32, #tpu.memory_space<hbm>> -> memref<80xi32, #tpu.memory_space<hbm>>
        %dma_wait3A_21 = tpu.memref_slice %arg3[%mul3A_13] : memref<327680xi32, #tpu.memory_space<hbm>> -> memref<80xi32, #tpu.memory_space<hbm>>
        tpu.wait_dma2 semaphore(%run_scoped3A : memref<!tpu.dma_semaphore, #tpu.memory_space<semaphore_mem>>) src(%dma_wait3A_21 : memref<80xi32, #tpu.memory_space<hbm>>) dst(%arg5 : memref<80xi32, #tpu.memory_space<vmem>>)
        tpu.yield
      }) : () -> ()
      %dma_start3A = arith.constant 0 : i32
      %dma_start3A_14 = arith.constant 0 : i32
      %dma_start3A_15 = tpu.memref_slice %arg2[%dma_start3A, %dma_start3A_14] : memref<16384x64xf32, #tpu.memory_space<hbm>> -> memref<16384x64xf32, #tpu.memory_space<hbm>>
      tpu.enqueue_indirect_dma source(%dma_start3A_15 : memref<16384x64xf32, #tpu.memory_space<hbm>>) target(%arg6 : memref<80x64xf32, #tpu.memory_space<vmem>>) offsets(%arg5 : memref<80xi32, #tpu.memory_space<vmem>>) semaphore(%arg7 : memref<!tpu.dma_semaphore, #tpu.memory_space<semaphore_mem>>)
      %dma_wait3A = arith.constant 0 : i32
      %dma_wait3A_16 = arith.constant 0 : i32
      %dma_wait3A_17 = tpu.memref_slice %arg2[%dma_wait3A, %dma_wait3A_16] : memref<16384x64xf32, #tpu.memory_space<hbm>> -> memref<16384x64xf32, #tpu.memory_space<hbm>>
      tpu.wait_indirect_dma semaphore(%arg7 : memref<!tpu.dma_semaphore, #tpu.memory_space<semaphore_mem>>) src(%dma_wait3A_17 : memref<16384x64xf32, #tpu.memory_space<hbm>>) dst(%arg6 : memref<80x64xf32, #tpu.memory_space<vmem>>)
      "tpu.region"() ({
        %run_scoped3A = tpu.sem_alloc : memref<!tpu.dma_semaphore, #tpu.memory_space<semaphore_mem>>
        %dma_start3A_18 = arith.constant 0 : i32
        %dma_start3A_19 = tpu.memref_slice %arg4[%mul3A_13, %dma_start3A_18] : memref<327680x64xf32, #tpu.memory_space<hbm>> -> memref<80x64xf32, #tpu.memory_space<hbm>>
        %dma_start3A_20 = arith.constant 0 : i32
        %dma_start3A_21 = tpu.memref_slice %arg4[%mul3A_13, %dma_start3A_20] : memref<327680x64xf32, #tpu.memory_space<hbm>> -> memref<80x64xf32, #tpu.memory_space<hbm>>
        tpu.enqueue_dma source(%arg6 : memref<80x64xf32, #tpu.memory_space<vmem>>) target(%dma_start3A_21 : memref<80x64xf32, #tpu.memory_space<hbm>>) target_semaphore(%run_scoped3A : memref<!tpu.dma_semaphore, #tpu.memory_space<semaphore_mem>>)
        %dma_wait3A_22 = arith.constant 0 : i32
        %dma_wait3A_23 = tpu.memref_slice %arg4[%mul3A_13, %dma_wait3A_22] : memref<327680x64xf32, #tpu.memory_space<hbm>> -> memref<80x64xf32, #tpu.memory_space<hbm>>
        %dma_wait3A_24 = arith.constant 0 : i32
        %dma_wait3A_25 = tpu.memref_slice %arg4[%mul3A_13, %dma_wait3A_24] : memref<327680x64xf32, #tpu.memory_space<hbm>> -> memref<80x64xf32, #tpu.memory_space<hbm>>
        tpu.wait_dma2 semaphore(%run_scoped3A : memref<!tpu.dma_semaphore, #tpu.memory_space<semaphore_mem>>) src(%arg6 : memref<80x64xf32, #tpu.memory_space<vmem>>) dst(%dma_wait3A_25 : memref<80x64xf32, #tpu.memory_space<hbm>>)
        tpu.yield
      }) : () -> ()
    }
    %scan3A_5 = arith.constant 128 : i32
    return
  }
}

module attributes {stable_mosaic.version = 14 : i64} {
  func.func @body(%arg0: i32, %arg1: i32, %arg2: memref<1x128x3xf32, #tpu.memory_space<vmem>>, %arg3: memref<1x3x2048xf32, #tpu.memory_space<vmem>>, %arg4: memref<64x6xf32, #tpu.memory_space<vmem>>, %arg5: memref<1x128x20xi32, #tpu.memory_space<vmem>>, %arg6: memref<1x128x64xf32, #tpu.memory_space<vmem>>, %arg7: memref<1x128x64xf32, #tpu.memory_space<vmem>>) attributes {dimension_semantics = [#tpu.dimension_semantics<arbitrary>, #tpu.dimension_semantics<arbitrary>], iteration_bounds = array<i64: 8, 16>, scalar_prefetch = 0 : i64, scratch_operands = 0 : i64, tpu.core_type = #tpu.core_type<tc>, window_params = [{transform_indices = @transform_0, window_bounds = array<i64: 1, 128, 3>}, {transform_indices = @transform_1, window_bounds = array<i64: 1, 3, 2048>}, {pipeline_mode = #tpu.pipeline_mode<synchronous>, transform_indices = @transform_2, window_bounds = array<i64: 64, 6>}, {transform_indices = @transform_3, window_bounds = array<i64: 1, 128, 20>}, {transform_indices = @transform_4, window_bounds = array<i64: 1, 128, 64>}, {transform_indices = @transform_5, window_bounds = array<i64: 1, 128, 64>}]} {
    %get3A = arith.constant 0 : index
    %get3A_0 = arith.constant 0 : index
    %get3A_1 = arith.constant 0 : index
    %get3A_2 = vector.load %arg2[%get3A, %get3A_0, %get3A_1] : memref<1x128x3xf32, #tpu.memory_space<vmem>>, vector<1x128x3xf32>
    %get3A_3 = vector.shape_cast %get3A_2 : vector<1x128x3xf32> to vector<128x3xf32>
    %get3A_4 = arith.constant 0 : index
    %get3A_5 = arith.constant 0 : index
    %get3A_6 = arith.constant 0 : index
    %get3A_7 = vector.load %arg3[%get3A_4, %get3A_5, %get3A_6] : memref<1x3x2048xf32, #tpu.memory_space<vmem>>, vector<1x3x2048xf32>
    %get3A_8 = vector.shape_cast %get3A_7 : vector<1x3x2048xf32> to vector<3x2048xf32>
    %get3A_9 = arith.constant 0 : index
    %get3A_10 = arith.constant 0 : index
    %get3A_11 = vector.load %arg4[%get3A_9, %get3A_10] : memref<64x6xf32, #tpu.memory_space<vmem>>, vector<64x6xf32>
    %slice3A = vector.extract_strided_slice %get3A_11 {offsets = [0, 0], sizes = [64, 3], strides = [1, 1]} : vector<64x6xf32> to vector<64x3xf32>
    %dot_general3A = arith.constant dense<0.000000e+00> : vector<128x64xf32>
    %dot_general3A_12 = tpu.matmul %get3A_3, %slice3A, %dot_general3A {dimension_numbers = #tpu.dot_dimension_numbers<[1], [1], [0], [0], [0, 0, 1, 0], [], []>, transpose_lhs_hint = false} : vector<128x3xf32>, vector<64x3xf32>, vector<128x64xf32> -> vector<128x64xf32>
    %swap3A = arith.constant 0 : index
    %swap3A_13 = arith.constant 0 : index
    %swap3A_14 = arith.constant 0 : index
    %swap3A_15 = vector.load %arg6[%swap3A, %swap3A_13, %swap3A_14] : memref<1x128x64xf32, #tpu.memory_space<vmem>>, vector<1x128x64xf32>
    %swap3A_16 = vector.shape_cast %swap3A_15 : vector<1x128x64xf32> to vector<128x64xf32>
    %swap3A_17 = vector.shape_cast %dot_general3A_12 : vector<128x64xf32> to vector<1x128x64xf32>
    tpu.vector_store %arg6[%swap3A, %swap3A_13, %swap3A_14], %swap3A_17 {strides = array<i32>} : memref<1x128x64xf32, #tpu.memory_space<vmem>>, vector<1x128x64xf32>,
    %slice3A_18 = vector.extract_strided_slice %get3A_11 {offsets = [0, 3], sizes = [64, 3], strides = [1, 1]} : vector<64x6xf32> to vector<64x3xf32>
    %dot_general3A_19 = arith.constant dense<0.000000e+00> : vector<128x64xf32>
    %dot_general3A_20 = tpu.matmul %get3A_3, %slice3A_18, %dot_general3A_19 {dimension_numbers = #tpu.dot_dimension_numbers<[1], [1], [0], [0], [0, 0, 1, 0], [], []>, transpose_lhs_hint = false} : vector<128x3xf32>, vector<64x3xf32>, vector<128x64xf32> -> vector<128x64xf32>
    %swap3A_21 = arith.constant 0 : index
    %swap3A_22 = arith.constant 0 : index
    %swap3A_23 = arith.constant 0 : index
    %swap3A_24 = vector.load %arg7[%swap3A_21, %swap3A_22, %swap3A_23] : memref<1x128x64xf32, #tpu.memory_space<vmem>>, vector<1x128x64xf32>
    %swap3A_25 = vector.shape_cast %swap3A_24 : vector<1x128x64xf32> to vector<128x64xf32>
    %swap3A_26 = vector.shape_cast %dot_general3A_20 : vector<128x64xf32> to vector<1x128x64xf32>
    tpu.vector_store %arg7[%swap3A_21, %swap3A_22, %swap3A_23], %swap3A_26 {strides = array<i32>} : memref<1x128x64xf32, #tpu.memory_space<vmem>>, vector<1x128x64xf32>,
    %dot_general3A_27 = arith.constant dense<0.000000e+00> : vector<128x2048xf32>
    %dot_general3A_28 = tpu.matmul %get3A_3, %get3A_8, %dot_general3A_27 {dimension_numbers = #tpu.dot_dimension_numbers<[1], [0], [0], [1], [0, 0, 1, 1], [], []>, transpose_lhs_hint = false} : vector<128x3xf32>, vector<3x2048xf32>, vector<128x2048xf32> -> vector<128x2048xf32>
    %mul3A = arith.mulf %get3A_8, %get3A_8 : vector<3x2048xf32>
    %reduce_sum3A = arith.constant dense<0.000000e+00> : vector<2048xf32>
    %reduce_sum3A_29 = vector.multi_reduction <add>, %mul3A, %reduce_sum3A [0] : vector<3x2048xf32> to vector<2048xf32>
    %broadcast_in_dim3A = vector.shape_cast %reduce_sum3A_29 : vector<2048xf32> to vector<1x2048xf32>
    %mul3A_30 = arith.mulf %get3A_3, %get3A_3 : vector<128x3xf32>
    %reduce_sum3A_31 = arith.constant dense<0.000000e+00> : vector<128xf32>
    %reduce_sum3A_32 = vector.multi_reduction <add>, %mul3A_30, %reduce_sum3A_31 [1] : vector<128x3xf32> to vector<128xf32>
    %broadcast_in_dim3A_33 = vector.shape_cast %reduce_sum3A_32 : vector<128xf32> to vector<128x1xf32>
    %mul3A_34 = arith.constant 2.000000e+00 : f32
    %mul3A_35 = vector.broadcast %mul3A_34 : f32 to vector<128x2048xf32>
    %mul3A_36 = arith.mulf %mul3A_35, %dot_general3A_28 : vector<128x2048xf32>
    %sub3A = vector.broadcast %broadcast_in_dim3A : vector<1x2048xf32> to vector<128x2048xf32>
    %sub3A_37 = arith.subf %mul3A_36, %sub3A : vector<128x2048xf32>
    %sub3A_38 = vector.broadcast %broadcast_in_dim3A_33 : vector<128x1xf32> to vector<128x2048xf32>
    %sub3A_39 = arith.subf %sub3A_37, %sub3A_38 : vector<128x2048xf32>
    %iota3A = tpu.iota {dimensions = array<i32: 1>} : vector<128x2048xi32>
    %reduce_max3A = arith.constant dense<0xFF800000> : vector<128xf32>
    %reduce_max3A_40 = vector.multi_reduction <maximumf>, %sub3A_39, %reduce_max3A [1] : vector<128x2048xf32> to vector<128xf32>
    %broadcast_in_dim3A_41 = vector.shape_cast %reduce_max3A_40 : vector<128xf32> to vector<128x1xf32>
    %eq3A = vector.broadcast %broadcast_in_dim3A_41 : vector<128x1xf32> to vector<128x2048xf32>
    %eq3A_42 = arith.cmpf oeq, %sub3A_39, %eq3A : vector<128x2048xf32>
    %jit3A = arith.constant 2048 : i32
    %broadcast_in_dim3A_43 = vector.broadcast %jit3A : i32 to vector<128x2048xi32>
    %select_n3A = arith.select %eq3A_42, %iota3A, %broadcast_in_dim3A_43 : vector<128x2048xi1>, vector<128x2048xi32>
    %reduce_min3A = arith.constant dense<2147483647> : vector<128xi32>
    %reduce_min3A_44 = vector.multi_reduction <minsi>, %select_n3A, %reduce_min3A [1] : vector<128x2048xi32> to vector<128xi32>
    %broadcast_in_dim3A_45 = vector.shape_cast %reduce_min3A_44 : vector<128xi32> to vector<128x1xi32>
    %eq3A_46 = vector.broadcast %broadcast_in_dim3A_45 : vector<128x1xi32> to vector<128x2048xi32>
    %eq3A_47 = arith.cmpi eq, %iota3A, %eq3A_46 : vector<128x2048xi32>
    %jit3A_48 = arith.constant -3.000000e+38 : f32
    %broadcast_in_dim3A_49 = vector.broadcast %jit3A_48 : f32 to vector<128x2048xf32>
    %select_n3A_50 = arith.select %eq3A_47, %broadcast_in_dim3A_49, %sub3A_39 : vector<128x2048xi1>, vector<128x2048xf32>
    %reduce_max3A_51 = arith.constant dense<0xFF800000> : vector<128xf32>
    %reduce_max3A_52 = vector.multi_reduction <maximumf>, %select_n3A_50, %reduce_max3A_51 [1] : vector<128x2048xf32> to vector<128xf32>
    %broadcast_in_dim3A_53 = vector.shape_cast %reduce_max3A_52 : vector<128xf32> to vector<128x1xf32>
    %eq3A_54 = vector.broadcast %broadcast_in_dim3A_53 : vector<128x1xf32> to vector<128x2048xf32>
    %eq3A_55 = arith.cmpf oeq, %select_n3A_50, %eq3A_54 : vector<128x2048xf32>
    %jit3A_56 = arith.constant 2048 : i32
    %broadcast_in_dim3A_57 = vector.broadcast %jit3A_56 : i32 to vector<128x2048xi32>
    %select_n3A_58 = arith.select %eq3A_55, %iota3A, %broadcast_in_dim3A_57 : vector<128x2048xi1>, vector<128x2048xi32>
    %reduce_min3A_59 = arith.constant dense<2147483647> : vector<128xi32>
    %reduce_min3A_60 = vector.multi_reduction <minsi>, %select_n3A_58, %reduce_min3A_59 [1] : vector<128x2048xi32> to vector<128xi32>
    %broadcast_in_dim3A_61 = vector.shape_cast %reduce_min3A_60 : vector<128xi32> to vector<128x1xi32>
    %eq3A_62 = vector.broadcast %broadcast_in_dim3A_61 : vector<128x1xi32> to vector<128x2048xi32>
    %eq3A_63 = arith.cmpi eq, %iota3A, %eq3A_62 : vector<128x2048xi32>
    %jit3A_64 = arith.constant -3.000000e+38 : f32
    %broadcast_in_dim3A_65 = vector.broadcast %jit3A_64 : f32 to vector<128x2048xf32>
    %select_n3A_66 = arith.select %eq3A_63, %broadcast_in_dim3A_65, %select_n3A_50 : vector<128x2048xi1>, vector<128x2048xf32>
    %reduce_max3A_67 = arith.constant dense<0xFF800000> : vector<128xf32>
    %reduce_max3A_68 = vector.multi_reduction <maximumf>, %select_n3A_66, %reduce_max3A_67 [1] : vector<128x2048xf32> to vector<128xf32>
    %broadcast_in_dim3A_69 = vector.shape_cast %reduce_max3A_68 : vector<128xf32> to vector<128x1xf32>
    %eq3A_70 = vector.broadcast %broadcast_in_dim3A_69 : vector<128x1xf32> to vector<128x2048xf32>
    %eq3A_71 = arith.cmpf oeq, %select_n3A_66, %eq3A_70 : vector<128x2048xf32>
    %jit3A_72 = arith.constant 2048 : i32
    %broadcast_in_dim3A_73 = vector.broadcast %jit3A_72 : i32 to vector<128x2048xi32>
    %select_n3A_74 = arith.select %eq3A_71, %iota3A, %broadcast_in_dim3A_73 : vector<128x2048xi1>, vector<128x2048xi32>
    %reduce_min3A_75 = arith.constant dense<2147483647> : vector<128xi32>
    %reduce_min3A_76 = vector.multi_reduction <minsi>, %select_n3A_74, %reduce_min3A_75 [1] : vector<128x2048xi32> to vector<128xi32>
    %broadcast_in_dim3A_77 = vector.shape_cast %reduce_min3A_76 : vector<128xi32> to vector<128x1xi32>
    %eq3A_78 = vector.broadcast %broadcast_in_dim3A_77 : vector<128x1xi32> to vector<128x2048xi32>
    %eq3A_79 = arith.cmpi eq, %iota3A, %eq3A_78 : vector<128x2048xi32>
    %jit3A_80 = arith.constant -3.000000e+38 : f32
    %broadcast_in_dim3A_81 = vector.broadcast %jit3A_80 : f32 to vector<128x2048xf32>
    %select_n3A_82 = arith.select %eq3A_79, %broadcast_in_dim3A_81, %select_n3A_66 : vector<128x2048xi1>, vector<128x2048xf32>
    %reduce_max3A_83 = arith.constant dense<0xFF800000> : vector<128xf32>
    %reduce_max3A_84 = vector.multi_reduction <maximumf>, %select_n3A_82, %reduce_max3A_83 [1] : vector<128x2048xf32> to vector<128xf32>
    %broadcast_in_dim3A_85 = vector.shape_cast %reduce_max3A_84 : vector<128xf32> to vector<128x1xf32>
    %eq3A_86 = vector.broadcast %broadcast_in_dim3A_85 : vector<128x1xf32> to vector<128x2048xf32>
    %eq3A_87 = arith.cmpf oeq, %select_n3A_82, %eq3A_86 : vector<128x2048xf32>
    %jit3A_88 = arith.constant 2048 : i32
    %broadcast_in_dim3A_89 = vector.broadcast %jit3A_88 : i32 to vector<128x2048xi32>
    %select_n3A_90 = arith.select %eq3A_87, %iota3A, %broadcast_in_dim3A_89 : vector<128x2048xi1>, vector<128x2048xi32>
    %reduce_min3A_91 = arith.constant dense<2147483647> : vector<128xi32>
    %reduce_min3A_92 = vector.multi_reduction <minsi>, %select_n3A_90, %reduce_min3A_91 [1] : vector<128x2048xi32> to vector<128xi32>
    %broadcast_in_dim3A_93 = vector.shape_cast %reduce_min3A_92 : vector<128xi32> to vector<128x1xi32>
    %eq3A_94 = vector.broadcast %broadcast_in_dim3A_93 : vector<128x1xi32> to vector<128x2048xi32>
    %eq3A_95 = arith.cmpi eq, %iota3A, %eq3A_94 : vector<128x2048xi32>
    %jit3A_96 = arith.constant -3.000000e+38 : f32
    %broadcast_in_dim3A_97 = vector.broadcast %jit3A_96 : f32 to vector<128x2048xf32>
    %select_n3A_98 = arith.select %eq3A_95, %broadcast_in_dim3A_97, %select_n3A_82 : vector<128x2048xi1>, vector<128x2048xf32>
    %reduce_max3A_99 = arith.constant dense<0xFF800000> : vector<128xf32>
    %reduce_max3A_100 = vector.multi_reduction <maximumf>, %select_n3A_98, %reduce_max3A_99 [1] : vector<128x2048xf32> to vector<128xf32>
    %broadcast_in_dim3A_101 = vector.shape_cast %reduce_max3A_100 : vector<128xf32> to vector<128x1xf32>
    %eq3A_102 = vector.broadcast %broadcast_in_dim3A_101 : vector<128x1xf32> to vector<128x2048xf32>
    %eq3A_103 = arith.cmpf oeq, %select_n3A_98, %eq3A_102 : vector<128x2048xf32>
    %jit3A_104 = arith.constant 2048 : i32
    %broadcast_in_dim3A_105 = vector.broadcast %jit3A_104 : i32 to vector<128x2048xi32>
    %select_n3A_106 = arith.select %eq3A_103, %iota3A, %broadcast_in_dim3A_105 : vector<128x2048xi1>, vector<128x2048xi32>
    %reduce_min3A_107 = arith.constant dense<2147483647> : vector<128xi32>
    %reduce_min3A_108 = vector.multi_reduction <minsi>, %select_n3A_106, %reduce_min3A_107 [1] : vector<128x2048xi32> to vector<128xi32>
    %broadcast_in_dim3A_109 = vector.shape_cast %reduce_min3A_108 : vector<128xi32> to vector<128x1xi32>
    %eq3A_110 = vector.broadcast %broadcast_in_dim3A_109 : vector<128x1xi32> to vector<128x2048xi32>
    %eq3A_111 = arith.cmpi eq, %iota3A, %eq3A_110 : vector<128x2048xi32>
    %jit3A_112 = arith.constant -3.000000e+38 : f32
    %broadcast_in_dim3A_113 = vector.broadcast %jit3A_112 : f32 to vector<128x2048xf32>
    %select_n3A_114 = arith.select %eq3A_111, %broadcast_in_dim3A_113, %select_n3A_98 : vector<128x2048xi1>, vector<128x2048xf32>
    %reduce_max3A_115 = arith.constant dense<0xFF800000> : vector<128xf32>
    %reduce_max3A_116 = vector.multi_reduction <maximumf>, %select_n3A_114, %reduce_max3A_115 [1] : vector<128x2048xf32> to vector<128xf32>
    %broadcast_in_dim3A_117 = vector.shape_cast %reduce_max3A_116 : vector<128xf32> to vector<128x1xf32>
    %eq3A_118 = vector.broadcast %broadcast_in_dim3A_117 : vector<128x1xf32> to vector<128x2048xf32>
    %eq3A_119 = arith.cmpf oeq, %select_n3A_114, %eq3A_118 : vector<128x2048xf32>
    %jit3A_120 = arith.constant 2048 : i32
    %broadcast_in_dim3A_121 = vector.broadcast %jit3A_120 : i32 to vector<128x2048xi32>
    %select_n3A_122 = arith.select %eq3A_119, %iota3A, %broadcast_in_dim3A_121 : vector<128x2048xi1>, vector<128x2048xi32>
    %reduce_min3A_123 = arith.constant dense<2147483647> : vector<128xi32>
    %reduce_min3A_124 = vector.multi_reduction <minsi>, %select_n3A_122, %reduce_min3A_123 [1] : vector<128x2048xi32> to vector<128xi32>
    %broadcast_in_dim3A_125 = vector.shape_cast %reduce_min3A_124 : vector<128xi32> to vector<128x1xi32>
    %eq3A_126 = vector.broadcast %broadcast_in_dim3A_125 : vector<128x1xi32> to vector<128x2048xi32>
    %eq3A_127 = arith.cmpi eq, %iota3A, %eq3A_126 : vector<128x2048xi32>
    %jit3A_128 = arith.constant -3.000000e+38 : f32
    %broadcast_in_dim3A_129 = vector.broadcast %jit3A_128 : f32 to vector<128x2048xf32>
    %select_n3A_130 = arith.select %eq3A_127, %broadcast_in_dim3A_129, %select_n3A_114 : vector<128x2048xi1>, vector<128x2048xf32>
    %reduce_max3A_131 = arith.constant dense<0xFF800000> : vector<128xf32>
    %reduce_max3A_132 = vector.multi_reduction <maximumf>, %select_n3A_130, %reduce_max3A_131 [1] : vector<128x2048xf32> to vector<128xf32>
    %broadcast_in_dim3A_133 = vector.shape_cast %reduce_max3A_132 : vector<128xf32> to vector<128x1xf32>
    %eq3A_134 = vector.broadcast %broadcast_in_dim3A_133 : vector<128x1xf32> to vector<128x2048xf32>
    %eq3A_135 = arith.cmpf oeq, %select_n3A_130, %eq3A_134 : vector<128x2048xf32>
    %jit3A_136 = arith.constant 2048 : i32
    %broadcast_in_dim3A_137 = vector.broadcast %jit3A_136 : i32 to vector<128x2048xi32>
    %select_n3A_138 = arith.select %eq3A_135, %iota3A, %broadcast_in_dim3A_137 : vector<128x2048xi1>, vector<128x2048xi32>
    %reduce_min3A_139 = arith.constant dense<2147483647> : vector<128xi32>
    %reduce_min3A_140 = vector.multi_reduction <minsi>, %select_n3A_138, %reduce_min3A_139 [1] : vector<128x2048xi32> to vector<128xi32>
    %broadcast_in_dim3A_141 = vector.shape_cast %reduce_min3A_140 : vector<128xi32> to vector<128x1xi32>
    %eq3A_142 = vector.broadcast %broadcast_in_dim3A_141 : vector<128x1xi32> to vector<128x2048xi32>
    %eq3A_143 = arith.cmpi eq, %iota3A, %eq3A_142 : vector<128x2048xi32>
    %jit3A_144 = arith.constant -3.000000e+38 : f32
    %broadcast_in_dim3A_145 = vector.broadcast %jit3A_144 : f32 to vector<128x2048xf32>
    %select_n3A_146 = arith.select %eq3A_143, %broadcast_in_dim3A_145, %select_n3A_130 : vector<128x2048xi1>, vector<128x2048xf32>
    %reduce_max3A_147 = arith.constant dense<0xFF800000> : vector<128xf32>
    %reduce_max3A_148 = vector.multi_reduction <maximumf>, %select_n3A_146, %reduce_max3A_147 [1] : vector<128x2048xf32> to vector<128xf32>
    %broadcast_in_dim3A_149 = vector.shape_cast %reduce_max3A_148 : vector<128xf32> to vector<128x1xf32>
    %eq3A_150 = vector.broadcast %broadcast_in_dim3A_149 : vector<128x1xf32> to vector<128x2048xf32>
    %eq3A_151 = arith.cmpf oeq, %select_n3A_146, %eq3A_150 : vector<128x2048xf32>
    %jit3A_152 = arith.constant 2048 : i32
    %broadcast_in_dim3A_153 = vector.broadcast %jit3A_152 : i32 to vector<128x2048xi32>
    %select_n3A_154 = arith.select %eq3A_151, %iota3A, %broadcast_in_dim3A_153 : vector<128x2048xi1>, vector<128x2048xi32>
    %reduce_min3A_155 = arith.constant dense<2147483647> : vector<128xi32>
    %reduce_min3A_156 = vector.multi_reduction <minsi>, %select_n3A_154, %reduce_min3A_155 [1] : vector<128x2048xi32> to vector<128xi32>
    %broadcast_in_dim3A_157 = vector.shape_cast %reduce_min3A_156 : vector<128xi32> to vector<128x1xi32>
    %eq3A_158 = vector.broadcast %broadcast_in_dim3A_157 : vector<128x1xi32> to vector<128x2048xi32>
    %eq3A_159 = arith.cmpi eq, %iota3A, %eq3A_158 : vector<128x2048xi32>
    %jit3A_160 = arith.constant -3.000000e+38 : f32
    %broadcast_in_dim3A_161 = vector.broadcast %jit3A_160 : f32 to vector<128x2048xf32>
    %select_n3A_162 = arith.select %eq3A_159, %broadcast_in_dim3A_161, %select_n3A_146 : vector<128x2048xi1>, vector<128x2048xf32>
    %reduce_max3A_163 = arith.constant dense<0xFF800000> : vector<128xf32>
    %reduce_max3A_164 = vector.multi_reduction <maximumf>, %select_n3A_162, %reduce_max3A_163 [1] : vector<128x2048xf32> to vector<128xf32>
    %broadcast_in_dim3A_165 = vector.shape_cast %reduce_max3A_164 : vector<128xf32> to vector<128x1xf32>
    %eq3A_166 = vector.broadcast %broadcast_in_dim3A_165 : vector<128x1xf32> to vector<128x2048xf32>
    %eq3A_167 = arith.cmpf oeq, %select_n3A_162, %eq3A_166 : vector<128x2048xf32>
    %jit3A_168 = arith.constant 2048 : i32
    %broadcast_in_dim3A_169 = vector.broadcast %jit3A_168 : i32 to vector<128x2048xi32>
    %select_n3A_170 = arith.select %eq3A_167, %iota3A, %broadcast_in_dim3A_169 : vector<128x2048xi1>, vector<128x2048xi32>
    %reduce_min3A_171 = arith.constant dense<2147483647> : vector<128xi32>
    %reduce_min3A_172 = vector.multi_reduction <minsi>, %select_n3A_170, %reduce_min3A_171 [1] : vector<128x2048xi32> to vector<128xi32>
    %broadcast_in_dim3A_173 = vector.shape_cast %reduce_min3A_172 : vector<128xi32> to vector<128x1xi32>
    %eq3A_174 = vector.broadcast %broadcast_in_dim3A_173 : vector<128x1xi32> to vector<128x2048xi32>
    %eq3A_175 = arith.cmpi eq, %iota3A, %eq3A_174 : vector<128x2048xi32>
    %jit3A_176 = arith.constant -3.000000e+38 : f32
    %broadcast_in_dim3A_177 = vector.broadcast %jit3A_176 : f32 to vector<128x2048xf32>
    %select_n3A_178 = arith.select %eq3A_175, %broadcast_in_dim3A_177, %select_n3A_162 : vector<128x2048xi1>, vector<128x2048xf32>
    %reduce_max3A_179 = arith.constant dense<0xFF800000> : vector<128xf32>
    %reduce_max3A_180 = vector.multi_reduction <maximumf>, %select_n3A_178, %reduce_max3A_179 [1] : vector<128x2048xf32> to vector<128xf32>
    %broadcast_in_dim3A_181 = vector.shape_cast %reduce_max3A_180 : vector<128xf32> to vector<128x1xf32>
    %eq3A_182 = vector.broadcast %broadcast_in_dim3A_181 : vector<128x1xf32> to vector<128x2048xf32>
    %eq3A_183 = arith.cmpf oeq, %select_n3A_178, %eq3A_182 : vector<128x2048xf32>
    %jit3A_184 = arith.constant 2048 : i32
    %broadcast_in_dim3A_185 = vector.broadcast %jit3A_184 : i32 to vector<128x2048xi32>
    %select_n3A_186 = arith.select %eq3A_183, %iota3A, %broadcast_in_dim3A_185 : vector<128x2048xi1>, vector<128x2048xi32>
    %reduce_min3A_187 = arith.constant dense<2147483647> : vector<128xi32>
    %reduce_min3A_188 = vector.multi_reduction <minsi>, %select_n3A_186, %reduce_min3A_187 [1] : vector<128x2048xi32> to vector<128xi32>
    %broadcast_in_dim3A_189 = vector.shape_cast %reduce_min3A_188 : vector<128xi32> to vector<128x1xi32>
    %eq3A_190 = vector.broadcast %broadcast_in_dim3A_189 : vector<128x1xi32> to vector<128x2048xi32>
    %eq3A_191 = arith.cmpi eq, %iota3A, %eq3A_190 : vector<128x2048xi32>
    %jit3A_192 = arith.constant -3.000000e+38 : f32
    %broadcast_in_dim3A_193 = vector.broadcast %jit3A_192 : f32 to vector<128x2048xf32>
    %select_n3A_194 = arith.select %eq3A_191, %broadcast_in_dim3A_193, %select_n3A_178 : vector<128x2048xi1>, vector<128x2048xf32>
    %reduce_max3A_195 = arith.constant dense<0xFF800000> : vector<128xf32>
    %reduce_max3A_196 = vector.multi_reduction <maximumf>, %select_n3A_194, %reduce_max3A_195 [1] : vector<128x2048xf32> to vector<128xf32>
    %broadcast_in_dim3A_197 = vector.shape_cast %reduce_max3A_196 : vector<128xf32> to vector<128x1xf32>
    %eq3A_198 = vector.broadcast %broadcast_in_dim3A_197 : vector<128x1xf32> to vector<128x2048xf32>
    %eq3A_199 = arith.cmpf oeq, %select_n3A_194, %eq3A_198 : vector<128x2048xf32>
    %jit3A_200 = arith.constant 2048 : i32
    %broadcast_in_dim3A_201 = vector.broadcast %jit3A_200 : i32 to vector<128x2048xi32>
    %select_n3A_202 = arith.select %eq3A_199, %iota3A, %broadcast_in_dim3A_201 : vector<128x2048xi1>, vector<128x2048xi32>
    %reduce_min3A_203 = arith.constant dense<2147483647> : vector<128xi32>
    %reduce_min3A_204 = vector.multi_reduction <minsi>, %select_n3A_202, %reduce_min3A_203 [1] : vector<128x2048xi32> to vector<128xi32>
    %broadcast_in_dim3A_205 = vector.shape_cast %reduce_min3A_204 : vector<128xi32> to vector<128x1xi32>
    %eq3A_206 = vector.broadcast %broadcast_in_dim3A_205 : vector<128x1xi32> to vector<128x2048xi32>
    %eq3A_207 = arith.cmpi eq, %iota3A, %eq3A_206 : vector<128x2048xi32>
    %jit3A_208 = arith.constant -3.000000e+38 : f32
    %broadcast_in_dim3A_209 = vector.broadcast %jit3A_208 : f32 to vector<128x2048xf32>
    %select_n3A_210 = arith.select %eq3A_207, %broadcast_in_dim3A_209, %select_n3A_194 : vector<128x2048xi1>, vector<128x2048xf32>
    %reduce_max3A_211 = arith.constant dense<0xFF800000> : vector<128xf32>
    %reduce_max3A_212 = vector.multi_reduction <maximumf>, %select_n3A_210, %reduce_max3A_211 [1] : vector<128x2048xf32> to vector<128xf32>
    %broadcast_in_dim3A_213 = vector.shape_cast %reduce_max3A_212 : vector<128xf32> to vector<128x1xf32>
    %eq3A_214 = vector.broadcast %broadcast_in_dim3A_213 : vector<128x1xf32> to vector<128x2048xf32>
    %eq3A_215 = arith.cmpf oeq, %select_n3A_210, %eq3A_214 : vector<128x2048xf32>
    %jit3A_216 = arith.constant 2048 : i32
    %broadcast_in_dim3A_217 = vector.broadcast %jit3A_216 : i32 to vector<128x2048xi32>
    %select_n3A_218 = arith.select %eq3A_215, %iota3A, %broadcast_in_dim3A_217 : vector<128x2048xi1>, vector<128x2048xi32>
    %reduce_min3A_219 = arith.constant dense<2147483647> : vector<128xi32>
    %reduce_min3A_220 = vector.multi_reduction <minsi>, %select_n3A_218, %reduce_min3A_219 [1] : vector<128x2048xi32> to vector<128xi32>
    %broadcast_in_dim3A_221 = vector.shape_cast %reduce_min3A_220 : vector<128xi32> to vector<128x1xi32>
    %eq3A_222 = vector.broadcast %broadcast_in_dim3A_221 : vector<128x1xi32> to vector<128x2048xi32>
    %eq3A_223 = arith.cmpi eq, %iota3A, %eq3A_222 : vector<128x2048xi32>
    %jit3A_224 = arith.constant -3.000000e+38 : f32
    %broadcast_in_dim3A_225 = vector.broadcast %jit3A_224 : f32 to vector<128x2048xf32>
    %select_n3A_226 = arith.select %eq3A_223, %broadcast_in_dim3A_225, %select_n3A_210 : vector<128x2048xi1>, vector<128x2048xf32>
    %reduce_max3A_227 = arith.constant dense<0xFF800000> : vector<128xf32>
    %reduce_max3A_228 = vector.multi_reduction <maximumf>, %select_n3A_226, %reduce_max3A_227 [1] : vector<128x2048xf32> to vector<128xf32>
    %broadcast_in_dim3A_229 = vector.shape_cast %reduce_max3A_228 : vector<128xf32> to vector<128x1xf32>
    %eq3A_230 = vector.broadcast %broadcast_in_dim3A_229 : vector<128x1xf32> to vector<128x2048xf32>
    %eq3A_231 = arith.cmpf oeq, %select_n3A_226, %eq3A_230 : vector<128x2048xf32>
    %jit3A_232 = arith.constant 2048 : i32
    %broadcast_in_dim3A_233 = vector.broadcast %jit3A_232 : i32 to vector<128x2048xi32>
    %select_n3A_234 = arith.select %eq3A_231, %iota3A, %broadcast_in_dim3A_233 : vector<128x2048xi1>, vector<128x2048xi32>
    %reduce_min3A_235 = arith.constant dense<2147483647> : vector<128xi32>
    %reduce_min3A_236 = vector.multi_reduction <minsi>, %select_n3A_234, %reduce_min3A_235 [1] : vector<128x2048xi32> to vector<128xi32>
    %broadcast_in_dim3A_237 = vector.shape_cast %reduce_min3A_236 : vector<128xi32> to vector<128x1xi32>
    %eq3A_238 = vector.broadcast %broadcast_in_dim3A_237 : vector<128x1xi32> to vector<128x2048xi32>
    %eq3A_239 = arith.cmpi eq, %iota3A, %eq3A_238 : vector<128x2048xi32>
    %jit3A_240 = arith.constant -3.000000e+38 : f32
    %broadcast_in_dim3A_241 = vector.broadcast %jit3A_240 : f32 to vector<128x2048xf32>
    %select_n3A_242 = arith.select %eq3A_239, %broadcast_in_dim3A_241, %select_n3A_226 : vector<128x2048xi1>, vector<128x2048xf32>
    %reduce_max3A_243 = arith.constant dense<0xFF800000> : vector<128xf32>
    %reduce_max3A_244 = vector.multi_reduction <maximumf>, %select_n3A_242, %reduce_max3A_243 [1] : vector<128x2048xf32> to vector<128xf32>
    %broadcast_in_dim3A_245 = vector.shape_cast %reduce_max3A_244 : vector<128xf32> to vector<128x1xf32>
    %eq3A_246 = vector.broadcast %broadcast_in_dim3A_245 : vector<128x1xf32> to vector<128x2048xf32>
    %eq3A_247 = arith.cmpf oeq, %select_n3A_242, %eq3A_246 : vector<128x2048xf32>
    %jit3A_248 = arith.constant 2048 : i32
    %broadcast_in_dim3A_249 = vector.broadcast %jit3A_248 : i32 to vector<128x2048xi32>
    %select_n3A_250 = arith.select %eq3A_247, %iota3A, %broadcast_in_dim3A_249 : vector<128x2048xi1>, vector<128x2048xi32>
    %reduce_min3A_251 = arith.constant dense<2147483647> : vector<128xi32>
    %reduce_min3A_252 = vector.multi_reduction <minsi>, %select_n3A_250, %reduce_min3A_251 [1] : vector<128x2048xi32> to vector<128xi32>
    %broadcast_in_dim3A_253 = vector.shape_cast %reduce_min3A_252 : vector<128xi32> to vector<128x1xi32>
    %eq3A_254 = vector.broadcast %broadcast_in_dim3A_253 : vector<128x1xi32> to vector<128x2048xi32>
    %eq3A_255 = arith.cmpi eq, %iota3A, %eq3A_254 : vector<128x2048xi32>
    %jit3A_256 = arith.constant -3.000000e+38 : f32
    %broadcast_in_dim3A_257 = vector.broadcast %jit3A_256 : f32 to vector<128x2048xf32>
    %select_n3A_258 = arith.select %eq3A_255, %broadcast_in_dim3A_257, %select_n3A_242 : vector<128x2048xi1>, vector<128x2048xf32>
    %reduce_max3A_259 = arith.constant dense<0xFF800000> : vector<128xf32>
    %reduce_max3A_260 = vector.multi_reduction <maximumf>, %select_n3A_258, %reduce_max3A_259 [1] : vector<128x2048xf32> to vector<128xf32>
    %broadcast_in_dim3A_261 = vector.shape_cast %reduce_max3A_260 : vector<128xf32> to vector<128x1xf32>
    %eq3A_262 = vector.broadcast %broadcast_in_dim3A_261 : vector<128x1xf32> to vector<128x2048xf32>
    %eq3A_263 = arith.cmpf oeq, %select_n3A_258, %eq3A_262 : vector<128x2048xf32>
    %jit3A_264 = arith.constant 2048 : i32
    %broadcast_in_dim3A_265 = vector.broadcast %jit3A_264 : i32 to vector<128x2048xi32>
    %select_n3A_266 = arith.select %eq3A_263, %iota3A, %broadcast_in_dim3A_265 : vector<128x2048xi1>, vector<128x2048xi32>
    %reduce_min3A_267 = arith.constant dense<2147483647> : vector<128xi32>
    %reduce_min3A_268 = vector.multi_reduction <minsi>, %select_n3A_266, %reduce_min3A_267 [1] : vector<128x2048xi32> to vector<128xi32>
    %broadcast_in_dim3A_269 = vector.shape_cast %reduce_min3A_268 : vector<128xi32> to vector<128x1xi32>
    %eq3A_270 = vector.broadcast %broadcast_in_dim3A_269 : vector<128x1xi32> to vector<128x2048xi32>
    %eq3A_271 = arith.cmpi eq, %iota3A, %eq3A_270 : vector<128x2048xi32>
    %jit3A_272 = arith.constant -3.000000e+38 : f32
    %broadcast_in_dim3A_273 = vector.broadcast %jit3A_272 : f32 to vector<128x2048xf32>
    %select_n3A_274 = arith.select %eq3A_271, %broadcast_in_dim3A_273, %select_n3A_258 : vector<128x2048xi1>, vector<128x2048xf32>
    %reduce_max3A_275 = arith.constant dense<0xFF800000> : vector<128xf32>
    %reduce_max3A_276 = vector.multi_reduction <maximumf>, %select_n3A_274, %reduce_max3A_275 [1] : vector<128x2048xf32> to vector<128xf32>
    %broadcast_in_dim3A_277 = vector.shape_cast %reduce_max3A_276 : vector<128xf32> to vector<128x1xf32>
    %eq3A_278 = vector.broadcast %broadcast_in_dim3A_277 : vector<128x1xf32> to vector<128x2048xf32>
    %eq3A_279 = arith.cmpf oeq, %select_n3A_274, %eq3A_278 : vector<128x2048xf32>
    %jit3A_280 = arith.constant 2048 : i32
    %broadcast_in_dim3A_281 = vector.broadcast %jit3A_280 : i32 to vector<128x2048xi32>
    %select_n3A_282 = arith.select %eq3A_279, %iota3A, %broadcast_in_dim3A_281 : vector<128x2048xi1>, vector<128x2048xi32>
    %reduce_min3A_283 = arith.constant dense<2147483647> : vector<128xi32>
    %reduce_min3A_284 = vector.multi_reduction <minsi>, %select_n3A_282, %reduce_min3A_283 [1] : vector<128x2048xi32> to vector<128xi32>
    %broadcast_in_dim3A_285 = vector.shape_cast %reduce_min3A_284 : vector<128xi32> to vector<128x1xi32>
    %eq3A_286 = vector.broadcast %broadcast_in_dim3A_285 : vector<128x1xi32> to vector<128x2048xi32>
    %eq3A_287 = arith.cmpi eq, %iota3A, %eq3A_286 : vector<128x2048xi32>
    %jit3A_288 = arith.constant -3.000000e+38 : f32
    %broadcast_in_dim3A_289 = vector.broadcast %jit3A_288 : f32 to vector<128x2048xf32>
    %select_n3A_290 = arith.select %eq3A_287, %broadcast_in_dim3A_289, %select_n3A_274 : vector<128x2048xi1>, vector<128x2048xf32>
    %reduce_max3A_291 = arith.constant dense<0xFF800000> : vector<128xf32>
    %reduce_max3A_292 = vector.multi_reduction <maximumf>, %select_n3A_290, %reduce_max3A_291 [1] : vector<128x2048xf32> to vector<128xf32>
    %broadcast_in_dim3A_293 = vector.shape_cast %reduce_max3A_292 : vector<128xf32> to vector<128x1xf32>
    %eq3A_294 = vector.broadcast %broadcast_in_dim3A_293 : vector<128x1xf32> to vector<128x2048xf32>
    %eq3A_295 = arith.cmpf oeq, %select_n3A_290, %eq3A_294 : vector<128x2048xf32>
    %jit3A_296 = arith.constant 2048 : i32
    %broadcast_in_dim3A_297 = vector.broadcast %jit3A_296 : i32 to vector<128x2048xi32>
    %select_n3A_298 = arith.select %eq3A_295, %iota3A, %broadcast_in_dim3A_297 : vector<128x2048xi1>, vector<128x2048xi32>
    %reduce_min3A_299 = arith.constant dense<2147483647> : vector<128xi32>
    %reduce_min3A_300 = vector.multi_reduction <minsi>, %select_n3A_298, %reduce_min3A_299 [1] : vector<128x2048xi32> to vector<128xi32>
    %broadcast_in_dim3A_301 = vector.shape_cast %reduce_min3A_300 : vector<128xi32> to vector<128x1xi32>
    %eq3A_302 = vector.broadcast %broadcast_in_dim3A_301 : vector<128x1xi32> to vector<128x2048xi32>
    %eq3A_303 = arith.cmpi eq, %iota3A, %eq3A_302 : vector<128x2048xi32>
    %jit3A_304 = arith.constant -3.000000e+38 : f32
    %broadcast_in_dim3A_305 = vector.broadcast %jit3A_304 : f32 to vector<128x2048xf32>
    %select_n3A_306 = arith.select %eq3A_303, %broadcast_in_dim3A_305, %select_n3A_290 : vector<128x2048xi1>, vector<128x2048xf32>
    %reduce_max3A_307 = arith.constant dense<0xFF800000> : vector<128xf32>
    %reduce_max3A_308 = vector.multi_reduction <maximumf>, %select_n3A_306, %reduce_max3A_307 [1] : vector<128x2048xf32> to vector<128xf32>
    %broadcast_in_dim3A_309 = vector.shape_cast %reduce_max3A_308 : vector<128xf32> to vector<128x1xf32>
    %eq3A_310 = vector.broadcast %broadcast_in_dim3A_309 : vector<128x1xf32> to vector<128x2048xf32>
    %eq3A_311 = arith.cmpf oeq, %select_n3A_306, %eq3A_310 : vector<128x2048xf32>
    %jit3A_312 = arith.constant 2048 : i32
    %broadcast_in_dim3A_313 = vector.broadcast %jit3A_312 : i32 to vector<128x2048xi32>
    %select_n3A_314 = arith.select %eq3A_311, %iota3A, %broadcast_in_dim3A_313 : vector<128x2048xi1>, vector<128x2048xi32>
    %reduce_min3A_315 = arith.constant dense<2147483647> : vector<128xi32>
    %reduce_min3A_316 = vector.multi_reduction <minsi>, %select_n3A_314, %reduce_min3A_315 [1] : vector<128x2048xi32> to vector<128xi32>
    %broadcast_in_dim3A_317 = vector.shape_cast %reduce_min3A_316 : vector<128xi32> to vector<128x1xi32>
    %eq3A_318 = vector.broadcast %broadcast_in_dim3A_317 : vector<128x1xi32> to vector<128x2048xi32>
    %eq3A_319 = arith.cmpi eq, %iota3A, %eq3A_318 : vector<128x2048xi32>
    %jit3A_320 = arith.constant -3.000000e+38 : f32
    %broadcast_in_dim3A_321 = vector.broadcast %jit3A_320 : f32 to vector<128x2048xf32>
    %select_n3A_322 = arith.select %eq3A_319, %broadcast_in_dim3A_321, %select_n3A_306 : vector<128x2048xi1>, vector<128x2048xf32>
    %reduce_max3A_323 = arith.constant dense<0xFF800000> : vector<128xf32>
    %reduce_max3A_324 = vector.multi_reduction <maximumf>, %select_n3A_322, %reduce_max3A_323 [1] : vector<128x2048xf32> to vector<128xf32>
    %broadcast_in_dim3A_325 = vector.shape_cast %reduce_max3A_324 : vector<128xf32> to vector<128x1xf32>
    %eq3A_326 = vector.broadcast %broadcast_in_dim3A_325 : vector<128x1xf32> to vector<128x2048xf32>
    %eq3A_327 = arith.cmpf oeq, %select_n3A_322, %eq3A_326 : vector<128x2048xf32>
    %jit3A_328 = arith.constant 2048 : i32
    %broadcast_in_dim3A_329 = vector.broadcast %jit3A_328 : i32 to vector<128x2048xi32>
    %select_n3A_330 = arith.select %eq3A_327, %iota3A, %broadcast_in_dim3A_329 : vector<128x2048xi1>, vector<128x2048xi32>
    %reduce_min3A_331 = arith.constant dense<2147483647> : vector<128xi32>
    %reduce_min3A_332 = vector.multi_reduction <minsi>, %select_n3A_330, %reduce_min3A_331 [1] : vector<128x2048xi32> to vector<128xi32>
    %broadcast_in_dim3A_333 = vector.shape_cast %reduce_min3A_332 : vector<128xi32> to vector<128x1xi32>
    %eq3A_334 = vector.broadcast %broadcast_in_dim3A_333 : vector<128x1xi32> to vector<128x2048xi32>
    %eq3A_335 = arith.cmpi eq, %iota3A, %eq3A_334 : vector<128x2048xi32>
    %jit3A_336 = arith.constant -3.000000e+38 : f32
    %broadcast_in_dim3A_337 = vector.broadcast %jit3A_336 : f32 to vector<128x2048xf32>
    %select_n3A_338 = arith.select %eq3A_335, %broadcast_in_dim3A_337, %select_n3A_322 : vector<128x2048xi1>, vector<128x2048xf32>
    %reduce_max3A_339 = arith.constant dense<0xFF800000> : vector<128xf32>
    %reduce_max3A_340 = vector.multi_reduction <maximumf>, %select_n3A_338, %reduce_max3A_339 [1] : vector<128x2048xf32> to vector<128xf32>
    %broadcast_in_dim3A_341 = vector.shape_cast %reduce_max3A_340 : vector<128xf32> to vector<128x1xf32>
    %eq3A_342 = vector.broadcast %broadcast_in_dim3A_341 : vector<128x1xf32> to vector<128x2048xf32>
    %eq3A_343 = arith.cmpf oeq, %select_n3A_338, %eq3A_342 : vector<128x2048xf32>
    %jit3A_344 = arith.constant 2048 : i32
    %broadcast_in_dim3A_345 = vector.broadcast %jit3A_344 : i32 to vector<128x2048xi32>
    %select_n3A_346 = arith.select %eq3A_343, %iota3A, %broadcast_in_dim3A_345 : vector<128x2048xi1>, vector<128x2048xi32>
    %reduce_min3A_347 = arith.constant dense<2147483647> : vector<128xi32>
    %reduce_min3A_348 = vector.multi_reduction <minsi>, %select_n3A_346, %reduce_min3A_347 [1] : vector<128x2048xi32> to vector<128xi32>
    %broadcast_in_dim3A_349 = vector.shape_cast %reduce_min3A_348 : vector<128xi32> to vector<128x1xi32>
    %concatenate3A = tpu.concatenate %broadcast_in_dim3A_45, %broadcast_in_dim3A_61, %broadcast_in_dim3A_77, %broadcast_in_dim3A_93, %broadcast_in_dim3A_109, %broadcast_in_dim3A_125, %broadcast_in_dim3A_141, %broadcast_in_dim3A_157, %broadcast_in_dim3A_173, %broadcast_in_dim3A_189, %broadcast_in_dim3A_205, %broadcast_in_dim3A_221, %broadcast_in_dim3A_237, %broadcast_in_dim3A_253, %broadcast_in_dim3A_269, %broadcast_in_dim3A_285, %broadcast_in_dim3A_301, %broadcast_in_dim3A_317, %broadcast_in_dim3A_333, %broadcast_in_dim3A_349 in 1 : vector<128x1xi32>, vector<128x1xi32>, vector<128x1xi32>, vector<128x1xi32>, vector<128x1xi32>, vector<128x1xi32>, vector<128x1xi32>, vector<128x1xi32>, vector<128x1xi32>, vector<128x1xi32>, vector<128x1xi32>, vector<128x1xi32>, vector<128x1xi32>, vector<128x1xi32>, vector<128x1xi32>, vector<128x1xi32>, vector<128x1xi32>, vector<128x1xi32>, vector<128x1xi32>, vector<128x1xi32> -> vector<128x20xi32>
    %mul3A_350 = arith.constant 2048 : i32
    %mul3A_351 = arith.muli %arg0, %mul3A_350 : i32
    %add3A = vector.broadcast %mul3A_351 : i32 to vector<128x20xi32>
    %add3A_352 = arith.addi %concatenate3A, %add3A : vector<128x20xi32>
    %swap3A_353 = arith.constant 0 : index
    %swap3A_354 = arith.constant 0 : index
    %swap3A_355 = arith.constant 0 : index
    %swap3A_356 = vector.load %arg5[%swap3A_353, %swap3A_354, %swap3A_355] : memref<1x128x20xi32, #tpu.memory_space<vmem>>, vector<1x128x20xi32>
    %swap3A_357 = vector.shape_cast %swap3A_356 : vector<1x128x20xi32> to vector<128x20xi32>
    %swap3A_358 = vector.shape_cast %add3A_352 : vector<128x20xi32> to vector<1x128x20xi32>
    tpu.vector_store %arg5[%swap3A_353, %swap3A_354, %swap3A_355], %swap3A_358 {strides = array<i32>} : memref<1x128x20xi32, #tpu.memory_space<vmem>>, vector<1x128x20xi32>,
    return
  }
  func.func @transform_0(%arg0: i32, %arg1: i32) -> (i32, i32, i32) {
    %c0_i32 = arith.constant 0 : i32
    %c0_i32_0 = arith.constant 0 : i32
    return %arg0, %arg1, %c0_i32 : i32, i32, i32
  }
  func.func @transform_1(%arg0: i32, %arg1: i32) -> (i32, i32, i32) {
    %c0_i32 = arith.constant 0 : i32
    %c0_i32_0 = arith.constant 0 : i32
    %c0_i32_1 = arith.constant 0 : i32
    return %arg0, %c0_i32, %c0_i32_0 : i32, i32, i32
  }
  func.func @transform_2(%arg0: i32, %arg1: i32) -> (i32, i32) {
    %c0_i32 = arith.constant 0 : i32
    %c0_i32_0 = arith.constant 0 : i32
    %c0_i32_1 = arith.constant 0 : i32
    return %c0_i32, %c0_i32_0 : i32, i32
  }
  func.func @transform_3(%arg0: i32, %arg1: i32) -> (i32, i32, i32) {
    %c0_i32 = arith.constant 0 : i32
    %c0_i32_0 = arith.constant 0 : i32
    return %arg0, %arg1, %c0_i32 : i32, i32, i32
  }
  func.func @transform_4(%arg0: i32, %arg1: i32) -> (i32, i32, i32) {
    %c0_i32 = arith.constant 0 : i32
    %c0_i32_0 = arith.constant 0 : i32
    return %arg0, %arg1, %c0_i32 : i32, i32, i32
  }
  func.func @transform_5(%arg0: i32, %arg1: i32) -> (i32, i32, i32) {
    %c0_i32 = arith.constant 0 : i32
    %c0_i32_0 = arith.constant 0 : i32
    return %arg0, %arg1, %c0_i32 : i32, i32, i32
  }
}

module attributes {stable_mosaic.version = 14 : i64} {
  func.func @body(%arg0: i32, %arg1: memref<1280x8xf32, #tpu.memory_space<vmem>>, %arg2: memref<64x8xf32, #tpu.memory_space<vmem>>, %arg3: memref<64x6xf32, #tpu.memory_space<vmem>>, %arg4: memref<64x64xf32, #tpu.memory_space<vmem>>, %arg5: memref<1x1x64xf32, #tpu.memory_space<vmem>>, %arg6: memref<1x1x64xf32, #tpu.memory_space<vmem>>) attributes {dimension_semantics = [#tpu.dimension_semantics<arbitrary>], iteration_bounds = array<i64: 256>, scalar_prefetch = 0 : i64, scratch_operands = 0 : i64, tpu.core_type = #tpu.core_type<tc>, window_params = [{transform_indices = @transform_0, window_bounds = array<i64: 1280, 8>}, {transform_indices = @transform_1, window_bounds = array<i64: 64, 8>}, {pipeline_mode = #tpu.pipeline_mode<synchronous>, transform_indices = @transform_2, window_bounds = array<i64: 64, 6>}, {transform_indices = @transform_3, window_bounds = array<i64: 64, 64>}, {transform_indices = @transform_4, window_bounds = array<i64: 1, 1, 64>}, {transform_indices = @transform_5, window_bounds = array<i64: 1, 1, 64>}]} {
    %get3A = arith.constant 0 : index
    %get3A_0 = arith.constant 0 : index
    %get3A_1 = vector.load %arg1[%get3A, %get3A_0] : memref<1280x8xf32, #tpu.memory_space<vmem>>, vector<1280x8xf32>
    %slice3A = vector.extract_strided_slice %get3A_1 {offsets = [0, 0], sizes = [1280, 3], strides = [1, 1]} : vector<1280x8xf32> to vector<1280x3xf32>
    %get3A_2 = arith.constant 0 : index
    %get3A_3 = arith.constant 0 : index
    %get3A_4 = vector.load %arg2[%get3A_2, %get3A_3] : memref<64x8xf32, #tpu.memory_space<vmem>>, vector<64x8xf32>
    %slice3A_5 = vector.extract_strided_slice %get3A_4 {offsets = [0, 0], sizes = [64, 3], strides = [1, 1]} : vector<64x8xf32> to vector<64x3xf32>
    %broadcast_in_dim3A = vector.shape_cast %slice3A_5 : vector<64x3xf32> to vector<64x1x3xf32>
    %broadcast_in_dim3A_6 = vector.shape_cast %broadcast_in_dim3A : vector<64x1x3xf32> to vector<64x1x3xf32>
    %broadcast_in_dim3A_7 = vector.broadcast %broadcast_in_dim3A_6 : vector<64x1x3xf32> to vector<64x20x3xf32>
    %reshape3A = vector.shape_cast %broadcast_in_dim3A_7 : vector<64x20x3xf32> to vector<1280x3xf32>
    %concatenate3A = tpu.concatenate %slice3A, %reshape3A in 1 : vector<1280x3xf32>, vector<1280x3xf32> -> vector<1280x6xf32>
    %get3A_8 = arith.constant 0 : index
    %get3A_9 = arith.constant 0 : index
    %get3A_10 = vector.load %arg3[%get3A_8, %get3A_9] : memref<64x6xf32, #tpu.memory_space<vmem>>, vector<64x6xf32>
    %dot_general3A = arith.constant dense<0.000000e+00> : vector<1280x64xf32>
    %dot_general3A_11 = tpu.matmul %concatenate3A, %get3A_10, %dot_general3A {dimension_numbers = #tpu.dot_dimension_numbers<[1], [1], [0], [0], [0, 0, 1, 0], [], []>, transpose_lhs_hint = false} : vector<1280x6xf32>, vector<64x6xf32>, vector<1280x64xf32> -> vector<1280x64xf32>
    %reshape3A_12 = vector.shape_cast %dot_general3A_11 : vector<1280x64xf32> to vector<64x20x64xf32>
    %reduce_sum3A = arith.constant dense<0.000000e+00> : vector<64x64xf32>
    %reduce_sum3A_13 = vector.multi_reduction <add>, %reshape3A_12, %reduce_sum3A [1] : vector<64x20x64xf32> to vector<64x64xf32>
    %reduce_sum3A_14 = arith.constant dense<0.000000e+00> : vector<64xf32>
    %reduce_sum3A_15 = vector.multi_reduction <add>, %reduce_sum3A_13, %reduce_sum3A_14 [0] : vector<64x64xf32> to vector<64xf32>
    %broadcast_in_dim3A_16 = vector.shape_cast %reduce_sum3A_15 : vector<64xf32> to vector<1x64xf32>
    %swap3A = arith.constant 0 : index
    %swap3A_17 = arith.constant 0 : index
    %swap3A_18 = arith.constant 0 : index
    %swap3A_19 = vector.load %arg5[%swap3A, %swap3A_17, %swap3A_18] : memref<1x1x64xf32, #tpu.memory_space<vmem>>, vector<1x1x64xf32>
    %swap3A_20 = vector.shape_cast %swap3A_19 : vector<1x1x64xf32> to vector<1x64xf32>
    %swap3A_21 = vector.shape_cast %broadcast_in_dim3A_16 : vector<1x64xf32> to vector<1x1x64xf32>
    tpu.vector_store %arg5[%swap3A, %swap3A_17, %swap3A_18], %swap3A_21 {strides = array<i32>} : memref<1x1x64xf32, #tpu.memory_space<vmem>>, vector<1x1x64xf32>,
    %mul3A = arith.mulf %reshape3A_12, %reshape3A_12 : vector<64x20x64xf32>
    %reduce_sum3A_22 = arith.constant dense<0.000000e+00> : vector<64x64xf32>
    %reduce_sum3A_23 = vector.multi_reduction <add>, %mul3A, %reduce_sum3A_22 [1] : vector<64x20x64xf32> to vector<64x64xf32>
    %reduce_sum3A_24 = arith.constant dense<0.000000e+00> : vector<64xf32>
    %reduce_sum3A_25 = vector.multi_reduction <add>, %reduce_sum3A_23, %reduce_sum3A_24 [0] : vector<64x64xf32> to vector<64xf32>
    %broadcast_in_dim3A_26 = vector.shape_cast %reduce_sum3A_25 : vector<64xf32> to vector<1x64xf32>
    %swap3A_27 = arith.constant 0 : index
    %swap3A_28 = arith.constant 0 : index
    %swap3A_29 = arith.constant 0 : index
    %swap3A_30 = vector.load %arg6[%swap3A_27, %swap3A_28, %swap3A_29] : memref<1x1x64xf32, #tpu.memory_space<vmem>>, vector<1x1x64xf32>
    %swap3A_31 = vector.shape_cast %swap3A_30 : vector<1x1x64xf32> to vector<1x64xf32>
    %swap3A_32 = vector.shape_cast %broadcast_in_dim3A_26 : vector<1x64xf32> to vector<1x1x64xf32>
    tpu.vector_store %arg6[%swap3A_27, %swap3A_28, %swap3A_29], %swap3A_32 {strides = array<i32>} : memref<1x1x64xf32, #tpu.memory_space<vmem>>, vector<1x1x64xf32>,
    %reduce_max3A = arith.constant dense<0xFF800000> : vector<64x64xf32>
    %reduce_max3A_33 = vector.multi_reduction <maximumf>, %reshape3A_12, %reduce_max3A [1] : vector<64x20x64xf32> to vector<64x64xf32>
    %swap3A_34 = arith.constant 0 : index
    %swap3A_35 = arith.constant 0 : index
    %swap3A_36 = vector.load %arg4[%swap3A_34, %swap3A_35] : memref<64x64xf32, #tpu.memory_space<vmem>>, vector<64x64xf32>
    tpu.vector_store %arg4[%swap3A_34, %swap3A_35], %reduce_max3A_33 {strides = array<i32>} : memref<64x64xf32, #tpu.memory_space<vmem>>, vector<64x64xf32>,
    return
  }
  func.func @transform_0(%arg0: i32) -> (i32, i32) {
    %c0_i32 = arith.constant 0 : i32
    %c0_i32_0 = arith.constant 0 : i32
    return %arg0, %c0_i32 : i32, i32
  }
  func.func @transform_1(%arg0: i32) -> (i32, i32) {
    %c0_i32 = arith.constant 0 : i32
    %c0_i32_0 = arith.constant 0 : i32
    return %arg0, %c0_i32 : i32, i32
  }
  func.func @transform_2(%arg0: i32) -> (i32, i32) {
    %c0_i32 = arith.constant 0 : i32
    %c0_i32_0 = arith.constant 0 : i32
    %c0_i32_1 = arith.constant 0 : i32
    return %c0_i32, %c0_i32_0 : i32, i32
  }
  func.func @transform_3(%arg0: i32) -> (i32, i32) {
    %c0_i32 = arith.constant 0 : i32
    %c0_i32_0 = arith.constant 0 : i32
    return %arg0, %c0_i32 : i32, i32
  }
  func.func @transform_4(%arg0: i32) -> (i32, i32, i32) {
    %c0_i32 = arith.constant 0 : i32
    %c0_i32_0 = arith.constant 0 : i32
    %c0_i32_1 = arith.constant 0 : i32
    return %arg0, %c0_i32, %c0_i32_0 : i32, i32, i32
  }
  func.func @transform_5(%arg0: i32) -> (i32, i32, i32) {
    %c0_i32 = arith.constant 0 : i32
    %c0_i32_0 = arith.constant 0 : i32
    %c0_i32_1 = arith.constant 0 : i32
    return %arg0, %c0_i32, %c0_i32_0 : i32, i32, i32
  }
}

module attributes {stable_mosaic.version = 14 : i64} {
  func.func @body(%arg0: i32, %arg1: memref<1280x8xf32, #tpu.memory_space<vmem>>, %arg2: memref<64x8xf32, #tpu.memory_space<vmem>>, %arg3: memref<64x6xf32, #tpu.memory_space<vmem>>, %arg4: memref<256x1x64xf32, #tpu.memory_space<vmem>>, %arg5: memref<1x1x64xf32, #tpu.memory_space<vmem>>) attributes {dimension_semantics = [#tpu.dimension_semantics<arbitrary>], iteration_bounds = array<i64: 256>, scalar_prefetch = 0 : i64, scratch_operands = 0 : i64, tpu.core_type = #tpu.core_type<tc>, window_params = [{transform_indices = @transform_0, window_bounds = array<i64: 1280, 8>}, {transform_indices = @transform_1, window_bounds = array<i64: 64, 8>}, {pipeline_mode = #tpu.pipeline_mode<synchronous>, transform_indices = @transform_2, window_bounds = array<i64: 64, 6>}, {pipeline_mode = #tpu.pipeline_mode<synchronous>, transform_indices = @transform_3, window_bounds = array<i64: 256, 1, 64>}, {transform_indices = @transform_4, window_bounds = array<i64: 1, 1, 64>}]} {
    %get3A = arith.constant 0 : index
    %get3A_0 = arith.constant 0 : index
    %get3A_1 = arith.constant 0 : index
    %get3A_2 = vector.load %arg4[%get3A, %get3A_0, %get3A_1] : memref<256x1x64xf32, #tpu.memory_space<vmem>>, vector<256x1x64xf32>
    %get3A_3 = vector.shape_cast %get3A_2 : vector<256x1x64xf32> to vector<256x64xf32>
    %reduce_sum3A = arith.constant dense<0.000000e+00> : vector<64xf32>
    %reduce_sum3A_4 = vector.multi_reduction <add>, %get3A_3, %reduce_sum3A [0] : vector<256x64xf32> to vector<64xf32>
    %broadcast_in_dim3A = vector.shape_cast %reduce_sum3A_4 : vector<64xf32> to vector<1x64xf32>
    %div3A = arith.constant 3.276800e+05 : f32
    %div3A_5 = vector.broadcast %div3A : f32 to vector<1x64xf32>
    %div3A_6 = arith.divf %broadcast_in_dim3A, %div3A_5 : vector<1x64xf32>
    %get3A_7 = arith.constant 0 : index
    %get3A_8 = arith.constant 0 : index
    %get3A_9 = vector.load %arg1[%get3A_7, %get3A_8] : memref<1280x8xf32, #tpu.memory_space<vmem>>, vector<1280x8xf32>
    %slice3A = vector.extract_strided_slice %get3A_9 {offsets = [0, 0], sizes = [1280, 3], strides = [1, 1]} : vector<1280x8xf32> to vector<1280x3xf32>
    %get3A_10 = arith.constant 0 : index
    %get3A_11 = arith.constant 0 : index
    %get3A_12 = vector.load %arg2[%get3A_10, %get3A_11] : memref<64x8xf32, #tpu.memory_space<vmem>>, vector<64x8xf32>
    %slice3A_13 = vector.extract_strided_slice %get3A_12 {offsets = [0, 0], sizes = [64, 3], strides = [1, 1]} : vector<64x8xf32> to vector<64x3xf32>
    %broadcast_in_dim3A_14 = vector.shape_cast %slice3A_13 : vector<64x3xf32> to vector<64x1x3xf32>
    %broadcast_in_dim3A_15 = vector.shape_cast %broadcast_in_dim3A_14 : vector<64x1x3xf32> to vector<64x1x3xf32>
    %broadcast_in_dim3A_16 = vector.broadcast %broadcast_in_dim3A_15 : vector<64x1x3xf32> to vector<64x20x3xf32>
    %reshape3A = vector.shape_cast %broadcast_in_dim3A_16 : vector<64x20x3xf32> to vector<1280x3xf32>
    %concatenate3A = tpu.concatenate %slice3A, %reshape3A in 1 : vector<1280x3xf32>, vector<1280x3xf32> -> vector<1280x6xf32>
    %get3A_17 = arith.constant 0 : index
    %get3A_18 = arith.constant 0 : index
    %get3A_19 = vector.load %arg3[%get3A_17, %get3A_18] : memref<64x6xf32, #tpu.memory_space<vmem>>, vector<64x6xf32>
    %dot_general3A = arith.constant dense<0.000000e+00> : vector<1280x64xf32>
    %dot_general3A_20 = tpu.matmul %concatenate3A, %get3A_19, %dot_general3A {dimension_numbers = #tpu.dot_dimension_numbers<[1], [1], [0], [0], [0, 0, 1, 0], [], []>, transpose_lhs_hint = false} : vector<1280x6xf32>, vector<64x6xf32>, vector<1280x64xf32> -> vector<1280x64xf32>
    %sub3A = vector.broadcast %div3A_6 : vector<1x64xf32> to vector<1280x64xf32>
    %sub3A_21 = arith.subf %dot_general3A_20, %sub3A : vector<1280x64xf32>
    %mul3A = arith.mulf %sub3A_21, %sub3A_21 : vector<1280x64xf32>
    %reshape3A_22 = vector.shape_cast %mul3A : vector<1280x64xf32> to vector<64x20x64xf32>
    %reduce_sum3A_23 = arith.constant dense<0.000000e+00> : vector<64x64xf32>
    %reduce_sum3A_24 = vector.multi_reduction <add>, %reshape3A_22, %reduce_sum3A_23 [1] : vector<64x20x64xf32> to vector<64x64xf32>
    %reduce_sum3A_25 = arith.constant dense<0.000000e+00> : vector<64xf32>
    %reduce_sum3A_26 = vector.multi_reduction <add>, %reduce_sum3A_24, %reduce_sum3A_25 [0] : vector<64x64xf32> to vector<64xf32>
    %broadcast_in_dim3A_27 = vector.shape_cast %reduce_sum3A_26 : vector<64xf32> to vector<1x64xf32>
    %swap3A = arith.constant 0 : index
    %swap3A_28 = arith.constant 0 : index
    %swap3A_29 = arith.constant 0 : index
    %swap3A_30 = vector.load %arg5[%swap3A, %swap3A_28, %swap3A_29] : memref<1x1x64xf32, #tpu.memory_space<vmem>>, vector<1x1x64xf32>
    %swap3A_31 = vector.shape_cast %swap3A_30 : vector<1x1x64xf32> to vector<1x64xf32>
    %swap3A_32 = vector.shape_cast %broadcast_in_dim3A_27 : vector<1x64xf32> to vector<1x1x64xf32>
    tpu.vector_store %arg5[%swap3A, %swap3A_28, %swap3A_29], %swap3A_32 {strides = array<i32>} : memref<1x1x64xf32, #tpu.memory_space<vmem>>, vector<1x1x64xf32>,
    return
  }
  func.func @transform_0(%arg0: i32) -> (i32, i32) {
    %c0_i32 = arith.constant 0 : i32
    %c0_i32_0 = arith.constant 0 : i32
    return %arg0, %c0_i32 : i32, i32
  }
  func.func @transform_1(%arg0: i32) -> (i32, i32) {
    %c0_i32 = arith.constant 0 : i32
    %c0_i32_0 = arith.constant 0 : i32
    return %arg0, %c0_i32 : i32, i32
  }
  func.func @transform_2(%arg0: i32) -> (i32, i32) {
    %c0_i32 = arith.constant 0 : i32
    %c0_i32_0 = arith.constant 0 : i32
    %c0_i32_1 = arith.constant 0 : i32
    return %c0_i32, %c0_i32_0 : i32, i32
  }
  func.func @transform_3(%arg0: i32) -> (i32, i32, i32) {
    %c0_i32 = arith.constant 0 : i32
    %c0_i32_0 = arith.constant 0 : i32
    %c0_i32_1 = arith.constant 0 : i32
    %c0_i32_2 = arith.constant 0 : i32
    return %c0_i32, %c0_i32_0, %c0_i32_1 : i32, i32, i32
  }
  func.func @transform_4(%arg0: i32) -> (i32, i32, i32) {
    %c0_i32 = arith.constant 0 : i32
    %c0_i32_0 = arith.constant 0 : i32
    %c0_i32_1 = arith.constant 0 : i32
    return %arg0, %c0_i32, %c0_i32_0 : i32, i32, i32
  }
}

module attributes {stable_mosaic.version = 14 : i64} {
  func.func @body(%arg0: i32, %arg1: memref<1024x64xf32, #tpu.memory_space<vmem>>, %arg2: memref<256x1x64xf32, #tpu.memory_space<vmem>>, %arg3: memref<256x1x64xf32, #tpu.memory_space<vmem>>, %arg4: memref<1024x64xf32, #tpu.memory_space<vmem>>) attributes {dimension_semantics = [#tpu.dimension_semantics<arbitrary>], iteration_bounds = array<i64: 16>, scalar_prefetch = 0 : i64, scratch_operands = 0 : i64, tpu.core_type = #tpu.core_type<tc>, window_params = [{transform_indices = @transform_0, window_bounds = array<i64: 1024, 64>}, {pipeline_mode = #tpu.pipeline_mode<synchronous>, transform_indices = @transform_1, window_bounds = array<i64: 256, 1, 64>}, {pipeline_mode = #tpu.pipeline_mode<synchronous>, transform_indices = @transform_2, window_bounds = array<i64: 256, 1, 64>}, {transform_indices = @transform_3, window_bounds = array<i64: 1024, 64>}]} {
    %get3A = arith.constant 0 : index
    %get3A_0 = arith.constant 0 : index
    %get3A_1 = arith.constant 0 : index
    %get3A_2 = vector.load %arg2[%get3A, %get3A_0, %get3A_1] : memref<256x1x64xf32, #tpu.memory_space<vmem>>, vector<256x1x64xf32>
    %get3A_3 = vector.shape_cast %get3A_2 : vector<256x1x64xf32> to vector<256x64xf32>
    %reduce_sum3A = arith.constant dense<0.000000e+00> : vector<64xf32>
    %reduce_sum3A_4 = vector.multi_reduction <add>, %get3A_3, %reduce_sum3A [0] : vector<256x64xf32> to vector<64xf32>
    %broadcast_in_dim3A = vector.shape_cast %reduce_sum3A_4 : vector<64xf32> to vector<1x64xf32>
    %div3A = arith.constant 3.276800e+05 : f32
    %div3A_5 = vector.broadcast %div3A : f32 to vector<1x64xf32>
    %div3A_6 = arith.divf %broadcast_in_dim3A, %div3A_5 : vector<1x64xf32>
    %get3A_7 = arith.constant 0 : index
    %get3A_8 = arith.constant 0 : index
    %get3A_9 = arith.constant 0 : index
    %get3A_10 = vector.load %arg3[%get3A_7, %get3A_8, %get3A_9] : memref<256x1x64xf32, #tpu.memory_space<vmem>>, vector<256x1x64xf32>
    %get3A_11 = vector.shape_cast %get3A_10 : vector<256x1x64xf32> to vector<256x64xf32>
    %reduce_sum3A_12 = arith.constant dense<0.000000e+00> : vector<64xf32>
    %reduce_sum3A_13 = vector.multi_reduction <add>, %get3A_11, %reduce_sum3A_12 [0] : vector<256x64xf32> to vector<64xf32>
    %broadcast_in_dim3A_14 = vector.shape_cast %reduce_sum3A_13 : vector<64xf32> to vector<1x64xf32>
    %div3A_15 = arith.constant 3.276800e+05 : f32
    %div3A_16 = vector.broadcast %div3A_15 : f32 to vector<1x64xf32>
    %div3A_17 = arith.divf %broadcast_in_dim3A_14, %div3A_16 : vector<1x64xf32>
    %get3A_18 = arith.constant 0 : index
    %get3A_19 = arith.constant 0 : index
    %get3A_20 = vector.load %arg1[%get3A_18, %get3A_19] : memref<1024x64xf32, #tpu.memory_space<vmem>>, vector<1024x64xf32>
    %sub3A = vector.broadcast %div3A_6 : vector<1x64xf32> to vector<1024x64xf32>
    %sub3A_21 = arith.subf %get3A_20, %sub3A : vector<1024x64xf32>
    %add3A = arith.constant 9.99999974E-6 : f32
    %add3A_22 = vector.broadcast %add3A : f32 to vector<1x64xf32>
    %add3A_23 = arith.addf %div3A_17, %add3A_22 : vector<1x64xf32>
    %sqrt3A = math.sqrt %add3A_23 : vector<1x64xf32>
    %div3A_24 = vector.broadcast %sqrt3A : vector<1x64xf32> to vector<1024x64xf32>
    %div3A_25 = arith.divf %sub3A_21, %div3A_24 : vector<1024x64xf32>
    %ge3A = arith.constant 0.000000e+00 : f32
    %ge3A_26 = vector.broadcast %ge3A : f32 to vector<1024x64xf32>
    %ge3A_27 = arith.cmpf oge, %div3A_25, %ge3A_26 : vector<1024x64xf32>
    %mul3A = arith.constant 2.000000e-01 : f32
    %mul3A_28 = vector.broadcast %mul3A : f32 to vector<1024x64xf32>
    %mul3A_29 = arith.mulf %mul3A_28, %div3A_25 : vector<1024x64xf32>
    %select_n3A = arith.select %ge3A_27, %div3A_25, %mul3A_29 : vector<1024x64xi1>, vector<1024x64xf32>
    %swap3A = arith.constant 0 : index
    %swap3A_30 = arith.constant 0 : index
    %swap3A_31 = vector.load %arg4[%swap3A, %swap3A_30] : memref<1024x64xf32, #tpu.memory_space<vmem>>, vector<1024x64xf32>
    tpu.vector_store %arg4[%swap3A, %swap3A_30], %select_n3A {strides = array<i32>} : memref<1024x64xf32, #tpu.memory_space<vmem>>, vector<1024x64xf32>,
    return
  }
  func.func @transform_0(%arg0: i32) -> (i32, i32) {
    %c0_i32 = arith.constant 0 : i32
    %c0_i32_0 = arith.constant 0 : i32
    return %arg0, %c0_i32 : i32, i32
  }
  func.func @transform_1(%arg0: i32) -> (i32, i32, i32) {
    %c0_i32 = arith.constant 0 : i32
    %c0_i32_0 = arith.constant 0 : i32
    %c0_i32_1 = arith.constant 0 : i32
    %c0_i32_2 = arith.constant 0 : i32
    return %c0_i32, %c0_i32_0, %c0_i32_1 : i32, i32, i32
  }
  func.func @transform_2(%arg0: i32) -> (i32, i32, i32) {
    %c0_i32 = arith.constant 0 : i32
    %c0_i32_0 = arith.constant 0 : i32
    %c0_i32_1 = arith.constant 0 : i32
    %c0_i32_2 = arith.constant 0 : i32
    return %c0_i32, %c0_i32_0, %c0_i32_1 : i32, i32, i32
  }
  func.func @transform_3(%arg0: i32) -> (i32, i32) {
    %c0_i32 = arith.constant 0 : i32
    %c0_i32_0 = arith.constant 0 : i32
    return %arg0, %c0_i32 : i32, i32
  }
}

module attributes {stable_mosaic.version = 14 : i64} {
  func.func @body(%arg0: i32, %arg1: i32, %arg2: memref<1x128x64xf32, #tpu.memory_space<vmem>>, %arg3: memref<1x64x2048xf32, #tpu.memory_space<vmem>>, %arg4: memref<64x128xf32, #tpu.memory_space<vmem>>, %arg5: memref<1x128x20xi32, #tpu.memory_space<vmem>>, %arg6: memref<1x128x64xf32, #tpu.memory_space<vmem>>, %arg7: memref<1x128x64xf32, #tpu.memory_space<vmem>>) attributes {dimension_semantics = [#tpu.dimension_semantics<arbitrary>, #tpu.dimension_semantics<arbitrary>], iteration_bounds = array<i64: 8, 16>, scalar_prefetch = 0 : i64, scratch_operands = 0 : i64, tpu.core_type = #tpu.core_type<tc>, window_params = [{transform_indices = @transform_0, window_bounds = array<i64: 1, 128, 64>}, {transform_indices = @transform_1, window_bounds = array<i64: 1, 64, 2048>}, {pipeline_mode = #tpu.pipeline_mode<synchronous>, transform_indices = @transform_2, window_bounds = array<i64: 64, 128>}, {transform_indices = @transform_3, window_bounds = array<i64: 1, 128, 20>}, {transform_indices = @transform_4, window_bounds = array<i64: 1, 128, 64>}, {transform_indices = @transform_5, window_bounds = array<i64: 1, 128, 64>}]} {
    %get3A = arith.constant 0 : index
    %get3A_0 = arith.constant 0 : index
    %get3A_1 = arith.constant 0 : index
    %get3A_2 = vector.load %arg2[%get3A, %get3A_0, %get3A_1] : memref<1x128x64xf32, #tpu.memory_space<vmem>>, vector<1x128x64xf32>
    %get3A_3 = vector.shape_cast %get3A_2 : vector<1x128x64xf32> to vector<128x64xf32>
    %get3A_4 = arith.constant 0 : index
    %get3A_5 = arith.constant 0 : index
    %get3A_6 = arith.constant 0 : index
    %get3A_7 = vector.load %arg3[%get3A_4, %get3A_5, %get3A_6] : memref<1x64x2048xf32, #tpu.memory_space<vmem>>, vector<1x64x2048xf32>
    %get3A_8 = vector.shape_cast %get3A_7 : vector<1x64x2048xf32> to vector<64x2048xf32>
    %get3A_9 = arith.constant 0 : index
    %get3A_10 = arith.constant 0 : index
    %get3A_11 = vector.load %arg4[%get3A_9, %get3A_10] : memref<64x128xf32, #tpu.memory_space<vmem>>, vector<64x128xf32>
    %slice3A = vector.extract_strided_slice %get3A_11 {offsets = [0, 0], sizes = [64, 64], strides = [1, 1]} : vector<64x128xf32> to vector<64x64xf32>
    %dot_general3A = arith.constant dense<0.000000e+00> : vector<128x64xf32>
    %dot_general3A_12 = tpu.matmul %get3A_3, %slice3A, %dot_general3A {dimension_numbers = #tpu.dot_dimension_numbers<[1], [1], [0], [0], [0, 0, 1, 0], [], []>, transpose_lhs_hint = false} : vector<128x64xf32>, vector<64x64xf32>, vector<128x64xf32> -> vector<128x64xf32>
    %swap3A = arith.constant 0 : index
    %swap3A_13 = arith.constant 0 : index
    %swap3A_14 = arith.constant 0 : index
    %swap3A_15 = vector.load %arg6[%swap3A, %swap3A_13, %swap3A_14] : memref<1x128x64xf32, #tpu.memory_space<vmem>>, vector<1x128x64xf32>
    %swap3A_16 = vector.shape_cast %swap3A_15 : vector<1x128x64xf32> to vector<128x64xf32>
    %swap3A_17 = vector.shape_cast %dot_general3A_12 : vector<128x64xf32> to vector<1x128x64xf32>
    tpu.vector_store %arg6[%swap3A, %swap3A_13, %swap3A_14], %swap3A_17 {strides = array<i32>} : memref<1x128x64xf32, #tpu.memory_space<vmem>>, vector<1x128x64xf32>,
    %slice3A_18 = vector.extract_strided_slice %get3A_11 {offsets = [0, 64], sizes = [64, 64], strides = [1, 1]} : vector<64x128xf32> to vector<64x64xf32>
    %dot_general3A_19 = arith.constant dense<0.000000e+00> : vector<128x64xf32>
    %dot_general3A_20 = tpu.matmul %get3A_3, %slice3A_18, %dot_general3A_19 {dimension_numbers = #tpu.dot_dimension_numbers<[1], [1], [0], [0], [0, 0, 1, 0], [], []>, transpose_lhs_hint = false} : vector<128x64xf32>, vector<64x64xf32>, vector<128x64xf32> -> vector<128x64xf32>
    %swap3A_21 = arith.constant 0 : index
    %swap3A_22 = arith.constant 0 : index
    %swap3A_23 = arith.constant 0 : index
    %swap3A_24 = vector.load %arg7[%swap3A_21, %swap3A_22, %swap3A_23] : memref<1x128x64xf32, #tpu.memory_space<vmem>>, vector<1x128x64xf32>
    %swap3A_25 = vector.shape_cast %swap3A_24 : vector<1x128x64xf32> to vector<128x64xf32>
    %swap3A_26 = vector.shape_cast %dot_general3A_20 : vector<128x64xf32> to vector<1x128x64xf32>
    tpu.vector_store %arg7[%swap3A_21, %swap3A_22, %swap3A_23], %swap3A_26 {strides = array<i32>} : memref<1x128x64xf32, #tpu.memory_space<vmem>>, vector<1x128x64xf32>,
    %dot_general3A_27 = arith.constant dense<0.000000e+00> : vector<128x2048xf32>
    %dot_general3A_28 = tpu.matmul %get3A_3, %get3A_8, %dot_general3A_27 {dimension_numbers = #tpu.dot_dimension_numbers<[1], [0], [0], [1], [0, 0, 1, 1], [], []>, transpose_lhs_hint = false} : vector<128x64xf32>, vector<64x2048xf32>, vector<128x2048xf32> -> vector<128x2048xf32>
    %mul3A = arith.mulf %get3A_8, %get3A_8 : vector<64x2048xf32>
    %reduce_sum3A = arith.constant dense<0.000000e+00> : vector<2048xf32>
    %reduce_sum3A_29 = vector.multi_reduction <add>, %mul3A, %reduce_sum3A [0] : vector<64x2048xf32> to vector<2048xf32>
    %broadcast_in_dim3A = vector.shape_cast %reduce_sum3A_29 : vector<2048xf32> to vector<1x2048xf32>
    %mul3A_30 = arith.mulf %get3A_3, %get3A_3 : vector<128x64xf32>
    %reduce_sum3A_31 = arith.constant dense<0.000000e+00> : vector<128xf32>
    %reduce_sum3A_32 = vector.multi_reduction <add>, %mul3A_30, %reduce_sum3A_31 [1] : vector<128x64xf32> to vector<128xf32>
    %broadcast_in_dim3A_33 = vector.shape_cast %reduce_sum3A_32 : vector<128xf32> to vector<128x1xf32>
    %mul3A_34 = arith.constant 2.000000e+00 : f32
    %mul3A_35 = vector.broadcast %mul3A_34 : f32 to vector<128x2048xf32>
    %mul3A_36 = arith.mulf %mul3A_35, %dot_general3A_28 : vector<128x2048xf32>
    %sub3A = vector.broadcast %broadcast_in_dim3A : vector<1x2048xf32> to vector<128x2048xf32>
    %sub3A_37 = arith.subf %mul3A_36, %sub3A : vector<128x2048xf32>
    %sub3A_38 = vector.broadcast %broadcast_in_dim3A_33 : vector<128x1xf32> to vector<128x2048xf32>
    %sub3A_39 = arith.subf %sub3A_37, %sub3A_38 : vector<128x2048xf32>
    %iota3A = tpu.iota {dimensions = array<i32: 1>} : vector<128x2048xi32>
    %reduce_max3A = arith.constant dense<0xFF800000> : vector<128xf32>
    %reduce_max3A_40 = vector.multi_reduction <maximumf>, %sub3A_39, %reduce_max3A [1] : vector<128x2048xf32> to vector<128xf32>
    %broadcast_in_dim3A_41 = vector.shape_cast %reduce_max3A_40 : vector<128xf32> to vector<128x1xf32>
    %eq3A = vector.broadcast %broadcast_in_dim3A_41 : vector<128x1xf32> to vector<128x2048xf32>
    %eq3A_42 = arith.cmpf oeq, %sub3A_39, %eq3A : vector<128x2048xf32>
    %jit3A = arith.constant 2048 : i32
    %broadcast_in_dim3A_43 = vector.broadcast %jit3A : i32 to vector<128x2048xi32>
    %select_n3A = arith.select %eq3A_42, %iota3A, %broadcast_in_dim3A_43 : vector<128x2048xi1>, vector<128x2048xi32>
    %reduce_min3A = arith.constant dense<2147483647> : vector<128xi32>
    %reduce_min3A_44 = vector.multi_reduction <minsi>, %select_n3A, %reduce_min3A [1] : vector<128x2048xi32> to vector<128xi32>
    %broadcast_in_dim3A_45 = vector.shape_cast %reduce_min3A_44 : vector<128xi32> to vector<128x1xi32>
    %eq3A_46 = vector.broadcast %broadcast_in_dim3A_45 : vector<128x1xi32> to vector<128x2048xi32>
    %eq3A_47 = arith.cmpi eq, %iota3A, %eq3A_46 : vector<128x2048xi32>
    %jit3A_48 = arith.constant -3.000000e+38 : f32
    %broadcast_in_dim3A_49 = vector.broadcast %jit3A_48 : f32 to vector<128x2048xf32>
    %select_n3A_50 = arith.select %eq3A_47, %broadcast_in_dim3A_49, %sub3A_39 : vector<128x2048xi1>, vector<128x2048xf32>
    %reduce_max3A_51 = arith.constant dense<0xFF800000> : vector<128xf32>
    %reduce_max3A_52 = vector.multi_reduction <maximumf>, %select_n3A_50, %reduce_max3A_51 [1] : vector<128x2048xf32> to vector<128xf32>
    %broadcast_in_dim3A_53 = vector.shape_cast %reduce_max3A_52 : vector<128xf32> to vector<128x1xf32>
    %eq3A_54 = vector.broadcast %broadcast_in_dim3A_53 : vector<128x1xf32> to vector<128x2048xf32>
    %eq3A_55 = arith.cmpf oeq, %select_n3A_50, %eq3A_54 : vector<128x2048xf32>
    %jit3A_56 = arith.constant 2048 : i32
    %broadcast_in_dim3A_57 = vector.broadcast %jit3A_56 : i32 to vector<128x2048xi32>
    %select_n3A_58 = arith.select %eq3A_55, %iota3A, %broadcast_in_dim3A_57 : vector<128x2048xi1>, vector<128x2048xi32>
    %reduce_min3A_59 = arith.constant dense<2147483647> : vector<128xi32>
    %reduce_min3A_60 = vector.multi_reduction <minsi>, %select_n3A_58, %reduce_min3A_59 [1] : vector<128x2048xi32> to vector<128xi32>
    %broadcast_in_dim3A_61 = vector.shape_cast %reduce_min3A_60 : vector<128xi32> to vector<128x1xi32>
    %eq3A_62 = vector.broadcast %broadcast_in_dim3A_61 : vector<128x1xi32> to vector<128x2048xi32>
    %eq3A_63 = arith.cmpi eq, %iota3A, %eq3A_62 : vector<128x2048xi32>
    %jit3A_64 = arith.constant -3.000000e+38 : f32
    %broadcast_in_dim3A_65 = vector.broadcast %jit3A_64 : f32 to vector<128x2048xf32>
    %select_n3A_66 = arith.select %eq3A_63, %broadcast_in_dim3A_65, %select_n3A_50 : vector<128x2048xi1>, vector<128x2048xf32>
    %reduce_max3A_67 = arith.constant dense<0xFF800000> : vector<128xf32>
    %reduce_max3A_68 = vector.multi_reduction <maximumf>, %select_n3A_66, %reduce_max3A_67 [1] : vector<128x2048xf32> to vector<128xf32>
    %broadcast_in_dim3A_69 = vector.shape_cast %reduce_max3A_68 : vector<128xf32> to vector<128x1xf32>
    %eq3A_70 = vector.broadcast %broadcast_in_dim3A_69 : vector<128x1xf32> to vector<128x2048xf32>
    %eq3A_71 = arith.cmpf oeq, %select_n3A_66, %eq3A_70 : vector<128x2048xf32>
    %jit3A_72 = arith.constant 2048 : i32
    %broadcast_in_dim3A_73 = vector.broadcast %jit3A_72 : i32 to vector<128x2048xi32>
    %select_n3A_74 = arith.select %eq3A_71, %iota3A, %broadcast_in_dim3A_73 : vector<128x2048xi1>, vector<128x2048xi32>
    %reduce_min3A_75 = arith.constant dense<2147483647> : vector<128xi32>
    %reduce_min3A_76 = vector.multi_reduction <minsi>, %select_n3A_74, %reduce_min3A_75 [1] : vector<128x2048xi32> to vector<128xi32>
    %broadcast_in_dim3A_77 = vector.shape_cast %reduce_min3A_76 : vector<128xi32> to vector<128x1xi32>
    %eq3A_78 = vector.broadcast %broadcast_in_dim3A_77 : vector<128x1xi32> to vector<128x2048xi32>
    %eq3A_79 = arith.cmpi eq, %iota3A, %eq3A_78 : vector<128x2048xi32>
    %jit3A_80 = arith.constant -3.000000e+38 : f32
    %broadcast_in_dim3A_81 = vector.broadcast %jit3A_80 : f32 to vector<128x2048xf32>
    %select_n3A_82 = arith.select %eq3A_79, %broadcast_in_dim3A_81, %select_n3A_66 : vector<128x2048xi1>, vector<128x2048xf32>
    %reduce_max3A_83 = arith.constant dense<0xFF800000> : vector<128xf32>
    %reduce_max3A_84 = vector.multi_reduction <maximumf>, %select_n3A_82, %reduce_max3A_83 [1] : vector<128x2048xf32> to vector<128xf32>
    %broadcast_in_dim3A_85 = vector.shape_cast %reduce_max3A_84 : vector<128xf32> to vector<128x1xf32>
    %eq3A_86 = vector.broadcast %broadcast_in_dim3A_85 : vector<128x1xf32> to vector<128x2048xf32>
    %eq3A_87 = arith.cmpf oeq, %select_n3A_82, %eq3A_86 : vector<128x2048xf32>
    %jit3A_88 = arith.constant 2048 : i32
    %broadcast_in_dim3A_89 = vector.broadcast %jit3A_88 : i32 to vector<128x2048xi32>
    %select_n3A_90 = arith.select %eq3A_87, %iota3A, %broadcast_in_dim3A_89 : vector<128x2048xi1>, vector<128x2048xi32>
    %reduce_min3A_91 = arith.constant dense<2147483647> : vector<128xi32>
    %reduce_min3A_92 = vector.multi_reduction <minsi>, %select_n3A_90, %reduce_min3A_91 [1] : vector<128x2048xi32> to vector<128xi32>
    %broadcast_in_dim3A_93 = vector.shape_cast %reduce_min3A_92 : vector<128xi32> to vector<128x1xi32>
    %eq3A_94 = vector.broadcast %broadcast_in_dim3A_93 : vector<128x1xi32> to vector<128x2048xi32>
    %eq3A_95 = arith.cmpi eq, %iota3A, %eq3A_94 : vector<128x2048xi32>
    %jit3A_96 = arith.constant -3.000000e+38 : f32
    %broadcast_in_dim3A_97 = vector.broadcast %jit3A_96 : f32 to vector<128x2048xf32>
    %select_n3A_98 = arith.select %eq3A_95, %broadcast_in_dim3A_97, %select_n3A_82 : vector<128x2048xi1>, vector<128x2048xf32>
    %reduce_max3A_99 = arith.constant dense<0xFF800000> : vector<128xf32>
    %reduce_max3A_100 = vector.multi_reduction <maximumf>, %select_n3A_98, %reduce_max3A_99 [1] : vector<128x2048xf32> to vector<128xf32>
    %broadcast_in_dim3A_101 = vector.shape_cast %reduce_max3A_100 : vector<128xf32> to vector<128x1xf32>
    %eq3A_102 = vector.broadcast %broadcast_in_dim3A_101 : vector<128x1xf32> to vector<128x2048xf32>
    %eq3A_103 = arith.cmpf oeq, %select_n3A_98, %eq3A_102 : vector<128x2048xf32>
    %jit3A_104 = arith.constant 2048 : i32
    %broadcast_in_dim3A_105 = vector.broadcast %jit3A_104 : i32 to vector<128x2048xi32>
    %select_n3A_106 = arith.select %eq3A_103, %iota3A, %broadcast_in_dim3A_105 : vector<128x2048xi1>, vector<128x2048xi32>
    %reduce_min3A_107 = arith.constant dense<2147483647> : vector<128xi32>
    %reduce_min3A_108 = vector.multi_reduction <minsi>, %select_n3A_106, %reduce_min3A_107 [1] : vector<128x2048xi32> to vector<128xi32>
    %broadcast_in_dim3A_109 = vector.shape_cast %reduce_min3A_108 : vector<128xi32> to vector<128x1xi32>
    %eq3A_110 = vector.broadcast %broadcast_in_dim3A_109 : vector<128x1xi32> to vector<128x2048xi32>
    %eq3A_111 = arith.cmpi eq, %iota3A, %eq3A_110 : vector<128x2048xi32>
    %jit3A_112 = arith.constant -3.000000e+38 : f32
    %broadcast_in_dim3A_113 = vector.broadcast %jit3A_112 : f32 to vector<128x2048xf32>
    %select_n3A_114 = arith.select %eq3A_111, %broadcast_in_dim3A_113, %select_n3A_98 : vector<128x2048xi1>, vector<128x2048xf32>
    %reduce_max3A_115 = arith.constant dense<0xFF800000> : vector<128xf32>
    %reduce_max3A_116 = vector.multi_reduction <maximumf>, %select_n3A_114, %reduce_max3A_115 [1] : vector<128x2048xf32> to vector<128xf32>
    %broadcast_in_dim3A_117 = vector.shape_cast %reduce_max3A_116 : vector<128xf32> to vector<128x1xf32>
    %eq3A_118 = vector.broadcast %broadcast_in_dim3A_117 : vector<128x1xf32> to vector<128x2048xf32>
    %eq3A_119 = arith.cmpf oeq, %select_n3A_114, %eq3A_118 : vector<128x2048xf32>
    %jit3A_120 = arith.constant 2048 : i32
    %broadcast_in_dim3A_121 = vector.broadcast %jit3A_120 : i32 to vector<128x2048xi32>
    %select_n3A_122 = arith.select %eq3A_119, %iota3A, %broadcast_in_dim3A_121 : vector<128x2048xi1>, vector<128x2048xi32>
    %reduce_min3A_123 = arith.constant dense<2147483647> : vector<128xi32>
    %reduce_min3A_124 = vector.multi_reduction <minsi>, %select_n3A_122, %reduce_min3A_123 [1] : vector<128x2048xi32> to vector<128xi32>
    %broadcast_in_dim3A_125 = vector.shape_cast %reduce_min3A_124 : vector<128xi32> to vector<128x1xi32>
    %eq3A_126 = vector.broadcast %broadcast_in_dim3A_125 : vector<128x1xi32> to vector<128x2048xi32>
    %eq3A_127 = arith.cmpi eq, %iota3A, %eq3A_126 : vector<128x2048xi32>
    %jit3A_128 = arith.constant -3.000000e+38 : f32
    %broadcast_in_dim3A_129 = vector.broadcast %jit3A_128 : f32 to vector<128x2048xf32>
    %select_n3A_130 = arith.select %eq3A_127, %broadcast_in_dim3A_129, %select_n3A_114 : vector<128x2048xi1>, vector<128x2048xf32>
    %reduce_max3A_131 = arith.constant dense<0xFF800000> : vector<128xf32>
    %reduce_max3A_132 = vector.multi_reduction <maximumf>, %select_n3A_130, %reduce_max3A_131 [1] : vector<128x2048xf32> to vector<128xf32>
    %broadcast_in_dim3A_133 = vector.shape_cast %reduce_max3A_132 : vector<128xf32> to vector<128x1xf32>
    %eq3A_134 = vector.broadcast %broadcast_in_dim3A_133 : vector<128x1xf32> to vector<128x2048xf32>
    %eq3A_135 = arith.cmpf oeq, %select_n3A_130, %eq3A_134 : vector<128x2048xf32>
    %jit3A_136 = arith.constant 2048 : i32
    %broadcast_in_dim3A_137 = vector.broadcast %jit3A_136 : i32 to vector<128x2048xi32>
    %select_n3A_138 = arith.select %eq3A_135, %iota3A, %broadcast_in_dim3A_137 : vector<128x2048xi1>, vector<128x2048xi32>
    %reduce_min3A_139 = arith.constant dense<2147483647> : vector<128xi32>
    %reduce_min3A_140 = vector.multi_reduction <minsi>, %select_n3A_138, %reduce_min3A_139 [1] : vector<128x2048xi32> to vector<128xi32>
    %broadcast_in_dim3A_141 = vector.shape_cast %reduce_min3A_140 : vector<128xi32> to vector<128x1xi32>
    %eq3A_142 = vector.broadcast %broadcast_in_dim3A_141 : vector<128x1xi32> to vector<128x2048xi32>
    %eq3A_143 = arith.cmpi eq, %iota3A, %eq3A_142 : vector<128x2048xi32>
    %jit3A_144 = arith.constant -3.000000e+38 : f32
    %broadcast_in_dim3A_145 = vector.broadcast %jit3A_144 : f32 to vector<128x2048xf32>
    %select_n3A_146 = arith.select %eq3A_143, %broadcast_in_dim3A_145, %select_n3A_130 : vector<128x2048xi1>, vector<128x2048xf32>
    %reduce_max3A_147 = arith.constant dense<0xFF800000> : vector<128xf32>
    %reduce_max3A_148 = vector.multi_reduction <maximumf>, %select_n3A_146, %reduce_max3A_147 [1] : vector<128x2048xf32> to vector<128xf32>
    %broadcast_in_dim3A_149 = vector.shape_cast %reduce_max3A_148 : vector<128xf32> to vector<128x1xf32>
    %eq3A_150 = vector.broadcast %broadcast_in_dim3A_149 : vector<128x1xf32> to vector<128x2048xf32>
    %eq3A_151 = arith.cmpf oeq, %select_n3A_146, %eq3A_150 : vector<128x2048xf32>
    %jit3A_152 = arith.constant 2048 : i32
    %broadcast_in_dim3A_153 = vector.broadcast %jit3A_152 : i32 to vector<128x2048xi32>
    %select_n3A_154 = arith.select %eq3A_151, %iota3A, %broadcast_in_dim3A_153 : vector<128x2048xi1>, vector<128x2048xi32>
    %reduce_min3A_155 = arith.constant dense<2147483647> : vector<128xi32>
    %reduce_min3A_156 = vector.multi_reduction <minsi>, %select_n3A_154, %reduce_min3A_155 [1] : vector<128x2048xi32> to vector<128xi32>
    %broadcast_in_dim3A_157 = vector.shape_cast %reduce_min3A_156 : vector<128xi32> to vector<128x1xi32>
    %eq3A_158 = vector.broadcast %broadcast_in_dim3A_157 : vector<128x1xi32> to vector<128x2048xi32>
    %eq3A_159 = arith.cmpi eq, %iota3A, %eq3A_158 : vector<128x2048xi32>
    %jit3A_160 = arith.constant -3.000000e+38 : f32
    %broadcast_in_dim3A_161 = vector.broadcast %jit3A_160 : f32 to vector<128x2048xf32>
    %select_n3A_162 = arith.select %eq3A_159, %broadcast_in_dim3A_161, %select_n3A_146 : vector<128x2048xi1>, vector<128x2048xf32>
    %reduce_max3A_163 = arith.constant dense<0xFF800000> : vector<128xf32>
    %reduce_max3A_164 = vector.multi_reduction <maximumf>, %select_n3A_162, %reduce_max3A_163 [1] : vector<128x2048xf32> to vector<128xf32>
    %broadcast_in_dim3A_165 = vector.shape_cast %reduce_max3A_164 : vector<128xf32> to vector<128x1xf32>
    %eq3A_166 = vector.broadcast %broadcast_in_dim3A_165 : vector<128x1xf32> to vector<128x2048xf32>
    %eq3A_167 = arith.cmpf oeq, %select_n3A_162, %eq3A_166 : vector<128x2048xf32>
    %jit3A_168 = arith.constant 2048 : i32
    %broadcast_in_dim3A_169 = vector.broadcast %jit3A_168 : i32 to vector<128x2048xi32>
    %select_n3A_170 = arith.select %eq3A_167, %iota3A, %broadcast_in_dim3A_169 : vector<128x2048xi1>, vector<128x2048xi32>
    %reduce_min3A_171 = arith.constant dense<2147483647> : vector<128xi32>
    %reduce_min3A_172 = vector.multi_reduction <minsi>, %select_n3A_170, %reduce_min3A_171 [1] : vector<128x2048xi32> to vector<128xi32>
    %broadcast_in_dim3A_173 = vector.shape_cast %reduce_min3A_172 : vector<128xi32> to vector<128x1xi32>
    %eq3A_174 = vector.broadcast %broadcast_in_dim3A_173 : vector<128x1xi32> to vector<128x2048xi32>
    %eq3A_175 = arith.cmpi eq, %iota3A, %eq3A_174 : vector<128x2048xi32>
    %jit3A_176 = arith.constant -3.000000e+38 : f32
    %broadcast_in_dim3A_177 = vector.broadcast %jit3A_176 : f32 to vector<128x2048xf32>
    %select_n3A_178 = arith.select %eq3A_175, %broadcast_in_dim3A_177, %select_n3A_162 : vector<128x2048xi1>, vector<128x2048xf32>
    %reduce_max3A_179 = arith.constant dense<0xFF800000> : vector<128xf32>
    %reduce_max3A_180 = vector.multi_reduction <maximumf>, %select_n3A_178, %reduce_max3A_179 [1] : vector<128x2048xf32> to vector<128xf32>
    %broadcast_in_dim3A_181 = vector.shape_cast %reduce_max3A_180 : vector<128xf32> to vector<128x1xf32>
    %eq3A_182 = vector.broadcast %broadcast_in_dim3A_181 : vector<128x1xf32> to vector<128x2048xf32>
    %eq3A_183 = arith.cmpf oeq, %select_n3A_178, %eq3A_182 : vector<128x2048xf32>
    %jit3A_184 = arith.constant 2048 : i32
    %broadcast_in_dim3A_185 = vector.broadcast %jit3A_184 : i32 to vector<128x2048xi32>
    %select_n3A_186 = arith.select %eq3A_183, %iota3A, %broadcast_in_dim3A_185 : vector<128x2048xi1>, vector<128x2048xi32>
    %reduce_min3A_187 = arith.constant dense<2147483647> : vector<128xi32>
    %reduce_min3A_188 = vector.multi_reduction <minsi>, %select_n3A_186, %reduce_min3A_187 [1] : vector<128x2048xi32> to vector<128xi32>
    %broadcast_in_dim3A_189 = vector.shape_cast %reduce_min3A_188 : vector<128xi32> to vector<128x1xi32>
    %eq3A_190 = vector.broadcast %broadcast_in_dim3A_189 : vector<128x1xi32> to vector<128x2048xi32>
    %eq3A_191 = arith.cmpi eq, %iota3A, %eq3A_190 : vector<128x2048xi32>
    %jit3A_192 = arith.constant -3.000000e+38 : f32
    %broadcast_in_dim3A_193 = vector.broadcast %jit3A_192 : f32 to vector<128x2048xf32>
    %select_n3A_194 = arith.select %eq3A_191, %broadcast_in_dim3A_193, %select_n3A_178 : vector<128x2048xi1>, vector<128x2048xf32>
    %reduce_max3A_195 = arith.constant dense<0xFF800000> : vector<128xf32>
    %reduce_max3A_196 = vector.multi_reduction <maximumf>, %select_n3A_194, %reduce_max3A_195 [1] : vector<128x2048xf32> to vector<128xf32>
    %broadcast_in_dim3A_197 = vector.shape_cast %reduce_max3A_196 : vector<128xf32> to vector<128x1xf32>
    %eq3A_198 = vector.broadcast %broadcast_in_dim3A_197 : vector<128x1xf32> to vector<128x2048xf32>
    %eq3A_199 = arith.cmpf oeq, %select_n3A_194, %eq3A_198 : vector<128x2048xf32>
    %jit3A_200 = arith.constant 2048 : i32
    %broadcast_in_dim3A_201 = vector.broadcast %jit3A_200 : i32 to vector<128x2048xi32>
    %select_n3A_202 = arith.select %eq3A_199, %iota3A, %broadcast_in_dim3A_201 : vector<128x2048xi1>, vector<128x2048xi32>
    %reduce_min3A_203 = arith.constant dense<2147483647> : vector<128xi32>
    %reduce_min3A_204 = vector.multi_reduction <minsi>, %select_n3A_202, %reduce_min3A_203 [1] : vector<128x2048xi32> to vector<128xi32>
    %broadcast_in_dim3A_205 = vector.shape_cast %reduce_min3A_204 : vector<128xi32> to vector<128x1xi32>
    %eq3A_206 = vector.broadcast %broadcast_in_dim3A_205 : vector<128x1xi32> to vector<128x2048xi32>
    %eq3A_207 = arith.cmpi eq, %iota3A, %eq3A_206 : vector<128x2048xi32>
    %jit3A_208 = arith.constant -3.000000e+38 : f32
    %broadcast_in_dim3A_209 = vector.broadcast %jit3A_208 : f32 to vector<128x2048xf32>
    %select_n3A_210 = arith.select %eq3A_207, %broadcast_in_dim3A_209, %select_n3A_194 : vector<128x2048xi1>, vector<128x2048xf32>
    %reduce_max3A_211 = arith.constant dense<0xFF800000> : vector<128xf32>
    %reduce_max3A_212 = vector.multi_reduction <maximumf>, %select_n3A_210, %reduce_max3A_211 [1] : vector<128x2048xf32> to vector<128xf32>
    %broadcast_in_dim3A_213 = vector.shape_cast %reduce_max3A_212 : vector<128xf32> to vector<128x1xf32>
    %eq3A_214 = vector.broadcast %broadcast_in_dim3A_213 : vector<128x1xf32> to vector<128x2048xf32>
    %eq3A_215 = arith.cmpf oeq, %select_n3A_210, %eq3A_214 : vector<128x2048xf32>
    %jit3A_216 = arith.constant 2048 : i32
    %broadcast_in_dim3A_217 = vector.broadcast %jit3A_216 : i32 to vector<128x2048xi32>
    %select_n3A_218 = arith.select %eq3A_215, %iota3A, %broadcast_in_dim3A_217 : vector<128x2048xi1>, vector<128x2048xi32>
    %reduce_min3A_219 = arith.constant dense<2147483647> : vector<128xi32>
    %reduce_min3A_220 = vector.multi_reduction <minsi>, %select_n3A_218, %reduce_min3A_219 [1] : vector<128x2048xi32> to vector<128xi32>
    %broadcast_in_dim3A_221 = vector.shape_cast %reduce_min3A_220 : vector<128xi32> to vector<128x1xi32>
    %eq3A_222 = vector.broadcast %broadcast_in_dim3A_221 : vector<128x1xi32> to vector<128x2048xi32>
    %eq3A_223 = arith.cmpi eq, %iota3A, %eq3A_222 : vector<128x2048xi32>
    %jit3A_224 = arith.constant -3.000000e+38 : f32
    %broadcast_in_dim3A_225 = vector.broadcast %jit3A_224 : f32 to vector<128x2048xf32>
    %select_n3A_226 = arith.select %eq3A_223, %broadcast_in_dim3A_225, %select_n3A_210 : vector<128x2048xi1>, vector<128x2048xf32>
    %reduce_max3A_227 = arith.constant dense<0xFF800000> : vector<128xf32>
    %reduce_max3A_228 = vector.multi_reduction <maximumf>, %select_n3A_226, %reduce_max3A_227 [1] : vector<128x2048xf32> to vector<128xf32>
    %broadcast_in_dim3A_229 = vector.shape_cast %reduce_max3A_228 : vector<128xf32> to vector<128x1xf32>
    %eq3A_230 = vector.broadcast %broadcast_in_dim3A_229 : vector<128x1xf32> to vector<128x2048xf32>
    %eq3A_231 = arith.cmpf oeq, %select_n3A_226, %eq3A_230 : vector<128x2048xf32>
    %jit3A_232 = arith.constant 2048 : i32
    %broadcast_in_dim3A_233 = vector.broadcast %jit3A_232 : i32 to vector<128x2048xi32>
    %select_n3A_234 = arith.select %eq3A_231, %iota3A, %broadcast_in_dim3A_233 : vector<128x2048xi1>, vector<128x2048xi32>
    %reduce_min3A_235 = arith.constant dense<2147483647> : vector<128xi32>
    %reduce_min3A_236 = vector.multi_reduction <minsi>, %select_n3A_234, %reduce_min3A_235 [1] : vector<128x2048xi32> to vector<128xi32>
    %broadcast_in_dim3A_237 = vector.shape_cast %reduce_min3A_236 : vector<128xi32> to vector<128x1xi32>
    %eq3A_238 = vector.broadcast %broadcast_in_dim3A_237 : vector<128x1xi32> to vector<128x2048xi32>
    %eq3A_239 = arith.cmpi eq, %iota3A, %eq3A_238 : vector<128x2048xi32>
    %jit3A_240 = arith.constant -3.000000e+38 : f32
    %broadcast_in_dim3A_241 = vector.broadcast %jit3A_240 : f32 to vector<128x2048xf32>
    %select_n3A_242 = arith.select %eq3A_239, %broadcast_in_dim3A_241, %select_n3A_226 : vector<128x2048xi1>, vector<128x2048xf32>
    %reduce_max3A_243 = arith.constant dense<0xFF800000> : vector<128xf32>
    %reduce_max3A_244 = vector.multi_reduction <maximumf>, %select_n3A_242, %reduce_max3A_243 [1] : vector<128x2048xf32> to vector<128xf32>
    %broadcast_in_dim3A_245 = vector.shape_cast %reduce_max3A_244 : vector<128xf32> to vector<128x1xf32>
    %eq3A_246 = vector.broadcast %broadcast_in_dim3A_245 : vector<128x1xf32> to vector<128x2048xf32>
    %eq3A_247 = arith.cmpf oeq, %select_n3A_242, %eq3A_246 : vector<128x2048xf32>
    %jit3A_248 = arith.constant 2048 : i32
    %broadcast_in_dim3A_249 = vector.broadcast %jit3A_248 : i32 to vector<128x2048xi32>
    %select_n3A_250 = arith.select %eq3A_247, %iota3A, %broadcast_in_dim3A_249 : vector<128x2048xi1>, vector<128x2048xi32>
    %reduce_min3A_251 = arith.constant dense<2147483647> : vector<128xi32>
    %reduce_min3A_252 = vector.multi_reduction <minsi>, %select_n3A_250, %reduce_min3A_251 [1] : vector<128x2048xi32> to vector<128xi32>
    %broadcast_in_dim3A_253 = vector.shape_cast %reduce_min3A_252 : vector<128xi32> to vector<128x1xi32>
    %eq3A_254 = vector.broadcast %broadcast_in_dim3A_253 : vector<128x1xi32> to vector<128x2048xi32>
    %eq3A_255 = arith.cmpi eq, %iota3A, %eq3A_254 : vector<128x2048xi32>
    %jit3A_256 = arith.constant -3.000000e+38 : f32
    %broadcast_in_dim3A_257 = vector.broadcast %jit3A_256 : f32 to vector<128x2048xf32>
    %select_n3A_258 = arith.select %eq3A_255, %broadcast_in_dim3A_257, %select_n3A_242 : vector<128x2048xi1>, vector<128x2048xf32>
    %reduce_max3A_259 = arith.constant dense<0xFF800000> : vector<128xf32>
    %reduce_max3A_260 = vector.multi_reduction <maximumf>, %select_n3A_258, %reduce_max3A_259 [1] : vector<128x2048xf32> to vector<128xf32>
    %broadcast_in_dim3A_261 = vector.shape_cast %reduce_max3A_260 : vector<128xf32> to vector<128x1xf32>
    %eq3A_262 = vector.broadcast %broadcast_in_dim3A_261 : vector<128x1xf32> to vector<128x2048xf32>
    %eq3A_263 = arith.cmpf oeq, %select_n3A_258, %eq3A_262 : vector<128x2048xf32>
    %jit3A_264 = arith.constant 2048 : i32
    %broadcast_in_dim3A_265 = vector.broadcast %jit3A_264 : i32 to vector<128x2048xi32>
    %select_n3A_266 = arith.select %eq3A_263, %iota3A, %broadcast_in_dim3A_265 : vector<128x2048xi1>, vector<128x2048xi32>
    %reduce_min3A_267 = arith.constant dense<2147483647> : vector<128xi32>
    %reduce_min3A_268 = vector.multi_reduction <minsi>, %select_n3A_266, %reduce_min3A_267 [1] : vector<128x2048xi32> to vector<128xi32>
    %broadcast_in_dim3A_269 = vector.shape_cast %reduce_min3A_268 : vector<128xi32> to vector<128x1xi32>
    %eq3A_270 = vector.broadcast %broadcast_in_dim3A_269 : vector<128x1xi32> to vector<128x2048xi32>
    %eq3A_271 = arith.cmpi eq, %iota3A, %eq3A_270 : vector<128x2048xi32>
    %jit3A_272 = arith.constant -3.000000e+38 : f32
    %broadcast_in_dim3A_273 = vector.broadcast %jit3A_272 : f32 to vector<128x2048xf32>
    %select_n3A_274 = arith.select %eq3A_271, %broadcast_in_dim3A_273, %select_n3A_258 : vector<128x2048xi1>, vector<128x2048xf32>
    %reduce_max3A_275 = arith.constant dense<0xFF800000> : vector<128xf32>
    %reduce_max3A_276 = vector.multi_reduction <maximumf>, %select_n3A_274, %reduce_max3A_275 [1] : vector<128x2048xf32> to vector<128xf32>
    %broadcast_in_dim3A_277 = vector.shape_cast %reduce_max3A_276 : vector<128xf32> to vector<128x1xf32>
    %eq3A_278 = vector.broadcast %broadcast_in_dim3A_277 : vector<128x1xf32> to vector<128x2048xf32>
    %eq3A_279 = arith.cmpf oeq, %select_n3A_274, %eq3A_278 : vector<128x2048xf32>
    %jit3A_280 = arith.constant 2048 : i32
    %broadcast_in_dim3A_281 = vector.broadcast %jit3A_280 : i32 to vector<128x2048xi32>
    %select_n3A_282 = arith.select %eq3A_279, %iota3A, %broadcast_in_dim3A_281 : vector<128x2048xi1>, vector<128x2048xi32>
    %reduce_min3A_283 = arith.constant dense<2147483647> : vector<128xi32>
    %reduce_min3A_284 = vector.multi_reduction <minsi>, %select_n3A_282, %reduce_min3A_283 [1] : vector<128x2048xi32> to vector<128xi32>
    %broadcast_in_dim3A_285 = vector.shape_cast %reduce_min3A_284 : vector<128xi32> to vector<128x1xi32>
    %eq3A_286 = vector.broadcast %broadcast_in_dim3A_285 : vector<128x1xi32> to vector<128x2048xi32>
    %eq3A_287 = arith.cmpi eq, %iota3A, %eq3A_286 : vector<128x2048xi32>
    %jit3A_288 = arith.constant -3.000000e+38 : f32
    %broadcast_in_dim3A_289 = vector.broadcast %jit3A_288 : f32 to vector<128x2048xf32>
    %select_n3A_290 = arith.select %eq3A_287, %broadcast_in_dim3A_289, %select_n3A_274 : vector<128x2048xi1>, vector<128x2048xf32>
    %reduce_max3A_291 = arith.constant dense<0xFF800000> : vector<128xf32>
    %reduce_max3A_292 = vector.multi_reduction <maximumf>, %select_n3A_290, %reduce_max3A_291 [1] : vector<128x2048xf32> to vector<128xf32>
    %broadcast_in_dim3A_293 = vector.shape_cast %reduce_max3A_292 : vector<128xf32> to vector<128x1xf32>
    %eq3A_294 = vector.broadcast %broadcast_in_dim3A_293 : vector<128x1xf32> to vector<128x2048xf32>
    %eq3A_295 = arith.cmpf oeq, %select_n3A_290, %eq3A_294 : vector<128x2048xf32>
    %jit3A_296 = arith.constant 2048 : i32
    %broadcast_in_dim3A_297 = vector.broadcast %jit3A_296 : i32 to vector<128x2048xi32>
    %select_n3A_298 = arith.select %eq3A_295, %iota3A, %broadcast_in_dim3A_297 : vector<128x2048xi1>, vector<128x2048xi32>
    %reduce_min3A_299 = arith.constant dense<2147483647> : vector<128xi32>
    %reduce_min3A_300 = vector.multi_reduction <minsi>, %select_n3A_298, %reduce_min3A_299 [1] : vector<128x2048xi32> to vector<128xi32>
    %broadcast_in_dim3A_301 = vector.shape_cast %reduce_min3A_300 : vector<128xi32> to vector<128x1xi32>
    %eq3A_302 = vector.broadcast %broadcast_in_dim3A_301 : vector<128x1xi32> to vector<128x2048xi32>
    %eq3A_303 = arith.cmpi eq, %iota3A, %eq3A_302 : vector<128x2048xi32>
    %jit3A_304 = arith.constant -3.000000e+38 : f32
    %broadcast_in_dim3A_305 = vector.broadcast %jit3A_304 : f32 to vector<128x2048xf32>
    %select_n3A_306 = arith.select %eq3A_303, %broadcast_in_dim3A_305, %select_n3A_290 : vector<128x2048xi1>, vector<128x2048xf32>
    %reduce_max3A_307 = arith.constant dense<0xFF800000> : vector<128xf32>
    %reduce_max3A_308 = vector.multi_reduction <maximumf>, %select_n3A_306, %reduce_max3A_307 [1] : vector<128x2048xf32> to vector<128xf32>
    %broadcast_in_dim3A_309 = vector.shape_cast %reduce_max3A_308 : vector<128xf32> to vector<128x1xf32>
    %eq3A_310 = vector.broadcast %broadcast_in_dim3A_309 : vector<128x1xf32> to vector<128x2048xf32>
    %eq3A_311 = arith.cmpf oeq, %select_n3A_306, %eq3A_310 : vector<128x2048xf32>
    %jit3A_312 = arith.constant 2048 : i32
    %broadcast_in_dim3A_313 = vector.broadcast %jit3A_312 : i32 to vector<128x2048xi32>
    %select_n3A_314 = arith.select %eq3A_311, %iota3A, %broadcast_in_dim3A_313 : vector<128x2048xi1>, vector<128x2048xi32>
    %reduce_min3A_315 = arith.constant dense<2147483647> : vector<128xi32>
    %reduce_min3A_316 = vector.multi_reduction <minsi>, %select_n3A_314, %reduce_min3A_315 [1] : vector<128x2048xi32> to vector<128xi32>
    %broadcast_in_dim3A_317 = vector.shape_cast %reduce_min3A_316 : vector<128xi32> to vector<128x1xi32>
    %eq3A_318 = vector.broadcast %broadcast_in_dim3A_317 : vector<128x1xi32> to vector<128x2048xi32>
    %eq3A_319 = arith.cmpi eq, %iota3A, %eq3A_318 : vector<128x2048xi32>
    %jit3A_320 = arith.constant -3.000000e+38 : f32
    %broadcast_in_dim3A_321 = vector.broadcast %jit3A_320 : f32 to vector<128x2048xf32>
    %select_n3A_322 = arith.select %eq3A_319, %broadcast_in_dim3A_321, %select_n3A_306 : vector<128x2048xi1>, vector<128x2048xf32>
    %reduce_max3A_323 = arith.constant dense<0xFF800000> : vector<128xf32>
    %reduce_max3A_324 = vector.multi_reduction <maximumf>, %select_n3A_322, %reduce_max3A_323 [1] : vector<128x2048xf32> to vector<128xf32>
    %broadcast_in_dim3A_325 = vector.shape_cast %reduce_max3A_324 : vector<128xf32> to vector<128x1xf32>
    %eq3A_326 = vector.broadcast %broadcast_in_dim3A_325 : vector<128x1xf32> to vector<128x2048xf32>
    %eq3A_327 = arith.cmpf oeq, %select_n3A_322, %eq3A_326 : vector<128x2048xf32>
    %jit3A_328 = arith.constant 2048 : i32
    %broadcast_in_dim3A_329 = vector.broadcast %jit3A_328 : i32 to vector<128x2048xi32>
    %select_n3A_330 = arith.select %eq3A_327, %iota3A, %broadcast_in_dim3A_329 : vector<128x2048xi1>, vector<128x2048xi32>
    %reduce_min3A_331 = arith.constant dense<2147483647> : vector<128xi32>
    %reduce_min3A_332 = vector.multi_reduction <minsi>, %select_n3A_330, %reduce_min3A_331 [1] : vector<128x2048xi32> to vector<128xi32>
    %broadcast_in_dim3A_333 = vector.shape_cast %reduce_min3A_332 : vector<128xi32> to vector<128x1xi32>
    %eq3A_334 = vector.broadcast %broadcast_in_dim3A_333 : vector<128x1xi32> to vector<128x2048xi32>
    %eq3A_335 = arith.cmpi eq, %iota3A, %eq3A_334 : vector<128x2048xi32>
    %jit3A_336 = arith.constant -3.000000e+38 : f32
    %broadcast_in_dim3A_337 = vector.broadcast %jit3A_336 : f32 to vector<128x2048xf32>
    %select_n3A_338 = arith.select %eq3A_335, %broadcast_in_dim3A_337, %select_n3A_322 : vector<128x2048xi1>, vector<128x2048xf32>
    %reduce_max3A_339 = arith.constant dense<0xFF800000> : vector<128xf32>
    %reduce_max3A_340 = vector.multi_reduction <maximumf>, %select_n3A_338, %reduce_max3A_339 [1] : vector<128x2048xf32> to vector<128xf32>
    %broadcast_in_dim3A_341 = vector.shape_cast %reduce_max3A_340 : vector<128xf32> to vector<128x1xf32>
    %eq3A_342 = vector.broadcast %broadcast_in_dim3A_341 : vector<128x1xf32> to vector<128x2048xf32>
    %eq3A_343 = arith.cmpf oeq, %select_n3A_338, %eq3A_342 : vector<128x2048xf32>
    %jit3A_344 = arith.constant 2048 : i32
    %broadcast_in_dim3A_345 = vector.broadcast %jit3A_344 : i32 to vector<128x2048xi32>
    %select_n3A_346 = arith.select %eq3A_343, %iota3A, %broadcast_in_dim3A_345 : vector<128x2048xi1>, vector<128x2048xi32>
    %reduce_min3A_347 = arith.constant dense<2147483647> : vector<128xi32>
    %reduce_min3A_348 = vector.multi_reduction <minsi>, %select_n3A_346, %reduce_min3A_347 [1] : vector<128x2048xi32> to vector<128xi32>
    %broadcast_in_dim3A_349 = vector.shape_cast %reduce_min3A_348 : vector<128xi32> to vector<128x1xi32>
    %concatenate3A = tpu.concatenate %broadcast_in_dim3A_45, %broadcast_in_dim3A_61, %broadcast_in_dim3A_77, %broadcast_in_dim3A_93, %broadcast_in_dim3A_109, %broadcast_in_dim3A_125, %broadcast_in_dim3A_141, %broadcast_in_dim3A_157, %broadcast_in_dim3A_173, %broadcast_in_dim3A_189, %broadcast_in_dim3A_205, %broadcast_in_dim3A_221, %broadcast_in_dim3A_237, %broadcast_in_dim3A_253, %broadcast_in_dim3A_269, %broadcast_in_dim3A_285, %broadcast_in_dim3A_301, %broadcast_in_dim3A_317, %broadcast_in_dim3A_333, %broadcast_in_dim3A_349 in 1 : vector<128x1xi32>, vector<128x1xi32>, vector<128x1xi32>, vector<128x1xi32>, vector<128x1xi32>, vector<128x1xi32>, vector<128x1xi32>, vector<128x1xi32>, vector<128x1xi32>, vector<128x1xi32>, vector<128x1xi32>, vector<128x1xi32>, vector<128x1xi32>, vector<128x1xi32>, vector<128x1xi32>, vector<128x1xi32>, vector<128x1xi32>, vector<128x1xi32>, vector<128x1xi32>, vector<128x1xi32> -> vector<128x20xi32>
    %mul3A_350 = arith.constant 2048 : i32
    %mul3A_351 = arith.muli %arg0, %mul3A_350 : i32
    %add3A = vector.broadcast %mul3A_351 : i32 to vector<128x20xi32>
    %add3A_352 = arith.addi %concatenate3A, %add3A : vector<128x20xi32>
    %swap3A_353 = arith.constant 0 : index
    %swap3A_354 = arith.constant 0 : index
    %swap3A_355 = arith.constant 0 : index
    %swap3A_356 = vector.load %arg5[%swap3A_353, %swap3A_354, %swap3A_355] : memref<1x128x20xi32, #tpu.memory_space<vmem>>, vector<1x128x20xi32>
    %swap3A_357 = vector.shape_cast %swap3A_356 : vector<1x128x20xi32> to vector<128x20xi32>
    %swap3A_358 = vector.shape_cast %add3A_352 : vector<128x20xi32> to vector<1x128x20xi32>
    tpu.vector_store %arg5[%swap3A_353, %swap3A_354, %swap3A_355], %swap3A_358 {strides = array<i32>} : memref<1x128x20xi32, #tpu.memory_space<vmem>>, vector<1x128x20xi32>,
    return
  }
  func.func @transform_0(%arg0: i32, %arg1: i32) -> (i32, i32, i32) {
    %c0_i32 = arith.constant 0 : i32
    %c0_i32_0 = arith.constant 0 : i32
    return %arg0, %arg1, %c0_i32 : i32, i32, i32
  }
  func.func @transform_1(%arg0: i32, %arg1: i32) -> (i32, i32, i32) {
    %c0_i32 = arith.constant 0 : i32
    %c0_i32_0 = arith.constant 0 : i32
    %c0_i32_1 = arith.constant 0 : i32
    return %arg0, %c0_i32, %c0_i32_0 : i32, i32, i32
  }
  func.func @transform_2(%arg0: i32, %arg1: i32) -> (i32, i32) {
    %c0_i32 = arith.constant 0 : i32
    %c0_i32_0 = arith.constant 0 : i32
    %c0_i32_1 = arith.constant 0 : i32
    return %c0_i32, %c0_i32_0 : i32, i32
  }
  func.func @transform_3(%arg0: i32, %arg1: i32) -> (i32, i32, i32) {
    %c0_i32 = arith.constant 0 : i32
    %c0_i32_0 = arith.constant 0 : i32
    return %arg0, %arg1, %c0_i32 : i32, i32, i32
  }
  func.func @transform_4(%arg0: i32, %arg1: i32) -> (i32, i32, i32) {
    %c0_i32 = arith.constant 0 : i32
    %c0_i32_0 = arith.constant 0 : i32
    return %arg0, %arg1, %c0_i32 : i32, i32, i32
  }
  func.func @transform_5(%arg0: i32, %arg1: i32) -> (i32, i32, i32) {
    %c0_i32 = arith.constant 0 : i32
    %c0_i32_0 = arith.constant 0 : i32
    return %arg0, %arg1, %c0_i32 : i32, i32, i32
  }
}

module attributes {stable_mosaic.version = 14 : i64} {
  func.func @body(%arg0: i32, %arg1: memref<1280x64xf32, #tpu.memory_space<vmem>>, %arg2: memref<64x64xf32, #tpu.memory_space<vmem>>, %arg3: memref<64x128xf32, #tpu.memory_space<vmem>>, %arg4: memref<64x64xf32, #tpu.memory_space<vmem>>, %arg5: memref<1x1x64xf32, #tpu.memory_space<vmem>>, %arg6: memref<1x1x64xf32, #tpu.memory_space<vmem>>) attributes {dimension_semantics = [#tpu.dimension_semantics<arbitrary>], iteration_bounds = array<i64: 256>, scalar_prefetch = 0 : i64, scratch_operands = 0 : i64, tpu.core_type = #tpu.core_type<tc>, window_params = [{transform_indices = @transform_0, window_bounds = array<i64: 1280, 64>}, {transform_indices = @transform_1, window_bounds = array<i64: 64, 64>}, {pipeline_mode = #tpu.pipeline_mode<synchronous>, transform_indices = @transform_2, window_bounds = array<i64: 64, 128>}, {transform_indices = @transform_3, window_bounds = array<i64: 64, 64>}, {transform_indices = @transform_4, window_bounds = array<i64: 1, 1, 64>}, {transform_indices = @transform_5, window_bounds = array<i64: 1, 1, 64>}]} {
    %get3A = arith.constant 0 : index
    %get3A_0 = arith.constant 0 : index
    %get3A_1 = vector.load %arg1[%get3A, %get3A_0] : memref<1280x64xf32, #tpu.memory_space<vmem>>, vector<1280x64xf32>
    %get3A_2 = arith.constant 0 : index
    %get3A_3 = arith.constant 0 : index
    %get3A_4 = vector.load %arg2[%get3A_2, %get3A_3] : memref<64x64xf32, #tpu.memory_space<vmem>>, vector<64x64xf32>
    %broadcast_in_dim3A = vector.shape_cast %get3A_4 : vector<64x64xf32> to vector<64x1x64xf32>
    %broadcast_in_dim3A_5 = vector.shape_cast %broadcast_in_dim3A : vector<64x1x64xf32> to vector<64x1x64xf32>
    %broadcast_in_dim3A_6 = vector.broadcast %broadcast_in_dim3A_5 : vector<64x1x64xf32> to vector<64x20x64xf32>
    %reshape3A = vector.shape_cast %broadcast_in_dim3A_6 : vector<64x20x64xf32> to vector<1280x64xf32>
    %concatenate3A = tpu.concatenate %get3A_1, %reshape3A in 1 : vector<1280x64xf32>, vector<1280x64xf32> -> vector<1280x128xf32>
    %get3A_7 = arith.constant 0 : index
    %get3A_8 = arith.constant 0 : index
    %get3A_9 = vector.load %arg3[%get3A_7, %get3A_8] : memref<64x128xf32, #tpu.memory_space<vmem>>, vector<64x128xf32>
    %dot_general3A = arith.constant dense<0.000000e+00> : vector<1280x64xf32>
    %dot_general3A_10 = tpu.matmul %concatenate3A, %get3A_9, %dot_general3A {dimension_numbers = #tpu.dot_dimension_numbers<[1], [1], [0], [0], [0, 0, 1, 0], [], []>, transpose_lhs_hint = false} : vector<1280x128xf32>, vector<64x128xf32>, vector<1280x64xf32> -> vector<1280x64xf32>
    %reshape3A_11 = vector.shape_cast %dot_general3A_10 : vector<1280x64xf32> to vector<64x20x64xf32>
    %reduce_sum3A = arith.constant dense<0.000000e+00> : vector<64x64xf32>
    %reduce_sum3A_12 = vector.multi_reduction <add>, %reshape3A_11, %reduce_sum3A [1] : vector<64x20x64xf32> to vector<64x64xf32>
    %reduce_sum3A_13 = arith.constant dense<0.000000e+00> : vector<64xf32>
    %reduce_sum3A_14 = vector.multi_reduction <add>, %reduce_sum3A_12, %reduce_sum3A_13 [0] : vector<64x64xf32> to vector<64xf32>
    %broadcast_in_dim3A_15 = vector.shape_cast %reduce_sum3A_14 : vector<64xf32> to vector<1x64xf32>
    %swap3A = arith.constant 0 : index
    %swap3A_16 = arith.constant 0 : index
    %swap3A_17 = arith.constant 0 : index
    %swap3A_18 = vector.load %arg5[%swap3A, %swap3A_16, %swap3A_17] : memref<1x1x64xf32, #tpu.memory_space<vmem>>, vector<1x1x64xf32>
    %swap3A_19 = vector.shape_cast %swap3A_18 : vector<1x1x64xf32> to vector<1x64xf32>
    %swap3A_20 = vector.shape_cast %broadcast_in_dim3A_15 : vector<1x64xf32> to vector<1x1x64xf32>
    tpu.vector_store %arg5[%swap3A, %swap3A_16, %swap3A_17], %swap3A_20 {strides = array<i32>} : memref<1x1x64xf32, #tpu.memory_space<vmem>>, vector<1x1x64xf32>,
    %mul3A = arith.mulf %reshape3A_11, %reshape3A_11 : vector<64x20x64xf32>
    %reduce_sum3A_21 = arith.constant dense<0.000000e+00> : vector<64x64xf32>
    %reduce_sum3A_22 = vector.multi_reduction <add>, %mul3A, %reduce_sum3A_21 [1] : vector<64x20x64xf32> to vector<64x64xf32>
    %reduce_sum3A_23 = arith.constant dense<0.000000e+00> : vector<64xf32>
    %reduce_sum3A_24 = vector.multi_reduction <add>, %reduce_sum3A_22, %reduce_sum3A_23 [0] : vector<64x64xf32> to vector<64xf32>
    %broadcast_in_dim3A_25 = vector.shape_cast %reduce_sum3A_24 : vector<64xf32> to vector<1x64xf32>
    %swap3A_26 = arith.constant 0 : index
    %swap3A_27 = arith.constant 0 : index
    %swap3A_28 = arith.constant 0 : index
    %swap3A_29 = vector.load %arg6[%swap3A_26, %swap3A_27, %swap3A_28] : memref<1x1x64xf32, #tpu.memory_space<vmem>>, vector<1x1x64xf32>
    %swap3A_30 = vector.shape_cast %swap3A_29 : vector<1x1x64xf32> to vector<1x64xf32>
    %swap3A_31 = vector.shape_cast %broadcast_in_dim3A_25 : vector<1x64xf32> to vector<1x1x64xf32>
    tpu.vector_store %arg6[%swap3A_26, %swap3A_27, %swap3A_28], %swap3A_31 {strides = array<i32>} : memref<1x1x64xf32, #tpu.memory_space<vmem>>, vector<1x1x64xf32>,
    %reduce_max3A = arith.constant dense<0xFF800000> : vector<64x64xf32>
    %reduce_max3A_32 = vector.multi_reduction <maximumf>, %reshape3A_11, %reduce_max3A [1] : vector<64x20x64xf32> to vector<64x64xf32>
    %swap3A_33 = arith.constant 0 : index
    %swap3A_34 = arith.constant 0 : index
    %swap3A_35 = vector.load %arg4[%swap3A_33, %swap3A_34] : memref<64x64xf32, #tpu.memory_space<vmem>>, vector<64x64xf32>
    tpu.vector_store %arg4[%swap3A_33, %swap3A_34], %reduce_max3A_32 {strides = array<i32>} : memref<64x64xf32, #tpu.memory_space<vmem>>, vector<64x64xf32>,
    return
  }
  func.func @transform_0(%arg0: i32) -> (i32, i32) {
    %c0_i32 = arith.constant 0 : i32
    %c0_i32_0 = arith.constant 0 : i32
    return %arg0, %c0_i32 : i32, i32
  }
  func.func @transform_1(%arg0: i32) -> (i32, i32) {
    %c0_i32 = arith.constant 0 : i32
    %c0_i32_0 = arith.constant 0 : i32
    return %arg0, %c0_i32 : i32, i32
  }
  func.func @transform_2(%arg0: i32) -> (i32, i32) {
    %c0_i32 = arith.constant 0 : i32
    %c0_i32_0 = arith.constant 0 : i32
    %c0_i32_1 = arith.constant 0 : i32
    return %c0_i32, %c0_i32_0 : i32, i32
  }
  func.func @transform_3(%arg0: i32) -> (i32, i32) {
    %c0_i32 = arith.constant 0 : i32
    %c0_i32_0 = arith.constant 0 : i32
    return %arg0, %c0_i32 : i32, i32
  }
  func.func @transform_4(%arg0: i32) -> (i32, i32, i32) {
    %c0_i32 = arith.constant 0 : i32
    %c0_i32_0 = arith.constant 0 : i32
    %c0_i32_1 = arith.constant 0 : i32
    return %arg0, %c0_i32, %c0_i32_0 : i32, i32, i32
  }
  func.func @transform_5(%arg0: i32) -> (i32, i32, i32) {
    %c0_i32 = arith.constant 0 : i32
    %c0_i32_0 = arith.constant 0 : i32
    %c0_i32_1 = arith.constant 0 : i32
    return %arg0, %c0_i32, %c0_i32_0 : i32, i32, i32
  }
}

module attributes {stable_mosaic.version = 14 : i64} {
  func.func @body(%arg0: i32, %arg1: memref<1280x64xf32, #tpu.memory_space<vmem>>, %arg2: memref<64x64xf32, #tpu.memory_space<vmem>>, %arg3: memref<64x128xf32, #tpu.memory_space<vmem>>, %arg4: memref<256x1x64xf32, #tpu.memory_space<vmem>>, %arg5: memref<1x1x64xf32, #tpu.memory_space<vmem>>) attributes {dimension_semantics = [#tpu.dimension_semantics<arbitrary>], iteration_bounds = array<i64: 256>, scalar_prefetch = 0 : i64, scratch_operands = 0 : i64, tpu.core_type = #tpu.core_type<tc>, window_params = [{transform_indices = @transform_0, window_bounds = array<i64: 1280, 64>}, {transform_indices = @transform_1, window_bounds = array<i64: 64, 64>}, {pipeline_mode = #tpu.pipeline_mode<synchronous>, transform_indices = @transform_2, window_bounds = array<i64: 64, 128>}, {pipeline_mode = #tpu.pipeline_mode<synchronous>, transform_indices = @transform_3, window_bounds = array<i64: 256, 1, 64>}, {transform_indices = @transform_4, window_bounds = array<i64: 1, 1, 64>}]} {
    %get3A = arith.constant 0 : index
    %get3A_0 = arith.constant 0 : index
    %get3A_1 = arith.constant 0 : index
    %get3A_2 = vector.load %arg4[%get3A, %get3A_0, %get3A_1] : memref<256x1x64xf32, #tpu.memory_space<vmem>>, vector<256x1x64xf32>
    %get3A_3 = vector.shape_cast %get3A_2 : vector<256x1x64xf32> to vector<256x64xf32>
    %reduce_sum3A = arith.constant dense<0.000000e+00> : vector<64xf32>
    %reduce_sum3A_4 = vector.multi_reduction <add>, %get3A_3, %reduce_sum3A [0] : vector<256x64xf32> to vector<64xf32>
    %broadcast_in_dim3A = vector.shape_cast %reduce_sum3A_4 : vector<64xf32> to vector<1x64xf32>
    %div3A = arith.constant 3.276800e+05 : f32
    %div3A_5 = vector.broadcast %div3A : f32 to vector<1x64xf32>
    %div3A_6 = arith.divf %broadcast_in_dim3A, %div3A_5 : vector<1x64xf32>
    %get3A_7 = arith.constant 0 : index
    %get3A_8 = arith.constant 0 : index
    %get3A_9 = vector.load %arg1[%get3A_7, %get3A_8] : memref<1280x64xf32, #tpu.memory_space<vmem>>, vector<1280x64xf32>
    %get3A_10 = arith.constant 0 : index
    %get3A_11 = arith.constant 0 : index
    %get3A_12 = vector.load %arg2[%get3A_10, %get3A_11] : memref<64x64xf32, #tpu.memory_space<vmem>>, vector<64x64xf32>
    %broadcast_in_dim3A_13 = vector.shape_cast %get3A_12 : vector<64x64xf32> to vector<64x1x64xf32>
    %broadcast_in_dim3A_14 = vector.shape_cast %broadcast_in_dim3A_13 : vector<64x1x64xf32> to vector<64x1x64xf32>
    %broadcast_in_dim3A_15 = vector.broadcast %broadcast_in_dim3A_14 : vector<64x1x64xf32> to vector<64x20x64xf32>
    %reshape3A = vector.shape_cast %broadcast_in_dim3A_15 : vector<64x20x64xf32> to vector<1280x64xf32>
    %concatenate3A = tpu.concatenate %get3A_9, %reshape3A in 1 : vector<1280x64xf32>, vector<1280x64xf32> -> vector<1280x128xf32>
    %get3A_16 = arith.constant 0 : index
    %get3A_17 = arith.constant 0 : index
    %get3A_18 = vector.load %arg3[%get3A_16, %get3A_17] : memref<64x128xf32, #tpu.memory_space<vmem>>, vector<64x128xf32>
    %dot_general3A = arith.constant dense<0.000000e+00> : vector<1280x64xf32>
    %dot_general3A_19 = tpu.matmul %concatenate3A, %get3A_18, %dot_general3A {dimension_numbers = #tpu.dot_dimension_numbers<[1], [1], [0], [0], [0, 0, 1, 0], [], []>, transpose_lhs_hint = false} : vector<1280x128xf32>, vector<64x128xf32>, vector<1280x64xf32> -> vector<1280x64xf32>
    %sub3A = vector.broadcast %div3A_6 : vector<1x64xf32> to vector<1280x64xf32>
    %sub3A_20 = arith.subf %dot_general3A_19, %sub3A : vector<1280x64xf32>
    %mul3A = arith.mulf %sub3A_20, %sub3A_20 : vector<1280x64xf32>
    %reshape3A_21 = vector.shape_cast %mul3A : vector<1280x64xf32> to vector<64x20x64xf32>
    %reduce_sum3A_22 = arith.constant dense<0.000000e+00> : vector<64x64xf32>
    %reduce_sum3A_23 = vector.multi_reduction <add>, %reshape3A_21, %reduce_sum3A_22 [1] : vector<64x20x64xf32> to vector<64x64xf32>
    %reduce_sum3A_24 = arith.constant dense<0.000000e+00> : vector<64xf32>
    %reduce_sum3A_25 = vector.multi_reduction <add>, %reduce_sum3A_23, %reduce_sum3A_24 [0] : vector<64x64xf32> to vector<64xf32>
    %broadcast_in_dim3A_26 = vector.shape_cast %reduce_sum3A_25 : vector<64xf32> to vector<1x64xf32>
    %swap3A = arith.constant 0 : index
    %swap3A_27 = arith.constant 0 : index
    %swap3A_28 = arith.constant 0 : index
    %swap3A_29 = vector.load %arg5[%swap3A, %swap3A_27, %swap3A_28] : memref<1x1x64xf32, #tpu.memory_space<vmem>>, vector<1x1x64xf32>
    %swap3A_30 = vector.shape_cast %swap3A_29 : vector<1x1x64xf32> to vector<1x64xf32>
    %swap3A_31 = vector.shape_cast %broadcast_in_dim3A_26 : vector<1x64xf32> to vector<1x1x64xf32>
    tpu.vector_store %arg5[%swap3A, %swap3A_27, %swap3A_28], %swap3A_31 {strides = array<i32>} : memref<1x1x64xf32, #tpu.memory_space<vmem>>, vector<1x1x64xf32>,
    return
  }
  func.func @transform_0(%arg0: i32) -> (i32, i32) {
    %c0_i32 = arith.constant 0 : i32
    %c0_i32_0 = arith.constant 0 : i32
    return %arg0, %c0_i32 : i32, i32
  }
  func.func @transform_1(%arg0: i32) -> (i32, i32) {
    %c0_i32 = arith.constant 0 : i32
    %c0_i32_0 = arith.constant 0 : i32
    return %arg0, %c0_i32 : i32, i32
  }
  func.func @transform_2(%arg0: i32) -> (i32, i32) {
    %c0_i32 = arith.constant 0 : i32
    %c0_i32_0 = arith.constant 0 : i32
    %c0_i32_1 = arith.constant 0 : i32
    return %c0_i32, %c0_i32_0 : i32, i32
  }
  func.func @transform_3(%arg0: i32) -> (i32, i32, i32) {
    %c0_i32 = arith.constant 0 : i32
    %c0_i32_0 = arith.constant 0 : i32
    %c0_i32_1 = arith.constant 0 : i32
    %c0_i32_2 = arith.constant 0 : i32
    return %c0_i32, %c0_i32_0, %c0_i32_1 : i32, i32, i32
  }
  func.func @transform_4(%arg0: i32) -> (i32, i32, i32) {
    %c0_i32 = arith.constant 0 : i32
    %c0_i32_0 = arith.constant 0 : i32
    %c0_i32_1 = arith.constant 0 : i32
    return %arg0, %c0_i32, %c0_i32_0 : i32, i32, i32
  }
}

module attributes {stable_mosaic.version = 14 : i64} {
  func.func @body(%arg0: i32, %arg1: i32, %arg2: memref<1x128x64xf32, #tpu.memory_space<vmem>>, %arg3: memref<1x64x2048xf32, #tpu.memory_space<vmem>>, %arg4: memref<128x128xf32, #tpu.memory_space<vmem>>, %arg5: memref<1x128x20xi32, #tpu.memory_space<vmem>>, %arg6: memref<1x128x128xf32, #tpu.memory_space<vmem>>, %arg7: memref<1x128x128xf32, #tpu.memory_space<vmem>>) attributes {dimension_semantics = [#tpu.dimension_semantics<arbitrary>, #tpu.dimension_semantics<arbitrary>], iteration_bounds = array<i64: 8, 16>, scalar_prefetch = 0 : i64, scratch_operands = 0 : i64, tpu.core_type = #tpu.core_type<tc>, window_params = [{transform_indices = @transform_0, window_bounds = array<i64: 1, 128, 64>}, {transform_indices = @transform_1, window_bounds = array<i64: 1, 64, 2048>}, {pipeline_mode = #tpu.pipeline_mode<synchronous>, transform_indices = @transform_2, window_bounds = array<i64: 128, 128>}, {transform_indices = @transform_3, window_bounds = array<i64: 1, 128, 20>}, {transform_indices = @transform_4, window_bounds = array<i64: 1, 128, 128>}, {transform_indices = @transform_5, window_bounds = array<i64: 1, 128, 128>}]} {
    %get3A = arith.constant 0 : index
    %get3A_0 = arith.constant 0 : index
    %get3A_1 = arith.constant 0 : index
    %get3A_2 = vector.load %arg2[%get3A, %get3A_0, %get3A_1] : memref<1x128x64xf32, #tpu.memory_space<vmem>>, vector<1x128x64xf32>
    %get3A_3 = vector.shape_cast %get3A_2 : vector<1x128x64xf32> to vector<128x64xf32>
    %get3A_4 = arith.constant 0 : index
    %get3A_5 = arith.constant 0 : index
    %get3A_6 = arith.constant 0 : index
    %get3A_7 = vector.load %arg3[%get3A_4, %get3A_5, %get3A_6] : memref<1x64x2048xf32, #tpu.memory_space<vmem>>, vector<1x64x2048xf32>
    %get3A_8 = vector.shape_cast %get3A_7 : vector<1x64x2048xf32> to vector<64x2048xf32>
    %get3A_9 = arith.constant 0 : index
    %get3A_10 = arith.constant 0 : index
    %get3A_11 = vector.load %arg4[%get3A_9, %get3A_10] : memref<128x128xf32, #tpu.memory_space<vmem>>, vector<128x128xf32>
    %slice3A = vector.extract_strided_slice %get3A_11 {offsets = [0, 0], sizes = [128, 64], strides = [1, 1]} : vector<128x128xf32> to vector<128x64xf32>
    %dot_general3A = arith.constant dense<0.000000e+00> : vector<128x128xf32>
    %dot_general3A_12 = tpu.matmul %get3A_3, %slice3A, %dot_general3A {dimension_numbers = #tpu.dot_dimension_numbers<[1], [1], [0], [0], [0, 0, 1, 0], [], []>, transpose_lhs_hint = false} : vector<128x64xf32>, vector<128x64xf32>, vector<128x128xf32> -> vector<128x128xf32>
    %swap3A = arith.constant 0 : index
    %swap3A_13 = arith.constant 0 : index
    %swap3A_14 = arith.constant 0 : index
    %swap3A_15 = vector.load %arg6[%swap3A, %swap3A_13, %swap3A_14] : memref<1x128x128xf32, #tpu.memory_space<vmem>>, vector<1x128x128xf32>
    %swap3A_16 = vector.shape_cast %swap3A_15 : vector<1x128x128xf32> to vector<128x128xf32>
    %swap3A_17 = vector.shape_cast %dot_general3A_12 : vector<128x128xf32> to vector<1x128x128xf32>
    tpu.vector_store %arg6[%swap3A, %swap3A_13, %swap3A_14], %swap3A_17 {strides = array<i32>} : memref<1x128x128xf32, #tpu.memory_space<vmem>>, vector<1x128x128xf32>,
    %slice3A_18 = vector.extract_strided_slice %get3A_11 {offsets = [0, 64], sizes = [128, 64], strides = [1, 1]} : vector<128x128xf32> to vector<128x64xf32>
    %dot_general3A_19 = arith.constant dense<0.000000e+00> : vector<128x128xf32>
    %dot_general3A_20 = tpu.matmul %get3A_3, %slice3A_18, %dot_general3A_19 {dimension_numbers = #tpu.dot_dimension_numbers<[1], [1], [0], [0], [0, 0, 1, 0], [], []>, transpose_lhs_hint = false} : vector<128x64xf32>, vector<128x64xf32>, vector<128x128xf32> -> vector<128x128xf32>
    %swap3A_21 = arith.constant 0 : index
    %swap3A_22 = arith.constant 0 : index
    %swap3A_23 = arith.constant 0 : index
    %swap3A_24 = vector.load %arg7[%swap3A_21, %swap3A_22, %swap3A_23] : memref<1x128x128xf32, #tpu.memory_space<vmem>>, vector<1x128x128xf32>
    %swap3A_25 = vector.shape_cast %swap3A_24 : vector<1x128x128xf32> to vector<128x128xf32>
    %swap3A_26 = vector.shape_cast %dot_general3A_20 : vector<128x128xf32> to vector<1x128x128xf32>
    tpu.vector_store %arg7[%swap3A_21, %swap3A_22, %swap3A_23], %swap3A_26 {strides = array<i32>} : memref<1x128x128xf32, #tpu.memory_space<vmem>>, vector<1x128x128xf32>,
    %dot_general3A_27 = arith.constant dense<0.000000e+00> : vector<128x2048xf32>
    %dot_general3A_28 = tpu.matmul %get3A_3, %get3A_8, %dot_general3A_27 {dimension_numbers = #tpu.dot_dimension_numbers<[1], [0], [0], [1], [0, 0, 1, 1], [], []>, transpose_lhs_hint = false} : vector<128x64xf32>, vector<64x2048xf32>, vector<128x2048xf32> -> vector<128x2048xf32>
    %mul3A = arith.mulf %get3A_8, %get3A_8 : vector<64x2048xf32>
    %reduce_sum3A = arith.constant dense<0.000000e+00> : vector<2048xf32>
    %reduce_sum3A_29 = vector.multi_reduction <add>, %mul3A, %reduce_sum3A [0] : vector<64x2048xf32> to vector<2048xf32>
    %broadcast_in_dim3A = vector.shape_cast %reduce_sum3A_29 : vector<2048xf32> to vector<1x2048xf32>
    %mul3A_30 = arith.mulf %get3A_3, %get3A_3 : vector<128x64xf32>
    %reduce_sum3A_31 = arith.constant dense<0.000000e+00> : vector<128xf32>
    %reduce_sum3A_32 = vector.multi_reduction <add>, %mul3A_30, %reduce_sum3A_31 [1] : vector<128x64xf32> to vector<128xf32>
    %broadcast_in_dim3A_33 = vector.shape_cast %reduce_sum3A_32 : vector<128xf32> to vector<128x1xf32>
    %mul3A_34 = arith.constant 2.000000e+00 : f32
    %mul3A_35 = vector.broadcast %mul3A_34 : f32 to vector<128x2048xf32>
    %mul3A_36 = arith.mulf %mul3A_35, %dot_general3A_28 : vector<128x2048xf32>
    %sub3A = vector.broadcast %broadcast_in_dim3A : vector<1x2048xf32> to vector<128x2048xf32>
    %sub3A_37 = arith.subf %mul3A_36, %sub3A : vector<128x2048xf32>
    %sub3A_38 = vector.broadcast %broadcast_in_dim3A_33 : vector<128x1xf32> to vector<128x2048xf32>
    %sub3A_39 = arith.subf %sub3A_37, %sub3A_38 : vector<128x2048xf32>
    %iota3A = tpu.iota {dimensions = array<i32: 1>} : vector<128x2048xi32>
    %reduce_max3A = arith.constant dense<0xFF800000> : vector<128xf32>
    %reduce_max3A_40 = vector.multi_reduction <maximumf>, %sub3A_39, %reduce_max3A [1] : vector<128x2048xf32> to vector<128xf32>
    %broadcast_in_dim3A_41 = vector.shape_cast %reduce_max3A_40 : vector<128xf32> to vector<128x1xf32>
    %eq3A = vector.broadcast %broadcast_in_dim3A_41 : vector<128x1xf32> to vector<128x2048xf32>
    %eq3A_42 = arith.cmpf oeq, %sub3A_39, %eq3A : vector<128x2048xf32>
    %jit3A = arith.constant 2048 : i32
    %broadcast_in_dim3A_43 = vector.broadcast %jit3A : i32 to vector<128x2048xi32>
    %select_n3A = arith.select %eq3A_42, %iota3A, %broadcast_in_dim3A_43 : vector<128x2048xi1>, vector<128x2048xi32>
    %reduce_min3A = arith.constant dense<2147483647> : vector<128xi32>
    %reduce_min3A_44 = vector.multi_reduction <minsi>, %select_n3A, %reduce_min3A [1] : vector<128x2048xi32> to vector<128xi32>
    %broadcast_in_dim3A_45 = vector.shape_cast %reduce_min3A_44 : vector<128xi32> to vector<128x1xi32>
    %eq3A_46 = vector.broadcast %broadcast_in_dim3A_45 : vector<128x1xi32> to vector<128x2048xi32>
    %eq3A_47 = arith.cmpi eq, %iota3A, %eq3A_46 : vector<128x2048xi32>
    %jit3A_48 = arith.constant -3.000000e+38 : f32
    %broadcast_in_dim3A_49 = vector.broadcast %jit3A_48 : f32 to vector<128x2048xf32>
    %select_n3A_50 = arith.select %eq3A_47, %broadcast_in_dim3A_49, %sub3A_39 : vector<128x2048xi1>, vector<128x2048xf32>
    %reduce_max3A_51 = arith.constant dense<0xFF800000> : vector<128xf32>
    %reduce_max3A_52 = vector.multi_reduction <maximumf>, %select_n3A_50, %reduce_max3A_51 [1] : vector<128x2048xf32> to vector<128xf32>
    %broadcast_in_dim3A_53 = vector.shape_cast %reduce_max3A_52 : vector<128xf32> to vector<128x1xf32>
    %eq3A_54 = vector.broadcast %broadcast_in_dim3A_53 : vector<128x1xf32> to vector<128x2048xf32>
    %eq3A_55 = arith.cmpf oeq, %select_n3A_50, %eq3A_54 : vector<128x2048xf32>
    %jit3A_56 = arith.constant 2048 : i32
    %broadcast_in_dim3A_57 = vector.broadcast %jit3A_56 : i32 to vector<128x2048xi32>
    %select_n3A_58 = arith.select %eq3A_55, %iota3A, %broadcast_in_dim3A_57 : vector<128x2048xi1>, vector<128x2048xi32>
    %reduce_min3A_59 = arith.constant dense<2147483647> : vector<128xi32>
    %reduce_min3A_60 = vector.multi_reduction <minsi>, %select_n3A_58, %reduce_min3A_59 [1] : vector<128x2048xi32> to vector<128xi32>
    %broadcast_in_dim3A_61 = vector.shape_cast %reduce_min3A_60 : vector<128xi32> to vector<128x1xi32>
    %eq3A_62 = vector.broadcast %broadcast_in_dim3A_61 : vector<128x1xi32> to vector<128x2048xi32>
    %eq3A_63 = arith.cmpi eq, %iota3A, %eq3A_62 : vector<128x2048xi32>
    %jit3A_64 = arith.constant -3.000000e+38 : f32
    %broadcast_in_dim3A_65 = vector.broadcast %jit3A_64 : f32 to vector<128x2048xf32>
    %select_n3A_66 = arith.select %eq3A_63, %broadcast_in_dim3A_65, %select_n3A_50 : vector<128x2048xi1>, vector<128x2048xf32>
    %reduce_max3A_67 = arith.constant dense<0xFF800000> : vector<128xf32>
    %reduce_max3A_68 = vector.multi_reduction <maximumf>, %select_n3A_66, %reduce_max3A_67 [1] : vector<128x2048xf32> to vector<128xf32>
    %broadcast_in_dim3A_69 = vector.shape_cast %reduce_max3A_68 : vector<128xf32> to vector<128x1xf32>
    %eq3A_70 = vector.broadcast %broadcast_in_dim3A_69 : vector<128x1xf32> to vector<128x2048xf32>
    %eq3A_71 = arith.cmpf oeq, %select_n3A_66, %eq3A_70 : vector<128x2048xf32>
    %jit3A_72 = arith.constant 2048 : i32
    %broadcast_in_dim3A_73 = vector.broadcast %jit3A_72 : i32 to vector<128x2048xi32>
    %select_n3A_74 = arith.select %eq3A_71, %iota3A, %broadcast_in_dim3A_73 : vector<128x2048xi1>, vector<128x2048xi32>
    %reduce_min3A_75 = arith.constant dense<2147483647> : vector<128xi32>
    %reduce_min3A_76 = vector.multi_reduction <minsi>, %select_n3A_74, %reduce_min3A_75 [1] : vector<128x2048xi32> to vector<128xi32>
    %broadcast_in_dim3A_77 = vector.shape_cast %reduce_min3A_76 : vector<128xi32> to vector<128x1xi32>
    %eq3A_78 = vector.broadcast %broadcast_in_dim3A_77 : vector<128x1xi32> to vector<128x2048xi32>
    %eq3A_79 = arith.cmpi eq, %iota3A, %eq3A_78 : vector<128x2048xi32>
    %jit3A_80 = arith.constant -3.000000e+38 : f32
    %broadcast_in_dim3A_81 = vector.broadcast %jit3A_80 : f32 to vector<128x2048xf32>
    %select_n3A_82 = arith.select %eq3A_79, %broadcast_in_dim3A_81, %select_n3A_66 : vector<128x2048xi1>, vector<128x2048xf32>
    %reduce_max3A_83 = arith.constant dense<0xFF800000> : vector<128xf32>
    %reduce_max3A_84 = vector.multi_reduction <maximumf>, %select_n3A_82, %reduce_max3A_83 [1] : vector<128x2048xf32> to vector<128xf32>
    %broadcast_in_dim3A_85 = vector.shape_cast %reduce_max3A_84 : vector<128xf32> to vector<128x1xf32>
    %eq3A_86 = vector.broadcast %broadcast_in_dim3A_85 : vector<128x1xf32> to vector<128x2048xf32>
    %eq3A_87 = arith.cmpf oeq, %select_n3A_82, %eq3A_86 : vector<128x2048xf32>
    %jit3A_88 = arith.constant 2048 : i32
    %broadcast_in_dim3A_89 = vector.broadcast %jit3A_88 : i32 to vector<128x2048xi32>
    %select_n3A_90 = arith.select %eq3A_87, %iota3A, %broadcast_in_dim3A_89 : vector<128x2048xi1>, vector<128x2048xi32>
    %reduce_min3A_91 = arith.constant dense<2147483647> : vector<128xi32>
    %reduce_min3A_92 = vector.multi_reduction <minsi>, %select_n3A_90, %reduce_min3A_91 [1] : vector<128x2048xi32> to vector<128xi32>
    %broadcast_in_dim3A_93 = vector.shape_cast %reduce_min3A_92 : vector<128xi32> to vector<128x1xi32>
    %eq3A_94 = vector.broadcast %broadcast_in_dim3A_93 : vector<128x1xi32> to vector<128x2048xi32>
    %eq3A_95 = arith.cmpi eq, %iota3A, %eq3A_94 : vector<128x2048xi32>
    %jit3A_96 = arith.constant -3.000000e+38 : f32
    %broadcast_in_dim3A_97 = vector.broadcast %jit3A_96 : f32 to vector<128x2048xf32>
    %select_n3A_98 = arith.select %eq3A_95, %broadcast_in_dim3A_97, %select_n3A_82 : vector<128x2048xi1>, vector<128x2048xf32>
    %reduce_max3A_99 = arith.constant dense<0xFF800000> : vector<128xf32>
    %reduce_max3A_100 = vector.multi_reduction <maximumf>, %select_n3A_98, %reduce_max3A_99 [1] : vector<128x2048xf32> to vector<128xf32>
    %broadcast_in_dim3A_101 = vector.shape_cast %reduce_max3A_100 : vector<128xf32> to vector<128x1xf32>
    %eq3A_102 = vector.broadcast %broadcast_in_dim3A_101 : vector<128x1xf32> to vector<128x2048xf32>
    %eq3A_103 = arith.cmpf oeq, %select_n3A_98, %eq3A_102 : vector<128x2048xf32>
    %jit3A_104 = arith.constant 2048 : i32
    %broadcast_in_dim3A_105 = vector.broadcast %jit3A_104 : i32 to vector<128x2048xi32>
    %select_n3A_106 = arith.select %eq3A_103, %iota3A, %broadcast_in_dim3A_105 : vector<128x2048xi1>, vector<128x2048xi32>
    %reduce_min3A_107 = arith.constant dense<2147483647> : vector<128xi32>
    %reduce_min3A_108 = vector.multi_reduction <minsi>, %select_n3A_106, %reduce_min3A_107 [1] : vector<128x2048xi32> to vector<128xi32>
    %broadcast_in_dim3A_109 = vector.shape_cast %reduce_min3A_108 : vector<128xi32> to vector<128x1xi32>
    %eq3A_110 = vector.broadcast %broadcast_in_dim3A_109 : vector<128x1xi32> to vector<128x2048xi32>
    %eq3A_111 = arith.cmpi eq, %iota3A, %eq3A_110 : vector<128x2048xi32>
    %jit3A_112 = arith.constant -3.000000e+38 : f32
    %broadcast_in_dim3A_113 = vector.broadcast %jit3A_112 : f32 to vector<128x2048xf32>
    %select_n3A_114 = arith.select %eq3A_111, %broadcast_in_dim3A_113, %select_n3A_98 : vector<128x2048xi1>, vector<128x2048xf32>
    %reduce_max3A_115 = arith.constant dense<0xFF800000> : vector<128xf32>
    %reduce_max3A_116 = vector.multi_reduction <maximumf>, %select_n3A_114, %reduce_max3A_115 [1] : vector<128x2048xf32> to vector<128xf32>
    %broadcast_in_dim3A_117 = vector.shape_cast %reduce_max3A_116 : vector<128xf32> to vector<128x1xf32>
    %eq3A_118 = vector.broadcast %broadcast_in_dim3A_117 : vector<128x1xf32> to vector<128x2048xf32>
    %eq3A_119 = arith.cmpf oeq, %select_n3A_114, %eq3A_118 : vector<128x2048xf32>
    %jit3A_120 = arith.constant 2048 : i32
    %broadcast_in_dim3A_121 = vector.broadcast %jit3A_120 : i32 to vector<128x2048xi32>
    %select_n3A_122 = arith.select %eq3A_119, %iota3A, %broadcast_in_dim3A_121 : vector<128x2048xi1>, vector<128x2048xi32>
    %reduce_min3A_123 = arith.constant dense<2147483647> : vector<128xi32>
    %reduce_min3A_124 = vector.multi_reduction <minsi>, %select_n3A_122, %reduce_min3A_123 [1] : vector<128x2048xi32> to vector<128xi32>
    %broadcast_in_dim3A_125 = vector.shape_cast %reduce_min3A_124 : vector<128xi32> to vector<128x1xi32>
    %eq3A_126 = vector.broadcast %broadcast_in_dim3A_125 : vector<128x1xi32> to vector<128x2048xi32>
    %eq3A_127 = arith.cmpi eq, %iota3A, %eq3A_126 : vector<128x2048xi32>
    %jit3A_128 = arith.constant -3.000000e+38 : f32
    %broadcast_in_dim3A_129 = vector.broadcast %jit3A_128 : f32 to vector<128x2048xf32>
    %select_n3A_130 = arith.select %eq3A_127, %broadcast_in_dim3A_129, %select_n3A_114 : vector<128x2048xi1>, vector<128x2048xf32>
    %reduce_max3A_131 = arith.constant dense<0xFF800000> : vector<128xf32>
    %reduce_max3A_132 = vector.multi_reduction <maximumf>, %select_n3A_130, %reduce_max3A_131 [1] : vector<128x2048xf32> to vector<128xf32>
    %broadcast_in_dim3A_133 = vector.shape_cast %reduce_max3A_132 : vector<128xf32> to vector<128x1xf32>
    %eq3A_134 = vector.broadcast %broadcast_in_dim3A_133 : vector<128x1xf32> to vector<128x2048xf32>
    %eq3A_135 = arith.cmpf oeq, %select_n3A_130, %eq3A_134 : vector<128x2048xf32>
    %jit3A_136 = arith.constant 2048 : i32
    %broadcast_in_dim3A_137 = vector.broadcast %jit3A_136 : i32 to vector<128x2048xi32>
    %select_n3A_138 = arith.select %eq3A_135, %iota3A, %broadcast_in_dim3A_137 : vector<128x2048xi1>, vector<128x2048xi32>
    %reduce_min3A_139 = arith.constant dense<2147483647> : vector<128xi32>
    %reduce_min3A_140 = vector.multi_reduction <minsi>, %select_n3A_138, %reduce_min3A_139 [1] : vector<128x2048xi32> to vector<128xi32>
    %broadcast_in_dim3A_141 = vector.shape_cast %reduce_min3A_140 : vector<128xi32> to vector<128x1xi32>
    %eq3A_142 = vector.broadcast %broadcast_in_dim3A_141 : vector<128x1xi32> to vector<128x2048xi32>
    %eq3A_143 = arith.cmpi eq, %iota3A, %eq3A_142 : vector<128x2048xi32>
    %jit3A_144 = arith.constant -3.000000e+38 : f32
    %broadcast_in_dim3A_145 = vector.broadcast %jit3A_144 : f32 to vector<128x2048xf32>
    %select_n3A_146 = arith.select %eq3A_143, %broadcast_in_dim3A_145, %select_n3A_130 : vector<128x2048xi1>, vector<128x2048xf32>
    %reduce_max3A_147 = arith.constant dense<0xFF800000> : vector<128xf32>
    %reduce_max3A_148 = vector.multi_reduction <maximumf>, %select_n3A_146, %reduce_max3A_147 [1] : vector<128x2048xf32> to vector<128xf32>
    %broadcast_in_dim3A_149 = vector.shape_cast %reduce_max3A_148 : vector<128xf32> to vector<128x1xf32>
    %eq3A_150 = vector.broadcast %broadcast_in_dim3A_149 : vector<128x1xf32> to vector<128x2048xf32>
    %eq3A_151 = arith.cmpf oeq, %select_n3A_146, %eq3A_150 : vector<128x2048xf32>
    %jit3A_152 = arith.constant 2048 : i32
    %broadcast_in_dim3A_153 = vector.broadcast %jit3A_152 : i32 to vector<128x2048xi32>
    %select_n3A_154 = arith.select %eq3A_151, %iota3A, %broadcast_in_dim3A_153 : vector<128x2048xi1>, vector<128x2048xi32>
    %reduce_min3A_155 = arith.constant dense<2147483647> : vector<128xi32>
    %reduce_min3A_156 = vector.multi_reduction <minsi>, %select_n3A_154, %reduce_min3A_155 [1] : vector<128x2048xi32> to vector<128xi32>
    %broadcast_in_dim3A_157 = vector.shape_cast %reduce_min3A_156 : vector<128xi32> to vector<128x1xi32>
    %eq3A_158 = vector.broadcast %broadcast_in_dim3A_157 : vector<128x1xi32> to vector<128x2048xi32>
    %eq3A_159 = arith.cmpi eq, %iota3A, %eq3A_158 : vector<128x2048xi32>
    %jit3A_160 = arith.constant -3.000000e+38 : f32
    %broadcast_in_dim3A_161 = vector.broadcast %jit3A_160 : f32 to vector<128x2048xf32>
    %select_n3A_162 = arith.select %eq3A_159, %broadcast_in_dim3A_161, %select_n3A_146 : vector<128x2048xi1>, vector<128x2048xf32>
    %reduce_max3A_163 = arith.constant dense<0xFF800000> : vector<128xf32>
    %reduce_max3A_164 = vector.multi_reduction <maximumf>, %select_n3A_162, %reduce_max3A_163 [1] : vector<128x2048xf32> to vector<128xf32>
    %broadcast_in_dim3A_165 = vector.shape_cast %reduce_max3A_164 : vector<128xf32> to vector<128x1xf32>
    %eq3A_166 = vector.broadcast %broadcast_in_dim3A_165 : vector<128x1xf32> to vector<128x2048xf32>
    %eq3A_167 = arith.cmpf oeq, %select_n3A_162, %eq3A_166 : vector<128x2048xf32>
    %jit3A_168 = arith.constant 2048 : i32
    %broadcast_in_dim3A_169 = vector.broadcast %jit3A_168 : i32 to vector<128x2048xi32>
    %select_n3A_170 = arith.select %eq3A_167, %iota3A, %broadcast_in_dim3A_169 : vector<128x2048xi1>, vector<128x2048xi32>
    %reduce_min3A_171 = arith.constant dense<2147483647> : vector<128xi32>
    %reduce_min3A_172 = vector.multi_reduction <minsi>, %select_n3A_170, %reduce_min3A_171 [1] : vector<128x2048xi32> to vector<128xi32>
    %broadcast_in_dim3A_173 = vector.shape_cast %reduce_min3A_172 : vector<128xi32> to vector<128x1xi32>
    %eq3A_174 = vector.broadcast %broadcast_in_dim3A_173 : vector<128x1xi32> to vector<128x2048xi32>
    %eq3A_175 = arith.cmpi eq, %iota3A, %eq3A_174 : vector<128x2048xi32>
    %jit3A_176 = arith.constant -3.000000e+38 : f32
    %broadcast_in_dim3A_177 = vector.broadcast %jit3A_176 : f32 to vector<128x2048xf32>
    %select_n3A_178 = arith.select %eq3A_175, %broadcast_in_dim3A_177, %select_n3A_162 : vector<128x2048xi1>, vector<128x2048xf32>
    %reduce_max3A_179 = arith.constant dense<0xFF800000> : vector<128xf32>
    %reduce_max3A_180 = vector.multi_reduction <maximumf>, %select_n3A_178, %reduce_max3A_179 [1] : vector<128x2048xf32> to vector<128xf32>
    %broadcast_in_dim3A_181 = vector.shape_cast %reduce_max3A_180 : vector<128xf32> to vector<128x1xf32>
    %eq3A_182 = vector.broadcast %broadcast_in_dim3A_181 : vector<128x1xf32> to vector<128x2048xf32>
    %eq3A_183 = arith.cmpf oeq, %select_n3A_178, %eq3A_182 : vector<128x2048xf32>
    %jit3A_184 = arith.constant 2048 : i32
    %broadcast_in_dim3A_185 = vector.broadcast %jit3A_184 : i32 to vector<128x2048xi32>
    %select_n3A_186 = arith.select %eq3A_183, %iota3A, %broadcast_in_dim3A_185 : vector<128x2048xi1>, vector<128x2048xi32>
    %reduce_min3A_187 = arith.constant dense<2147483647> : vector<128xi32>
    %reduce_min3A_188 = vector.multi_reduction <minsi>, %select_n3A_186, %reduce_min3A_187 [1] : vector<128x2048xi32> to vector<128xi32>
    %broadcast_in_dim3A_189 = vector.shape_cast %reduce_min3A_188 : vector<128xi32> to vector<128x1xi32>
    %eq3A_190 = vector.broadcast %broadcast_in_dim3A_189 : vector<128x1xi32> to vector<128x2048xi32>
    %eq3A_191 = arith.cmpi eq, %iota3A, %eq3A_190 : vector<128x2048xi32>
    %jit3A_192 = arith.constant -3.000000e+38 : f32
    %broadcast_in_dim3A_193 = vector.broadcast %jit3A_192 : f32 to vector<128x2048xf32>
    %select_n3A_194 = arith.select %eq3A_191, %broadcast_in_dim3A_193, %select_n3A_178 : vector<128x2048xi1>, vector<128x2048xf32>
    %reduce_max3A_195 = arith.constant dense<0xFF800000> : vector<128xf32>
    %reduce_max3A_196 = vector.multi_reduction <maximumf>, %select_n3A_194, %reduce_max3A_195 [1] : vector<128x2048xf32> to vector<128xf32>
    %broadcast_in_dim3A_197 = vector.shape_cast %reduce_max3A_196 : vector<128xf32> to vector<128x1xf32>
    %eq3A_198 = vector.broadcast %broadcast_in_dim3A_197 : vector<128x1xf32> to vector<128x2048xf32>
    %eq3A_199 = arith.cmpf oeq, %select_n3A_194, %eq3A_198 : vector<128x2048xf32>
    %jit3A_200 = arith.constant 2048 : i32
    %broadcast_in_dim3A_201 = vector.broadcast %jit3A_200 : i32 to vector<128x2048xi32>
    %select_n3A_202 = arith.select %eq3A_199, %iota3A, %broadcast_in_dim3A_201 : vector<128x2048xi1>, vector<128x2048xi32>
    %reduce_min3A_203 = arith.constant dense<2147483647> : vector<128xi32>
    %reduce_min3A_204 = vector.multi_reduction <minsi>, %select_n3A_202, %reduce_min3A_203 [1] : vector<128x2048xi32> to vector<128xi32>
    %broadcast_in_dim3A_205 = vector.shape_cast %reduce_min3A_204 : vector<128xi32> to vector<128x1xi32>
    %eq3A_206 = vector.broadcast %broadcast_in_dim3A_205 : vector<128x1xi32> to vector<128x2048xi32>
    %eq3A_207 = arith.cmpi eq, %iota3A, %eq3A_206 : vector<128x2048xi32>
    %jit3A_208 = arith.constant -3.000000e+38 : f32
    %broadcast_in_dim3A_209 = vector.broadcast %jit3A_208 : f32 to vector<128x2048xf32>
    %select_n3A_210 = arith.select %eq3A_207, %broadcast_in_dim3A_209, %select_n3A_194 : vector<128x2048xi1>, vector<128x2048xf32>
    %reduce_max3A_211 = arith.constant dense<0xFF800000> : vector<128xf32>
    %reduce_max3A_212 = vector.multi_reduction <maximumf>, %select_n3A_210, %reduce_max3A_211 [1] : vector<128x2048xf32> to vector<128xf32>
    %broadcast_in_dim3A_213 = vector.shape_cast %reduce_max3A_212 : vector<128xf32> to vector<128x1xf32>
    %eq3A_214 = vector.broadcast %broadcast_in_dim3A_213 : vector<128x1xf32> to vector<128x2048xf32>
    %eq3A_215 = arith.cmpf oeq, %select_n3A_210, %eq3A_214 : vector<128x2048xf32>
    %jit3A_216 = arith.constant 2048 : i32
    %broadcast_in_dim3A_217 = vector.broadcast %jit3A_216 : i32 to vector<128x2048xi32>
    %select_n3A_218 = arith.select %eq3A_215, %iota3A, %broadcast_in_dim3A_217 : vector<128x2048xi1>, vector<128x2048xi32>
    %reduce_min3A_219 = arith.constant dense<2147483647> : vector<128xi32>
    %reduce_min3A_220 = vector.multi_reduction <minsi>, %select_n3A_218, %reduce_min3A_219 [1] : vector<128x2048xi32> to vector<128xi32>
    %broadcast_in_dim3A_221 = vector.shape_cast %reduce_min3A_220 : vector<128xi32> to vector<128x1xi32>
    %eq3A_222 = vector.broadcast %broadcast_in_dim3A_221 : vector<128x1xi32> to vector<128x2048xi32>
    %eq3A_223 = arith.cmpi eq, %iota3A, %eq3A_222 : vector<128x2048xi32>
    %jit3A_224 = arith.constant -3.000000e+38 : f32
    %broadcast_in_dim3A_225 = vector.broadcast %jit3A_224 : f32 to vector<128x2048xf32>
    %select_n3A_226 = arith.select %eq3A_223, %broadcast_in_dim3A_225, %select_n3A_210 : vector<128x2048xi1>, vector<128x2048xf32>
    %reduce_max3A_227 = arith.constant dense<0xFF800000> : vector<128xf32>
    %reduce_max3A_228 = vector.multi_reduction <maximumf>, %select_n3A_226, %reduce_max3A_227 [1] : vector<128x2048xf32> to vector<128xf32>
    %broadcast_in_dim3A_229 = vector.shape_cast %reduce_max3A_228 : vector<128xf32> to vector<128x1xf32>
    %eq3A_230 = vector.broadcast %broadcast_in_dim3A_229 : vector<128x1xf32> to vector<128x2048xf32>
    %eq3A_231 = arith.cmpf oeq, %select_n3A_226, %eq3A_230 : vector<128x2048xf32>
    %jit3A_232 = arith.constant 2048 : i32
    %broadcast_in_dim3A_233 = vector.broadcast %jit3A_232 : i32 to vector<128x2048xi32>
    %select_n3A_234 = arith.select %eq3A_231, %iota3A, %broadcast_in_dim3A_233 : vector<128x2048xi1>, vector<128x2048xi32>
    %reduce_min3A_235 = arith.constant dense<2147483647> : vector<128xi32>
    %reduce_min3A_236 = vector.multi_reduction <minsi>, %select_n3A_234, %reduce_min3A_235 [1] : vector<128x2048xi32> to vector<128xi32>
    %broadcast_in_dim3A_237 = vector.shape_cast %reduce_min3A_236 : vector<128xi32> to vector<128x1xi32>
    %eq3A_238 = vector.broadcast %broadcast_in_dim3A_237 : vector<128x1xi32> to vector<128x2048xi32>
    %eq3A_239 = arith.cmpi eq, %iota3A, %eq3A_238 : vector<128x2048xi32>
    %jit3A_240 = arith.constant -3.000000e+38 : f32
    %broadcast_in_dim3A_241 = vector.broadcast %jit3A_240 : f32 to vector<128x2048xf32>
    %select_n3A_242 = arith.select %eq3A_239, %broadcast_in_dim3A_241, %select_n3A_226 : vector<128x2048xi1>, vector<128x2048xf32>
    %reduce_max3A_243 = arith.constant dense<0xFF800000> : vector<128xf32>
    %reduce_max3A_244 = vector.multi_reduction <maximumf>, %select_n3A_242, %reduce_max3A_243 [1] : vector<128x2048xf32> to vector<128xf32>
    %broadcast_in_dim3A_245 = vector.shape_cast %reduce_max3A_244 : vector<128xf32> to vector<128x1xf32>
    %eq3A_246 = vector.broadcast %broadcast_in_dim3A_245 : vector<128x1xf32> to vector<128x2048xf32>
    %eq3A_247 = arith.cmpf oeq, %select_n3A_242, %eq3A_246 : vector<128x2048xf32>
    %jit3A_248 = arith.constant 2048 : i32
    %broadcast_in_dim3A_249 = vector.broadcast %jit3A_248 : i32 to vector<128x2048xi32>
    %select_n3A_250 = arith.select %eq3A_247, %iota3A, %broadcast_in_dim3A_249 : vector<128x2048xi1>, vector<128x2048xi32>
    %reduce_min3A_251 = arith.constant dense<2147483647> : vector<128xi32>
    %reduce_min3A_252 = vector.multi_reduction <minsi>, %select_n3A_250, %reduce_min3A_251 [1] : vector<128x2048xi32> to vector<128xi32>
    %broadcast_in_dim3A_253 = vector.shape_cast %reduce_min3A_252 : vector<128xi32> to vector<128x1xi32>
    %eq3A_254 = vector.broadcast %broadcast_in_dim3A_253 : vector<128x1xi32> to vector<128x2048xi32>
    %eq3A_255 = arith.cmpi eq, %iota3A, %eq3A_254 : vector<128x2048xi32>
    %jit3A_256 = arith.constant -3.000000e+38 : f32
    %broadcast_in_dim3A_257 = vector.broadcast %jit3A_256 : f32 to vector<128x2048xf32>
    %select_n3A_258 = arith.select %eq3A_255, %broadcast_in_dim3A_257, %select_n3A_242 : vector<128x2048xi1>, vector<128x2048xf32>
    %reduce_max3A_259 = arith.constant dense<0xFF800000> : vector<128xf32>
    %reduce_max3A_260 = vector.multi_reduction <maximumf>, %select_n3A_258, %reduce_max3A_259 [1] : vector<128x2048xf32> to vector<128xf32>
    %broadcast_in_dim3A_261 = vector.shape_cast %reduce_max3A_260 : vector<128xf32> to vector<128x1xf32>
    %eq3A_262 = vector.broadcast %broadcast_in_dim3A_261 : vector<128x1xf32> to vector<128x2048xf32>
    %eq3A_263 = arith.cmpf oeq, %select_n3A_258, %eq3A_262 : vector<128x2048xf32>
    %jit3A_264 = arith.constant 2048 : i32
    %broadcast_in_dim3A_265 = vector.broadcast %jit3A_264 : i32 to vector<128x2048xi32>
    %select_n3A_266 = arith.select %eq3A_263, %iota3A, %broadcast_in_dim3A_265 : vector<128x2048xi1>, vector<128x2048xi32>
    %reduce_min3A_267 = arith.constant dense<2147483647> : vector<128xi32>
    %reduce_min3A_268 = vector.multi_reduction <minsi>, %select_n3A_266, %reduce_min3A_267 [1] : vector<128x2048xi32> to vector<128xi32>
    %broadcast_in_dim3A_269 = vector.shape_cast %reduce_min3A_268 : vector<128xi32> to vector<128x1xi32>
    %eq3A_270 = vector.broadcast %broadcast_in_dim3A_269 : vector<128x1xi32> to vector<128x2048xi32>
    %eq3A_271 = arith.cmpi eq, %iota3A, %eq3A_270 : vector<128x2048xi32>
    %jit3A_272 = arith.constant -3.000000e+38 : f32
    %broadcast_in_dim3A_273 = vector.broadcast %jit3A_272 : f32 to vector<128x2048xf32>
    %select_n3A_274 = arith.select %eq3A_271, %broadcast_in_dim3A_273, %select_n3A_258 : vector<128x2048xi1>, vector<128x2048xf32>
    %reduce_max3A_275 = arith.constant dense<0xFF800000> : vector<128xf32>
    %reduce_max3A_276 = vector.multi_reduction <maximumf>, %select_n3A_274, %reduce_max3A_275 [1] : vector<128x2048xf32> to vector<128xf32>
    %broadcast_in_dim3A_277 = vector.shape_cast %reduce_max3A_276 : vector<128xf32> to vector<128x1xf32>
    %eq3A_278 = vector.broadcast %broadcast_in_dim3A_277 : vector<128x1xf32> to vector<128x2048xf32>
    %eq3A_279 = arith.cmpf oeq, %select_n3A_274, %eq3A_278 : vector<128x2048xf32>
    %jit3A_280 = arith.constant 2048 : i32
    %broadcast_in_dim3A_281 = vector.broadcast %jit3A_280 : i32 to vector<128x2048xi32>
    %select_n3A_282 = arith.select %eq3A_279, %iota3A, %broadcast_in_dim3A_281 : vector<128x2048xi1>, vector<128x2048xi32>
    %reduce_min3A_283 = arith.constant dense<2147483647> : vector<128xi32>
    %reduce_min3A_284 = vector.multi_reduction <minsi>, %select_n3A_282, %reduce_min3A_283 [1] : vector<128x2048xi32> to vector<128xi32>
    %broadcast_in_dim3A_285 = vector.shape_cast %reduce_min3A_284 : vector<128xi32> to vector<128x1xi32>
    %eq3A_286 = vector.broadcast %broadcast_in_dim3A_285 : vector<128x1xi32> to vector<128x2048xi32>
    %eq3A_287 = arith.cmpi eq, %iota3A, %eq3A_286 : vector<128x2048xi32>
    %jit3A_288 = arith.constant -3.000000e+38 : f32
    %broadcast_in_dim3A_289 = vector.broadcast %jit3A_288 : f32 to vector<128x2048xf32>
    %select_n3A_290 = arith.select %eq3A_287, %broadcast_in_dim3A_289, %select_n3A_274 : vector<128x2048xi1>, vector<128x2048xf32>
    %reduce_max3A_291 = arith.constant dense<0xFF800000> : vector<128xf32>
    %reduce_max3A_292 = vector.multi_reduction <maximumf>, %select_n3A_290, %reduce_max3A_291 [1] : vector<128x2048xf32> to vector<128xf32>
    %broadcast_in_dim3A_293 = vector.shape_cast %reduce_max3A_292 : vector<128xf32> to vector<128x1xf32>
    %eq3A_294 = vector.broadcast %broadcast_in_dim3A_293 : vector<128x1xf32> to vector<128x2048xf32>
    %eq3A_295 = arith.cmpf oeq, %select_n3A_290, %eq3A_294 : vector<128x2048xf32>
    %jit3A_296 = arith.constant 2048 : i32
    %broadcast_in_dim3A_297 = vector.broadcast %jit3A_296 : i32 to vector<128x2048xi32>
    %select_n3A_298 = arith.select %eq3A_295, %iota3A, %broadcast_in_dim3A_297 : vector<128x2048xi1>, vector<128x2048xi32>
    %reduce_min3A_299 = arith.constant dense<2147483647> : vector<128xi32>
    %reduce_min3A_300 = vector.multi_reduction <minsi>, %select_n3A_298, %reduce_min3A_299 [1] : vector<128x2048xi32> to vector<128xi32>
    %broadcast_in_dim3A_301 = vector.shape_cast %reduce_min3A_300 : vector<128xi32> to vector<128x1xi32>
    %eq3A_302 = vector.broadcast %broadcast_in_dim3A_301 : vector<128x1xi32> to vector<128x2048xi32>
    %eq3A_303 = arith.cmpi eq, %iota3A, %eq3A_302 : vector<128x2048xi32>
    %jit3A_304 = arith.constant -3.000000e+38 : f32
    %broadcast_in_dim3A_305 = vector.broadcast %jit3A_304 : f32 to vector<128x2048xf32>
    %select_n3A_306 = arith.select %eq3A_303, %broadcast_in_dim3A_305, %select_n3A_290 : vector<128x2048xi1>, vector<128x2048xf32>
    %reduce_max3A_307 = arith.constant dense<0xFF800000> : vector<128xf32>
    %reduce_max3A_308 = vector.multi_reduction <maximumf>, %select_n3A_306, %reduce_max3A_307 [1] : vector<128x2048xf32> to vector<128xf32>
    %broadcast_in_dim3A_309 = vector.shape_cast %reduce_max3A_308 : vector<128xf32> to vector<128x1xf32>
    %eq3A_310 = vector.broadcast %broadcast_in_dim3A_309 : vector<128x1xf32> to vector<128x2048xf32>
    %eq3A_311 = arith.cmpf oeq, %select_n3A_306, %eq3A_310 : vector<128x2048xf32>
    %jit3A_312 = arith.constant 2048 : i32
    %broadcast_in_dim3A_313 = vector.broadcast %jit3A_312 : i32 to vector<128x2048xi32>
    %select_n3A_314 = arith.select %eq3A_311, %iota3A, %broadcast_in_dim3A_313 : vector<128x2048xi1>, vector<128x2048xi32>
    %reduce_min3A_315 = arith.constant dense<2147483647> : vector<128xi32>
    %reduce_min3A_316 = vector.multi_reduction <minsi>, %select_n3A_314, %reduce_min3A_315 [1] : vector<128x2048xi32> to vector<128xi32>
    %broadcast_in_dim3A_317 = vector.shape_cast %reduce_min3A_316 : vector<128xi32> to vector<128x1xi32>
    %eq3A_318 = vector.broadcast %broadcast_in_dim3A_317 : vector<128x1xi32> to vector<128x2048xi32>
    %eq3A_319 = arith.cmpi eq, %iota3A, %eq3A_318 : vector<128x2048xi32>
    %jit3A_320 = arith.constant -3.000000e+38 : f32
    %broadcast_in_dim3A_321 = vector.broadcast %jit3A_320 : f32 to vector<128x2048xf32>
    %select_n3A_322 = arith.select %eq3A_319, %broadcast_in_dim3A_321, %select_n3A_306 : vector<128x2048xi1>, vector<128x2048xf32>
    %reduce_max3A_323 = arith.constant dense<0xFF800000> : vector<128xf32>
    %reduce_max3A_324 = vector.multi_reduction <maximumf>, %select_n3A_322, %reduce_max3A_323 [1] : vector<128x2048xf32> to vector<128xf32>
    %broadcast_in_dim3A_325 = vector.shape_cast %reduce_max3A_324 : vector<128xf32> to vector<128x1xf32>
    %eq3A_326 = vector.broadcast %broadcast_in_dim3A_325 : vector<128x1xf32> to vector<128x2048xf32>
    %eq3A_327 = arith.cmpf oeq, %select_n3A_322, %eq3A_326 : vector<128x2048xf32>
    %jit3A_328 = arith.constant 2048 : i32
    %broadcast_in_dim3A_329 = vector.broadcast %jit3A_328 : i32 to vector<128x2048xi32>
    %select_n3A_330 = arith.select %eq3A_327, %iota3A, %broadcast_in_dim3A_329 : vector<128x2048xi1>, vector<128x2048xi32>
    %reduce_min3A_331 = arith.constant dense<2147483647> : vector<128xi32>
    %reduce_min3A_332 = vector.multi_reduction <minsi>, %select_n3A_330, %reduce_min3A_331 [1] : vector<128x2048xi32> to vector<128xi32>
    %broadcast_in_dim3A_333 = vector.shape_cast %reduce_min3A_332 : vector<128xi32> to vector<128x1xi32>
    %eq3A_334 = vector.broadcast %broadcast_in_dim3A_333 : vector<128x1xi32> to vector<128x2048xi32>
    %eq3A_335 = arith.cmpi eq, %iota3A, %eq3A_334 : vector<128x2048xi32>
    %jit3A_336 = arith.constant -3.000000e+38 : f32
    %broadcast_in_dim3A_337 = vector.broadcast %jit3A_336 : f32 to vector<128x2048xf32>
    %select_n3A_338 = arith.select %eq3A_335, %broadcast_in_dim3A_337, %select_n3A_322 : vector<128x2048xi1>, vector<128x2048xf32>
    %reduce_max3A_339 = arith.constant dense<0xFF800000> : vector<128xf32>
    %reduce_max3A_340 = vector.multi_reduction <maximumf>, %select_n3A_338, %reduce_max3A_339 [1] : vector<128x2048xf32> to vector<128xf32>
    %broadcast_in_dim3A_341 = vector.shape_cast %reduce_max3A_340 : vector<128xf32> to vector<128x1xf32>
    %eq3A_342 = vector.broadcast %broadcast_in_dim3A_341 : vector<128x1xf32> to vector<128x2048xf32>
    %eq3A_343 = arith.cmpf oeq, %select_n3A_338, %eq3A_342 : vector<128x2048xf32>
    %jit3A_344 = arith.constant 2048 : i32
    %broadcast_in_dim3A_345 = vector.broadcast %jit3A_344 : i32 to vector<128x2048xi32>
    %select_n3A_346 = arith.select %eq3A_343, %iota3A, %broadcast_in_dim3A_345 : vector<128x2048xi1>, vector<128x2048xi32>
    %reduce_min3A_347 = arith.constant dense<2147483647> : vector<128xi32>
    %reduce_min3A_348 = vector.multi_reduction <minsi>, %select_n3A_346, %reduce_min3A_347 [1] : vector<128x2048xi32> to vector<128xi32>
    %broadcast_in_dim3A_349 = vector.shape_cast %reduce_min3A_348 : vector<128xi32> to vector<128x1xi32>
    %concatenate3A = tpu.concatenate %broadcast_in_dim3A_45, %broadcast_in_dim3A_61, %broadcast_in_dim3A_77, %broadcast_in_dim3A_93, %broadcast_in_dim3A_109, %broadcast_in_dim3A_125, %broadcast_in_dim3A_141, %broadcast_in_dim3A_157, %broadcast_in_dim3A_173, %broadcast_in_dim3A_189, %broadcast_in_dim3A_205, %broadcast_in_dim3A_221, %broadcast_in_dim3A_237, %broadcast_in_dim3A_253, %broadcast_in_dim3A_269, %broadcast_in_dim3A_285, %broadcast_in_dim3A_301, %broadcast_in_dim3A_317, %broadcast_in_dim3A_333, %broadcast_in_dim3A_349 in 1 : vector<128x1xi32>, vector<128x1xi32>, vector<128x1xi32>, vector<128x1xi32>, vector<128x1xi32>, vector<128x1xi32>, vector<128x1xi32>, vector<128x1xi32>, vector<128x1xi32>, vector<128x1xi32>, vector<128x1xi32>, vector<128x1xi32>, vector<128x1xi32>, vector<128x1xi32>, vector<128x1xi32>, vector<128x1xi32>, vector<128x1xi32>, vector<128x1xi32>, vector<128x1xi32>, vector<128x1xi32> -> vector<128x20xi32>
    %mul3A_350 = arith.constant 2048 : i32
    %mul3A_351 = arith.muli %arg0, %mul3A_350 : i32
    %add3A = vector.broadcast %mul3A_351 : i32 to vector<128x20xi32>
    %add3A_352 = arith.addi %concatenate3A, %add3A : vector<128x20xi32>
    %swap3A_353 = arith.constant 0 : index
    %swap3A_354 = arith.constant 0 : index
    %swap3A_355 = arith.constant 0 : index
    %swap3A_356 = vector.load %arg5[%swap3A_353, %swap3A_354, %swap3A_355] : memref<1x128x20xi32, #tpu.memory_space<vmem>>, vector<1x128x20xi32>
    %swap3A_357 = vector.shape_cast %swap3A_356 : vector<1x128x20xi32> to vector<128x20xi32>
    %swap3A_358 = vector.shape_cast %add3A_352 : vector<128x20xi32> to vector<1x128x20xi32>
    tpu.vector_store %arg5[%swap3A_353, %swap3A_354, %swap3A_355], %swap3A_358 {strides = array<i32>} : memref<1x128x20xi32, #tpu.memory_space<vmem>>, vector<1x128x20xi32>,
    return
  }
  func.func @transform_0(%arg0: i32, %arg1: i32) -> (i32, i32, i32) {
    %c0_i32 = arith.constant 0 : i32
    %c0_i32_0 = arith.constant 0 : i32
    return %arg0, %arg1, %c0_i32 : i32, i32, i32
  }
  func.func @transform_1(%arg0: i32, %arg1: i32) -> (i32, i32, i32) {
    %c0_i32 = arith.constant 0 : i32
    %c0_i32_0 = arith.constant 0 : i32
    %c0_i32_1 = arith.constant 0 : i32
    return %arg0, %c0_i32, %c0_i32_0 : i32, i32, i32
  }
  func.func @transform_2(%arg0: i32, %arg1: i32) -> (i32, i32) {
    %c0_i32 = arith.constant 0 : i32
    %c0_i32_0 = arith.constant 0 : i32
    %c0_i32_1 = arith.constant 0 : i32
    return %c0_i32, %c0_i32_0 : i32, i32
  }
  func.func @transform_3(%arg0: i32, %arg1: i32) -> (i32, i32, i32) {
    %c0_i32 = arith.constant 0 : i32
    %c0_i32_0 = arith.constant 0 : i32
    return %arg0, %arg1, %c0_i32 : i32, i32, i32
  }
  func.func @transform_4(%arg0: i32, %arg1: i32) -> (i32, i32, i32) {
    %c0_i32 = arith.constant 0 : i32
    %c0_i32_0 = arith.constant 0 : i32
    return %arg0, %arg1, %c0_i32 : i32, i32, i32
  }
  func.func @transform_5(%arg0: i32, %arg1: i32) -> (i32, i32, i32) {
    %c0_i32 = arith.constant 0 : i32
    %c0_i32_0 = arith.constant 0 : i32
    return %arg0, %arg1, %c0_i32 : i32, i32, i32
  }
}

module attributes {stable_mosaic.version = 14 : i64} {
  func.func @body(%arg0: i32, %arg1: memref<1280x64xf32, #tpu.memory_space<vmem>>, %arg2: memref<64x64xf32, #tpu.memory_space<vmem>>, %arg3: memref<128x128xf32, #tpu.memory_space<vmem>>, %arg4: memref<64x128xf32, #tpu.memory_space<vmem>>, %arg5: memref<1x1x128xf32, #tpu.memory_space<vmem>>, %arg6: memref<1x1x128xf32, #tpu.memory_space<vmem>>) attributes {dimension_semantics = [#tpu.dimension_semantics<arbitrary>], iteration_bounds = array<i64: 256>, scalar_prefetch = 0 : i64, scratch_operands = 0 : i64, tpu.core_type = #tpu.core_type<tc>, window_params = [{transform_indices = @transform_0, window_bounds = array<i64: 1280, 64>}, {transform_indices = @transform_1, window_bounds = array<i64: 64, 64>}, {pipeline_mode = #tpu.pipeline_mode<synchronous>, transform_indices = @transform_2, window_bounds = array<i64: 128, 128>}, {transform_indices = @transform_3, window_bounds = array<i64: 64, 128>}, {transform_indices = @transform_4, window_bounds = array<i64: 1, 1, 128>}, {transform_indices = @transform_5, window_bounds = array<i64: 1, 1, 128>}]} {
    %get3A = arith.constant 0 : index
    %get3A_0 = arith.constant 0 : index
    %get3A_1 = vector.load %arg1[%get3A, %get3A_0] : memref<1280x64xf32, #tpu.memory_space<vmem>>, vector<1280x64xf32>
    %get3A_2 = arith.constant 0 : index
    %get3A_3 = arith.constant 0 : index
    %get3A_4 = vector.load %arg2[%get3A_2, %get3A_3] : memref<64x64xf32, #tpu.memory_space<vmem>>, vector<64x64xf32>
    %broadcast_in_dim3A = vector.shape_cast %get3A_4 : vector<64x64xf32> to vector<64x1x64xf32>
    %broadcast_in_dim3A_5 = vector.shape_cast %broadcast_in_dim3A : vector<64x1x64xf32> to vector<64x1x64xf32>
    %broadcast_in_dim3A_6 = vector.broadcast %broadcast_in_dim3A_5 : vector<64x1x64xf32> to vector<64x20x64xf32>
    %reshape3A = vector.shape_cast %broadcast_in_dim3A_6 : vector<64x20x64xf32> to vector<1280x64xf32>
    %concatenate3A = tpu.concatenate %get3A_1, %reshape3A in 1 : vector<1280x64xf32>, vector<1280x64xf32> -> vector<1280x128xf32>
    %get3A_7 = arith.constant 0 : index
    %get3A_8 = arith.constant 0 : index
    %get3A_9 = vector.load %arg3[%get3A_7, %get3A_8] : memref<128x128xf32, #tpu.memory_space<vmem>>, vector<128x128xf32>
    %dot_general3A = arith.constant dense<0.000000e+00> : vector<1280x128xf32>
    %dot_general3A_10 = tpu.matmul %concatenate3A, %get3A_9, %dot_general3A {dimension_numbers = #tpu.dot_dimension_numbers<[1], [1], [0], [0], [0, 0, 1, 0], [], []>, transpose_lhs_hint = false} : vector<1280x128xf32>, vector<128x128xf32>, vector<1280x128xf32> -> vector<1280x128xf32>
    %reshape3A_11 = vector.shape_cast %dot_general3A_10 : vector<1280x128xf32> to vector<64x20x128xf32>
    %reduce_sum3A = arith.constant dense<0.000000e+00> : vector<64x128xf32>
    %reduce_sum3A_12 = vector.multi_reduction <add>, %reshape3A_11, %reduce_sum3A [1] : vector<64x20x128xf32> to vector<64x128xf32>
    %reduce_sum3A_13 = arith.constant dense<0.000000e+00> : vector<128xf32>
    %reduce_sum3A_14 = vector.multi_reduction <add>, %reduce_sum3A_12, %reduce_sum3A_13 [0] : vector<64x128xf32> to vector<128xf32>
    %broadcast_in_dim3A_15 = vector.shape_cast %reduce_sum3A_14 : vector<128xf32> to vector<1x128xf32>
    %swap3A = arith.constant 0 : index
    %swap3A_16 = arith.constant 0 : index
    %swap3A_17 = arith.constant 0 : index
    %swap3A_18 = vector.load %arg5[%swap3A, %swap3A_16, %swap3A_17] : memref<1x1x128xf32, #tpu.memory_space<vmem>>, vector<1x1x128xf32>
    %swap3A_19 = vector.shape_cast %swap3A_18 : vector<1x1x128xf32> to vector<1x128xf32>
    %swap3A_20 = vector.shape_cast %broadcast_in_dim3A_15 : vector<1x128xf32> to vector<1x1x128xf32>
    tpu.vector_store %arg5[%swap3A, %swap3A_16, %swap3A_17], %swap3A_20 {strides = array<i32>} : memref<1x1x128xf32, #tpu.memory_space<vmem>>, vector<1x1x128xf32>,
    %mul3A = arith.mulf %reshape3A_11, %reshape3A_11 : vector<64x20x128xf32>
    %reduce_sum3A_21 = arith.constant dense<0.000000e+00> : vector<64x128xf32>
    %reduce_sum3A_22 = vector.multi_reduction <add>, %mul3A, %reduce_sum3A_21 [1] : vector<64x20x128xf32> to vector<64x128xf32>
    %reduce_sum3A_23 = arith.constant dense<0.000000e+00> : vector<128xf32>
    %reduce_sum3A_24 = vector.multi_reduction <add>, %reduce_sum3A_22, %reduce_sum3A_23 [0] : vector<64x128xf32> to vector<128xf32>
    %broadcast_in_dim3A_25 = vector.shape_cast %reduce_sum3A_24 : vector<128xf32> to vector<1x128xf32>
    %swap3A_26 = arith.constant 0 : index
    %swap3A_27 = arith.constant 0 : index
    %swap3A_28 = arith.constant 0 : index
    %swap3A_29 = vector.load %arg6[%swap3A_26, %swap3A_27, %swap3A_28] : memref<1x1x128xf32, #tpu.memory_space<vmem>>, vector<1x1x128xf32>
    %swap3A_30 = vector.shape_cast %swap3A_29 : vector<1x1x128xf32> to vector<1x128xf32>
    %swap3A_31 = vector.shape_cast %broadcast_in_dim3A_25 : vector<1x128xf32> to vector<1x1x128xf32>
    tpu.vector_store %arg6[%swap3A_26, %swap3A_27, %swap3A_28], %swap3A_31 {strides = array<i32>} : memref<1x1x128xf32, #tpu.memory_space<vmem>>, vector<1x1x128xf32>,
    %reduce_max3A = arith.constant dense<0xFF800000> : vector<64x128xf32>
    %reduce_max3A_32 = vector.multi_reduction <maximumf>, %reshape3A_11, %reduce_max3A [1] : vector<64x20x128xf32> to vector<64x128xf32>
    %swap3A_33 = arith.constant 0 : index
    %swap3A_34 = arith.constant 0 : index
    %swap3A_35 = vector.load %arg4[%swap3A_33, %swap3A_34] : memref<64x128xf32, #tpu.memory_space<vmem>>, vector<64x128xf32>
    tpu.vector_store %arg4[%swap3A_33, %swap3A_34], %reduce_max3A_32 {strides = array<i32>} : memref<64x128xf32, #tpu.memory_space<vmem>>, vector<64x128xf32>,
    return
  }
  func.func @transform_0(%arg0: i32) -> (i32, i32) {
    %c0_i32 = arith.constant 0 : i32
    %c0_i32_0 = arith.constant 0 : i32
    return %arg0, %c0_i32 : i32, i32
  }
  func.func @transform_1(%arg0: i32) -> (i32, i32) {
    %c0_i32 = arith.constant 0 : i32
    %c0_i32_0 = arith.constant 0 : i32
    return %arg0, %c0_i32 : i32, i32
  }
  func.func @transform_2(%arg0: i32) -> (i32, i32) {
    %c0_i32 = arith.constant 0 : i32
    %c0_i32_0 = arith.constant 0 : i32
    %c0_i32_1 = arith.constant 0 : i32
    return %c0_i32, %c0_i32_0 : i32, i32
  }
  func.func @transform_3(%arg0: i32) -> (i32, i32) {
    %c0_i32 = arith.constant 0 : i32
    %c0_i32_0 = arith.constant 0 : i32
    return %arg0, %c0_i32 : i32, i32
  }
  func.func @transform_4(%arg0: i32) -> (i32, i32, i32) {
    %c0_i32 = arith.constant 0 : i32
    %c0_i32_0 = arith.constant 0 : i32
    %c0_i32_1 = arith.constant 0 : i32
    return %arg0, %c0_i32, %c0_i32_0 : i32, i32, i32
  }
  func.func @transform_5(%arg0: i32) -> (i32, i32, i32) {
    %c0_i32 = arith.constant 0 : i32
    %c0_i32_0 = arith.constant 0 : i32
    %c0_i32_1 = arith.constant 0 : i32
    return %arg0, %c0_i32, %c0_i32_0 : i32, i32, i32
  }
}

module attributes {stable_mosaic.version = 14 : i64} {
  func.func @body(%arg0: i32, %arg1: memref<1280x64xf32, #tpu.memory_space<vmem>>, %arg2: memref<64x64xf32, #tpu.memory_space<vmem>>, %arg3: memref<128x128xf32, #tpu.memory_space<vmem>>, %arg4: memref<256x1x128xf32, #tpu.memory_space<vmem>>, %arg5: memref<1x1x128xf32, #tpu.memory_space<vmem>>) attributes {dimension_semantics = [#tpu.dimension_semantics<arbitrary>], iteration_bounds = array<i64: 256>, scalar_prefetch = 0 : i64, scratch_operands = 0 : i64, tpu.core_type = #tpu.core_type<tc>, window_params = [{transform_indices = @transform_0, window_bounds = array<i64: 1280, 64>}, {transform_indices = @transform_1, window_bounds = array<i64: 64, 64>}, {pipeline_mode = #tpu.pipeline_mode<synchronous>, transform_indices = @transform_2, window_bounds = array<i64: 128, 128>}, {pipeline_mode = #tpu.pipeline_mode<synchronous>, transform_indices = @transform_3, window_bounds = array<i64: 256, 1, 128>}, {transform_indices = @transform_4, window_bounds = array<i64: 1, 1, 128>}]} {
    %get3A = arith.constant 0 : index
    %get3A_0 = arith.constant 0 : index
    %get3A_1 = arith.constant 0 : index
    %get3A_2 = vector.load %arg4[%get3A, %get3A_0, %get3A_1] : memref<256x1x128xf32, #tpu.memory_space<vmem>>, vector<256x1x128xf32>
    %get3A_3 = vector.shape_cast %get3A_2 : vector<256x1x128xf32> to vector<256x128xf32>
    %reduce_sum3A = arith.constant dense<0.000000e+00> : vector<128xf32>
    %reduce_sum3A_4 = vector.multi_reduction <add>, %get3A_3, %reduce_sum3A [0] : vector<256x128xf32> to vector<128xf32>
    %broadcast_in_dim3A = vector.shape_cast %reduce_sum3A_4 : vector<128xf32> to vector<1x128xf32>
    %div3A = arith.constant 3.276800e+05 : f32
    %div3A_5 = vector.broadcast %div3A : f32 to vector<1x128xf32>
    %div3A_6 = arith.divf %broadcast_in_dim3A, %div3A_5 : vector<1x128xf32>
    %get3A_7 = arith.constant 0 : index
    %get3A_8 = arith.constant 0 : index
    %get3A_9 = vector.load %arg1[%get3A_7, %get3A_8] : memref<1280x64xf32, #tpu.memory_space<vmem>>, vector<1280x64xf32>
    %get3A_10 = arith.constant 0 : index
    %get3A_11 = arith.constant 0 : index
    %get3A_12 = vector.load %arg2[%get3A_10, %get3A_11] : memref<64x64xf32, #tpu.memory_space<vmem>>, vector<64x64xf32>
    %broadcast_in_dim3A_13 = vector.shape_cast %get3A_12 : vector<64x64xf32> to vector<64x1x64xf32>
    %broadcast_in_dim3A_14 = vector.shape_cast %broadcast_in_dim3A_13 : vector<64x1x64xf32> to vector<64x1x64xf32>
    %broadcast_in_dim3A_15 = vector.broadcast %broadcast_in_dim3A_14 : vector<64x1x64xf32> to vector<64x20x64xf32>
    %reshape3A = vector.shape_cast %broadcast_in_dim3A_15 : vector<64x20x64xf32> to vector<1280x64xf32>
    %concatenate3A = tpu.concatenate %get3A_9, %reshape3A in 1 : vector<1280x64xf32>, vector<1280x64xf32> -> vector<1280x128xf32>
    %get3A_16 = arith.constant 0 : index
    %get3A_17 = arith.constant 0 : index
    %get3A_18 = vector.load %arg3[%get3A_16, %get3A_17] : memref<128x128xf32, #tpu.memory_space<vmem>>, vector<128x128xf32>
    %dot_general3A = arith.constant dense<0.000000e+00> : vector<1280x128xf32>
    %dot_general3A_19 = tpu.matmul %concatenate3A, %get3A_18, %dot_general3A {dimension_numbers = #tpu.dot_dimension_numbers<[1], [1], [0], [0], [0, 0, 1, 0], [], []>, transpose_lhs_hint = false} : vector<1280x128xf32>, vector<128x128xf32>, vector<1280x128xf32> -> vector<1280x128xf32>
    %sub3A = vector.broadcast %div3A_6 : vector<1x128xf32> to vector<1280x128xf32>
    %sub3A_20 = arith.subf %dot_general3A_19, %sub3A : vector<1280x128xf32>
    %mul3A = arith.mulf %sub3A_20, %sub3A_20 : vector<1280x128xf32>
    %reshape3A_21 = vector.shape_cast %mul3A : vector<1280x128xf32> to vector<64x20x128xf32>
    %reduce_sum3A_22 = arith.constant dense<0.000000e+00> : vector<64x128xf32>
    %reduce_sum3A_23 = vector.multi_reduction <add>, %reshape3A_21, %reduce_sum3A_22 [1] : vector<64x20x128xf32> to vector<64x128xf32>
    %reduce_sum3A_24 = arith.constant dense<0.000000e+00> : vector<128xf32>
    %reduce_sum3A_25 = vector.multi_reduction <add>, %reduce_sum3A_23, %reduce_sum3A_24 [0] : vector<64x128xf32> to vector<128xf32>
    %broadcast_in_dim3A_26 = vector.shape_cast %reduce_sum3A_25 : vector<128xf32> to vector<1x128xf32>
    %swap3A = arith.constant 0 : index
    %swap3A_27 = arith.constant 0 : index
    %swap3A_28 = arith.constant 0 : index
    %swap3A_29 = vector.load %arg5[%swap3A, %swap3A_27, %swap3A_28] : memref<1x1x128xf32, #tpu.memory_space<vmem>>, vector<1x1x128xf32>
    %swap3A_30 = vector.shape_cast %swap3A_29 : vector<1x1x128xf32> to vector<1x128xf32>
    %swap3A_31 = vector.shape_cast %broadcast_in_dim3A_26 : vector<1x128xf32> to vector<1x1x128xf32>
    tpu.vector_store %arg5[%swap3A, %swap3A_27, %swap3A_28], %swap3A_31 {strides = array<i32>} : memref<1x1x128xf32, #tpu.memory_space<vmem>>, vector<1x1x128xf32>,
    return
  }
  func.func @transform_0(%arg0: i32) -> (i32, i32) {
    %c0_i32 = arith.constant 0 : i32
    %c0_i32_0 = arith.constant 0 : i32
    return %arg0, %c0_i32 : i32, i32
  }
  func.func @transform_1(%arg0: i32) -> (i32, i32) {
    %c0_i32 = arith.constant 0 : i32
    %c0_i32_0 = arith.constant 0 : i32
    return %arg0, %c0_i32 : i32, i32
  }
  func.func @transform_2(%arg0: i32) -> (i32, i32) {
    %c0_i32 = arith.constant 0 : i32
    %c0_i32_0 = arith.constant 0 : i32
    %c0_i32_1 = arith.constant 0 : i32
    return %c0_i32, %c0_i32_0 : i32, i32
  }
  func.func @transform_3(%arg0: i32) -> (i32, i32, i32) {
    %c0_i32 = arith.constant 0 : i32
    %c0_i32_0 = arith.constant 0 : i32
    %c0_i32_1 = arith.constant 0 : i32
    %c0_i32_2 = arith.constant 0 : i32
    return %c0_i32, %c0_i32_0, %c0_i32_1 : i32, i32, i32
  }
  func.func @transform_4(%arg0: i32) -> (i32, i32, i32) {
    %c0_i32 = arith.constant 0 : i32
    %c0_i32_0 = arith.constant 0 : i32
    %c0_i32_1 = arith.constant 0 : i32
    return %arg0, %c0_i32, %c0_i32_0 : i32, i32, i32
  }
}

module attributes {stable_mosaic.version = 14 : i64} {
  func.func @body(%arg0: i32, %arg1: memref<1024x128xf32, #tpu.memory_space<vmem>>, %arg2: memref<256x1x128xf32, #tpu.memory_space<vmem>>, %arg3: memref<256x1x128xf32, #tpu.memory_space<vmem>>, %arg4: memref<1024x128xf32, #tpu.memory_space<vmem>>) attributes {dimension_semantics = [#tpu.dimension_semantics<arbitrary>], iteration_bounds = array<i64: 16>, scalar_prefetch = 0 : i64, scratch_operands = 0 : i64, tpu.core_type = #tpu.core_type<tc>, window_params = [{transform_indices = @transform_0, window_bounds = array<i64: 1024, 128>}, {pipeline_mode = #tpu.pipeline_mode<synchronous>, transform_indices = @transform_1, window_bounds = array<i64: 256, 1, 128>}, {pipeline_mode = #tpu.pipeline_mode<synchronous>, transform_indices = @transform_2, window_bounds = array<i64: 256, 1, 128>}, {transform_indices = @transform_3, window_bounds = array<i64: 1024, 128>}]} {
    %get3A = arith.constant 0 : index
    %get3A_0 = arith.constant 0 : index
    %get3A_1 = arith.constant 0 : index
    %get3A_2 = vector.load %arg2[%get3A, %get3A_0, %get3A_1] : memref<256x1x128xf32, #tpu.memory_space<vmem>>, vector<256x1x128xf32>
    %get3A_3 = vector.shape_cast %get3A_2 : vector<256x1x128xf32> to vector<256x128xf32>
    %reduce_sum3A = arith.constant dense<0.000000e+00> : vector<128xf32>
    %reduce_sum3A_4 = vector.multi_reduction <add>, %get3A_3, %reduce_sum3A [0] : vector<256x128xf32> to vector<128xf32>
    %broadcast_in_dim3A = vector.shape_cast %reduce_sum3A_4 : vector<128xf32> to vector<1x128xf32>
    %div3A = arith.constant 3.276800e+05 : f32
    %div3A_5 = vector.broadcast %div3A : f32 to vector<1x128xf32>
    %div3A_6 = arith.divf %broadcast_in_dim3A, %div3A_5 : vector<1x128xf32>
    %get3A_7 = arith.constant 0 : index
    %get3A_8 = arith.constant 0 : index
    %get3A_9 = arith.constant 0 : index
    %get3A_10 = vector.load %arg3[%get3A_7, %get3A_8, %get3A_9] : memref<256x1x128xf32, #tpu.memory_space<vmem>>, vector<256x1x128xf32>
    %get3A_11 = vector.shape_cast %get3A_10 : vector<256x1x128xf32> to vector<256x128xf32>
    %reduce_sum3A_12 = arith.constant dense<0.000000e+00> : vector<128xf32>
    %reduce_sum3A_13 = vector.multi_reduction <add>, %get3A_11, %reduce_sum3A_12 [0] : vector<256x128xf32> to vector<128xf32>
    %broadcast_in_dim3A_14 = vector.shape_cast %reduce_sum3A_13 : vector<128xf32> to vector<1x128xf32>
    %div3A_15 = arith.constant 3.276800e+05 : f32
    %div3A_16 = vector.broadcast %div3A_15 : f32 to vector<1x128xf32>
    %div3A_17 = arith.divf %broadcast_in_dim3A_14, %div3A_16 : vector<1x128xf32>
    %get3A_18 = arith.constant 0 : index
    %get3A_19 = arith.constant 0 : index
    %get3A_20 = vector.load %arg1[%get3A_18, %get3A_19] : memref<1024x128xf32, #tpu.memory_space<vmem>>, vector<1024x128xf32>
    %sub3A = vector.broadcast %div3A_6 : vector<1x128xf32> to vector<1024x128xf32>
    %sub3A_21 = arith.subf %get3A_20, %sub3A : vector<1024x128xf32>
    %add3A = arith.constant 9.99999974E-6 : f32
    %add3A_22 = vector.broadcast %add3A : f32 to vector<1x128xf32>
    %add3A_23 = arith.addf %div3A_17, %add3A_22 : vector<1x128xf32>
    %sqrt3A = math.sqrt %add3A_23 : vector<1x128xf32>
    %div3A_24 = vector.broadcast %sqrt3A : vector<1x128xf32> to vector<1024x128xf32>
    %div3A_25 = arith.divf %sub3A_21, %div3A_24 : vector<1024x128xf32>
    %ge3A = arith.constant 0.000000e+00 : f32
    %ge3A_26 = vector.broadcast %ge3A : f32 to vector<1024x128xf32>
    %ge3A_27 = arith.cmpf oge, %div3A_25, %ge3A_26 : vector<1024x128xf32>
    %mul3A = arith.constant 2.000000e-01 : f32
    %mul3A_28 = vector.broadcast %mul3A : f32 to vector<1024x128xf32>
    %mul3A_29 = arith.mulf %mul3A_28, %div3A_25 : vector<1024x128xf32>
    %select_n3A = arith.select %ge3A_27, %div3A_25, %mul3A_29 : vector<1024x128xi1>, vector<1024x128xf32>
    %swap3A = arith.constant 0 : index
    %swap3A_30 = arith.constant 0 : index
    %swap3A_31 = vector.load %arg4[%swap3A, %swap3A_30] : memref<1024x128xf32, #tpu.memory_space<vmem>>, vector<1024x128xf32>
    tpu.vector_store %arg4[%swap3A, %swap3A_30], %select_n3A {strides = array<i32>} : memref<1024x128xf32, #tpu.memory_space<vmem>>, vector<1024x128xf32>,
    return
  }
  func.func @transform_0(%arg0: i32) -> (i32, i32) {
    %c0_i32 = arith.constant 0 : i32
    %c0_i32_0 = arith.constant 0 : i32
    return %arg0, %c0_i32 : i32, i32
  }
  func.func @transform_1(%arg0: i32) -> (i32, i32, i32) {
    %c0_i32 = arith.constant 0 : i32
    %c0_i32_0 = arith.constant 0 : i32
    %c0_i32_1 = arith.constant 0 : i32
    %c0_i32_2 = arith.constant 0 : i32
    return %c0_i32, %c0_i32_0, %c0_i32_1 : i32, i32, i32
  }
  func.func @transform_2(%arg0: i32) -> (i32, i32, i32) {
    %c0_i32 = arith.constant 0 : i32
    %c0_i32_0 = arith.constant 0 : i32
    %c0_i32_1 = arith.constant 0 : i32
    %c0_i32_2 = arith.constant 0 : i32
    return %c0_i32, %c0_i32_0, %c0_i32_1 : i32, i32, i32
  }
  func.func @transform_3(%arg0: i32) -> (i32, i32) {
    %c0_i32 = arith.constant 0 : i32
    %c0_i32_0 = arith.constant 0 : i32
    return %arg0, %c0_i32 : i32, i32
  }
}

module attributes {stable_mosaic.version = 14 : i64} {
  func.func @body(%arg0: i32, %arg1: i32, %arg2: memref<1x128x128xf32, #tpu.memory_space<vmem>>, %arg3: memref<1x128x2048xf32, #tpu.memory_space<vmem>>, %arg4: memref<256x256xf32, #tpu.memory_space<vmem>>, %arg5: memref<1x128x20xi32, #tpu.memory_space<vmem>>, %arg6: memref<1x128x256xf32, #tpu.memory_space<vmem>>, %arg7: memref<1x128x256xf32, #tpu.memory_space<vmem>>) attributes {dimension_semantics = [#tpu.dimension_semantics<arbitrary>, #tpu.dimension_semantics<arbitrary>], iteration_bounds = array<i64: 8, 16>, scalar_prefetch = 0 : i64, scratch_operands = 0 : i64, tpu.core_type = #tpu.core_type<tc>, window_params = [{transform_indices = @transform_0, window_bounds = array<i64: 1, 128, 128>}, {transform_indices = @transform_1, window_bounds = array<i64: 1, 128, 2048>}, {pipeline_mode = #tpu.pipeline_mode<synchronous>, transform_indices = @transform_2, window_bounds = array<i64: 256, 256>}, {transform_indices = @transform_3, window_bounds = array<i64: 1, 128, 20>}, {transform_indices = @transform_4, window_bounds = array<i64: 1, 128, 256>}, {transform_indices = @transform_5, window_bounds = array<i64: 1, 128, 256>}]} {
    %get3A = arith.constant 0 : index
    %get3A_0 = arith.constant 0 : index
    %get3A_1 = arith.constant 0 : index
    %get3A_2 = vector.load %arg2[%get3A, %get3A_0, %get3A_1] : memref<1x128x128xf32, #tpu.memory_space<vmem>>, vector<1x128x128xf32>
    %get3A_3 = vector.shape_cast %get3A_2 : vector<1x128x128xf32> to vector<128x128xf32>
    %get3A_4 = arith.constant 0 : index
    %get3A_5 = arith.constant 0 : index
    %get3A_6 = arith.constant 0 : index
    %get3A_7 = vector.load %arg3[%get3A_4, %get3A_5, %get3A_6] : memref<1x128x2048xf32, #tpu.memory_space<vmem>>, vector<1x128x2048xf32>
    %get3A_8 = vector.shape_cast %get3A_7 : vector<1x128x2048xf32> to vector<128x2048xf32>
    %get3A_9 = arith.constant 0 : index
    %get3A_10 = arith.constant 0 : index
    %get3A_11 = vector.load %arg4[%get3A_9, %get3A_10] : memref<256x256xf32, #tpu.memory_space<vmem>>, vector<256x256xf32>
    %slice3A = vector.extract_strided_slice %get3A_11 {offsets = [0, 0], sizes = [256, 128], strides = [1, 1]} : vector<256x256xf32> to vector<256x128xf32>
    %dot_general3A = arith.constant dense<0.000000e+00> : vector<128x256xf32>
    %dot_general3A_12 = tpu.matmul %get3A_3, %slice3A, %dot_general3A {dimension_numbers = #tpu.dot_dimension_numbers<[1], [1], [0], [0], [0, 0, 1, 0], [], []>, transpose_lhs_hint = false} : vector<128x128xf32>, vector<256x128xf32>, vector<128x256xf32> -> vector<128x256xf32>
    %swap3A = arith.constant 0 : index
    %swap3A_13 = arith.constant 0 : index
    %swap3A_14 = arith.constant 0 : index
    %swap3A_15 = vector.load %arg6[%swap3A, %swap3A_13, %swap3A_14] : memref<1x128x256xf32, #tpu.memory_space<vmem>>, vector<1x128x256xf32>
    %swap3A_16 = vector.shape_cast %swap3A_15 : vector<1x128x256xf32> to vector<128x256xf32>
    %swap3A_17 = vector.shape_cast %dot_general3A_12 : vector<128x256xf32> to vector<1x128x256xf32>
    tpu.vector_store %arg6[%swap3A, %swap3A_13, %swap3A_14], %swap3A_17 {strides = array<i32>} : memref<1x128x256xf32, #tpu.memory_space<vmem>>, vector<1x128x256xf32>,
    %slice3A_18 = vector.extract_strided_slice %get3A_11 {offsets = [0, 128], sizes = [256, 128], strides = [1, 1]} : vector<256x256xf32> to vector<256x128xf32>
    %dot_general3A_19 = arith.constant dense<0.000000e+00> : vector<128x256xf32>
    %dot_general3A_20 = tpu.matmul %get3A_3, %slice3A_18, %dot_general3A_19 {dimension_numbers = #tpu.dot_dimension_numbers<[1], [1], [0], [0], [0, 0, 1, 0], [], []>, transpose_lhs_hint = false} : vector<128x128xf32>, vector<256x128xf32>, vector<128x256xf32> -> vector<128x256xf32>
    %swap3A_21 = arith.constant 0 : index
    %swap3A_22 = arith.constant 0 : index
    %swap3A_23 = arith.constant 0 : index
    %swap3A_24 = vector.load %arg7[%swap3A_21, %swap3A_22, %swap3A_23] : memref<1x128x256xf32, #tpu.memory_space<vmem>>, vector<1x128x256xf32>
    %swap3A_25 = vector.shape_cast %swap3A_24 : vector<1x128x256xf32> to vector<128x256xf32>
    %swap3A_26 = vector.shape_cast %dot_general3A_20 : vector<128x256xf32> to vector<1x128x256xf32>
    tpu.vector_store %arg7[%swap3A_21, %swap3A_22, %swap3A_23], %swap3A_26 {strides = array<i32>} : memref<1x128x256xf32, #tpu.memory_space<vmem>>, vector<1x128x256xf32>,
    %dot_general3A_27 = arith.constant dense<0.000000e+00> : vector<128x2048xf32>
    %dot_general3A_28 = tpu.matmul %get3A_3, %get3A_8, %dot_general3A_27 {dimension_numbers = #tpu.dot_dimension_numbers<[1], [0], [0], [1], [0, 0, 1, 1], [], []>, transpose_lhs_hint = false} : vector<128x128xf32>, vector<128x2048xf32>, vector<128x2048xf32> -> vector<128x2048xf32>
    %mul3A = arith.mulf %get3A_8, %get3A_8 : vector<128x2048xf32>
    %reduce_sum3A = arith.constant dense<0.000000e+00> : vector<2048xf32>
    %reduce_sum3A_29 = vector.multi_reduction <add>, %mul3A, %reduce_sum3A [0] : vector<128x2048xf32> to vector<2048xf32>
    %broadcast_in_dim3A = vector.shape_cast %reduce_sum3A_29 : vector<2048xf32> to vector<1x2048xf32>
    %mul3A_30 = arith.mulf %get3A_3, %get3A_3 : vector<128x128xf32>
    %reduce_sum3A_31 = arith.constant dense<0.000000e+00> : vector<128xf32>
    %reduce_sum3A_32 = vector.multi_reduction <add>, %mul3A_30, %reduce_sum3A_31 [1] : vector<128x128xf32> to vector<128xf32>
    %broadcast_in_dim3A_33 = vector.shape_cast %reduce_sum3A_32 : vector<128xf32> to vector<128x1xf32>
    %mul3A_34 = arith.constant 2.000000e+00 : f32
    %mul3A_35 = vector.broadcast %mul3A_34 : f32 to vector<128x2048xf32>
    %mul3A_36 = arith.mulf %mul3A_35, %dot_general3A_28 : vector<128x2048xf32>
    %sub3A = vector.broadcast %broadcast_in_dim3A : vector<1x2048xf32> to vector<128x2048xf32>
    %sub3A_37 = arith.subf %mul3A_36, %sub3A : vector<128x2048xf32>
    %sub3A_38 = vector.broadcast %broadcast_in_dim3A_33 : vector<128x1xf32> to vector<128x2048xf32>
    %sub3A_39 = arith.subf %sub3A_37, %sub3A_38 : vector<128x2048xf32>
    %iota3A = tpu.iota {dimensions = array<i32: 1>} : vector<128x2048xi32>
    %reduce_max3A = arith.constant dense<0xFF800000> : vector<128xf32>
    %reduce_max3A_40 = vector.multi_reduction <maximumf>, %sub3A_39, %reduce_max3A [1] : vector<128x2048xf32> to vector<128xf32>
    %broadcast_in_dim3A_41 = vector.shape_cast %reduce_max3A_40 : vector<128xf32> to vector<128x1xf32>
    %eq3A = vector.broadcast %broadcast_in_dim3A_41 : vector<128x1xf32> to vector<128x2048xf32>
    %eq3A_42 = arith.cmpf oeq, %sub3A_39, %eq3A : vector<128x2048xf32>
    %jit3A = arith.constant 2048 : i32
    %broadcast_in_dim3A_43 = vector.broadcast %jit3A : i32 to vector<128x2048xi32>
    %select_n3A = arith.select %eq3A_42, %iota3A, %broadcast_in_dim3A_43 : vector<128x2048xi1>, vector<128x2048xi32>
    %reduce_min3A = arith.constant dense<2147483647> : vector<128xi32>
    %reduce_min3A_44 = vector.multi_reduction <minsi>, %select_n3A, %reduce_min3A [1] : vector<128x2048xi32> to vector<128xi32>
    %broadcast_in_dim3A_45 = vector.shape_cast %reduce_min3A_44 : vector<128xi32> to vector<128x1xi32>
    %eq3A_46 = vector.broadcast %broadcast_in_dim3A_45 : vector<128x1xi32> to vector<128x2048xi32>
    %eq3A_47 = arith.cmpi eq, %iota3A, %eq3A_46 : vector<128x2048xi32>
    %jit3A_48 = arith.constant -3.000000e+38 : f32
    %broadcast_in_dim3A_49 = vector.broadcast %jit3A_48 : f32 to vector<128x2048xf32>
    %select_n3A_50 = arith.select %eq3A_47, %broadcast_in_dim3A_49, %sub3A_39 : vector<128x2048xi1>, vector<128x2048xf32>
    %reduce_max3A_51 = arith.constant dense<0xFF800000> : vector<128xf32>
    %reduce_max3A_52 = vector.multi_reduction <maximumf>, %select_n3A_50, %reduce_max3A_51 [1] : vector<128x2048xf32> to vector<128xf32>
    %broadcast_in_dim3A_53 = vector.shape_cast %reduce_max3A_52 : vector<128xf32> to vector<128x1xf32>
    %eq3A_54 = vector.broadcast %broadcast_in_dim3A_53 : vector<128x1xf32> to vector<128x2048xf32>
    %eq3A_55 = arith.cmpf oeq, %select_n3A_50, %eq3A_54 : vector<128x2048xf32>
    %jit3A_56 = arith.constant 2048 : i32
    %broadcast_in_dim3A_57 = vector.broadcast %jit3A_56 : i32 to vector<128x2048xi32>
    %select_n3A_58 = arith.select %eq3A_55, %iota3A, %broadcast_in_dim3A_57 : vector<128x2048xi1>, vector<128x2048xi32>
    %reduce_min3A_59 = arith.constant dense<2147483647> : vector<128xi32>
    %reduce_min3A_60 = vector.multi_reduction <minsi>, %select_n3A_58, %reduce_min3A_59 [1] : vector<128x2048xi32> to vector<128xi32>
    %broadcast_in_dim3A_61 = vector.shape_cast %reduce_min3A_60 : vector<128xi32> to vector<128x1xi32>
    %eq3A_62 = vector.broadcast %broadcast_in_dim3A_61 : vector<128x1xi32> to vector<128x2048xi32>
    %eq3A_63 = arith.cmpi eq, %iota3A, %eq3A_62 : vector<128x2048xi32>
    %jit3A_64 = arith.constant -3.000000e+38 : f32
    %broadcast_in_dim3A_65 = vector.broadcast %jit3A_64 : f32 to vector<128x2048xf32>
    %select_n3A_66 = arith.select %eq3A_63, %broadcast_in_dim3A_65, %select_n3A_50 : vector<128x2048xi1>, vector<128x2048xf32>
    %reduce_max3A_67 = arith.constant dense<0xFF800000> : vector<128xf32>
    %reduce_max3A_68 = vector.multi_reduction <maximumf>, %select_n3A_66, %reduce_max3A_67 [1] : vector<128x2048xf32> to vector<128xf32>
    %broadcast_in_dim3A_69 = vector.shape_cast %reduce_max3A_68 : vector<128xf32> to vector<128x1xf32>
    %eq3A_70 = vector.broadcast %broadcast_in_dim3A_69 : vector<128x1xf32> to vector<128x2048xf32>
    %eq3A_71 = arith.cmpf oeq, %select_n3A_66, %eq3A_70 : vector<128x2048xf32>
    %jit3A_72 = arith.constant 2048 : i32
    %broadcast_in_dim3A_73 = vector.broadcast %jit3A_72 : i32 to vector<128x2048xi32>
    %select_n3A_74 = arith.select %eq3A_71, %iota3A, %broadcast_in_dim3A_73 : vector<128x2048xi1>, vector<128x2048xi32>
    %reduce_min3A_75 = arith.constant dense<2147483647> : vector<128xi32>
    %reduce_min3A_76 = vector.multi_reduction <minsi>, %select_n3A_74, %reduce_min3A_75 [1] : vector<128x2048xi32> to vector<128xi32>
    %broadcast_in_dim3A_77 = vector.shape_cast %reduce_min3A_76 : vector<128xi32> to vector<128x1xi32>
    %eq3A_78 = vector.broadcast %broadcast_in_dim3A_77 : vector<128x1xi32> to vector<128x2048xi32>
    %eq3A_79 = arith.cmpi eq, %iota3A, %eq3A_78 : vector<128x2048xi32>
    %jit3A_80 = arith.constant -3.000000e+38 : f32
    %broadcast_in_dim3A_81 = vector.broadcast %jit3A_80 : f32 to vector<128x2048xf32>
    %select_n3A_82 = arith.select %eq3A_79, %broadcast_in_dim3A_81, %select_n3A_66 : vector<128x2048xi1>, vector<128x2048xf32>
    %reduce_max3A_83 = arith.constant dense<0xFF800000> : vector<128xf32>
    %reduce_max3A_84 = vector.multi_reduction <maximumf>, %select_n3A_82, %reduce_max3A_83 [1] : vector<128x2048xf32> to vector<128xf32>
    %broadcast_in_dim3A_85 = vector.shape_cast %reduce_max3A_84 : vector<128xf32> to vector<128x1xf32>
    %eq3A_86 = vector.broadcast %broadcast_in_dim3A_85 : vector<128x1xf32> to vector<128x2048xf32>
    %eq3A_87 = arith.cmpf oeq, %select_n3A_82, %eq3A_86 : vector<128x2048xf32>
    %jit3A_88 = arith.constant 2048 : i32
    %broadcast_in_dim3A_89 = vector.broadcast %jit3A_88 : i32 to vector<128x2048xi32>
    %select_n3A_90 = arith.select %eq3A_87, %iota3A, %broadcast_in_dim3A_89 : vector<128x2048xi1>, vector<128x2048xi32>
    %reduce_min3A_91 = arith.constant dense<2147483647> : vector<128xi32>
    %reduce_min3A_92 = vector.multi_reduction <minsi>, %select_n3A_90, %reduce_min3A_91 [1] : vector<128x2048xi32> to vector<128xi32>
    %broadcast_in_dim3A_93 = vector.shape_cast %reduce_min3A_92 : vector<128xi32> to vector<128x1xi32>
    %eq3A_94 = vector.broadcast %broadcast_in_dim3A_93 : vector<128x1xi32> to vector<128x2048xi32>
    %eq3A_95 = arith.cmpi eq, %iota3A, %eq3A_94 : vector<128x2048xi32>
    %jit3A_96 = arith.constant -3.000000e+38 : f32
    %broadcast_in_dim3A_97 = vector.broadcast %jit3A_96 : f32 to vector<128x2048xf32>
    %select_n3A_98 = arith.select %eq3A_95, %broadcast_in_dim3A_97, %select_n3A_82 : vector<128x2048xi1>, vector<128x2048xf32>
    %reduce_max3A_99 = arith.constant dense<0xFF800000> : vector<128xf32>
    %reduce_max3A_100 = vector.multi_reduction <maximumf>, %select_n3A_98, %reduce_max3A_99 [1] : vector<128x2048xf32> to vector<128xf32>
    %broadcast_in_dim3A_101 = vector.shape_cast %reduce_max3A_100 : vector<128xf32> to vector<128x1xf32>
    %eq3A_102 = vector.broadcast %broadcast_in_dim3A_101 : vector<128x1xf32> to vector<128x2048xf32>
    %eq3A_103 = arith.cmpf oeq, %select_n3A_98, %eq3A_102 : vector<128x2048xf32>
    %jit3A_104 = arith.constant 2048 : i32
    %broadcast_in_dim3A_105 = vector.broadcast %jit3A_104 : i32 to vector<128x2048xi32>
    %select_n3A_106 = arith.select %eq3A_103, %iota3A, %broadcast_in_dim3A_105 : vector<128x2048xi1>, vector<128x2048xi32>
    %reduce_min3A_107 = arith.constant dense<2147483647> : vector<128xi32>
    %reduce_min3A_108 = vector.multi_reduction <minsi>, %select_n3A_106, %reduce_min3A_107 [1] : vector<128x2048xi32> to vector<128xi32>
    %broadcast_in_dim3A_109 = vector.shape_cast %reduce_min3A_108 : vector<128xi32> to vector<128x1xi32>
    %eq3A_110 = vector.broadcast %broadcast_in_dim3A_109 : vector<128x1xi32> to vector<128x2048xi32>
    %eq3A_111 = arith.cmpi eq, %iota3A, %eq3A_110 : vector<128x2048xi32>
    %jit3A_112 = arith.constant -3.000000e+38 : f32
    %broadcast_in_dim3A_113 = vector.broadcast %jit3A_112 : f32 to vector<128x2048xf32>
    %select_n3A_114 = arith.select %eq3A_111, %broadcast_in_dim3A_113, %select_n3A_98 : vector<128x2048xi1>, vector<128x2048xf32>
    %reduce_max3A_115 = arith.constant dense<0xFF800000> : vector<128xf32>
    %reduce_max3A_116 = vector.multi_reduction <maximumf>, %select_n3A_114, %reduce_max3A_115 [1] : vector<128x2048xf32> to vector<128xf32>
    %broadcast_in_dim3A_117 = vector.shape_cast %reduce_max3A_116 : vector<128xf32> to vector<128x1xf32>
    %eq3A_118 = vector.broadcast %broadcast_in_dim3A_117 : vector<128x1xf32> to vector<128x2048xf32>
    %eq3A_119 = arith.cmpf oeq, %select_n3A_114, %eq3A_118 : vector<128x2048xf32>
    %jit3A_120 = arith.constant 2048 : i32
    %broadcast_in_dim3A_121 = vector.broadcast %jit3A_120 : i32 to vector<128x2048xi32>
    %select_n3A_122 = arith.select %eq3A_119, %iota3A, %broadcast_in_dim3A_121 : vector<128x2048xi1>, vector<128x2048xi32>
    %reduce_min3A_123 = arith.constant dense<2147483647> : vector<128xi32>
    %reduce_min3A_124 = vector.multi_reduction <minsi>, %select_n3A_122, %reduce_min3A_123 [1] : vector<128x2048xi32> to vector<128xi32>
    %broadcast_in_dim3A_125 = vector.shape_cast %reduce_min3A_124 : vector<128xi32> to vector<128x1xi32>
    %eq3A_126 = vector.broadcast %broadcast_in_dim3A_125 : vector<128x1xi32> to vector<128x2048xi32>
    %eq3A_127 = arith.cmpi eq, %iota3A, %eq3A_126 : vector<128x2048xi32>
    %jit3A_128 = arith.constant -3.000000e+38 : f32
    %broadcast_in_dim3A_129 = vector.broadcast %jit3A_128 : f32 to vector<128x2048xf32>
    %select_n3A_130 = arith.select %eq3A_127, %broadcast_in_dim3A_129, %select_n3A_114 : vector<128x2048xi1>, vector<128x2048xf32>
    %reduce_max3A_131 = arith.constant dense<0xFF800000> : vector<128xf32>
    %reduce_max3A_132 = vector.multi_reduction <maximumf>, %select_n3A_130, %reduce_max3A_131 [1] : vector<128x2048xf32> to vector<128xf32>
    %broadcast_in_dim3A_133 = vector.shape_cast %reduce_max3A_132 : vector<128xf32> to vector<128x1xf32>
    %eq3A_134 = vector.broadcast %broadcast_in_dim3A_133 : vector<128x1xf32> to vector<128x2048xf32>
    %eq3A_135 = arith.cmpf oeq, %select_n3A_130, %eq3A_134 : vector<128x2048xf32>
    %jit3A_136 = arith.constant 2048 : i32
    %broadcast_in_dim3A_137 = vector.broadcast %jit3A_136 : i32 to vector<128x2048xi32>
    %select_n3A_138 = arith.select %eq3A_135, %iota3A, %broadcast_in_dim3A_137 : vector<128x2048xi1>, vector<128x2048xi32>
    %reduce_min3A_139 = arith.constant dense<2147483647> : vector<128xi32>
    %reduce_min3A_140 = vector.multi_reduction <minsi>, %select_n3A_138, %reduce_min3A_139 [1] : vector<128x2048xi32> to vector<128xi32>
    %broadcast_in_dim3A_141 = vector.shape_cast %reduce_min3A_140 : vector<128xi32> to vector<128x1xi32>
    %eq3A_142 = vector.broadcast %broadcast_in_dim3A_141 : vector<128x1xi32> to vector<128x2048xi32>
    %eq3A_143 = arith.cmpi eq, %iota3A, %eq3A_142 : vector<128x2048xi32>
    %jit3A_144 = arith.constant -3.000000e+38 : f32
    %broadcast_in_dim3A_145 = vector.broadcast %jit3A_144 : f32 to vector<128x2048xf32>
    %select_n3A_146 = arith.select %eq3A_143, %broadcast_in_dim3A_145, %select_n3A_130 : vector<128x2048xi1>, vector<128x2048xf32>
    %reduce_max3A_147 = arith.constant dense<0xFF800000> : vector<128xf32>
    %reduce_max3A_148 = vector.multi_reduction <maximumf>, %select_n3A_146, %reduce_max3A_147 [1] : vector<128x2048xf32> to vector<128xf32>
    %broadcast_in_dim3A_149 = vector.shape_cast %reduce_max3A_148 : vector<128xf32> to vector<128x1xf32>
    %eq3A_150 = vector.broadcast %broadcast_in_dim3A_149 : vector<128x1xf32> to vector<128x2048xf32>
    %eq3A_151 = arith.cmpf oeq, %select_n3A_146, %eq3A_150 : vector<128x2048xf32>
    %jit3A_152 = arith.constant 2048 : i32
    %broadcast_in_dim3A_153 = vector.broadcast %jit3A_152 : i32 to vector<128x2048xi32>
    %select_n3A_154 = arith.select %eq3A_151, %iota3A, %broadcast_in_dim3A_153 : vector<128x2048xi1>, vector<128x2048xi32>
    %reduce_min3A_155 = arith.constant dense<2147483647> : vector<128xi32>
    %reduce_min3A_156 = vector.multi_reduction <minsi>, %select_n3A_154, %reduce_min3A_155 [1] : vector<128x2048xi32> to vector<128xi32>
    %broadcast_in_dim3A_157 = vector.shape_cast %reduce_min3A_156 : vector<128xi32> to vector<128x1xi32>
    %eq3A_158 = vector.broadcast %broadcast_in_dim3A_157 : vector<128x1xi32> to vector<128x2048xi32>
    %eq3A_159 = arith.cmpi eq, %iota3A, %eq3A_158 : vector<128x2048xi32>
    %jit3A_160 = arith.constant -3.000000e+38 : f32
    %broadcast_in_dim3A_161 = vector.broadcast %jit3A_160 : f32 to vector<128x2048xf32>
    %select_n3A_162 = arith.select %eq3A_159, %broadcast_in_dim3A_161, %select_n3A_146 : vector<128x2048xi1>, vector<128x2048xf32>
    %reduce_max3A_163 = arith.constant dense<0xFF800000> : vector<128xf32>
    %reduce_max3A_164 = vector.multi_reduction <maximumf>, %select_n3A_162, %reduce_max3A_163 [1] : vector<128x2048xf32> to vector<128xf32>
    %broadcast_in_dim3A_165 = vector.shape_cast %reduce_max3A_164 : vector<128xf32> to vector<128x1xf32>
    %eq3A_166 = vector.broadcast %broadcast_in_dim3A_165 : vector<128x1xf32> to vector<128x2048xf32>
    %eq3A_167 = arith.cmpf oeq, %select_n3A_162, %eq3A_166 : vector<128x2048xf32>
    %jit3A_168 = arith.constant 2048 : i32
    %broadcast_in_dim3A_169 = vector.broadcast %jit3A_168 : i32 to vector<128x2048xi32>
    %select_n3A_170 = arith.select %eq3A_167, %iota3A, %broadcast_in_dim3A_169 : vector<128x2048xi1>, vector<128x2048xi32>
    %reduce_min3A_171 = arith.constant dense<2147483647> : vector<128xi32>
    %reduce_min3A_172 = vector.multi_reduction <minsi>, %select_n3A_170, %reduce_min3A_171 [1] : vector<128x2048xi32> to vector<128xi32>
    %broadcast_in_dim3A_173 = vector.shape_cast %reduce_min3A_172 : vector<128xi32> to vector<128x1xi32>
    %eq3A_174 = vector.broadcast %broadcast_in_dim3A_173 : vector<128x1xi32> to vector<128x2048xi32>
    %eq3A_175 = arith.cmpi eq, %iota3A, %eq3A_174 : vector<128x2048xi32>
    %jit3A_176 = arith.constant -3.000000e+38 : f32
    %broadcast_in_dim3A_177 = vector.broadcast %jit3A_176 : f32 to vector<128x2048xf32>
    %select_n3A_178 = arith.select %eq3A_175, %broadcast_in_dim3A_177, %select_n3A_162 : vector<128x2048xi1>, vector<128x2048xf32>
    %reduce_max3A_179 = arith.constant dense<0xFF800000> : vector<128xf32>
    %reduce_max3A_180 = vector.multi_reduction <maximumf>, %select_n3A_178, %reduce_max3A_179 [1] : vector<128x2048xf32> to vector<128xf32>
    %broadcast_in_dim3A_181 = vector.shape_cast %reduce_max3A_180 : vector<128xf32> to vector<128x1xf32>
    %eq3A_182 = vector.broadcast %broadcast_in_dim3A_181 : vector<128x1xf32> to vector<128x2048xf32>
    %eq3A_183 = arith.cmpf oeq, %select_n3A_178, %eq3A_182 : vector<128x2048xf32>
    %jit3A_184 = arith.constant 2048 : i32
    %broadcast_in_dim3A_185 = vector.broadcast %jit3A_184 : i32 to vector<128x2048xi32>
    %select_n3A_186 = arith.select %eq3A_183, %iota3A, %broadcast_in_dim3A_185 : vector<128x2048xi1>, vector<128x2048xi32>
    %reduce_min3A_187 = arith.constant dense<2147483647> : vector<128xi32>
    %reduce_min3A_188 = vector.multi_reduction <minsi>, %select_n3A_186, %reduce_min3A_187 [1] : vector<128x2048xi32> to vector<128xi32>
    %broadcast_in_dim3A_189 = vector.shape_cast %reduce_min3A_188 : vector<128xi32> to vector<128x1xi32>
    %eq3A_190 = vector.broadcast %broadcast_in_dim3A_189 : vector<128x1xi32> to vector<128x2048xi32>
    %eq3A_191 = arith.cmpi eq, %iota3A, %eq3A_190 : vector<128x2048xi32>
    %jit3A_192 = arith.constant -3.000000e+38 : f32
    %broadcast_in_dim3A_193 = vector.broadcast %jit3A_192 : f32 to vector<128x2048xf32>
    %select_n3A_194 = arith.select %eq3A_191, %broadcast_in_dim3A_193, %select_n3A_178 : vector<128x2048xi1>, vector<128x2048xf32>
    %reduce_max3A_195 = arith.constant dense<0xFF800000> : vector<128xf32>
    %reduce_max3A_196 = vector.multi_reduction <maximumf>, %select_n3A_194, %reduce_max3A_195 [1] : vector<128x2048xf32> to vector<128xf32>
    %broadcast_in_dim3A_197 = vector.shape_cast %reduce_max3A_196 : vector<128xf32> to vector<128x1xf32>
    %eq3A_198 = vector.broadcast %broadcast_in_dim3A_197 : vector<128x1xf32> to vector<128x2048xf32>
    %eq3A_199 = arith.cmpf oeq, %select_n3A_194, %eq3A_198 : vector<128x2048xf32>
    %jit3A_200 = arith.constant 2048 : i32
    %broadcast_in_dim3A_201 = vector.broadcast %jit3A_200 : i32 to vector<128x2048xi32>
    %select_n3A_202 = arith.select %eq3A_199, %iota3A, %broadcast_in_dim3A_201 : vector<128x2048xi1>, vector<128x2048xi32>
    %reduce_min3A_203 = arith.constant dense<2147483647> : vector<128xi32>
    %reduce_min3A_204 = vector.multi_reduction <minsi>, %select_n3A_202, %reduce_min3A_203 [1] : vector<128x2048xi32> to vector<128xi32>
    %broadcast_in_dim3A_205 = vector.shape_cast %reduce_min3A_204 : vector<128xi32> to vector<128x1xi32>
    %eq3A_206 = vector.broadcast %broadcast_in_dim3A_205 : vector<128x1xi32> to vector<128x2048xi32>
    %eq3A_207 = arith.cmpi eq, %iota3A, %eq3A_206 : vector<128x2048xi32>
    %jit3A_208 = arith.constant -3.000000e+38 : f32
    %broadcast_in_dim3A_209 = vector.broadcast %jit3A_208 : f32 to vector<128x2048xf32>
    %select_n3A_210 = arith.select %eq3A_207, %broadcast_in_dim3A_209, %select_n3A_194 : vector<128x2048xi1>, vector<128x2048xf32>
    %reduce_max3A_211 = arith.constant dense<0xFF800000> : vector<128xf32>
    %reduce_max3A_212 = vector.multi_reduction <maximumf>, %select_n3A_210, %reduce_max3A_211 [1] : vector<128x2048xf32> to vector<128xf32>
    %broadcast_in_dim3A_213 = vector.shape_cast %reduce_max3A_212 : vector<128xf32> to vector<128x1xf32>
    %eq3A_214 = vector.broadcast %broadcast_in_dim3A_213 : vector<128x1xf32> to vector<128x2048xf32>
    %eq3A_215 = arith.cmpf oeq, %select_n3A_210, %eq3A_214 : vector<128x2048xf32>
    %jit3A_216 = arith.constant 2048 : i32
    %broadcast_in_dim3A_217 = vector.broadcast %jit3A_216 : i32 to vector<128x2048xi32>
    %select_n3A_218 = arith.select %eq3A_215, %iota3A, %broadcast_in_dim3A_217 : vector<128x2048xi1>, vector<128x2048xi32>
    %reduce_min3A_219 = arith.constant dense<2147483647> : vector<128xi32>
    %reduce_min3A_220 = vector.multi_reduction <minsi>, %select_n3A_218, %reduce_min3A_219 [1] : vector<128x2048xi32> to vector<128xi32>
    %broadcast_in_dim3A_221 = vector.shape_cast %reduce_min3A_220 : vector<128xi32> to vector<128x1xi32>
    %eq3A_222 = vector.broadcast %broadcast_in_dim3A_221 : vector<128x1xi32> to vector<128x2048xi32>
    %eq3A_223 = arith.cmpi eq, %iota3A, %eq3A_222 : vector<128x2048xi32>
    %jit3A_224 = arith.constant -3.000000e+38 : f32
    %broadcast_in_dim3A_225 = vector.broadcast %jit3A_224 : f32 to vector<128x2048xf32>
    %select_n3A_226 = arith.select %eq3A_223, %broadcast_in_dim3A_225, %select_n3A_210 : vector<128x2048xi1>, vector<128x2048xf32>
    %reduce_max3A_227 = arith.constant dense<0xFF800000> : vector<128xf32>
    %reduce_max3A_228 = vector.multi_reduction <maximumf>, %select_n3A_226, %reduce_max3A_227 [1] : vector<128x2048xf32> to vector<128xf32>
    %broadcast_in_dim3A_229 = vector.shape_cast %reduce_max3A_228 : vector<128xf32> to vector<128x1xf32>
    %eq3A_230 = vector.broadcast %broadcast_in_dim3A_229 : vector<128x1xf32> to vector<128x2048xf32>
    %eq3A_231 = arith.cmpf oeq, %select_n3A_226, %eq3A_230 : vector<128x2048xf32>
    %jit3A_232 = arith.constant 2048 : i32
    %broadcast_in_dim3A_233 = vector.broadcast %jit3A_232 : i32 to vector<128x2048xi32>
    %select_n3A_234 = arith.select %eq3A_231, %iota3A, %broadcast_in_dim3A_233 : vector<128x2048xi1>, vector<128x2048xi32>
    %reduce_min3A_235 = arith.constant dense<2147483647> : vector<128xi32>
    %reduce_min3A_236 = vector.multi_reduction <minsi>, %select_n3A_234, %reduce_min3A_235 [1] : vector<128x2048xi32> to vector<128xi32>
    %broadcast_in_dim3A_237 = vector.shape_cast %reduce_min3A_236 : vector<128xi32> to vector<128x1xi32>
    %eq3A_238 = vector.broadcast %broadcast_in_dim3A_237 : vector<128x1xi32> to vector<128x2048xi32>
    %eq3A_239 = arith.cmpi eq, %iota3A, %eq3A_238 : vector<128x2048xi32>
    %jit3A_240 = arith.constant -3.000000e+38 : f32
    %broadcast_in_dim3A_241 = vector.broadcast %jit3A_240 : f32 to vector<128x2048xf32>
    %select_n3A_242 = arith.select %eq3A_239, %broadcast_in_dim3A_241, %select_n3A_226 : vector<128x2048xi1>, vector<128x2048xf32>
    %reduce_max3A_243 = arith.constant dense<0xFF800000> : vector<128xf32>
    %reduce_max3A_244 = vector.multi_reduction <maximumf>, %select_n3A_242, %reduce_max3A_243 [1] : vector<128x2048xf32> to vector<128xf32>
    %broadcast_in_dim3A_245 = vector.shape_cast %reduce_max3A_244 : vector<128xf32> to vector<128x1xf32>
    %eq3A_246 = vector.broadcast %broadcast_in_dim3A_245 : vector<128x1xf32> to vector<128x2048xf32>
    %eq3A_247 = arith.cmpf oeq, %select_n3A_242, %eq3A_246 : vector<128x2048xf32>
    %jit3A_248 = arith.constant 2048 : i32
    %broadcast_in_dim3A_249 = vector.broadcast %jit3A_248 : i32 to vector<128x2048xi32>
    %select_n3A_250 = arith.select %eq3A_247, %iota3A, %broadcast_in_dim3A_249 : vector<128x2048xi1>, vector<128x2048xi32>
    %reduce_min3A_251 = arith.constant dense<2147483647> : vector<128xi32>
    %reduce_min3A_252 = vector.multi_reduction <minsi>, %select_n3A_250, %reduce_min3A_251 [1] : vector<128x2048xi32> to vector<128xi32>
    %broadcast_in_dim3A_253 = vector.shape_cast %reduce_min3A_252 : vector<128xi32> to vector<128x1xi32>
    %eq3A_254 = vector.broadcast %broadcast_in_dim3A_253 : vector<128x1xi32> to vector<128x2048xi32>
    %eq3A_255 = arith.cmpi eq, %iota3A, %eq3A_254 : vector<128x2048xi32>
    %jit3A_256 = arith.constant -3.000000e+38 : f32
    %broadcast_in_dim3A_257 = vector.broadcast %jit3A_256 : f32 to vector<128x2048xf32>
    %select_n3A_258 = arith.select %eq3A_255, %broadcast_in_dim3A_257, %select_n3A_242 : vector<128x2048xi1>, vector<128x2048xf32>
    %reduce_max3A_259 = arith.constant dense<0xFF800000> : vector<128xf32>
    %reduce_max3A_260 = vector.multi_reduction <maximumf>, %select_n3A_258, %reduce_max3A_259 [1] : vector<128x2048xf32> to vector<128xf32>
    %broadcast_in_dim3A_261 = vector.shape_cast %reduce_max3A_260 : vector<128xf32> to vector<128x1xf32>
    %eq3A_262 = vector.broadcast %broadcast_in_dim3A_261 : vector<128x1xf32> to vector<128x2048xf32>
    %eq3A_263 = arith.cmpf oeq, %select_n3A_258, %eq3A_262 : vector<128x2048xf32>
    %jit3A_264 = arith.constant 2048 : i32
    %broadcast_in_dim3A_265 = vector.broadcast %jit3A_264 : i32 to vector<128x2048xi32>
    %select_n3A_266 = arith.select %eq3A_263, %iota3A, %broadcast_in_dim3A_265 : vector<128x2048xi1>, vector<128x2048xi32>
    %reduce_min3A_267 = arith.constant dense<2147483647> : vector<128xi32>
    %reduce_min3A_268 = vector.multi_reduction <minsi>, %select_n3A_266, %reduce_min3A_267 [1] : vector<128x2048xi32> to vector<128xi32>
    %broadcast_in_dim3A_269 = vector.shape_cast %reduce_min3A_268 : vector<128xi32> to vector<128x1xi32>
    %eq3A_270 = vector.broadcast %broadcast_in_dim3A_269 : vector<128x1xi32> to vector<128x2048xi32>
    %eq3A_271 = arith.cmpi eq, %iota3A, %eq3A_270 : vector<128x2048xi32>
    %jit3A_272 = arith.constant -3.000000e+38 : f32
    %broadcast_in_dim3A_273 = vector.broadcast %jit3A_272 : f32 to vector<128x2048xf32>
    %select_n3A_274 = arith.select %eq3A_271, %broadcast_in_dim3A_273, %select_n3A_258 : vector<128x2048xi1>, vector<128x2048xf32>
    %reduce_max3A_275 = arith.constant dense<0xFF800000> : vector<128xf32>
    %reduce_max3A_276 = vector.multi_reduction <maximumf>, %select_n3A_274, %reduce_max3A_275 [1] : vector<128x2048xf32> to vector<128xf32>
    %broadcast_in_dim3A_277 = vector.shape_cast %reduce_max3A_276 : vector<128xf32> to vector<128x1xf32>
    %eq3A_278 = vector.broadcast %broadcast_in_dim3A_277 : vector<128x1xf32> to vector<128x2048xf32>
    %eq3A_279 = arith.cmpf oeq, %select_n3A_274, %eq3A_278 : vector<128x2048xf32>
    %jit3A_280 = arith.constant 2048 : i32
    %broadcast_in_dim3A_281 = vector.broadcast %jit3A_280 : i32 to vector<128x2048xi32>
    %select_n3A_282 = arith.select %eq3A_279, %iota3A, %broadcast_in_dim3A_281 : vector<128x2048xi1>, vector<128x2048xi32>
    %reduce_min3A_283 = arith.constant dense<2147483647> : vector<128xi32>
    %reduce_min3A_284 = vector.multi_reduction <minsi>, %select_n3A_282, %reduce_min3A_283 [1] : vector<128x2048xi32> to vector<128xi32>
    %broadcast_in_dim3A_285 = vector.shape_cast %reduce_min3A_284 : vector<128xi32> to vector<128x1xi32>
    %eq3A_286 = vector.broadcast %broadcast_in_dim3A_285 : vector<128x1xi32> to vector<128x2048xi32>
    %eq3A_287 = arith.cmpi eq, %iota3A, %eq3A_286 : vector<128x2048xi32>
    %jit3A_288 = arith.constant -3.000000e+38 : f32
    %broadcast_in_dim3A_289 = vector.broadcast %jit3A_288 : f32 to vector<128x2048xf32>
    %select_n3A_290 = arith.select %eq3A_287, %broadcast_in_dim3A_289, %select_n3A_274 : vector<128x2048xi1>, vector<128x2048xf32>
    %reduce_max3A_291 = arith.constant dense<0xFF800000> : vector<128xf32>
    %reduce_max3A_292 = vector.multi_reduction <maximumf>, %select_n3A_290, %reduce_max3A_291 [1] : vector<128x2048xf32> to vector<128xf32>
    %broadcast_in_dim3A_293 = vector.shape_cast %reduce_max3A_292 : vector<128xf32> to vector<128x1xf32>
    %eq3A_294 = vector.broadcast %broadcast_in_dim3A_293 : vector<128x1xf32> to vector<128x2048xf32>
    %eq3A_295 = arith.cmpf oeq, %select_n3A_290, %eq3A_294 : vector<128x2048xf32>
    %jit3A_296 = arith.constant 2048 : i32
    %broadcast_in_dim3A_297 = vector.broadcast %jit3A_296 : i32 to vector<128x2048xi32>
    %select_n3A_298 = arith.select %eq3A_295, %iota3A, %broadcast_in_dim3A_297 : vector<128x2048xi1>, vector<128x2048xi32>
    %reduce_min3A_299 = arith.constant dense<2147483647> : vector<128xi32>
    %reduce_min3A_300 = vector.multi_reduction <minsi>, %select_n3A_298, %reduce_min3A_299 [1] : vector<128x2048xi32> to vector<128xi32>
    %broadcast_in_dim3A_301 = vector.shape_cast %reduce_min3A_300 : vector<128xi32> to vector<128x1xi32>
    %eq3A_302 = vector.broadcast %broadcast_in_dim3A_301 : vector<128x1xi32> to vector<128x2048xi32>
    %eq3A_303 = arith.cmpi eq, %iota3A, %eq3A_302 : vector<128x2048xi32>
    %jit3A_304 = arith.constant -3.000000e+38 : f32
    %broadcast_in_dim3A_305 = vector.broadcast %jit3A_304 : f32 to vector<128x2048xf32>
    %select_n3A_306 = arith.select %eq3A_303, %broadcast_in_dim3A_305, %select_n3A_290 : vector<128x2048xi1>, vector<128x2048xf32>
    %reduce_max3A_307 = arith.constant dense<0xFF800000> : vector<128xf32>
    %reduce_max3A_308 = vector.multi_reduction <maximumf>, %select_n3A_306, %reduce_max3A_307 [1] : vector<128x2048xf32> to vector<128xf32>
    %broadcast_in_dim3A_309 = vector.shape_cast %reduce_max3A_308 : vector<128xf32> to vector<128x1xf32>
    %eq3A_310 = vector.broadcast %broadcast_in_dim3A_309 : vector<128x1xf32> to vector<128x2048xf32>
    %eq3A_311 = arith.cmpf oeq, %select_n3A_306, %eq3A_310 : vector<128x2048xf32>
    %jit3A_312 = arith.constant 2048 : i32
    %broadcast_in_dim3A_313 = vector.broadcast %jit3A_312 : i32 to vector<128x2048xi32>
    %select_n3A_314 = arith.select %eq3A_311, %iota3A, %broadcast_in_dim3A_313 : vector<128x2048xi1>, vector<128x2048xi32>
    %reduce_min3A_315 = arith.constant dense<2147483647> : vector<128xi32>
    %reduce_min3A_316 = vector.multi_reduction <minsi>, %select_n3A_314, %reduce_min3A_315 [1] : vector<128x2048xi32> to vector<128xi32>
    %broadcast_in_dim3A_317 = vector.shape_cast %reduce_min3A_316 : vector<128xi32> to vector<128x1xi32>
    %eq3A_318 = vector.broadcast %broadcast_in_dim3A_317 : vector<128x1xi32> to vector<128x2048xi32>
    %eq3A_319 = arith.cmpi eq, %iota3A, %eq3A_318 : vector<128x2048xi32>
    %jit3A_320 = arith.constant -3.000000e+38 : f32
    %broadcast_in_dim3A_321 = vector.broadcast %jit3A_320 : f32 to vector<128x2048xf32>
    %select_n3A_322 = arith.select %eq3A_319, %broadcast_in_dim3A_321, %select_n3A_306 : vector<128x2048xi1>, vector<128x2048xf32>
    %reduce_max3A_323 = arith.constant dense<0xFF800000> : vector<128xf32>
    %reduce_max3A_324 = vector.multi_reduction <maximumf>, %select_n3A_322, %reduce_max3A_323 [1] : vector<128x2048xf32> to vector<128xf32>
    %broadcast_in_dim3A_325 = vector.shape_cast %reduce_max3A_324 : vector<128xf32> to vector<128x1xf32>
    %eq3A_326 = vector.broadcast %broadcast_in_dim3A_325 : vector<128x1xf32> to vector<128x2048xf32>
    %eq3A_327 = arith.cmpf oeq, %select_n3A_322, %eq3A_326 : vector<128x2048xf32>
    %jit3A_328 = arith.constant 2048 : i32
    %broadcast_in_dim3A_329 = vector.broadcast %jit3A_328 : i32 to vector<128x2048xi32>
    %select_n3A_330 = arith.select %eq3A_327, %iota3A, %broadcast_in_dim3A_329 : vector<128x2048xi1>, vector<128x2048xi32>
    %reduce_min3A_331 = arith.constant dense<2147483647> : vector<128xi32>
    %reduce_min3A_332 = vector.multi_reduction <minsi>, %select_n3A_330, %reduce_min3A_331 [1] : vector<128x2048xi32> to vector<128xi32>
    %broadcast_in_dim3A_333 = vector.shape_cast %reduce_min3A_332 : vector<128xi32> to vector<128x1xi32>
    %eq3A_334 = vector.broadcast %broadcast_in_dim3A_333 : vector<128x1xi32> to vector<128x2048xi32>
    %eq3A_335 = arith.cmpi eq, %iota3A, %eq3A_334 : vector<128x2048xi32>
    %jit3A_336 = arith.constant -3.000000e+38 : f32
    %broadcast_in_dim3A_337 = vector.broadcast %jit3A_336 : f32 to vector<128x2048xf32>
    %select_n3A_338 = arith.select %eq3A_335, %broadcast_in_dim3A_337, %select_n3A_322 : vector<128x2048xi1>, vector<128x2048xf32>
    %reduce_max3A_339 = arith.constant dense<0xFF800000> : vector<128xf32>
    %reduce_max3A_340 = vector.multi_reduction <maximumf>, %select_n3A_338, %reduce_max3A_339 [1] : vector<128x2048xf32> to vector<128xf32>
    %broadcast_in_dim3A_341 = vector.shape_cast %reduce_max3A_340 : vector<128xf32> to vector<128x1xf32>
    %eq3A_342 = vector.broadcast %broadcast_in_dim3A_341 : vector<128x1xf32> to vector<128x2048xf32>
    %eq3A_343 = arith.cmpf oeq, %select_n3A_338, %eq3A_342 : vector<128x2048xf32>
    %jit3A_344 = arith.constant 2048 : i32
    %broadcast_in_dim3A_345 = vector.broadcast %jit3A_344 : i32 to vector<128x2048xi32>
    %select_n3A_346 = arith.select %eq3A_343, %iota3A, %broadcast_in_dim3A_345 : vector<128x2048xi1>, vector<128x2048xi32>
    %reduce_min3A_347 = arith.constant dense<2147483647> : vector<128xi32>
    %reduce_min3A_348 = vector.multi_reduction <minsi>, %select_n3A_346, %reduce_min3A_347 [1] : vector<128x2048xi32> to vector<128xi32>
    %broadcast_in_dim3A_349 = vector.shape_cast %reduce_min3A_348 : vector<128xi32> to vector<128x1xi32>
    %concatenate3A = tpu.concatenate %broadcast_in_dim3A_45, %broadcast_in_dim3A_61, %broadcast_in_dim3A_77, %broadcast_in_dim3A_93, %broadcast_in_dim3A_109, %broadcast_in_dim3A_125, %broadcast_in_dim3A_141, %broadcast_in_dim3A_157, %broadcast_in_dim3A_173, %broadcast_in_dim3A_189, %broadcast_in_dim3A_205, %broadcast_in_dim3A_221, %broadcast_in_dim3A_237, %broadcast_in_dim3A_253, %broadcast_in_dim3A_269, %broadcast_in_dim3A_285, %broadcast_in_dim3A_301, %broadcast_in_dim3A_317, %broadcast_in_dim3A_333, %broadcast_in_dim3A_349 in 1 : vector<128x1xi32>, vector<128x1xi32>, vector<128x1xi32>, vector<128x1xi32>, vector<128x1xi32>, vector<128x1xi32>, vector<128x1xi32>, vector<128x1xi32>, vector<128x1xi32>, vector<128x1xi32>, vector<128x1xi32>, vector<128x1xi32>, vector<128x1xi32>, vector<128x1xi32>, vector<128x1xi32>, vector<128x1xi32>, vector<128x1xi32>, vector<128x1xi32>, vector<128x1xi32>, vector<128x1xi32> -> vector<128x20xi32>
    %mul3A_350 = arith.constant 2048 : i32
    %mul3A_351 = arith.muli %arg0, %mul3A_350 : i32
    %add3A = vector.broadcast %mul3A_351 : i32 to vector<128x20xi32>
    %add3A_352 = arith.addi %concatenate3A, %add3A : vector<128x20xi32>
    %swap3A_353 = arith.constant 0 : index
    %swap3A_354 = arith.constant 0 : index
    %swap3A_355 = arith.constant 0 : index
    %swap3A_356 = vector.load %arg5[%swap3A_353, %swap3A_354, %swap3A_355] : memref<1x128x20xi32, #tpu.memory_space<vmem>>, vector<1x128x20xi32>
    %swap3A_357 = vector.shape_cast %swap3A_356 : vector<1x128x20xi32> to vector<128x20xi32>
    %swap3A_358 = vector.shape_cast %add3A_352 : vector<128x20xi32> to vector<1x128x20xi32>
    tpu.vector_store %arg5[%swap3A_353, %swap3A_354, %swap3A_355], %swap3A_358 {strides = array<i32>} : memref<1x128x20xi32, #tpu.memory_space<vmem>>, vector<1x128x20xi32>,
    return
  }
  func.func @transform_0(%arg0: i32, %arg1: i32) -> (i32, i32, i32) {
    %c0_i32 = arith.constant 0 : i32
    %c0_i32_0 = arith.constant 0 : i32
    return %arg0, %arg1, %c0_i32 : i32, i32, i32
  }
  func.func @transform_1(%arg0: i32, %arg1: i32) -> (i32, i32, i32) {
    %c0_i32 = arith.constant 0 : i32
    %c0_i32_0 = arith.constant 0 : i32
    %c0_i32_1 = arith.constant 0 : i32
    return %arg0, %c0_i32, %c0_i32_0 : i32, i32, i32
  }
  func.func @transform_2(%arg0: i32, %arg1: i32) -> (i32, i32) {
    %c0_i32 = arith.constant 0 : i32
    %c0_i32_0 = arith.constant 0 : i32
    %c0_i32_1 = arith.constant 0 : i32
    return %c0_i32, %c0_i32_0 : i32, i32
  }
  func.func @transform_3(%arg0: i32, %arg1: i32) -> (i32, i32, i32) {
    %c0_i32 = arith.constant 0 : i32
    %c0_i32_0 = arith.constant 0 : i32
    return %arg0, %arg1, %c0_i32 : i32, i32, i32
  }
  func.func @transform_4(%arg0: i32, %arg1: i32) -> (i32, i32, i32) {
    %c0_i32 = arith.constant 0 : i32
    %c0_i32_0 = arith.constant 0 : i32
    return %arg0, %arg1, %c0_i32 : i32, i32, i32
  }
  func.func @transform_5(%arg0: i32, %arg1: i32) -> (i32, i32, i32) {
    %c0_i32 = arith.constant 0 : i32
    %c0_i32_0 = arith.constant 0 : i32
    return %arg0, %arg1, %c0_i32 : i32, i32, i32
  }
}

module attributes {stable_mosaic.version = 14 : i64} {
  func.func @body(%arg0: i32, %arg1: memref<1024x256xf32, #tpu.memory_space<vmem>>, %arg2: memref<1024x256xf32, #tpu.memory_space<vmem>>, %arg3: memref<1x256xf32, #tpu.memory_space<vmem>>, %arg4: memref<1x256xf32, #tpu.memory_space<vmem>>) attributes {dimension_semantics = [#tpu.dimension_semantics<arbitrary>], iteration_bounds = array<i64: 16>, scalar_prefetch = 0 : i64, scratch_operands = 0 : i64, tpu.core_type = #tpu.core_type<tc>, window_params = [{transform_indices = @transform_0, window_bounds = array<i64: 1024, 256>}, {transform_indices = @transform_1, window_bounds = array<i64: 1024, 256>}, {pipeline_mode = #tpu.pipeline_mode<synchronous>, transform_indices = @transform_2, window_bounds = array<i64: 1, 256>}, {pipeline_mode = #tpu.pipeline_mode<synchronous>, transform_indices = @transform_3, window_bounds = array<i64: 1, 256>}]} {
    %eq3A = arith.constant 0 : i32
    %eq3A_0 = arith.cmpi eq, %arg0, %eq3A : i32
    %convert_element_type3A = arith.extui %eq3A_0 : i1 to i32
    %cond3A = arith.constant 0 : i32
    %cond3A_1 = arith.cmpi ne, %convert_element_type3A, %cond3A : i32
    scf.if %cond3A_1 {
      %broadcast_in_dim3A_35 = arith.constant 0.000000e+00 : f32
      %broadcast_in_dim3A_36 = vector.broadcast %broadcast_in_dim3A_35 : f32 to vector<1x256xf32>
      %swap3A_37 = arith.constant 0 : index
      %swap3A_38 = arith.constant 0 : index
      %swap3A_39 = vector.load %arg3[%swap3A_37, %swap3A_38] : memref<1x256xf32, #tpu.memory_space<vmem>>, vector<1x256xf32>
      tpu.vector_store %arg3[%swap3A_37, %swap3A_38], %broadcast_in_dim3A_36 {strides = array<i32>} : memref<1x256xf32, #tpu.memory_space<vmem>>, vector<1x256xf32>,
      %broadcast_in_dim3A_40 = arith.constant 0.000000e+00 : f32
      %broadcast_in_dim3A_41 = vector.broadcast %broadcast_in_dim3A_40 : f32 to vector<1x256xf32>
      %swap3A_42 = arith.constant 0 : index
      %swap3A_43 = arith.constant 0 : index
      %swap3A_44 = vector.load %arg4[%swap3A_42, %swap3A_43] : memref<1x256xf32, #tpu.memory_space<vmem>>, vector<1x256xf32>
      tpu.vector_store %arg4[%swap3A_42, %swap3A_43], %broadcast_in_dim3A_41 {strides = array<i32>} : memref<1x256xf32, #tpu.memory_space<vmem>>, vector<1x256xf32>,
    } else {
    }
    %get3A = arith.constant 0 : index
    %get3A_2 = arith.constant 0 : index
    %get3A_3 = vector.load %arg1[%get3A, %get3A_2] : memref<1024x256xf32, #tpu.memory_space<vmem>>, vector<1024x256xf32>
    %get3A_4 = arith.constant 0 : index
    %get3A_5 = arith.constant 0 : index
    %get3A_6 = vector.load %arg2[%get3A_4, %get3A_5] : memref<1024x256xf32, #tpu.memory_space<vmem>>, vector<1024x256xf32>
    %get3A_7 = arith.constant 0 : index
    %get3A_8 = arith.constant 0 : index
    %get3A_9 = vector.load %arg3[%get3A_7, %get3A_8] : memref<1x256xf32, #tpu.memory_space<vmem>>, vector<1x256xf32>
    %mul3A = arith.constant 2.000000e+01 : f32
    %mul3A_10 = vector.broadcast %mul3A : f32 to vector<1024x256xf32>
    %mul3A_11 = arith.mulf %mul3A_10, %get3A_6 : vector<1024x256xf32>
    %add3A = arith.addf %get3A_3, %mul3A_11 : vector<1024x256xf32>
    %reduce_sum3A = arith.constant dense<0.000000e+00> : vector<256xf32>
    %reduce_sum3A_12 = vector.multi_reduction <add>, %add3A, %reduce_sum3A [0] : vector<1024x256xf32> to vector<256xf32>
    %broadcast_in_dim3A = vector.shape_cast %reduce_sum3A_12 : vector<256xf32> to vector<1x256xf32>
    %add3A_13 = arith.addf %get3A_9, %broadcast_in_dim3A : vector<1x256xf32>
    %swap3A = arith.constant 0 : index
    %swap3A_14 = arith.constant 0 : index
    %swap3A_15 = vector.load %arg3[%swap3A, %swap3A_14] : memref<1x256xf32, #tpu.memory_space<vmem>>, vector<1x256xf32>
    tpu.vector_store %arg3[%swap3A, %swap3A_14], %add3A_13 {strides = array<i32>} : memref<1x256xf32, #tpu.memory_space<vmem>>, vector<1x256xf32>,
    %get3A_16 = arith.constant 0 : index
    %get3A_17 = arith.constant 0 : index
    %get3A_18 = vector.load %arg4[%get3A_16, %get3A_17] : memref<1x256xf32, #tpu.memory_space<vmem>>, vector<1x256xf32>
    %mul3A_19 = arith.constant 2.000000e+00 : f32
    %mul3A_20 = vector.broadcast %mul3A_19 : f32 to vector<1024x256xf32>
    %mul3A_21 = arith.mulf %mul3A_20, %get3A_6 : vector<1024x256xf32>
    %mul3A_22 = arith.mulf %mul3A_21, %get3A_3 : vector<1024x256xf32>
    %mul3A_23 = arith.constant 2.000000e+01 : f32
    %mul3A_24 = vector.broadcast %mul3A_23 : f32 to vector<1024x256xf32>
    %mul3A_25 = arith.mulf %mul3A_24, %get3A_6 : vector<1024x256xf32>
    %mul3A_26 = arith.mulf %mul3A_25, %get3A_6 : vector<1024x256xf32>
    %add3A_27 = arith.addf %mul3A_22, %mul3A_26 : vector<1024x256xf32>
    %reduce_sum3A_28 = arith.constant dense<0.000000e+00> : vector<256xf32>
    %reduce_sum3A_29 = vector.multi_reduction <add>, %add3A_27, %reduce_sum3A_28 [0] : vector<1024x256xf32> to vector<256xf32>
    %broadcast_in_dim3A_30 = vector.shape_cast %reduce_sum3A_29 : vector<256xf32> to vector<1x256xf32>
    %add3A_31 = arith.addf %get3A_18, %broadcast_in_dim3A_30 : vector<1x256xf32>
    %swap3A_32 = arith.constant 0 : index
    %swap3A_33 = arith.constant 0 : index
    %swap3A_34 = vector.load %arg4[%swap3A_32, %swap3A_33] : memref<1x256xf32, #tpu.memory_space<vmem>>, vector<1x256xf32>
    tpu.vector_store %arg4[%swap3A_32, %swap3A_33], %add3A_31 {strides = array<i32>} : memref<1x256xf32, #tpu.memory_space<vmem>>, vector<1x256xf32>,
    return
  }
  func.func @transform_0(%arg0: i32) -> (i32, i32) {
    %c0_i32 = arith.constant 0 : i32
    %c0_i32_0 = arith.constant 0 : i32
    return %arg0, %c0_i32 : i32, i32
  }
  func.func @transform_1(%arg0: i32) -> (i32, i32) {
    %c0_i32 = arith.constant 0 : i32
    %c0_i32_0 = arith.constant 0 : i32
    return %arg0, %c0_i32 : i32, i32
  }
  func.func @transform_2(%arg0: i32) -> (i32, i32) {
    %c0_i32 = arith.constant 0 : i32
    %c0_i32_0 = arith.constant 0 : i32
    %c0_i32_1 = arith.constant 0 : i32
    return %c0_i32, %c0_i32_0 : i32, i32
  }
  func.func @transform_3(%arg0: i32) -> (i32, i32) {
    %c0_i32 = arith.constant 0 : i32
    %c0_i32_0 = arith.constant 0 : i32
    %c0_i32_1 = arith.constant 0 : i32
    return %c0_i32, %c0_i32_0 : i32, i32
  }
}

module attributes {stable_mosaic.version = 14 : i64} {
  func.func @body(%arg0: i32, %arg1: memref<1024x256xf32, #tpu.memory_space<vmem>>, %arg2: memref<1024x256xf32, #tpu.memory_space<vmem>>, %arg3: memref<1x256xf32, #tpu.memory_space<vmem>>, %arg4: memref<1x256xf32, #tpu.memory_space<vmem>>, %arg5: memref<32x256xf32, #tpu.memory_space<vmem>>, %arg6: memref<1024x256xf32, #tpu.memory_space<vmem>>) attributes {dimension_semantics = [#tpu.dimension_semantics<arbitrary>], iteration_bounds = array<i64: 16>, scalar_prefetch = 0 : i64, scratch_operands = 0 : i64, tpu.core_type = #tpu.core_type<tc>, window_params = [{transform_indices = @transform_0, window_bounds = array<i64: 1024, 256>}, {transform_indices = @transform_1, window_bounds = array<i64: 1024, 256>}, {pipeline_mode = #tpu.pipeline_mode<synchronous>, transform_indices = @transform_2, window_bounds = array<i64: 1, 256>}, {pipeline_mode = #tpu.pipeline_mode<synchronous>, transform_indices = @transform_3, window_bounds = array<i64: 1, 256>}, {pipeline_mode = #tpu.pipeline_mode<synchronous>, transform_indices = @transform_4, window_bounds = array<i64: 32, 256>}, {transform_indices = @transform_5, window_bounds = array<i64: 1024, 256>}]} {
    %get3A = arith.constant 0 : index
    %get3A_0 = arith.constant 0 : index
    %get3A_1 = vector.load %arg5[%get3A, %get3A_0] : memref<32x256xf32, #tpu.memory_space<vmem>>, vector<32x256xf32>
    %reduce_sum3A = arith.constant dense<0.000000e+00> : vector<256xf32>
    %reduce_sum3A_2 = vector.multi_reduction <add>, %get3A_1, %reduce_sum3A [0] : vector<32x256xf32> to vector<256xf32>
    %broadcast_in_dim3A = vector.shape_cast %reduce_sum3A_2 : vector<256xf32> to vector<1x256xf32>
    %get3A_3 = arith.constant 0 : index
    %get3A_4 = arith.constant 0 : index
    %get3A_5 = vector.load %arg3[%get3A_3, %get3A_4] : memref<1x256xf32, #tpu.memory_space<vmem>>, vector<1x256xf32>
    %div3A = arith.constant 3.276800e+05 : f32
    %div3A_6 = vector.broadcast %div3A : f32 to vector<1x256xf32>
    %div3A_7 = arith.divf %get3A_5, %div3A_6 : vector<1x256xf32>
    %get3A_8 = arith.constant 0 : index
    %get3A_9 = arith.constant 0 : index
    %get3A_10 = vector.load %arg4[%get3A_8, %get3A_9] : memref<1x256xf32, #tpu.memory_space<vmem>>, vector<1x256xf32>
    %add3A = arith.addf %get3A_10, %broadcast_in_dim3A : vector<1x256xf32>
    %div3A_11 = arith.constant 3.276800e+05 : f32
    %div3A_12 = vector.broadcast %div3A_11 : f32 to vector<1x256xf32>
    %div3A_13 = arith.divf %add3A, %div3A_12 : vector<1x256xf32>
    %mul3A = arith.mulf %div3A_7, %div3A_7 : vector<1x256xf32>
    %sub3A = arith.subf %div3A_13, %mul3A : vector<1x256xf32>
    %get3A_14 = arith.constant 0 : index
    %get3A_15 = arith.constant 0 : index
    %get3A_16 = vector.load %arg1[%get3A_14, %get3A_15] : memref<1024x256xf32, #tpu.memory_space<vmem>>, vector<1024x256xf32>
    %get3A_17 = arith.constant 0 : index
    %get3A_18 = arith.constant 0 : index
    %get3A_19 = vector.load %arg2[%get3A_17, %get3A_18] : memref<1024x256xf32, #tpu.memory_space<vmem>>, vector<1024x256xf32>
    %add3A_20 = arith.addf %get3A_16, %get3A_19 : vector<1024x256xf32>
    %sub3A_21 = vector.broadcast %div3A_7 : vector<1x256xf32> to vector<1024x256xf32>
    %sub3A_22 = arith.subf %add3A_20, %sub3A_21 : vector<1024x256xf32>
    %add3A_23 = arith.constant 9.99999974E-6 : f32
    %add3A_24 = vector.broadcast %add3A_23 : f32 to vector<1x256xf32>
    %add3A_25 = arith.addf %sub3A, %add3A_24 : vector<1x256xf32>
    %sqrt3A = math.sqrt %add3A_25 : vector<1x256xf32>
    %div3A_26 = vector.broadcast %sqrt3A : vector<1x256xf32> to vector<1024x256xf32>
    %div3A_27 = arith.divf %sub3A_22, %div3A_26 : vector<1024x256xf32>
    %ge3A = arith.constant 0.000000e+00 : f32
    %ge3A_28 = vector.broadcast %ge3A : f32 to vector<1024x256xf32>
    %ge3A_29 = arith.cmpf oge, %div3A_27, %ge3A_28 : vector<1024x256xf32>
    %mul3A_30 = arith.constant 2.000000e-01 : f32
    %mul3A_31 = vector.broadcast %mul3A_30 : f32 to vector<1024x256xf32>
    %mul3A_32 = arith.mulf %mul3A_31, %div3A_27 : vector<1024x256xf32>
    %select_n3A = arith.select %ge3A_29, %div3A_27, %mul3A_32 : vector<1024x256xi1>, vector<1024x256xf32>
    %swap3A = arith.constant 0 : index
    %swap3A_33 = arith.constant 0 : index
    %swap3A_34 = vector.load %arg6[%swap3A, %swap3A_33] : memref<1024x256xf32, #tpu.memory_space<vmem>>, vector<1024x256xf32>
    tpu.vector_store %arg6[%swap3A, %swap3A_33], %select_n3A {strides = array<i32>} : memref<1024x256xf32, #tpu.memory_space<vmem>>, vector<1024x256xf32>,
    return
  }
  func.func @transform_0(%arg0: i32) -> (i32, i32) {
    %c0_i32 = arith.constant 0 : i32
    %c0_i32_0 = arith.constant 0 : i32
    return %arg0, %c0_i32 : i32, i32
  }
  func.func @transform_1(%arg0: i32) -> (i32, i32) {
    %c0_i32 = arith.constant 0 : i32
    %c0_i32_0 = arith.constant 0 : i32
    return %arg0, %c0_i32 : i32, i32
  }
  func.func @transform_2(%arg0: i32) -> (i32, i32) {
    %c0_i32 = arith.constant 0 : i32
    %c0_i32_0 = arith.constant 0 : i32
    %c0_i32_1 = arith.constant 0 : i32
    return %c0_i32, %c0_i32_0 : i32, i32
  }
  func.func @transform_3(%arg0: i32) -> (i32, i32) {
    %c0_i32 = arith.constant 0 : i32
    %c0_i32_0 = arith.constant 0 : i32
    %c0_i32_1 = arith.constant 0 : i32
    return %c0_i32, %c0_i32_0 : i32, i32
  }
  func.func @transform_4(%arg0: i32) -> (i32, i32) {
    %c0_i32 = arith.constant 0 : i32
    %c0_i32_0 = arith.constant 0 : i32
    %c0_i32_1 = arith.constant 0 : i32
    return %c0_i32, %c0_i32_0 : i32, i32
  }
  func.func @transform_5(%arg0: i32) -> (i32, i32) {
    %c0_i32 = arith.constant 0 : i32
    %c0_i32_0 = arith.constant 0 : i32
    return %arg0, %c0_i32 : i32, i32
  }
}

module attributes {stable_mosaic.version = 14 : i64} {
  func.func @body(%arg0: i32, %arg1: i32, %arg2: memref<512x64xf32, #tpu.memory_space<vmem>>, %arg3: memref<512x64xf32, #tpu.memory_space<vmem>>, %arg4: memref<512x128xf32, #tpu.memory_space<vmem>>, %arg5: memref<512x256xf32, #tpu.memory_space<vmem>>, %arg6: memref<128x512xf32, #tpu.memory_space<vmem>>, %arg7: memref<512x128xf32, #tpu.memory_space<vmem>>, %arg8: memref<1x128xf32, #tpu.memory_space<vmem>>, %arg9: memref<1x128xf32, #tpu.memory_space<vmem>>, %arg10: memref<1x1x128xf32, #tpu.memory_space<vmem>>) attributes {dimension_semantics = [#tpu.dimension_semantics<arbitrary>, #tpu.dimension_semantics<arbitrary>], iteration_bounds = array<i64: 8, 4>, scalar_prefetch = 0 : i64, scratch_operands = 0 : i64, tpu.core_type = #tpu.core_type<tc>, window_params = [{transform_indices = @transform_0, window_bounds = array<i64: 512, 64>}, {transform_indices = @transform_1, window_bounds = array<i64: 512, 64>}, {transform_indices = @transform_2, window_bounds = array<i64: 512, 128>}, {transform_indices = @transform_3, window_bounds = array<i64: 512, 256>}, {pipeline_mode = #tpu.pipeline_mode<synchronous>, transform_indices = @transform_4, window_bounds = array<i64: 128, 512>}, {transform_indices = @transform_5, window_bounds = array<i64: 512, 128>}, {pipeline_mode = #tpu.pipeline_mode<synchronous>, transform_indices = @transform_6, window_bounds = array<i64: 1, 128>}, {pipeline_mode = #tpu.pipeline_mode<synchronous>, transform_indices = @transform_7, window_bounds = array<i64: 1, 128>}, {transform_indices = @transform_8, window_bounds = array<i64: 1, 1, 128>}]} {
    %eq3A = arith.constant 0 : i32
    %eq3A_0 = arith.cmpi eq, %arg0, %eq3A : i32
    %eq3A_1 = arith.constant 0 : i32
    %eq3A_2 = arith.cmpi eq, %arg1, %eq3A_1 : i32
    %and3A = arith.andi %eq3A_0, %eq3A_2 : i1
    %convert_element_type3A = arith.extui %and3A : i1 to i32
    %cond3A = arith.constant 0 : i32
    %cond3A_3 = arith.cmpi ne, %convert_element_type3A, %cond3A : i32
    scf.if %cond3A_3 {
      %broadcast_in_dim3A_68 = arith.constant 0.000000e+00 : f32
      %broadcast_in_dim3A_69 = vector.broadcast %broadcast_in_dim3A_68 : f32 to vector<1x128xf32>
      %swap3A_70 = arith.constant 0 : index
      %swap3A_71 = arith.constant 0 : index
      %swap3A_72 = vector.load %arg8[%swap3A_70, %swap3A_71] : memref<1x128xf32, #tpu.memory_space<vmem>>, vector<1x128xf32>
      tpu.vector_store %arg8[%swap3A_70, %swap3A_71], %broadcast_in_dim3A_69 {strides = array<i32>} : memref<1x128xf32, #tpu.memory_space<vmem>>, vector<1x128xf32>,
      %broadcast_in_dim3A_73 = arith.constant 0.000000e+00 : f32
      %broadcast_in_dim3A_74 = vector.broadcast %broadcast_in_dim3A_73 : f32 to vector<1x128xf32>
      %swap3A_75 = arith.constant 0 : index
      %swap3A_76 = arith.constant 0 : index
      %swap3A_77 = vector.load %arg9[%swap3A_75, %swap3A_76] : memref<1x128xf32, #tpu.memory_space<vmem>>, vector<1x128xf32>
      tpu.vector_store %arg9[%swap3A_75, %swap3A_76], %broadcast_in_dim3A_74 {strides = array<i32>} : memref<1x128xf32, #tpu.memory_space<vmem>>, vector<1x128xf32>,
    } else {
    }
    %eq3A_4 = arith.constant 0 : i32
    %eq3A_5 = arith.cmpi eq, %arg1, %eq3A_4 : i32
    %convert_element_type3A_6 = arith.extui %eq3A_5 : i1 to i32
    %cond3A_7 = arith.constant 0 : i32
    %cond3A_8 = arith.cmpi ne, %convert_element_type3A_6, %cond3A_7 : i32
    scf.if %cond3A_8 {
      %broadcast_in_dim3A_68 = arith.constant -3.000000e+38 : f32
      %broadcast_in_dim3A_69 = vector.broadcast %broadcast_in_dim3A_68 : f32 to vector<1x128xf32>
      %swap3A_70 = arith.constant 0 : index
      %swap3A_71 = arith.constant 0 : index
      %swap3A_72 = arith.constant 0 : index
      %swap3A_73 = vector.load %arg10[%swap3A_70, %swap3A_71, %swap3A_72] : memref<1x1x128xf32, #tpu.memory_space<vmem>>, vector<1x1x128xf32>
      %swap3A_74 = vector.shape_cast %swap3A_73 : vector<1x1x128xf32> to vector<1x128xf32>
      %swap3A_75 = vector.shape_cast %broadcast_in_dim3A_69 : vector<1x128xf32> to vector<1x1x128xf32>
      tpu.vector_store %arg10[%swap3A_70, %swap3A_71, %swap3A_72], %swap3A_75 {strides = array<i32>} : memref<1x1x128xf32, #tpu.memory_space<vmem>>, vector<1x1x128xf32>,
    } else {
    }
    %get3A = arith.constant 0 : index
    %get3A_9 = arith.constant 0 : index
    %get3A_10 = vector.load %arg6[%get3A, %get3A_9] : memref<128x512xf32, #tpu.memory_space<vmem>>, vector<128x512xf32>
    %get3A_11 = arith.constant 0 : index
    %get3A_12 = arith.constant 0 : index
    %get3A_13 = vector.load %arg2[%get3A_11, %get3A_12] : memref<512x64xf32, #tpu.memory_space<vmem>>, vector<512x64xf32>
    %slice3A = vector.extract_strided_slice %get3A_10 {offsets = [0, 0], sizes = [128, 64], strides = [1, 1]} : vector<128x512xf32> to vector<128x64xf32>
    %dot_general3A = arith.constant dense<0.000000e+00> : vector<512x128xf32>
    %dot_general3A_14 = tpu.matmul %get3A_13, %slice3A, %dot_general3A {dimension_numbers = #tpu.dot_dimension_numbers<[1], [1], [0], [0], [0, 0, 1, 0], [], []>, transpose_lhs_hint = false} : vector<512x64xf32>, vector<128x64xf32>, vector<512x128xf32> -> vector<512x128xf32>
    %get3A_15 = arith.constant 0 : index
    %get3A_16 = arith.constant 0 : index
    %get3A_17 = vector.load %arg3[%get3A_15, %get3A_16] : memref<512x64xf32, #tpu.memory_space<vmem>>, vector<512x64xf32>
    %slice3A_18 = vector.extract_strided_slice %get3A_10 {offsets = [0, 64], sizes = [128, 64], strides = [1, 1]} : vector<128x512xf32> to vector<128x64xf32>
    %dot_general3A_19 = arith.constant dense<0.000000e+00> : vector<512x128xf32>
    %dot_general3A_20 = tpu.matmul %get3A_17, %slice3A_18, %dot_general3A_19 {dimension_numbers = #tpu.dot_dimension_numbers<[1], [1], [0], [0], [0, 0, 1, 0], [], []>, transpose_lhs_hint = false} : vector<512x64xf32>, vector<128x64xf32>, vector<512x128xf32> -> vector<512x128xf32>
    %add3A = arith.addf %dot_general3A_14, %dot_general3A_20 : vector<512x128xf32>
    %get3A_21 = arith.constant 0 : index
    %get3A_22 = arith.constant 0 : index
    %get3A_23 = vector.load %arg4[%get3A_21, %get3A_22] : memref<512x128xf32, #tpu.memory_space<vmem>>, vector<512x128xf32>
    %slice3A_24 = vector.extract_strided_slice %get3A_10 {offsets = [0, 128], sizes = [128, 128], strides = [1, 1]} : vector<128x512xf32> to vector<128x128xf32>
    %dot_general3A_25 = arith.constant dense<0.000000e+00> : vector<512x128xf32>
    %dot_general3A_26 = tpu.matmul %get3A_23, %slice3A_24, %dot_general3A_25 {dimension_numbers = #tpu.dot_dimension_numbers<[1], [1], [0], [0], [0, 0, 1, 0], [], []>, transpose_lhs_hint = false} : vector<512x128xf32>, vector<128x128xf32>, vector<512x128xf32> -> vector<512x128xf32>
    %add3A_27 = arith.addf %add3A, %dot_general3A_26 : vector<512x128xf32>
    %get3A_28 = arith.constant 0 : index
    %get3A_29 = arith.constant 0 : index
    %get3A_30 = vector.load %arg5[%get3A_28, %get3A_29] : memref<512x256xf32, #tpu.memory_space<vmem>>, vector<512x256xf32>
    %slice3A_31 = vector.extract_strided_slice %get3A_10 {offsets = [0, 256], sizes = [128, 256], strides = [1, 1]} : vector<128x512xf32> to vector<128x256xf32>
    %dot_general3A_32 = arith.constant dense<0.000000e+00> : vector<512x128xf32>
    %dot_general3A_33 = tpu.matmul %get3A_30, %slice3A_31, %dot_general3A_32 {dimension_numbers = #tpu.dot_dimension_numbers<[1], [1], [0], [0], [0, 0, 1, 0], [], []>, transpose_lhs_hint = false} : vector<512x256xf32>, vector<128x256xf32>, vector<512x128xf32> -> vector<512x128xf32>
    %add3A_34 = arith.addf %add3A_27, %dot_general3A_33 : vector<512x128xf32>
    %swap3A = arith.constant 0 : index
    %swap3A_35 = arith.constant 0 : index
    %swap3A_36 = vector.load %arg7[%swap3A, %swap3A_35] : memref<512x128xf32, #tpu.memory_space<vmem>>, vector<512x128xf32>
    tpu.vector_store %arg7[%swap3A, %swap3A_35], %add3A_34 {strides = array<i32>} : memref<512x128xf32, #tpu.memory_space<vmem>>, vector<512x128xf32>,
    %get3A_37 = arith.constant 0 : index
    %get3A_38 = arith.constant 0 : index
    %get3A_39 = vector.load %arg8[%get3A_37, %get3A_38] : memref<1x128xf32, #tpu.memory_space<vmem>>, vector<1x128xf32>
    %reduce_sum3A = arith.constant dense<0.000000e+00> : vector<128xf32>
    %reduce_sum3A_40 = vector.multi_reduction <add>, %add3A_34, %reduce_sum3A [0] : vector<512x128xf32> to vector<128xf32>
    %broadcast_in_dim3A = vector.shape_cast %reduce_sum3A_40 : vector<128xf32> to vector<1x128xf32>
    %add3A_41 = arith.addf %get3A_39, %broadcast_in_dim3A : vector<1x128xf32>
    %swap3A_42 = arith.constant 0 : index
    %swap3A_43 = arith.constant 0 : index
    %swap3A_44 = vector.load %arg8[%swap3A_42, %swap3A_43] : memref<1x128xf32, #tpu.memory_space<vmem>>, vector<1x128xf32>
    tpu.vector_store %arg8[%swap3A_42, %swap3A_43], %add3A_41 {strides = array<i32>} : memref<1x128xf32, #tpu.memory_space<vmem>>, vector<1x128xf32>,
    %get3A_45 = arith.constant 0 : index
    %get3A_46 = arith.constant 0 : index
    %get3A_47 = vector.load %arg9[%get3A_45, %get3A_46] : memref<1x128xf32, #tpu.memory_space<vmem>>, vector<1x128xf32>
    %mul3A = arith.mulf %add3A_34, %add3A_34 : vector<512x128xf32>
    %reduce_sum3A_48 = arith.constant dense<0.000000e+00> : vector<128xf32>
    %reduce_sum3A_49 = vector.multi_reduction <add>, %mul3A, %reduce_sum3A_48 [0] : vector<512x128xf32> to vector<128xf32>
    %broadcast_in_dim3A_50 = vector.shape_cast %reduce_sum3A_49 : vector<128xf32> to vector<1x128xf32>
    %add3A_51 = arith.addf %get3A_47, %broadcast_in_dim3A_50 : vector<1x128xf32>
    %swap3A_52 = arith.constant 0 : index
    %swap3A_53 = arith.constant 0 : index
    %swap3A_54 = vector.load %arg9[%swap3A_52, %swap3A_53] : memref<1x128xf32, #tpu.memory_space<vmem>>, vector<1x128xf32>
    tpu.vector_store %arg9[%swap3A_52, %swap3A_53], %add3A_51 {strides = array<i32>} : memref<1x128xf32, #tpu.memory_space<vmem>>, vector<1x128xf32>,
    %get3A_55 = arith.constant 0 : index
    %get3A_56 = arith.constant 0 : index
    %get3A_57 = arith.constant 0 : index
    %get3A_58 = vector.load %arg10[%get3A_55, %get3A_56, %get3A_57] : memref<1x1x128xf32, #tpu.memory_space<vmem>>, vector<1x1x128xf32>
    %get3A_59 = vector.shape_cast %get3A_58 : vector<1x1x128xf32> to vector<1x128xf32>
    %reduce_max3A = arith.constant dense<0xFF800000> : vector<128xf32>
    %reduce_max3A_60 = vector.multi_reduction <maximumf>, %add3A_34, %reduce_max3A [0] : vector<512x128xf32> to vector<128xf32>
    %broadcast_in_dim3A_61 = vector.shape_cast %reduce_max3A_60 : vector<128xf32> to vector<1x128xf32>
    %max3A = arith.maximumf %get3A_59, %broadcast_in_dim3A_61 : vector<1x128xf32>
    %swap3A_62 = arith.constant 0 : index
    %swap3A_63 = arith.constant 0 : index
    %swap3A_64 = arith.constant 0 : index
    %swap3A_65 = vector.load %arg10[%swap3A_62, %swap3A_63, %swap3A_64] : memref<1x1x128xf32, #tpu.memory_space<vmem>>, vector<1x1x128xf32>
    %swap3A_66 = vector.shape_cast %swap3A_65 : vector<1x1x128xf32> to vector<1x128xf32>
    %swap3A_67 = vector.shape_cast %max3A : vector<1x128xf32> to vector<1x1x128xf32>
    tpu.vector_store %arg10[%swap3A_62, %swap3A_63, %swap3A_64], %swap3A_67 {strides = array<i32>} : memref<1x1x128xf32, #tpu.memory_space<vmem>>, vector<1x1x128xf32>,
    return
  }
  func.func @transform_0(%arg0: i32, %arg1: i32) -> (i32, i32) {
    %mul3A = arith.constant 4 : i32
    %mul3A_0 = arith.muli %arg0, %mul3A : i32
    %add3A = arith.addi %mul3A_0, %arg1 : i32
    %c0_i32 = arith.constant 0 : i32
    %c0_i32_1 = arith.constant 0 : i32
    return %add3A, %c0_i32 : i32, i32
  }
  func.func @transform_1(%arg0: i32, %arg1: i32) -> (i32, i32) {
    %mul3A = arith.constant 4 : i32
    %mul3A_0 = arith.muli %arg0, %mul3A : i32
    %add3A = arith.addi %mul3A_0, %arg1 : i32
    %c0_i32 = arith.constant 0 : i32
    %c0_i32_1 = arith.constant 0 : i32
    return %add3A, %c0_i32 : i32, i32
  }
  func.func @transform_2(%arg0: i32, %arg1: i32) -> (i32, i32) {
    %mul3A = arith.constant 4 : i32
    %mul3A_0 = arith.muli %arg0, %mul3A : i32
    %add3A = arith.addi %mul3A_0, %arg1 : i32
    %c0_i32 = arith.constant 0 : i32
    %c0_i32_1 = arith.constant 0 : i32
    return %add3A, %c0_i32 : i32, i32
  }
  func.func @transform_3(%arg0: i32, %arg1: i32) -> (i32, i32) {
    %mul3A = arith.constant 4 : i32
    %mul3A_0 = arith.muli %arg0, %mul3A : i32
    %add3A = arith.addi %mul3A_0, %arg1 : i32
    %c0_i32 = arith.constant 0 : i32
    %c0_i32_1 = arith.constant 0 : i32
    return %add3A, %c0_i32 : i32, i32
  }
  func.func @transform_4(%arg0: i32, %arg1: i32) -> (i32, i32) {
    %c0_i32 = arith.constant 0 : i32
    %c0_i32_0 = arith.constant 0 : i32
    %c0_i32_1 = arith.constant 0 : i32
    return %c0_i32, %c0_i32_0 : i32, i32
  }
  func.func @transform_5(%arg0: i32, %arg1: i32) -> (i32, i32) {
    %mul3A = arith.constant 4 : i32
    %mul3A_0 = arith.muli %arg0, %mul3A : i32
    %add3A = arith.addi %mul3A_0, %arg1 : i32
    %c0_i32 = arith.constant 0 : i32
    %c0_i32_1 = arith.constant 0 : i32
    return %add3A, %c0_i32 : i32, i32
  }
  func.func @transform_6(%arg0: i32, %arg1: i32) -> (i32, i32) {
    %c0_i32 = arith.constant 0 : i32
    %c0_i32_0 = arith.constant 0 : i32
    %c0_i32_1 = arith.constant 0 : i32
    return %c0_i32, %c0_i32_0 : i32, i32
  }
  func.func @transform_7(%arg0: i32, %arg1: i32) -> (i32, i32) {
    %c0_i32 = arith.constant 0 : i32
    %c0_i32_0 = arith.constant 0 : i32
    %c0_i32_1 = arith.constant 0 : i32
    return %c0_i32, %c0_i32_0 : i32, i32
  }
  func.func @transform_8(%arg0: i32, %arg1: i32) -> (i32, i32, i32) {
    %c0_i32 = arith.constant 0 : i32
    %c0_i32_0 = arith.constant 0 : i32
    %c0_i32_1 = arith.constant 0 : i32
    return %arg0, %c0_i32, %c0_i32_0 : i32, i32, i32
  }
}

module attributes {stable_mosaic.version = 14 : i64} {
  func.func @body(%arg0: i32, %arg1: i32, %arg2: memref<512x128xf32, #tpu.memory_space<vmem>>, %arg3: memref<1x128xf32, #tpu.memory_space<vmem>>, %arg4: memref<1x128xf32, #tpu.memory_space<vmem>>, %arg5: memref<1x1x128xf32, #tpu.memory_space<vmem>>) attributes {dimension_semantics = [#tpu.dimension_semantics<arbitrary>, #tpu.dimension_semantics<arbitrary>], iteration_bounds = array<i64: 8, 4>, scalar_prefetch = 0 : i64, scratch_operands = 0 : i64, tpu.core_type = #tpu.core_type<tc>, window_params = [{transform_indices = @transform_0, window_bounds = array<i64: 512, 128>}, {pipeline_mode = #tpu.pipeline_mode<synchronous>, transform_indices = @transform_1, window_bounds = array<i64: 1, 128>}, {pipeline_mode = #tpu.pipeline_mode<synchronous>, transform_indices = @transform_2, window_bounds = array<i64: 1, 128>}, {transform_indices = @transform_3, window_bounds = array<i64: 1, 1, 128>}]} {
    %eq3A = arith.constant 0 : i32
    %eq3A_0 = arith.cmpi eq, %arg1, %eq3A : i32
    %convert_element_type3A = arith.extui %eq3A_0 : i1 to i32
    %cond3A = arith.constant 0 : i32
    %cond3A_1 = arith.cmpi ne, %convert_element_type3A, %cond3A : i32
    scf.if %cond3A_1 {
      %broadcast_in_dim3A_41 = arith.constant 0.000000e+00 : f32
      %broadcast_in_dim3A_42 = vector.broadcast %broadcast_in_dim3A_41 : f32 to vector<1x128xf32>
      %swap3A_43 = arith.constant 0 : index
      %swap3A_44 = arith.constant 0 : index
      %swap3A_45 = arith.constant 0 : index
      %swap3A_46 = vector.load %arg5[%swap3A_43, %swap3A_44, %swap3A_45] : memref<1x1x128xf32, #tpu.memory_space<vmem>>, vector<1x1x128xf32>
      %swap3A_47 = vector.shape_cast %swap3A_46 : vector<1x1x128xf32> to vector<1x128xf32>
      %swap3A_48 = vector.shape_cast %broadcast_in_dim3A_42 : vector<1x128xf32> to vector<1x1x128xf32>
      tpu.vector_store %arg5[%swap3A_43, %swap3A_44, %swap3A_45], %swap3A_48 {strides = array<i32>} : memref<1x1x128xf32, #tpu.memory_space<vmem>>, vector<1x1x128xf32>,
    } else {
    }
    %get3A = arith.constant 0 : index
    %get3A_2 = arith.constant 0 : index
    %get3A_3 = vector.load %arg3[%get3A, %get3A_2] : memref<1x128xf32, #tpu.memory_space<vmem>>, vector<1x128xf32>
    %div3A = arith.constant 1.638400e+04 : f32
    %div3A_4 = vector.broadcast %div3A : f32 to vector<1x128xf32>
    %div3A_5 = arith.divf %get3A_3, %div3A_4 : vector<1x128xf32>
    %get3A_6 = arith.constant 0 : index
    %get3A_7 = arith.constant 0 : index
    %get3A_8 = vector.load %arg4[%get3A_6, %get3A_7] : memref<1x128xf32, #tpu.memory_space<vmem>>, vector<1x128xf32>
    %div3A_9 = arith.constant 1.638400e+04 : f32
    %div3A_10 = vector.broadcast %div3A_9 : f32 to vector<1x128xf32>
    %div3A_11 = arith.divf %get3A_8, %div3A_10 : vector<1x128xf32>
    %mul3A = arith.mulf %div3A_5, %div3A_5 : vector<1x128xf32>
    %sub3A = arith.subf %div3A_11, %mul3A : vector<1x128xf32>
    %get3A_12 = arith.constant 0 : index
    %get3A_13 = arith.constant 0 : index
    %get3A_14 = vector.load %arg2[%get3A_12, %get3A_13] : memref<512x128xf32, #tpu.memory_space<vmem>>, vector<512x128xf32>
    %sub3A_15 = vector.broadcast %div3A_5 : vector<1x128xf32> to vector<512x128xf32>
    %sub3A_16 = arith.subf %get3A_14, %sub3A_15 : vector<512x128xf32>
    %add3A = arith.constant 9.99999974E-6 : f32
    %add3A_17 = vector.broadcast %add3A : f32 to vector<1x128xf32>
    %add3A_18 = arith.addf %sub3A, %add3A_17 : vector<1x128xf32>
    %sqrt3A = math.sqrt %add3A_18 : vector<1x128xf32>
    %div3A_19 = vector.broadcast %sqrt3A : vector<1x128xf32> to vector<512x128xf32>
    %div3A_20 = arith.divf %sub3A_16, %div3A_19 : vector<512x128xf32>
    %ge3A = arith.constant 0.000000e+00 : f32
    %ge3A_21 = vector.broadcast %ge3A : f32 to vector<512x128xf32>
    %ge3A_22 = arith.cmpf oge, %div3A_20, %ge3A_21 : vector<512x128xf32>
    %mul3A_23 = arith.constant 2.000000e-01 : f32
    %mul3A_24 = vector.broadcast %mul3A_23 : f32 to vector<512x128xf32>
    %mul3A_25 = arith.mulf %mul3A_24, %div3A_20 : vector<512x128xf32>
    %select_n3A = arith.select %ge3A_22, %div3A_20, %mul3A_25 : vector<512x128xi1>, vector<512x128xf32>
    %get3A_26 = arith.constant 0 : index
    %get3A_27 = arith.constant 0 : index
    %get3A_28 = arith.constant 0 : index
    %get3A_29 = vector.load %arg5[%get3A_26, %get3A_27, %get3A_28] : memref<1x1x128xf32, #tpu.memory_space<vmem>>, vector<1x1x128xf32>
    %get3A_30 = vector.shape_cast %get3A_29 : vector<1x1x128xf32> to vector<1x128xf32>
    %reduce_sum3A = arith.constant dense<0.000000e+00> : vector<128xf32>
    %reduce_sum3A_31 = vector.multi_reduction <add>, %select_n3A, %reduce_sum3A [0] : vector<512x128xf32> to vector<128xf32>
    %broadcast_in_dim3A = vector.shape_cast %reduce_sum3A_31 : vector<128xf32> to vector<1x128xf32>
    %div3A_32 = arith.constant 2.048000e+03 : f32
    %div3A_33 = vector.broadcast %div3A_32 : f32 to vector<1x128xf32>
    %div3A_34 = arith.divf %broadcast_in_dim3A, %div3A_33 : vector<1x128xf32>
    %add3A_35 = arith.addf %get3A_30, %div3A_34 : vector<1x128xf32>
    %swap3A = arith.constant 0 : index
    %swap3A_36 = arith.constant 0 : index
    %swap3A_37 = arith.constant 0 : index
    %swap3A_38 = vector.load %arg5[%swap3A, %swap3A_36, %swap3A_37] : memref<1x1x128xf32, #tpu.memory_space<vmem>>, vector<1x1x128xf32>
    %swap3A_39 = vector.shape_cast %swap3A_38 : vector<1x1x128xf32> to vector<1x128xf32>
    %swap3A_40 = vector.shape_cast %add3A_35 : vector<1x128xf32> to vector<1x1x128xf32>
    tpu.vector_store %arg5[%swap3A, %swap3A_36, %swap3A_37], %swap3A_40 {strides = array<i32>} : memref<1x1x128xf32, #tpu.memory_space<vmem>>, vector<1x1x128xf32>,
    return
  }
  func.func @transform_0(%arg0: i32, %arg1: i32) -> (i32, i32) {
    %mul3A = arith.constant 4 : i32
    %mul3A_0 = arith.muli %arg0, %mul3A : i32
    %add3A = arith.addi %mul3A_0, %arg1 : i32
    %c0_i32 = arith.constant 0 : i32
    %c0_i32_1 = arith.constant 0 : i32
    return %add3A, %c0_i32 : i32, i32
  }
  func.func @transform_1(%arg0: i32, %arg1: i32) -> (i32, i32) {
    %c0_i32 = arith.constant 0 : i32
    %c0_i32_0 = arith.constant 0 : i32
    %c0_i32_1 = arith.constant 0 : i32
    return %c0_i32, %c0_i32_0 : i32, i32
  }
  func.func @transform_2(%arg0: i32, %arg1: i32) -> (i32, i32) {
    %c0_i32 = arith.constant 0 : i32
    %c0_i32_0 = arith.constant 0 : i32
    %c0_i32_1 = arith.constant 0 : i32
    return %c0_i32, %c0_i32_0 : i32, i32
  }
  func.func @transform_3(%arg0: i32, %arg1: i32) -> (i32, i32, i32) {
    %c0_i32 = arith.constant 0 : i32
    %c0_i32_0 = arith.constant 0 : i32
    %c0_i32_1 = arith.constant 0 : i32
    return %arg0, %c0_i32, %c0_i32_0 : i32, i32, i32
  }
}

module attributes {stable_mosaic.version = 14 : i64} {
  func.func @body(%arg0: memref<8x128xf32, #tpu.memory_space<vmem>>, %arg1: memref<8x128xf32, #tpu.memory_space<vmem>>, %arg2: memref<1x128xf32, #tpu.memory_space<vmem>>, %arg3: memref<1x128xf32, #tpu.memory_space<vmem>>, %arg4: memref<512x256xf32, #tpu.memory_space<vmem>>, %arg5: memref<256x512xf32, #tpu.memory_space<vmem>>, %arg6: memref<1x256xf32, #tpu.memory_space<vmem>>, %arg7: memref<128x256xf32, #tpu.memory_space<vmem>>, %arg8: memref<1x128xf32, #tpu.memory_space<vmem>>, %arg9: memref<32x128xf32, #tpu.memory_space<vmem>>, %arg10: memref<1x32xf32, #tpu.memory_space<vmem>>, %arg11: memref<40x32xf32, #tpu.memory_space<vmem>>, %arg12: memref<1x40xf32, #tpu.memory_space<vmem>>, %arg13: memref<8x40xf32, #tpu.memory_space<vmem>>) attributes {dimension_semantics = [], scalar_prefetch = 0 : i64, scratch_operands = 0 : i64, tpu.core_type = #tpu.core_type<tc>} {
    %get3A = arith.constant 0 : index
    %get3A_0 = arith.constant 0 : index
    %get3A_1 = vector.load %arg2[%get3A, %get3A_0] : memref<1x128xf32, #tpu.memory_space<vmem>>, vector<1x128xf32>
    %div3A = arith.constant 1.638400e+04 : f32
    %div3A_2 = vector.broadcast %div3A : f32 to vector<1x128xf32>
    %div3A_3 = arith.divf %get3A_1, %div3A_2 : vector<1x128xf32>
    %get3A_4 = arith.constant 0 : index
    %get3A_5 = arith.constant 0 : index
    %get3A_6 = vector.load %arg3[%get3A_4, %get3A_5] : memref<1x128xf32, #tpu.memory_space<vmem>>, vector<1x128xf32>
    %div3A_7 = arith.constant 1.638400e+04 : f32
    %div3A_8 = vector.broadcast %div3A_7 : f32 to vector<1x128xf32>
    %div3A_9 = arith.divf %get3A_6, %div3A_8 : vector<1x128xf32>
    %mul3A = arith.mulf %div3A_3, %div3A_3 : vector<1x128xf32>
    %sub3A = arith.subf %div3A_9, %mul3A : vector<1x128xf32>
    %get3A_10 = arith.constant 0 : index
    %get3A_11 = arith.constant 0 : index
    %get3A_12 = vector.load %arg0[%get3A_10, %get3A_11] : memref<8x128xf32, #tpu.memory_space<vmem>>, vector<8x128xf32>
    %sub3A_13 = vector.broadcast %div3A_3 : vector<1x128xf32> to vector<8x128xf32>
    %sub3A_14 = arith.subf %get3A_12, %sub3A_13 : vector<8x128xf32>
    %add3A = arith.constant 9.99999974E-6 : f32
    %add3A_15 = vector.broadcast %add3A : f32 to vector<1x128xf32>
    %add3A_16 = arith.addf %sub3A, %add3A_15 : vector<1x128xf32>
    %sqrt3A = math.sqrt %add3A_16 : vector<1x128xf32>
    %div3A_17 = vector.broadcast %sqrt3A : vector<1x128xf32> to vector<8x128xf32>
    %div3A_18 = arith.divf %sub3A_14, %div3A_17 : vector<8x128xf32>
    %ge3A = arith.constant 0.000000e+00 : f32
    %ge3A_19 = vector.broadcast %ge3A : f32 to vector<8x128xf32>
    %ge3A_20 = arith.cmpf oge, %div3A_18, %ge3A_19 : vector<8x128xf32>
    %mul3A_21 = arith.constant 2.000000e-01 : f32
    %mul3A_22 = vector.broadcast %mul3A_21 : f32 to vector<8x128xf32>
    %mul3A_23 = arith.mulf %mul3A_22, %div3A_18 : vector<8x128xf32>
    %select_n3A = arith.select %ge3A_20, %div3A_18, %mul3A_23 : vector<8x128xi1>, vector<8x128xf32>
    %get3A_24 = arith.constant 0 : index
    %get3A_25 = arith.constant 0 : index
    %get3A_26 = vector.load %arg1[%get3A_24, %get3A_25] : memref<8x128xf32, #tpu.memory_space<vmem>>, vector<8x128xf32>
    %concatenate3A = tpu.concatenate %select_n3A, %get3A_26 in 1 : vector<8x128xf32>, vector<8x128xf32> -> vector<8x256xf32>
    %get3A_27 = arith.constant 0 : index
    %get3A_28 = arith.constant 0 : index
    %get3A_29 = vector.load %arg4[%get3A_27, %get3A_28] : memref<512x256xf32, #tpu.memory_space<vmem>>, vector<512x256xf32>
    %dot_general3A = arith.constant dense<0.000000e+00> : vector<8x512xf32>
    %dot_general3A_30 = tpu.matmul %concatenate3A, %get3A_29, %dot_general3A {dimension_numbers = #tpu.dot_dimension_numbers<[1], [1], [0], [0], [0, 0, 1, 0], [], []>, transpose_lhs_hint = false} : vector<8x256xf32>, vector<512x256xf32>, vector<8x512xf32> -> vector<8x512xf32>
    %reduce_sum3A = arith.constant dense<0.000000e+00> : vector<512xf32>
    %reduce_sum3A_31 = vector.multi_reduction <add>, %dot_general3A_30, %reduce_sum3A [0] : vector<8x512xf32> to vector<512xf32>
    %broadcast_in_dim3A = vector.shape_cast %reduce_sum3A_31 : vector<512xf32> to vector<1x512xf32>
    %div3A_32 = arith.constant 8.000000e+00 : f32
    %div3A_33 = vector.broadcast %div3A_32 : f32 to vector<1x512xf32>
    %div3A_34 = arith.divf %broadcast_in_dim3A, %div3A_33 : vector<1x512xf32>
    %sub3A_35 = vector.broadcast %div3A_34 : vector<1x512xf32> to vector<8x512xf32>
    %sub3A_36 = arith.subf %dot_general3A_30, %sub3A_35 : vector<8x512xf32>
    %sub3A_37 = vector.broadcast %div3A_34 : vector<1x512xf32> to vector<8x512xf32>
    %sub3A_38 = arith.subf %dot_general3A_30, %sub3A_37 : vector<8x512xf32>
    %mul3A_39 = arith.mulf %sub3A_36, %sub3A_38 : vector<8x512xf32>
    %reduce_sum3A_40 = arith.constant dense<0.000000e+00> : vector<512xf32>
    %reduce_sum3A_41 = vector.multi_reduction <add>, %mul3A_39, %reduce_sum3A_40 [0] : vector<8x512xf32> to vector<512xf32>
    %broadcast_in_dim3A_42 = vector.shape_cast %reduce_sum3A_41 : vector<512xf32> to vector<1x512xf32>
    %div3A_43 = arith.constant 8.000000e+00 : f32
    %div3A_44 = vector.broadcast %div3A_43 : f32 to vector<1x512xf32>
    %div3A_45 = arith.divf %broadcast_in_dim3A_42, %div3A_44 : vector<1x512xf32>
    %sub3A_46 = vector.broadcast %div3A_34 : vector<1x512xf32> to vector<8x512xf32>
    %sub3A_47 = arith.subf %dot_general3A_30, %sub3A_46 : vector<8x512xf32>
    %add3A_48 = arith.constant 9.99999974E-6 : f32
    %add3A_49 = vector.broadcast %add3A_48 : f32 to vector<1x512xf32>
    %add3A_50 = arith.addf %div3A_45, %add3A_49 : vector<1x512xf32>
    %sqrt3A_51 = math.sqrt %add3A_50 : vector<1x512xf32>
    %div3A_52 = vector.broadcast %sqrt3A_51 : vector<1x512xf32> to vector<8x512xf32>
    %div3A_53 = arith.divf %sub3A_47, %div3A_52 : vector<8x512xf32>
    %ge3A_54 = arith.constant 0.000000e+00 : f32
    %ge3A_55 = vector.broadcast %ge3A_54 : f32 to vector<8x512xf32>
    %ge3A_56 = arith.cmpf oge, %div3A_53, %ge3A_55 : vector<8x512xf32>
    %mul3A_57 = arith.constant 2.000000e-01 : f32
    %mul3A_58 = vector.broadcast %mul3A_57 : f32 to vector<8x512xf32>
    %mul3A_59 = arith.mulf %mul3A_58, %div3A_53 : vector<8x512xf32>
    %select_n3A_60 = arith.select %ge3A_56, %div3A_53, %mul3A_59 : vector<8x512xi1>, vector<8x512xf32>
    %get3A_61 = arith.constant 0 : index
    %get3A_62 = arith.constant 0 : index
    %get3A_63 = vector.load %arg5[%get3A_61, %get3A_62] : memref<256x512xf32, #tpu.memory_space<vmem>>, vector<256x512xf32>
    %dot_general3A_64 = arith.constant dense<0.000000e+00> : vector<8x256xf32>
    %dot_general3A_65 = tpu.matmul %select_n3A_60, %get3A_63, %dot_general3A_64 {dimension_numbers = #tpu.dot_dimension_numbers<[1], [1], [0], [0], [0, 0, 1, 0], [], []>, transpose_lhs_hint = false} : vector<8x512xf32>, vector<256x512xf32>, vector<8x256xf32> -> vector<8x256xf32>
    %get3A_66 = arith.constant 0 : index
    %get3A_67 = arith.constant 0 : index
    %get3A_68 = vector.load %arg6[%get3A_66, %get3A_67] : memref<1x256xf32, #tpu.memory_space<vmem>>, vector<1x256xf32>
    %add3A_69 = vector.broadcast %get3A_68 : vector<1x256xf32> to vector<8x256xf32>
    %add3A_70 = arith.addf %dot_general3A_65, %add3A_69 : vector<8x256xf32>
    %reduce_sum3A_71 = arith.constant dense<0.000000e+00> : vector<256xf32>
    %reduce_sum3A_72 = vector.multi_reduction <add>, %add3A_70, %reduce_sum3A_71 [0] : vector<8x256xf32> to vector<256xf32>
    %broadcast_in_dim3A_73 = vector.shape_cast %reduce_sum3A_72 : vector<256xf32> to vector<1x256xf32>
    %div3A_74 = arith.constant 8.000000e+00 : f32
    %div3A_75 = vector.broadcast %div3A_74 : f32 to vector<1x256xf32>
    %div3A_76 = arith.divf %broadcast_in_dim3A_73, %div3A_75 : vector<1x256xf32>
    %sub3A_77 = vector.broadcast %div3A_76 : vector<1x256xf32> to vector<8x256xf32>
    %sub3A_78 = arith.subf %add3A_70, %sub3A_77 : vector<8x256xf32>
    %sub3A_79 = vector.broadcast %div3A_76 : vector<1x256xf32> to vector<8x256xf32>
    %sub3A_80 = arith.subf %add3A_70, %sub3A_79 : vector<8x256xf32>
    %mul3A_81 = arith.mulf %sub3A_78, %sub3A_80 : vector<8x256xf32>
    %reduce_sum3A_82 = arith.constant dense<0.000000e+00> : vector<256xf32>
    %reduce_sum3A_83 = vector.multi_reduction <add>, %mul3A_81, %reduce_sum3A_82 [0] : vector<8x256xf32> to vector<256xf32>
    %broadcast_in_dim3A_84 = vector.shape_cast %reduce_sum3A_83 : vector<256xf32> to vector<1x256xf32>
    %div3A_85 = arith.constant 8.000000e+00 : f32
    %div3A_86 = vector.broadcast %div3A_85 : f32 to vector<1x256xf32>
    %div3A_87 = arith.divf %broadcast_in_dim3A_84, %div3A_86 : vector<1x256xf32>
    %sub3A_88 = vector.broadcast %div3A_76 : vector<1x256xf32> to vector<8x256xf32>
    %sub3A_89 = arith.subf %add3A_70, %sub3A_88 : vector<8x256xf32>
    %add3A_90 = arith.constant 9.99999974E-6 : f32
    %add3A_91 = vector.broadcast %add3A_90 : f32 to vector<1x256xf32>
    %add3A_92 = arith.addf %div3A_87, %add3A_91 : vector<1x256xf32>
    %sqrt3A_93 = math.sqrt %add3A_92 : vector<1x256xf32>
    %div3A_94 = vector.broadcast %sqrt3A_93 : vector<1x256xf32> to vector<8x256xf32>
    %div3A_95 = arith.divf %sub3A_89, %div3A_94 : vector<8x256xf32>
    %ge3A_96 = arith.constant 0.000000e+00 : f32
    %ge3A_97 = vector.broadcast %ge3A_96 : f32 to vector<8x256xf32>
    %ge3A_98 = arith.cmpf oge, %div3A_95, %ge3A_97 : vector<8x256xf32>
    %mul3A_99 = arith.constant 2.000000e-01 : f32
    %mul3A_100 = vector.broadcast %mul3A_99 : f32 to vector<8x256xf32>
    %mul3A_101 = arith.mulf %mul3A_100, %div3A_95 : vector<8x256xf32>
    %select_n3A_102 = arith.select %ge3A_98, %div3A_95, %mul3A_101 : vector<8x256xi1>, vector<8x256xf32>
    %get3A_103 = arith.constant 0 : index
    %get3A_104 = arith.constant 0 : index
    %get3A_105 = vector.load %arg7[%get3A_103, %get3A_104] : memref<128x256xf32, #tpu.memory_space<vmem>>, vector<128x256xf32>
    %dot_general3A_106 = arith.constant dense<0.000000e+00> : vector<8x128xf32>
    %dot_general3A_107 = tpu.matmul %select_n3A_102, %get3A_105, %dot_general3A_106 {dimension_numbers = #tpu.dot_dimension_numbers<[1], [1], [0], [0], [0, 0, 1, 0], [], []>, transpose_lhs_hint = false} : vector<8x256xf32>, vector<128x256xf32>, vector<8x128xf32> -> vector<8x128xf32>
    %get3A_108 = arith.constant 0 : index
    %get3A_109 = arith.constant 0 : index
    %get3A_110 = vector.load %arg8[%get3A_108, %get3A_109] : memref<1x128xf32, #tpu.memory_space<vmem>>, vector<1x128xf32>
    %add3A_111 = vector.broadcast %get3A_110 : vector<1x128xf32> to vector<8x128xf32>
    %add3A_112 = arith.addf %dot_general3A_107, %add3A_111 : vector<8x128xf32>
    %get3A_113 = arith.constant 0 : index
    %get3A_114 = arith.constant 0 : index
    %get3A_115 = vector.load %arg9[%get3A_113, %get3A_114] : memref<32x128xf32, #tpu.memory_space<vmem>>, vector<32x128xf32>
    %dot_general3A_116 = arith.constant dense<0.000000e+00> : vector<8x32xf32>
    %dot_general3A_117 = tpu.matmul %add3A_112, %get3A_115, %dot_general3A_116 {dimension_numbers = #tpu.dot_dimension_numbers<[1], [1], [0], [0], [0, 0, 1, 0], [], []>, transpose_lhs_hint = false} : vector<8x128xf32>, vector<32x128xf32>, vector<8x32xf32> -> vector<8x32xf32>
    %get3A_118 = arith.constant 0 : index
    %get3A_119 = arith.constant 0 : index
    %get3A_120 = vector.load %arg10[%get3A_118, %get3A_119] : memref<1x32xf32, #tpu.memory_space<vmem>>, vector<1x32xf32>
    %add3A_121 = vector.broadcast %get3A_120 : vector<1x32xf32> to vector<8x32xf32>
    %add3A_122 = arith.addf %dot_general3A_117, %add3A_121 : vector<8x32xf32>
    %get3A_123 = arith.constant 0 : index
    %get3A_124 = arith.constant 0 : index
    %get3A_125 = vector.load %arg11[%get3A_123, %get3A_124] : memref<40x32xf32, #tpu.memory_space<vmem>>, vector<40x32xf32>
    %dot_general3A_126 = arith.constant dense<0.000000e+00> : vector<8x40xf32>
    %dot_general3A_127 = tpu.matmul %add3A_122, %get3A_125, %dot_general3A_126 {dimension_numbers = #tpu.dot_dimension_numbers<[1], [1], [0], [0], [0, 0, 1, 0], [], []>, transpose_lhs_hint = false} : vector<8x32xf32>, vector<40x32xf32>, vector<8x40xf32> -> vector<8x40xf32>
    %get3A_128 = arith.constant 0 : index
    %get3A_129 = arith.constant 0 : index
    %get3A_130 = vector.load %arg12[%get3A_128, %get3A_129] : memref<1x40xf32, #tpu.memory_space<vmem>>, vector<1x40xf32>
    %add3A_131 = vector.broadcast %get3A_130 : vector<1x40xf32> to vector<8x40xf32>
    %add3A_132 = arith.addf %dot_general3A_127, %add3A_131 : vector<8x40xf32>
    %swap3A = arith.constant 0 : index
    %swap3A_133 = arith.constant 0 : index
    %swap3A_134 = vector.load %arg13[%swap3A, %swap3A_133] : memref<8x40xf32, #tpu.memory_space<vmem>>, vector<8x40xf32>
    tpu.vector_store %arg13[%swap3A, %swap3A_133], %add3A_132 {strides = array<i32>} : memref<8x40xf32, #tpu.memory_space<vmem>>, vector<8x40xf32>,
    return
  }
}

</mosaic_0001>

<sc_bundles>
// kernel: kernel.24.cloned.1.call-start
scs
__scs_entry_jumppad:
0x0: {  	(pc) =	sbr.rel $0x88, $3  }
0x1: {  	(tag) =	ssettag $0x0;
	lr =	simm.s32 $0x1  }
0x2: {  	[smem:$0x3F92] =	sst lr;
	_ =	strace $0xD0000000  }
0x3: {  	_ = 	snop  }
0x4: {  	_ = 	snop  }
0x5: {  	_ = 	snop  }
0x6: {  	_ = 	snop  }
0x7: {  	_ = 	snop  }
__scs_overlays_trampoline_lowered:
0x8: {  	[smem:$0x3FA1] =	sst s0  }
0x9: {  	[smem:$0x3FA2] =	sst s1  }
0xa: {  	[smem:$0x3FA3] =	sst s2  }
0xb: {  	[smem:$0x3FA4] =	sst s3  }
0xc: {  	[smem:$0x3FA5] =	sst s4  }
0xd: {  	[smem:$0x3FA6] =	sst s5  }
0xe: {  	[smem:$0x3FA7] =	sst s6  }
0xf: {  	[smem:$0x3FA8] =	sst s7  }
0x10: {  	[smem:$0x3FA9] =	sst s8  }
0x11: {  	[smem:$0x3FAA] =	sst s9;
	s0 =	simm.s32 @!p0 $0x0  }
0x12: {  	s1 =	sld [smem:$0x3F90];
	s0 =	simm.s32 @p0 $0x1  }
0x13: {  	[smem:$0x3FAB] =	sst s0;
	s0 =	simm.s32 @!p1 $0x0  }
0x14: {  	s2 =	sld [smem:$0x3F8F];
	s0 =	simm.s32 @p1 $0x1  }
0x15: {  	[smem:$0x3FAC] =	sst s0;
	s0 =	simm.s32 @!p2 $0x0  }
0x16: {  	s3 =	sld [smem:$0x3FDB];
	s0 =	simm.s32 @p2 $0x1  }
0x17: {  	s4 =	simm.s32 $0x1BF5;
	[smem:$0x3FAE] =	sst s0  }
0x18: {  	s0 =	sld [smem:$0x3F91];
	_ =	swait.ge [sflag:s4], $0x0  }
0x19: {  	s7 =	sld [smem:$0x3F92]  }
0x1a: {  	s8 =	sadd.s32 $0xFFFFE003, lr  }
0x1b: {  	s9 =	sadd.s32 $0xFFFFFEF7, lr;
	s5 =	simm.s32 $0xFFFFFFFF;
	p2 =	slt.u32 s8, $0xFFFFF086  }
0x1c: {  	p1 =	slt.u32 s9, $0xF7A;
	s5 =	simm.s32 @!p2 $0x0  }
0x1d: {  	s5 =	simm.s32 @p1 $0x1;
	p0 =	seq.s32 s7, s2  }
0x1e: {  	s7 =	smul.u32 @!p0 $0xF7A, s2;
	p2 =	seq.s32 @!p0 s5, $0x0  }
0x1f: {  	s9 =	smul.u32 $0xF7A, s1;
	s8 =	simm.s32 @!p0 $0x1BF5;
	p2 =	por !p2, p0  }
0x20: {  	[sflag:s8] =	ssyncset.s32 @!p0 $0xFFFFF086;
	s6 =	sadd.s32 @!p0 s3, s7;
	s7 =	simm.s32 @!p0 $0x108  }
0x21: {  	s3 =	sadd.s32 s3, s9;
	s6 =	sadd.s32 @!p0 $0x88, s6;
	s7 =	simm.s32 @p2 $0x1082  }
0x22: {  	[simem:s7], [sflag:s8] =	dma.local @!p0 [hbm:s6], $0xF7A  }
0x23: {  	s9 =	sor.u32 $0xD0000000, s2;
	s6 =	simm.s32 $0x108;
	_ =	swait.ge @!p0 [sflag:s8], $0x0  }
0x24: {  	s3 =	sadd.s32 $0x88, s3;
	s6 =	simm.s32 @!p1 $0x1082;
	[sflag:s4] =	ssyncset.s32 $0xFFFFF086  }
0x25: {  	[simem:s6], [sflag:s4] =	dma.local [hbm:s3], $0xF7A  }
0x26: {  	[smem:$0x3F92] =	sst s1;
	(tag) =	ssettag s2;
	_ =	strace s9  }
0x27: {  	s1 =	sld [smem:$0x3FA2]  }
0x28: {  	s2 =	sld [smem:$0x3FA3]  }
0x29: {  	s4 =	sld [smem:$0x3FA5]  }
0x2a: {  	p0 =	seq.s32 s5, $0x0;
	s5 =	sld [smem:$0x3FA6]  }
0x2b: {  	s6 =	sld [smem:$0x3FA7]  }
0x2c: {  	s7 =	sld [smem:$0x3FA8]  }
0x2d: {  	s3 =	simm.s32 $0x108;
	s8 =	sld [smem:$0x3FA9]  }
0x2e: {  	s3 =	simm.s32 @!p0 $0x1082;
	s9 =	sld [smem:$0x3FAA]  }
0x2f: {  	lr =	sadd.s32 s0, s3;
	s0 =	sld [smem:$0x3FA1]  }
0x30: {  	s3 =	sld [smem:$0x3FA4]  }
0x31: {  	[smem:$0x3FAD] =	sst s10  }
0x32: {  	s10 =	sld [smem:$0x3FAB];
	_ =	sdelay $0x3  }
0x33: {  	p0 =	seq.s32 s10, $0x1;
	s10 =	sld [smem:$0x3FAD];
	_ =	sdelay $0x3  }
0x34: {  	[smem:$0x3FAD] =	sst s10  }
0x35: {  	s10 =	sld [smem:$0x3FAC];
	_ =	sdelay $0x3  }
0x36: {  	p1 =	seq.s32 s10, $0x1;
	s10 =	sld [smem:$0x3FAD];
	_ =	sdelay $0x3  }
0x37: {  	[smem:$0x3FAD] =	sst s10  }
0x38: {  	s10 =	sld [smem:$0x3FAE]  }
0x39: {  	_ = 	snop;
	(pc) =	sbr.ind lr, $3  }
0x3a: {  	_ = 	snop  }
0x3b: {  	_ = 	snop  }
0x3c: {  	p2 =	seq.s32 s10, $0x1;
	s10 =	sld [smem:$0x3FAD]  }
0x3d: {  	_ =	shalt  }
0x3e: {  	_ =	shalt  }
0x3f: {  	_ =	shalt  }
0x40: {  	_ =	shalt  }
0x41: {  	_ =	shalt  }
0x42: {  	_ =	shalt  }
0x43: {  	_ =	shalt  }
0x44: {  	_ =	shalt  }
0x45: {  	_ =	shalt  }
0x46: {  	_ =	shalt  }
0x47: {  	_ =	shalt  }
0x48: {  	_ =	shalt  }
0x49: {  	_ =	shalt  }
0x4a: {  	_ =	shalt  }
0x4b: {  	_ =	shalt  }
0x4c: {  	_ =	shalt  }
0x4d: {  	_ =	shalt  }
0x4e: {  	_ =	shalt  }
0x4f: {  	_ =	shalt  }
0x50: {  	_ =	shalt  }
0x51: {  	_ =	shalt  }
0x52: {  	_ =	shalt  }
0x53: {  	_ =	shalt  }
0x54: {  	_ =	shalt  }
0x55: {  	_ =	shalt  }
0x56: {  	_ =	shalt  }
0x57: {  	_ =	shalt  }
0x58: {  	_ =	shalt  }
0x59: {  	_ =	shalt  }
0x5a: {  	_ =	shalt  }
0x5b: {  	_ =	shalt  }
0x5c: {  	_ =	shalt  }
0x5d: {  	_ =	shalt  }
0x5e: {  	_ =	shalt  }
0x5f: {  	_ =	shalt  }
0x60: {  	_ =	shalt  }
0x61: {  	_ =	shalt  }
0x62: {  	_ =	shalt  }
0x63: {  	_ =	shalt  }
0x64: {  	_ =	shalt  }
0x65: {  	_ =	shalt  }
0x66: {  	_ =	shalt  }
0x67: {  	_ =	shalt  }
0x68: {  	_ =	shalt  }
0x69: {  	_ =	shalt  }
0x6a: {  	_ =	shalt  }
0x6b: {  	_ =	shalt  }
0x6c: {  	_ =	shalt  }
0x6d: {  	_ =	shalt  }
0x6e: {  	_ =	shalt  }
0x6f: {  	_ =	shalt  }
0x70: {  	_ =	shalt  }
0x71: {  	_ =	shalt  }
0x72: {  	_ =	shalt  }
0x73: {  	_ =	shalt  }
0x74: {  	_ =	shalt  }
0x75: {  	_ =	shalt  }
0x76: {  	_ =	shalt  }
0x77: {  	_ =	shalt  }
0x78: {  	_ =	shalt  }
0x79: {  	_ =	shalt  }
0x7a: {  	_ =	shalt  }
0x7b: {  	_ =	shalt  }
0x7c: {  	_ =	shalt  }
0x7d: {  	_ =	shalt  }
0x7e: {  	_ =	shalt  }
0x7f: {  	_ =	shalt  }
0x80: {  	_ =	shalt  }
0x81: {  	_ =	shalt  }
0x82: {  	_ =	shalt  }
0x83: {  	_ =	shalt  }
0x84: {  	_ =	shalt  }
0x85: {  	_ =	shalt  }
0x86: {  	_ =	shalt  }
0x87: {  	_ =	shalt  }
.Lfunc_end0:
.L_simem_size_0:
called_computation_lowered:
.L_overlay_start_0:
0x88: {  	s2 =	sld [smem:$0x3FD9]  }
0x89: {  	s3 =	sld [smem:$0x3FFE];
	_ =	sdelay $0x1  }
0x8a: {  	s1 =	srdreg.scid  }
0x8b: {  	s0 =	sand.u32 $0x1, s1  }
0x8c: {  	s16 =	sshll.u32 s0, $0xA;
	s2 =	sadd.s32 s3, s2  }
0x8d: {  	s2 =	sadd.s32 s2, s16  }
0x8e: {  	[smem:$0x3FB9] =	sst s2  }
0x8f: {  	_ = 	snop  }
0x90: {  	(tm) =	ssettm $0x1  }
0x91: {  	s17 =	sld [smem:$0x3FFB];
	_ =	sdelay $0x3  }
0x92: {  	_ =	strace s17  }
0x93: {  	s2 =	sld [smem:$0x3FFC];
	_ =	sdelay $0x3  }
0x94: {  	_ =	strace s2  }
0x95: {  	s2 =	sld [smem:$0x3FFD];
	_ =	sdelay $0x3  }
0x96: {  	_ =	strace s2  }
0x97: {  	_ =	strace $0x8FFFFFFF  }
0x98: {  	s18 =	sld [smem:$0x3FDB];
	_ =	sdelay $0x1  }
0x99: {  	s19 =	simm.s32 $_scs_section_size  }
0x9a: {  	s4 =	simm.s32 $_size__tile_overlayer_lowered;
	s5 =	simm.s32 $_tile_overlayer_lowered  }
0x9b: {  	s22 =	simm.s32 $0x1BFF;
	s21 =	sshll.u32 s5, $0x1;
	s2 =	sadd.s32 s19, s18  }
0x9c: {  	s6 =	simm.s32 $0x0;
	s20 =	sshll.u32 s4, $0x1;
	s4 =	sadd.s32 s21, s2  }
0x9d: {  	[timem:s6], [sflag:s22] =	dma.local [hbm:s4], s20  }
0x9e: {  	_ =	swait.ge [sflag:s22], s20  }
0x9f: {  	s3 =	ssub.s32 $0x0, s20;
	[sflag:s22] =	ssyncset.done $0x0  }
0xa0: {  	[sflag:s22] =	ssyncadd.s32 s3;
	_ =	sdelay $0x1  }
0xa1: {  	s23 =	simm.s32 $0x1B8B  }
0xa2: {  	_ =	swait.ge [sflag:s23], $0x1  }
0xa3: {  	[sflag:s23] =	ssyncset.done $0x0  }
0xa4: {  	s25 =	simm.s32 $0x1B8E;
	s24 =	sld [smem:$0x3FFE];
	[sflag:s23] =	ssyncadd.s32 $0xFFFFFFFF  }
0xa5: {  	s26 =	simm.s32 $execute0_lowered;
	[smem:$0x3FD2] =	sst s25  }
0xa6: {  	s4 =	sshll.u32 s26, $0x1;
	_ =	strace $0x80000046;
	[dreg:$0x1] =	wrdreg $0xFFFFFFFF  }
0xa7: {  	s28 =	simm.s32 $_size_execute0_lowered;
	s2 =	sadd.s32 s2, s4;
	[dreg:$0x0] =	wrdreg $0x0  }
0xa8: {  	s4 =	sshll.u32 s28, $0x1;
	[dreg:$0x2] =	wrdreg s2  }
0xa9: {  	[dreg:$0x3] =	wrdreg s4  }
0xaa: {  	[dreg:$0x4] =	wrdreg $0xC0  }
0xab: {  	_ =	task [dreg:s6], $0x5FFFF  }
0xac: {  	[dreg:$0x1] =	wrdreg $0xFFFFFFFF  }
0xad: {  	[dreg:$0x0] =	wrdreg $0x60  }
0xae: {  	[dreg:$0x2] =	wrdreg s24  }
0xaf: {  	[dreg:$0x3] =	wrdreg $0x9  }
0xb0: {  	_ =	task.clear_ibuf [dreg:s6], $0x4FFFF;
	_ =	strace $0x90000046  }
0xb1: {  	s29 =	simm.s32 $0x9;
	_ =	strace $0x80000048  }
0xb2: {  	_ =	swait.ge [sflag:s29], $0x1  }
0xb3: {  	[sflag:s29] =	ssyncadd.s32 $0xFFFFFFFF  }
0xb4: {  	_ =	strace $0x90000048  }
0xb5: {  	_ =	sfence  }
0xb6: {  	s30 =	sld [smem:$0x0];
	_ =	sdelay $0x2  }
0xb7: {  	s31 =	sshll.u32 s1, $0xD;
	s1 =	sshrl.u32 s1, $0x2  }
0xb8: {  	s3 =	sand.u32 $0x4000, s31;
	s1 =	sadd.s32 s1, s30  }
0xb9: {  	s0 =	sor.u32 s3, s0;
	s1 =	sshll.u32 s1, $0x11  }
0xba: {  	s0 =	sor.u32 s1, s0  }
0xbb: {  	s0 =	sadd.s32 $0x8F2B, s0  }
0xbc: {  	[sflag:s0] =	ssyncadd.remote.s32 $0x1  }
0xbd: {  	_ =	sfence.sel $0xFFFF  }
0xbe: {  	[dreg:$0x0] =	wrdreg $0xFFFFFFFF;
	(pc) =	sbr.abs _section_cstart, $3  }
0xbf: {  	[dreg:$0x1] =	wrdreg $0xFFFFFFFF  }
0xc0: {  	_ =	task.clear_ibuf [dreg:s6], $0x2FFFF;
	_ =	strace $0x9FFFFFFF  }
0xc1: {  	(tm) =	ssettm $0x7FFFFFFF  }
tec
execute0_lowered:
.L_overlay_start_1:
0x0: {  	(tag) =	ssettag $0x1  }
0x1: {  	s1 =	srdreg.scid  }
0x2: {  	s0 =	stileid.u32;
	s4 =	rddreg [dreg:$0x0];
	s2 =	simm.s32 $0x0  }
0x3: {  	s9 =	simm.s32 $0x1;
	s3 =	sand.u32 $0x1, s1;
	s5 =	smul.u32 $0x5000, s0  }
0x4: {  	s10 =	simm.s32 $0x0;
	[smem:$0x7FF] =	sst s2;
	s6 =	smul.u32 $0x2800, s3  }
0x5: {  	s1 =	rddreg [dreg:$0x1];
	s7 =	ssub.s32 $0x2, s3;
	_ =	strace $0x80000047  }
0x6: {  	s3 =	sadd.s32 $0x6200, s4;
	s30 =	sshrl.u32 s7, $0x1;
	s5 =	sadd.s32 s6, s5  }
0x7: {  	s6 =	ssub.s32 s7, s30;
	s7 =	simm.s32 $0x2;
	s8 =	sshrl.u32 s5, $0x3  }
0x8: {  	s5 =	sadd.s32 s5, s4;
	s31 =	sadd.s32 s8, s4;
	s4 =	smax.u32 s6, $0x1  }
0x9: {  	s5 =	sadd.s32 $0x50200, s5;
	s8 =	simm.s32 $0x50;
	s6 =	sadd.s32 $0x46200, s31  }
.LBB2_1:
0xa: {  	s11 =	sadd.s32 $0x0, s6  }
0xb: {  	[tilespmem:s2], [sflag:$0x2] =	stream.linear.gather [hbm4b:s11+s2], $0x50, $0x38;
	[tilespmem:$0x2D0] =	vst v63  }
0xc: {  	_ =	swait.ge [sflag:s7], $0x50  }
0xd: {  	[sflag:s7] =	ssyncset.done $0x0  }
0xe: {  	[sflag:s7] =	ssyncadd.s32 $0xFFFFFFB0  }
0xf: {  	[tilespmem:s8], [sflag:$0x1] =	stream.indirect.gather [hbm4b:s3+s8], $0x8, s2, s8, $0xb8;
	[tilespmem:$0x2D0] =	vst v63  }
0x10: {  	_ =	swait.ge [sflag:s9], $0x280  }
0x11: {  	[sflag:s9] =	ssyncset.done $0x0  }
0x12: {  	[sflag:s9] =	ssyncadd.s32 $0xFFFFFD80  }
0x13: {  	[hbm4b:s5+s2] =	stream.linear.scatter [tilespmem:s8], [sflag:$0x2], $0x280, $0x38;
	[tilespmem:$0x2D0] =	vst v63  }
0x14: {  	s12 =	simm.s32 $0xA;
	_ =	swait.ge [sflag:s7], $0x280  }
0x15: {  	s13 =	simm.s32 $0x14;
	s11 =	sadd.s32 $0x50, s5;
	[sflag:s7] =	ssyncset.done $0x0  }
.LBB2_2:
0x16: {  	s14 =	sadd.s32 s12, s6  }
0x17: {  	[sflag:s7] =	ssyncadd.s32 $0xFFFFFD80;
	s12 =	smov.u32 s13;
	s15 =	sadd.s32 $0xA, s13  }
0x18: {  	[tilespmem:s2], [sflag:$0x2] =	stream.linear.gather [hbm4b:s14+s2], $0x50, $0x38;
	[tilespmem:$0x2D0] =	vst v63  }
0x19: {  	p0 =	sne.s32 s13, $0x4F6;
	_ =	swait.ge [sflag:s7], $0x50  }
0x1a: {  	[sflag:s7] =	ssyncset.done $0x0  }
0x1b: {  	[sflag:s7] =	ssyncadd.s32 $0xFFFFFFB0  }
0x1c: {  	[tilespmem:s8], [sflag:$0x1] =	stream.indirect.gather [hbm4b:s3+s8], $0x8, s2, s8, $0xb8;
	[tilespmem:$0x2D0] =	vst v63  }
0x1d: {  	_ =	swait.ge [sflag:s9], $0x280  }
.Ltmp0:
0x1e: {  	[sflag:s9] =	ssyncset.done $0x0;
	(pc) =	sbr.rel @p0 .LBB2_2-.Ltmp0, $4  }
0x1f: {  	[sflag:s9] =	ssyncadd.s32 $0xFFFFFD80  }
0x20: {  	[hbm4b:s11+s2] =	stream.linear.scatter [tilespmem:s8], [sflag:$0x2], $0x280, $0x38;
	[tilespmem:$0x2D0] =	vst v63  }
0x21: {  	_ =	swait.ge [sflag:s7], $0x280  }
0x22: {  	s13 =	smov.u32 s15;
	s11 =	sadd.s32 $0x50, s11;
	[sflag:s7] =	ssyncset.done $0x0  }
0x23: {  	s12 =	sadd.s32 s12, s6;
	[sflag:s7] =	ssyncadd.s32 $0xFFFFFD80  }
0x24: {  	[tilespmem:s2], [sflag:$0x2] =	stream.linear.gather [hbm4b:s12+s2], $0x50, $0x38;
	[tilespmem:$0x2D0] =	vst v63  }
0x25: {  	_ =	swait.ge [sflag:s7], $0x50  }
0x26: {  	[sflag:s7] =	ssyncset.done $0x0  }
0x27: {  	[sflag:s7] =	ssyncadd.s32 $0xFFFFFFB0  }
0x28: {  	[tilespmem:s8], [sflag:$0x1] =	stream.indirect.gather [hbm4b:s3+s8], $0x8, s2, s8, $0xb8;
	[tilespmem:$0x2D0] =	vst v63  }
0x29: {  	s10 =	sadd.s32 $0x1, s10;
	_ =	swait.ge [sflag:s9], $0x280  }
0x2a: {  	p0 =	sne.s32 s10, s4;
	[sflag:s9] =	ssyncset.done $0x0  }
.Ltmp1:
0x2b: {  	[sflag:s9] =	ssyncadd.s32 $0xFFFFFD80;
	(pc) =	sbr.rel @p0 .LBB2_1-.Ltmp1, $4  }
0x2c: {  	[hbm4b:s11+s2] =	stream.linear.scatter [tilespmem:s8], [sflag:$0x2], $0x280, $0x38;
	[tilespmem:$0x2D0] =	vst v63  }
0x2d: {  	_ =	swait.ge [sflag:s7], $0x280  }
0x2e: {  	[sflag:s7] =	ssyncset.done $0x0  }
0x2f: {  	[sflag:s7] =	ssyncadd.s32 $0xFFFFFD80  }
0x30: {  	_ =	sfence.sel $0x180000  }
0x31: {  	[bflag:$0x0] =	sbarrier.arrive $0xFFFF  }
0x32: {  	p0 =	sne.s32 s0, $0x0;
	_ =	strace $0x90000047  }
0x33: {  	s0 =	sadd.s32 @!p0 $0x100000, s1;
	[bflag:$0x2] =	sbarrier.arrive $0xFFFF  }
0x34: {  	[sflag:s0] =	ssyncadd.tile.s32 @!p0 $0x1;
	_ =	shalt  }
.Lfunc_end2:
_tile_overlayer_lowered:
.L_overlay_start_2:
0x35: {  	(tag) =	ssettag $0x2  }
0x36: {  	s0 =	rddreg [dreg:$0x0];
	s2 =	stileid.u32  }
0x37: {  	s1 =	rddreg [dreg:$0x1];
	p0 =	sne.s32 s2, $0x0  }
0x38: {  	s3 =	rddreg [dreg:$0x2];
	[bflag:$0x3] =	sbarrier.arrive $0xFFFF;
	s2 =	simm.s32 @!p0 $0x1C02  }
0x39: {  	[timem:s3], [sflag:s2] =	dma.local @!p0 [hbm:s0], s1  }
0x3a: {  	s0 =	simm.s32 @!p0 $0x2  }
0x3b: {  	_ =	swait.ge @!p0 [sflag:s0], s1  }
0x3c: {  	s1 =	ssub.s32 @!p0 $0x0, s1;
	[sflag:s0] =	ssyncset.done @!p0 $0x0  }
0x3d: {  	[sflag:s0] =	ssyncadd.s32 @!p0 s1  }
0x3e: {  	[bflag:$0x3] =	sbarrier.arrive $0xFFFF  }
0x3f: {  	_ =	shalt  }

// kernel: kernel.27.cloned.1.call-start
scs
__scs_entry_jumppad:
0x0: {  	(pc) =	sbr.rel $0x88, $3  }
0x1: {  	(tag) =	ssettag $0x0;
	lr =	simm.s32 $0x1  }
0x2: {  	[smem:$0x3F92] =	sst lr;
	_ =	strace $0xD0000000  }
0x3: {  	_ = 	snop  }
0x4: {  	_ = 	snop  }
0x5: {  	_ = 	snop  }
0x6: {  	_ = 	snop  }
0x7: {  	_ = 	snop  }
__scs_overlays_trampoline_lowered:
0x8: {  	[smem:$0x3FA1] =	sst s0  }
0x9: {  	[smem:$0x3FA2] =	sst s1  }
0xa: {  	[smem:$0x3FA3] =	sst s2  }
0xb: {  	[smem:$0x3FA4] =	sst s3  }
0xc: {  	[smem:$0x3FA5] =	sst s4  }
0xd: {  	[smem:$0x3FA6] =	sst s5  }
0xe: {  	[smem:$0x3FA7] =	sst s6  }
0xf: {  	[smem:$0x3FA8] =	sst s7  }
0x10: {  	[smem:$0x3FA9] =	sst s8  }
0x11: {  	[smem:$0x3FAA] =	sst s9;
	s0 =	simm.s32 @!p0 $0x0  }
0x12: {  	s1 =	sld [smem:$0x3F90];
	s0 =	simm.s32 @p0 $0x1  }
0x13: {  	[smem:$0x3FAB] =	sst s0;
	s0 =	simm.s32 @!p1 $0x0  }
0x14: {  	s2 =	sld [smem:$0x3F8F];
	s0 =	simm.s32 @p1 $0x1  }
0x15: {  	[smem:$0x3FAC] =	sst s0;
	s0 =	simm.s32 @!p2 $0x0  }
0x16: {  	s3 =	sld [smem:$0x3FDB];
	s0 =	simm.s32 @p2 $0x1  }
0x17: {  	s4 =	simm.s32 $0x1BF5;
	[smem:$0x3FAE] =	sst s0  }
0x18: {  	s0 =	sld [smem:$0x3F91];
	_ =	swait.ge [sflag:s4], $0x0  }
0x19: {  	s7 =	sld [smem:$0x3F92]  }
0x1a: {  	s8 =	sadd.s32 $0xFFFFE003, lr  }
0x1b: {  	s9 =	sadd.s32 $0xFFFFFEF7, lr;
	s5 =	simm.s32 $0xFFFFFFFF;
	p2 =	slt.u32 s8, $0xFFFFF086  }
0x1c: {  	p1 =	slt.u32 s9, $0xF7A;
	s5 =	simm.s32 @!p2 $0x0  }
0x1d: {  	s5 =	simm.s32 @p1 $0x1;
	p0 =	seq.s32 s7, s2  }
0x1e: {  	s7 =	smul.u32 @!p0 $0xF7A, s2;
	p2 =	seq.s32 @!p0 s5, $0x0  }
0x1f: {  	s9 =	smul.u32 $0xF7A, s1;
	s8 =	simm.s32 @!p0 $0x1BF5;
	p2 =	por !p2, p0  }
0x20: {  	[sflag:s8] =	ssyncset.s32 @!p0 $0xFFFFF086;
	s6 =	sadd.s32 @!p0 s3, s7;
	s7 =	simm.s32 @!p0 $0x108  }
0x21: {  	s3 =	sadd.s32 s3, s9;
	s6 =	sadd.s32 @!p0 $0x88, s6;
	s7 =	simm.s32 @p2 $0x1082  }
0x22: {  	[simem:s7], [sflag:s8] =	dma.local @!p0 [hbm:s6], $0xF7A  }
0x23: {  	s9 =	sor.u32 $0xD0000000, s2;
	s6 =	simm.s32 $0x108;
	_ =	swait.ge @!p0 [sflag:s8], $0x0  }
0x24: {  	s3 =	sadd.s32 $0x88, s3;
	s6 =	simm.s32 @!p1 $0x1082;
	[sflag:s4] =	ssyncset.s32 $0xFFFFF086  }
0x25: {  	[simem:s6], [sflag:s4] =	dma.local [hbm:s3], $0xF7A  }
0x26: {  	[smem:$0x3F92] =	sst s1;
	(tag) =	ssettag s2;
	_ =	strace s9  }
0x27: {  	s1 =	sld [smem:$0x3FA2]  }
0x28: {  	s2 =	sld [smem:$0x3FA3]  }
0x29: {  	s4 =	sld [smem:$0x3FA5]  }
0x2a: {  	p0 =	seq.s32 s5, $0x0;
	s5 =	sld [smem:$0x3FA6]  }
0x2b: {  	s6 =	sld [smem:$0x3FA7]  }
0x2c: {  	s7 =	sld [smem:$0x3FA8]  }
0x2d: {  	s3 =	simm.s32 $0x108;
	s8 =	sld [smem:$0x3FA9]  }
0x2e: {  	s3 =	simm.s32 @!p0 $0x1082;
	s9 =	sld [smem:$0x3FAA]  }
0x2f: {  	lr =	sadd.s32 s0, s3;
	s0 =	sld [smem:$0x3FA1]  }
0x30: {  	s3 =	sld [smem:$0x3FA4]  }
0x31: {  	[smem:$0x3FAD] =	sst s10  }
0x32: {  	s10 =	sld [smem:$0x3FAB];
	_ =	sdelay $0x3  }
0x33: {  	p0 =	seq.s32 s10, $0x1;
	s10 =	sld [smem:$0x3FAD];
	_ =	sdelay $0x3  }
0x34: {  	[smem:$0x3FAD] =	sst s10  }
0x35: {  	s10 =	sld [smem:$0x3FAC];
	_ =	sdelay $0x3  }
0x36: {  	p1 =	seq.s32 s10, $0x1;
	s10 =	sld [smem:$0x3FAD];
	_ =	sdelay $0x3  }
0x37: {  	[smem:$0x3FAD] =	sst s10  }
0x38: {  	s10 =	sld [smem:$0x3FAE]  }
0x39: {  	_ = 	snop;
	(pc) =	sbr.ind lr, $3  }
0x3a: {  	_ = 	snop  }
0x3b: {  	_ = 	snop  }
0x3c: {  	p2 =	seq.s32 s10, $0x1;
	s10 =	sld [smem:$0x3FAD]  }
0x3d: {  	_ =	shalt  }
0x3e: {  	_ =	shalt  }
0x3f: {  	_ =	shalt  }
0x40: {  	_ =	shalt  }
0x41: {  	_ =	shalt  }
0x42: {  	_ =	shalt  }
0x43: {  	_ =	shalt  }
0x44: {  	_ =	shalt  }
0x45: {  	_ =	shalt  }
0x46: {  	_ =	shalt  }
0x47: {  	_ =	shalt  }
0x48: {  	_ =	shalt  }
0x49: {  	_ =	shalt  }
0x4a: {  	_ =	shalt  }
0x4b: {  	_ =	shalt  }
0x4c: {  	_ =	shalt  }
0x4d: {  	_ =	shalt  }
0x4e: {  	_ =	shalt  }
0x4f: {  	_ =	shalt  }
0x50: {  	_ =	shalt  }
0x51: {  	_ =	shalt  }
0x52: {  	_ =	shalt  }
0x53: {  	_ =	shalt  }
0x54: {  	_ =	shalt  }
0x55: {  	_ =	shalt  }
0x56: {  	_ =	shalt  }
0x57: {  	_ =	shalt  }
0x58: {  	_ =	shalt  }
0x59: {  	_ =	shalt  }
0x5a: {  	_ =	shalt  }
0x5b: {  	_ =	shalt  }
0x5c: {  	_ =	shalt  }
0x5d: {  	_ =	shalt  }
0x5e: {  	_ =	shalt  }
0x5f: {  	_ =	shalt  }
0x60: {  	_ =	shalt  }
0x61: {  	_ =	shalt  }
0x62: {  	_ =	shalt  }
0x63: {  	_ =	shalt  }
0x64: {  	_ =	shalt  }
0x65: {  	_ =	shalt  }
0x66: {  	_ =	shalt  }
0x67: {  	_ =	shalt  }
0x68: {  	_ =	shalt  }
0x69: {  	_ =	shalt  }
0x6a: {  	_ =	shalt  }
0x6b: {  	_ =	shalt  }
0x6c: {  	_ =	shalt  }
0x6d: {  	_ =	shalt  }
0x6e: {  	_ =	shalt  }
0x6f: {  	_ =	shalt  }
0x70: {  	_ =	shalt  }
0x71: {  	_ =	shalt  }
0x72: {  	_ =	shalt  }
0x73: {  	_ =	shalt  }
0x74: {  	_ =	shalt  }
0x75: {  	_ =	shalt  }
0x76: {  	_ =	shalt  }
0x77: {  	_ =	shalt  }
0x78: {  	_ =	shalt  }
0x79: {  	_ =	shalt  }
0x7a: {  	_ =	shalt  }
0x7b: {  	_ =	shalt  }
0x7c: {  	_ =	shalt  }
0x7d: {  	_ =	shalt  }
0x7e: {  	_ =	shalt  }
0x7f: {  	_ =	shalt  }
0x80: {  	_ =	shalt  }
0x81: {  	_ =	shalt  }
0x82: {  	_ =	shalt  }
0x83: {  	_ =	shalt  }
0x84: {  	_ =	shalt  }
0x85: {  	_ =	shalt  }
0x86: {  	_ =	shalt  }
0x87: {  	_ =	shalt  }
.Lfunc_end0:
.L_simem_size_0:
called_computation.1_lowered:
.L_overlay_start_0:
0x88: {  	s2 =	sld [smem:$0x3FD9]  }
0x89: {  	s3 =	sld [smem:$0x3FFE];
	_ =	sdelay $0x1  }
0x8a: {  	s1 =	srdreg.scid  }
0x8b: {  	s0 =	sand.u32 $0x1, s1  }
0x8c: {  	s16 =	sshll.u32 s0, $0xA;
	s2 =	sadd.s32 s3, s2  }
0x8d: {  	s2 =	sadd.s32 s2, s16  }
0x8e: {  	[smem:$0x3FB9] =	sst s2  }
0x8f: {  	_ = 	snop  }
0x90: {  	(tm) =	ssettm $0x1  }
0x91: {  	s17 =	sld [smem:$0x3FFB];
	_ =	sdelay $0x3  }
0x92: {  	_ =	strace s17  }
0x93: {  	s2 =	sld [smem:$0x3FFC];
	_ =	sdelay $0x3  }
0x94: {  	_ =	strace s2  }
0x95: {  	s2 =	sld [smem:$0x3FFD];
	_ =	sdelay $0x3  }
0x96: {  	_ =	strace s2  }
0x97: {  	_ =	strace $0x8FFFFFFF  }
0x98: {  	s18 =	sld [smem:$0x3FDB];
	_ =	sdelay $0x1  }
0x99: {  	s19 =	simm.s32 $_scs_section_size  }
0x9a: {  	s4 =	simm.s32 $_size__tile_overlayer_lowered;
	s5 =	simm.s32 $_tile_overlayer_lowered  }
0x9b: {  	s22 =	simm.s32 $0x1BFF;
	s21 =	sshll.u32 s5, $0x1;
	s2 =	sadd.s32 s19, s18  }
0x9c: {  	s6 =	simm.s32 $0x0;
	s20 =	sshll.u32 s4, $0x1;
	s4 =	sadd.s32 s21, s2  }
0x9d: {  	[timem:s6], [sflag:s22] =	dma.local [hbm:s4], s20  }
0x9e: {  	_ =	swait.ge [sflag:s22], s20  }
0x9f: {  	s3 =	ssub.s32 $0x0, s20;
	[sflag:s22] =	ssyncset.done $0x0  }
0xa0: {  	[sflag:s22] =	ssyncadd.s32 s3;
	_ =	sdelay $0x1  }
0xa1: {  	s23 =	simm.s32 $0x1B8B  }
0xa2: {  	_ =	swait.ge [sflag:s23], $0x1  }
0xa3: {  	[sflag:s23] =	ssyncset.done $0x0  }
0xa4: {  	s25 =	simm.s32 $0x1B8E;
	s24 =	sld [smem:$0x3FFE];
	[sflag:s23] =	ssyncadd.s32 $0xFFFFFFFF  }
0xa5: {  	s26 =	simm.s32 $execute0_lowered;
	[smem:$0x3FD2] =	sst s25  }
0xa6: {  	s4 =	sshll.u32 s26, $0x1;
	_ =	strace $0x80000049;
	[dreg:$0x1] =	wrdreg $0xFFFFFFFF  }
0xa7: {  	s28 =	simm.s32 $_size_execute0_lowered;
	s2 =	sadd.s32 s2, s4;
	[dreg:$0x0] =	wrdreg $0x0  }
0xa8: {  	s4 =	sshll.u32 s28, $0x1;
	[dreg:$0x2] =	wrdreg s2  }
0xa9: {  	[dreg:$0x3] =	wrdreg s4  }
0xaa: {  	[dreg:$0x4] =	wrdreg $0xC0  }
0xab: {  	_ =	task [dreg:s6], $0x5FFFF  }
0xac: {  	[dreg:$0x1] =	wrdreg $0xFFFFFFFF  }
0xad: {  	[dreg:$0x0] =	wrdreg $0x60  }
0xae: {  	[dreg:$0x2] =	wrdreg s24  }
0xaf: {  	[dreg:$0x3] =	wrdreg $0x9  }
0xb0: {  	_ =	task.clear_ibuf [dreg:s6], $0x4FFFF;
	_ =	strace $0x90000049  }
0xb1: {  	s29 =	simm.s32 $0x9;
	_ =	strace $0x8000004B  }
0xb2: {  	_ =	swait.ge [sflag:s29], $0x1  }
0xb3: {  	[sflag:s29] =	ssyncadd.s32 $0xFFFFFFFF  }
0xb4: {  	_ =	strace $0x9000004B  }
0xb5: {  	_ =	sfence  }
0xb6: {  	s30 =	sld [smem:$0x0];
	_ =	sdelay $0x2  }
0xb7: {  	s31 =	sshll.u32 s1, $0xD;
	s1 =	sshrl.u32 s1, $0x2  }
0xb8: {  	s3 =	sand.u32 $0x4000, s31;
	s1 =	sadd.s32 s1, s30  }
0xb9: {  	s0 =	sor.u32 s3, s0;
	s1 =	sshll.u32 s1, $0x11  }
0xba: {  	s0 =	sor.u32 s1, s0  }
0xbb: {  	s0 =	sadd.s32 $0x8F2B, s0  }
0xbc: {  	[sflag:s0] =	ssyncadd.remote.s32 $0x1  }
0xbd: {  	_ =	sfence.sel $0xFFFF  }
0xbe: {  	[dreg:$0x0] =	wrdreg $0xFFFFFFFF;
	(pc) =	sbr.abs _section_cstart, $3  }
0xbf: {  	[dreg:$0x1] =	wrdreg $0xFFFFFFFF  }
0xc0: {  	_ =	task.clear_ibuf [dreg:s6], $0x2FFFF;
	_ =	strace $0x9FFFFFFF  }
0xc1: {  	(tm) =	ssettm $0x7FFFFFFF  }
tec
execute0_lowered:
.L_overlay_start_1:
0x0: {  	(tag) =	ssettag $0x1  }
0x1: {  	s4 =	rddreg [dreg:$0x0]  }
0x2: {  	s0 =	rddreg [dreg:$0x1];
	s2 =	simm.s32 $0x0;
	s1 =	stileid.u32  }
0x3: {  	s3 =	srdreg.scid;
	s10 =	simm.s32 $0x0;
	s6 =	smul.u32 $0x5000, s1  }
0x4: {  	[smem:$0x7FF] =	sst s2;
	s5 =	sand.u32 $0x1, s3;
	s8 =	smul.u32 $0x28000, s1  }
0x5: {  	s3 =	sadd.s32 $0x46200, s4;
	s7 =	smul.u32 $0x2800, s5;
	s9 =	ssub.s32 $0x2, s5  }
0x6: {  	_ =	strace $0x8000004A;
	s5 =	smul.u32 $0x14000, s5;
	s30 =	sshrl.u32 s9, $0x1  }
0x7: {  	s8 =	sadd.s32 s8, s4;
	s6 =	sadd.s32 s7, s6;
	s7 =	ssub.s32 s9, s30  }
0x8: {  	s31 =	sadd.s32 s5, s8;
	s8 =	simm.s32 $0x50;
	s6 =	sshrl.u32 s6, $0x3  }
0x9: {  	s9 =	simm.s32 $0x1;
	s6 =	sadd.s32 s6, s4;
	s4 =	smax.u32 s7, $0x1  }
0xa: {  	s7 =	simm.s32 $0x2;
	s5 =	sadd.s32 $0x66200, s6;
	s6 =	sadd.s32 $0x70200, s31  }
.LBB2_1:
0xb: {  	s11 =	sadd.s32 $0x0, s5  }
0xc: {  	[tilespmem:s2], [sflag:$0x2] =	stream.linear.gather [hbm4b:s11+s2], $0x50, $0x38;
	[tilespmem:$0x1450] =	vst v63  }
0xd: {  	_ =	swait.ge [sflag:s7], $0x50  }
0xe: {  	[sflag:s7] =	ssyncset.done $0x0  }
0xf: {  	[sflag:s7] =	ssyncadd.s32 $0xFFFFFFB0  }
0x10: {  	[tilespmem:s8], [sflag:$0x1] =	stream.indirect.gather [hbm4b:s3+s8], $0x40, s2, s8, $0xb8;
	[tilespmem:$0x1450] =	vst v63  }
0x11: {  	_ =	swait.ge [sflag:s9], $0x1400  }
0x12: {  	[sflag:s9] =	ssyncset.done $0x0  }
0x13: {  	[sflag:s9] =	ssyncadd.s32 $0xFFFFEC00  }
0x14: {  	[hbm4b:s6+s2] =	stream.linear.scatter [tilespmem:s8], [sflag:$0x2], $0x1400, $0x38;
	[tilespmem:$0x1450] =	vst v63  }
0x15: {  	s12 =	simm.s32 $0xA;
	_ =	swait.ge [sflag:s7], $0x1400  }
0x16: {  	s13 =	simm.s32 $0x14;
	s11 =	sadd.s32 $0x280, s6;
	[sflag:s7] =	ssyncset.done $0x0  }
.LBB2_2:
0x17: {  	s14 =	sadd.s32 s12, s5  }
0x18: {  	[sflag:s7] =	ssyncadd.s32 $0xFFFFEC00;
	s12 =	smov.u32 s13;
	s15 =	sadd.s32 $0xA, s13  }
0x19: {  	[tilespmem:s2], [sflag:$0x2] =	stream.linear.gather [hbm4b:s14+s2], $0x50, $0x38;
	[tilespmem:$0x1450] =	vst v63  }
0x1a: {  	p0 =	sne.s32 s13, $0x4F6;
	_ =	swait.ge [sflag:s7], $0x50  }
0x1b: {  	[sflag:s7] =	ssyncset.done $0x0  }
0x1c: {  	[sflag:s7] =	ssyncadd.s32 $0xFFFFFFB0  }
0x1d: {  	[tilespmem:s8], [sflag:$0x1] =	stream.indirect.gather [hbm4b:s3+s8], $0x40, s2, s8, $0xb8;
	[tilespmem:$0x1450] =	vst v63  }
0x1e: {  	_ =	swait.ge [sflag:s9], $0x1400  }
.Ltmp0:
0x1f: {  	[sflag:s9] =	ssyncset.done $0x0;
	(pc) =	sbr.rel @p0 .LBB2_2-.Ltmp0, $4  }
0x20: {  	[sflag:s9] =	ssyncadd.s32 $0xFFFFEC00  }
0x21: {  	[hbm4b:s11+s2] =	stream.linear.scatter [tilespmem:s8], [sflag:$0x2], $0x1400, $0x38;
	[tilespmem:$0x1450] =	vst v63  }
0x22: {  	_ =	swait.ge [sflag:s7], $0x1400  }
0x23: {  	s13 =	smov.u32 s15;
	s11 =	sadd.s32 $0x280, s11;
	[sflag:s7] =	ssyncset.done $0x0  }
0x24: {  	s12 =	sadd.s32 s12, s5;
	[sflag:s7] =	ssyncadd.s32 $0xFFFFEC00  }
0x25: {  	[tilespmem:s2], [sflag:$0x2] =	stream.linear.gather [hbm4b:s12+s2], $0x50, $0x38;
	[tilespmem:$0x1450] =	vst v63  }
0x26: {  	_ =	swait.ge [sflag:s7], $0x50  }
0x27: {  	[sflag:s7] =	ssyncset.done $0x0  }
0x28: {  	[sflag:s7] =	ssyncadd.s32 $0xFFFFFFB0  }
0x29: {  	[tilespmem:s8], [sflag:$0x1] =	stream.indirect.gather [hbm4b:s3+s8], $0x40, s2, s8, $0xb8;
	[tilespmem:$0x1450] =	vst v63  }
0x2a: {  	s10 =	sadd.s32 $0x1, s10;
	_ =	swait.ge [sflag:s9], $0x1400  }
0x2b: {  	p0 =	sne.s32 s10, s4;
	[sflag:s9] =	ssyncset.done $0x0  }
.Ltmp1:
0x2c: {  	[sflag:s9] =	ssyncadd.s32 $0xFFFFEC00;
	(pc) =	sbr.rel @p0 .LBB2_1-.Ltmp1, $4  }
0x2d: {  	[hbm4b:s11+s2] =	stream.linear.scatter [tilespmem:s8], [sflag:$0x2], $0x1400, $0x38;
	[tilespmem:$0x1450] =	vst v63  }
0x2e: {  	_ =	swait.ge [sflag:s7], $0x1400  }
0x2f: {  	[sflag:s7] =	ssyncset.done $0x0  }
0x30: {  	[sflag:s7] =	ssyncadd.s32 $0xFFFFEC00  }
0x31: {  	_ =	sfence.sel $0x180000  }
0x32: {  	[bflag:$0x0] =	sbarrier.arrive $0xFFFF  }
0x33: {  	p0 =	sne.s32 s1, $0x0;
	_ =	strace $0x9000004A  }
0x34: {  	s0 =	sadd.s32 @!p0 $0x100000, s0;
	[bflag:$0x2] =	sbarrier.arrive $0xFFFF  }
0x35: {  	[sflag:s0] =	ssyncadd.tile.s32 @!p0 $0x1;
	_ =	shalt  }
.Lfunc_end2:
_tile_overlayer_lowered:
.L_overlay_start_2:
0x36: {  	(tag) =	ssettag $0x2  }
0x37: {  	s0 =	rddreg [dreg:$0x0];
	s2 =	stileid.u32  }
0x38: {  	s1 =	rddreg [dreg:$0x1];
	p0 =	sne.s32 s2, $0x0  }
0x39: {  	s3 =	rddreg [dreg:$0x2];
	[bflag:$0x3] =	sbarrier.arrive $0xFFFF;
	s2 =	simm.s32 @!p0 $0x1C02  }
0x3a: {  	[timem:s3], [sflag:s2] =	dma.local @!p0 [hbm:s0], s1  }
0x3b: {  	s0 =	simm.s32 @!p0 $0x2  }
0x3c: {  	_ =	swait.ge @!p0 [sflag:s0], s1  }
0x3d: {  	s1 =	ssub.s32 @!p0 $0x0, s1;
	[sflag:s0] =	ssyncset.done @!p0 $0x0  }
0x3e: {  	[sflag:s0] =	ssyncadd.s32 @!p0 s1  }
0x3f: {  	[bflag:$0x3] =	sbarrier.arrive $0xFFFF  }
0x40: {  	_ =	shalt  }

// kernel: kernel.30.cloned.1.call-start
scs
__scs_entry_jumppad:
0x0: {  	(pc) =	sbr.rel $0x88, $3  }
0x1: {  	(tag) =	ssettag $0x0;
	lr =	simm.s32 $0x1  }
0x2: {  	[smem:$0x3F92] =	sst lr;
	_ =	strace $0xD0000000  }
0x3: {  	_ = 	snop  }
0x4: {  	_ = 	snop  }
0x5: {  	_ = 	snop  }
0x6: {  	_ = 	snop  }
0x7: {  	_ = 	snop  }
__scs_overlays_trampoline_lowered:
0x8: {  	[smem:$0x3FA1] =	sst s0  }
0x9: {  	[smem:$0x3FA2] =	sst s1  }
0xa: {  	[smem:$0x3FA3] =	sst s2  }
0xb: {  	[smem:$0x3FA4] =	sst s3  }
0xc: {  	[smem:$0x3FA5] =	sst s4  }
0xd: {  	[smem:$0x3FA6] =	sst s5  }
0xe: {  	[smem:$0x3FA7] =	sst s6  }
0xf: {  	[smem:$0x3FA8] =	sst s7  }
0x10: {  	[smem:$0x3FA9] =	sst s8  }
0x11: {  	[smem:$0x3FAA] =	sst s9;
	s0 =	simm.s32 @!p0 $0x0  }
0x12: {  	s1 =	sld [smem:$0x3F90];
	s0 =	simm.s32 @p0 $0x1  }
0x13: {  	[smem:$0x3FAB] =	sst s0;
	s0 =	simm.s32 @!p1 $0x0  }
0x14: {  	s2 =	sld [smem:$0x3F8F];
	s0 =	simm.s32 @p1 $0x1  }
0x15: {  	[smem:$0x3FAC] =	sst s0;
	s0 =	simm.s32 @!p2 $0x0  }
0x16: {  	s3 =	sld [smem:$0x3FDB];
	s0 =	simm.s32 @p2 $0x1  }
0x17: {  	s4 =	simm.s32 $0x1BF5;
	[smem:$0x3FAE] =	sst s0  }
0x18: {  	s0 =	sld [smem:$0x3F91];
	_ =	swait.ge [sflag:s4], $0x0  }
0x19: {  	s7 =	sld [smem:$0x3F92]  }
0x1a: {  	s8 =	sadd.s32 $0xFFFFE003, lr  }
0x1b: {  	s9 =	sadd.s32 $0xFFFFFEF7, lr;
	s5 =	simm.s32 $0xFFFFFFFF;
	p2 =	slt.u32 s8, $0xFFFFF086  }
0x1c: {  	p1 =	slt.u32 s9, $0xF7A;
	s5 =	simm.s32 @!p2 $0x0  }
0x1d: {  	s5 =	simm.s32 @p1 $0x1;
	p0 =	seq.s32 s7, s2  }
0x1e: {  	s7 =	smul.u32 @!p0 $0xF7A, s2;
	p2 =	seq.s32 @!p0 s5, $0x0  }
0x1f: {  	s9 =	smul.u32 $0xF7A, s1;
	s8 =	simm.s32 @!p0 $0x1BF5;
	p2 =	por !p2, p0  }
0x20: {  	[sflag:s8] =	ssyncset.s32 @!p0 $0xFFFFF086;
	s6 =	sadd.s32 @!p0 s3, s7;
	s7 =	simm.s32 @!p0 $0x108  }
0x21: {  	s3 =	sadd.s32 s3, s9;
	s6 =	sadd.s32 @!p0 $0x88, s6;
	s7 =	simm.s32 @p2 $0x1082  }
0x22: {  	[simem:s7], [sflag:s8] =	dma.local @!p0 [hbm:s6], $0xF7A  }
0x23: {  	s9 =	sor.u32 $0xD0000000, s2;
	s6 =	simm.s32 $0x108;
	_ =	swait.ge @!p0 [sflag:s8], $0x0  }
0x24: {  	s3 =	sadd.s32 $0x88, s3;
	s6 =	simm.s32 @!p1 $0x1082;
	[sflag:s4] =	ssyncset.s32 $0xFFFFF086  }
0x25: {  	[simem:s6], [sflag:s4] =	dma.local [hbm:s3], $0xF7A  }
0x26: {  	[smem:$0x3F92] =	sst s1;
	(tag) =	ssettag s2;
	_ =	strace s9  }
0x27: {  	s1 =	sld [smem:$0x3FA2]  }
0x28: {  	s2 =	sld [smem:$0x3FA3]  }
0x29: {  	s4 =	sld [smem:$0x3FA5]  }
0x2a: {  	p0 =	seq.s32 s5, $0x0;
	s5 =	sld [smem:$0x3FA6]  }
0x2b: {  	s6 =	sld [smem:$0x3FA7]  }
0x2c: {  	s7 =	sld [smem:$0x3FA8]  }
0x2d: {  	s3 =	simm.s32 $0x108;
	s8 =	sld [smem:$0x3FA9]  }
0x2e: {  	s3 =	simm.s32 @!p0 $0x1082;
	s9 =	sld [smem:$0x3FAA]  }
0x2f: {  	lr =	sadd.s32 s0, s3;
	s0 =	sld [smem:$0x3FA1]  }
0x30: {  	s3 =	sld [smem:$0x3FA4]  }
0x31: {  	[smem:$0x3FAD] =	sst s10  }
0x32: {  	s10 =	sld [smem:$0x3FAB];
	_ =	sdelay $0x3  }
0x33: {  	p0 =	seq.s32 s10, $0x1;
	s10 =	sld [smem:$0x3FAD];
	_ =	sdelay $0x3  }
0x34: {  	[smem:$0x3FAD] =	sst s10  }
0x35: {  	s10 =	sld [smem:$0x3FAC];
	_ =	sdelay $0x3  }
0x36: {  	p1 =	seq.s32 s10, $0x1;
	s10 =	sld [smem:$0x3FAD];
	_ =	sdelay $0x3  }
0x37: {  	[smem:$0x3FAD] =	sst s10  }
0x38: {  	s10 =	sld [smem:$0x3FAE]  }
0x39: {  	_ = 	snop;
	(pc) =	sbr.ind lr, $3  }
0x3a: {  	_ = 	snop  }
0x3b: {  	_ = 	snop  }
0x3c: {  	p2 =	seq.s32 s10, $0x1;
	s10 =	sld [smem:$0x3FAD]  }
0x3d: {  	_ =	shalt  }
0x3e: {  	_ =	shalt  }
0x3f: {  	_ =	shalt  }
0x40: {  	_ =	shalt  }
0x41: {  	_ =	shalt  }
0x42: {  	_ =	shalt  }
0x43: {  	_ =	shalt  }
0x44: {  	_ =	shalt  }
0x45: {  	_ =	shalt  }
0x46: {  	_ =	shalt  }
0x47: {  	_ =	shalt  }
0x48: {  	_ =	shalt  }
0x49: {  	_ =	shalt  }
0x4a: {  	_ =	shalt  }
0x4b: {  	_ =	shalt  }
0x4c: {  	_ =	shalt  }
0x4d: {  	_ =	shalt  }
0x4e: {  	_ =	shalt  }
0x4f: {  	_ =	shalt  }
0x50: {  	_ =	shalt  }
0x51: {  	_ =	shalt  }
0x52: {  	_ =	shalt  }
0x53: {  	_ =	shalt  }
0x54: {  	_ =	shalt  }
0x55: {  	_ =	shalt  }
0x56: {  	_ =	shalt  }
0x57: {  	_ =	shalt  }
0x58: {  	_ =	shalt  }
0x59: {  	_ =	shalt  }
0x5a: {  	_ =	shalt  }
0x5b: {  	_ =	shalt  }
0x5c: {  	_ =	shalt  }
0x5d: {  	_ =	shalt  }
0x5e: {  	_ =	shalt  }
0x5f: {  	_ =	shalt  }
0x60: {  	_ =	shalt  }
0x61: {  	_ =	shalt  }
0x62: {  	_ =	shalt  }
0x63: {  	_ =	shalt  }
0x64: {  	_ =	shalt  }
0x65: {  	_ =	shalt  }
0x66: {  	_ =	shalt  }
0x67: {  	_ =	shalt  }
0x68: {  	_ =	shalt  }
0x69: {  	_ =	shalt  }
0x6a: {  	_ =	shalt  }
0x6b: {  	_ =	shalt  }
0x6c: {  	_ =	shalt  }
0x6d: {  	_ =	shalt  }
0x6e: {  	_ =	shalt  }
0x6f: {  	_ =	shalt  }
0x70: {  	_ =	shalt  }
0x71: {  	_ =	shalt  }
0x72: {  	_ =	shalt  }
0x73: {  	_ =	shalt  }
0x74: {  	_ =	shalt  }
0x75: {  	_ =	shalt  }
0x76: {  	_ =	shalt  }
0x77: {  	_ =	shalt  }
0x78: {  	_ =	shalt  }
0x79: {  	_ =	shalt  }
0x7a: {  	_ =	shalt  }
0x7b: {  	_ =	shalt  }
0x7c: {  	_ =	shalt  }
0x7d: {  	_ =	shalt  }
0x7e: {  	_ =	shalt  }
0x7f: {  	_ =	shalt  }
0x80: {  	_ =	shalt  }
0x81: {  	_ =	shalt  }
0x82: {  	_ =	shalt  }
0x83: {  	_ =	shalt  }
0x84: {  	_ =	shalt  }
0x85: {  	_ =	shalt  }
0x86: {  	_ =	shalt  }
0x87: {  	_ =	shalt  }
.Lfunc_end0:
.L_simem_size_0:
called_computation.2_lowered:
.L_overlay_start_0:
0x88: {  	s2 =	sld [smem:$0x3FD9]  }
0x89: {  	s3 =	sld [smem:$0x3FFE];
	_ =	sdelay $0x1  }
0x8a: {  	s1 =	srdreg.scid  }
0x8b: {  	s0 =	sand.u32 $0x1, s1  }
0x8c: {  	s16 =	sshll.u32 s0, $0xA;
	s2 =	sadd.s32 s3, s2  }
0x8d: {  	s2 =	sadd.s32 s2, s16  }
0x8e: {  	[smem:$0x3FB9] =	sst s2  }
0x8f: {  	_ = 	snop  }
0x90: {  	(tm) =	ssettm $0x1  }
0x91: {  	s17 =	sld [smem:$0x3FFB];
	_ =	sdelay $0x3  }
0x92: {  	_ =	strace s17  }
0x93: {  	s2 =	sld [smem:$0x3FFC];
	_ =	sdelay $0x3  }
0x94: {  	_ =	strace s2  }
0x95: {  	s2 =	sld [smem:$0x3FFD];
	_ =	sdelay $0x3  }
0x96: {  	_ =	strace s2  }
0x97: {  	_ =	strace $0x8FFFFFFF  }
0x98: {  	s18 =	sld [smem:$0x3FDB];
	_ =	sdelay $0x1  }
0x99: {  	s19 =	simm.s32 $_scs_section_size  }
0x9a: {  	s4 =	simm.s32 $_size__tile_overlayer_lowered;
	s5 =	simm.s32 $_tile_overlayer_lowered  }
0x9b: {  	s22 =	simm.s32 $0x1BFF;
	s21 =	sshll.u32 s5, $0x1;
	s2 =	sadd.s32 s19, s18  }
0x9c: {  	s6 =	simm.s32 $0x0;
	s20 =	sshll.u32 s4, $0x1;
	s4 =	sadd.s32 s21, s2  }
0x9d: {  	[timem:s6], [sflag:s22] =	dma.local [hbm:s4], s20  }
0x9e: {  	_ =	swait.ge [sflag:s22], s20  }
0x9f: {  	s3 =	ssub.s32 $0x0, s20;
	[sflag:s22] =	ssyncset.done $0x0  }
0xa0: {  	[sflag:s22] =	ssyncadd.s32 s3;
	_ =	sdelay $0x1  }
0xa1: {  	s23 =	simm.s32 $0x1B8B  }
0xa2: {  	_ =	swait.ge [sflag:s23], $0x1  }
0xa3: {  	[sflag:s23] =	ssyncset.done $0x0  }
0xa4: {  	s25 =	simm.s32 $0x1B8E;
	s24 =	sld [smem:$0x3FFE];
	[sflag:s23] =	ssyncadd.s32 $0xFFFFFFFF  }
0xa5: {  	s26 =	simm.s32 $execute0_lowered;
	[smem:$0x3FD2] =	sst s25  }
0xa6: {  	s4 =	sshll.u32 s26, $0x1;
	_ =	strace $0x8000004C;
	[dreg:$0x1] =	wrdreg $0xFFFFFFFF  }
0xa7: {  	s28 =	simm.s32 $_size_execute0_lowered;
	s2 =	sadd.s32 s2, s4;
	[dreg:$0x0] =	wrdreg $0x0  }
0xa8: {  	s4 =	sshll.u32 s28, $0x1;
	[dreg:$0x2] =	wrdreg s2  }
0xa9: {  	[dreg:$0x3] =	wrdreg s4  }
0xaa: {  	[dreg:$0x4] =	wrdreg $0xC0  }
0xab: {  	_ =	task [dreg:s6], $0x5FFFF  }
0xac: {  	[dreg:$0x1] =	wrdreg $0xFFFFFFFF  }
0xad: {  	[dreg:$0x0] =	wrdreg $0x60  }
0xae: {  	[dreg:$0x2] =	wrdreg s24  }
0xaf: {  	[dreg:$0x3] =	wrdreg $0x9  }
0xb0: {  	_ =	task.clear_ibuf [dreg:s6], $0x4FFFF;
	_ =	strace $0x9000004C  }
0xb1: {  	s29 =	simm.s32 $0x9;
	_ =	strace $0x8000004E  }
0xb2: {  	_ =	swait.ge [sflag:s29], $0x1  }
0xb3: {  	[sflag:s29] =	ssyncadd.s32 $0xFFFFFFFF  }
0xb4: {  	_ =	strace $0x9000004E  }
0xb5: {  	_ =	sfence  }
0xb6: {  	s30 =	sld [smem:$0x0];
	_ =	sdelay $0x2  }
0xb7: {  	s31 =	sshll.u32 s1, $0xD;
	s1 =	sshrl.u32 s1, $0x2  }
0xb8: {  	s3 =	sand.u32 $0x4000, s31;
	s1 =	sadd.s32 s1, s30  }
0xb9: {  	s0 =	sor.u32 s3, s0;
	s1 =	sshll.u32 s1, $0x11  }
0xba: {  	s0 =	sor.u32 s1, s0  }
0xbb: {  	s0 =	sadd.s32 $0x8F2B, s0  }
0xbc: {  	[sflag:s0] =	ssyncadd.remote.s32 $0x1  }
0xbd: {  	_ =	sfence.sel $0xFFFF  }
0xbe: {  	[dreg:$0x0] =	wrdreg $0xFFFFFFFF;
	(pc) =	sbr.abs _section_cstart, $3  }
0xbf: {  	[dreg:$0x1] =	wrdreg $0xFFFFFFFF  }
0xc0: {  	_ =	task.clear_ibuf [dreg:s6], $0x2FFFF;
	_ =	strace $0x9FFFFFFF  }
0xc1: {  	(tm) =	ssettm $0x7FFFFFFF  }
tec
execute0_lowered:
.L_overlay_start_1:
0x0: {  	(tag) =	ssettag $0x1  }
0x1: {  	s4 =	rddreg [dreg:$0x0]  }
0x2: {  	s0 =	rddreg [dreg:$0x1];
	s2 =	simm.s32 $0x0;
	s1 =	stileid.u32  }
0x3: {  	s3 =	srdreg.scid;
	s10 =	simm.s32 $0x0;
	s6 =	smul.u32 $0x5000, s1  }
0x4: {  	[smem:$0x7FF] =	sst s2;
	s5 =	sand.u32 $0x1, s3;
	s8 =	smul.u32 $0x28000, s1  }
0x5: {  	s3 =	sadd.s32 $0x86200, s4;
	s7 =	smul.u32 $0x2800, s5;
	s9 =	ssub.s32 $0x2, s5  }
0x6: {  	_ =	strace $0x8000004D;
	s5 =	smul.u32 $0x14000, s5;
	s30 =	sshrl.u32 s9, $0x1  }
0x7: {  	s8 =	sadd.s32 s8, s4;
	s6 =	sadd.s32 s7, s6;
	s7 =	ssub.s32 s9, s30  }
0x8: {  	s31 =	sadd.s32 s5, s8;
	s8 =	simm.s32 $0x50;
	s6 =	sshrl.u32 s6, $0x3  }
0x9: {  	s9 =	simm.s32 $0x1;
	s6 =	sadd.s32 s6, s4;
	s4 =	smax.u32 s7, $0x1  }
0xa: {  	s7 =	simm.s32 $0x2;
	s5 =	sadd.s32 $0xA6200, s6;
	s6 =	sadd.s32 $0xB0200, s31  }
.LBB2_1:
0xb: {  	s11 =	sadd.s32 $0x0, s5  }
0xc: {  	[tilespmem:s2], [sflag:$0x2] =	stream.linear.gather [hbm4b:s11+s2], $0x50, $0x38;
	[tilespmem:$0x1450] =	vst v63  }
0xd: {  	_ =	swait.ge [sflag:s7], $0x50  }
0xe: {  	[sflag:s7] =	ssyncset.done $0x0  }
0xf: {  	[sflag:s7] =	ssyncadd.s32 $0xFFFFFFB0  }
0x10: {  	[tilespmem:s8], [sflag:$0x1] =	stream.indirect.gather [hbm4b:s3+s8], $0x40, s2, s8, $0xb8;
	[tilespmem:$0x1450] =	vst v63  }
0x11: {  	_ =	swait.ge [sflag:s9], $0x1400  }
0x12: {  	[sflag:s9] =	ssyncset.done $0x0  }
0x13: {  	[sflag:s9] =	ssyncadd.s32 $0xFFFFEC00  }
0x14: {  	[hbm4b:s6+s2] =	stream.linear.scatter [tilespmem:s8], [sflag:$0x2], $0x1400, $0x38;
	[tilespmem:$0x1450] =	vst v63  }
0x15: {  	s12 =	simm.s32 $0xA;
	_ =	swait.ge [sflag:s7], $0x1400  }
0x16: {  	s13 =	simm.s32 $0x14;
	s11 =	sadd.s32 $0x280, s6;
	[sflag:s7] =	ssyncset.done $0x0  }
.LBB2_2:
0x17: {  	s14 =	sadd.s32 s12, s5  }
0x18: {  	[sflag:s7] =	ssyncadd.s32 $0xFFFFEC00;
	s12 =	smov.u32 s13;
	s15 =	sadd.s32 $0xA, s13  }
0x19: {  	[tilespmem:s2], [sflag:$0x2] =	stream.linear.gather [hbm4b:s14+s2], $0x50, $0x38;
	[tilespmem:$0x1450] =	vst v63  }
0x1a: {  	p0 =	sne.s32 s13, $0x4F6;
	_ =	swait.ge [sflag:s7], $0x50  }
0x1b: {  	[sflag:s7] =	ssyncset.done $0x0  }
0x1c: {  	[sflag:s7] =	ssyncadd.s32 $0xFFFFFFB0  }
0x1d: {  	[tilespmem:s8], [sflag:$0x1] =	stream.indirect.gather [hbm4b:s3+s8], $0x40, s2, s8, $0xb8;
	[tilespmem:$0x1450] =	vst v63  }
0x1e: {  	_ =	swait.ge [sflag:s9], $0x1400  }
.Ltmp0:
0x1f: {  	[sflag:s9] =	ssyncset.done $0x0;
	(pc) =	sbr.rel @p0 .LBB2_2-.Ltmp0, $4  }
0x20: {  	[sflag:s9] =	ssyncadd.s32 $0xFFFFEC00  }
0x21: {  	[hbm4b:s11+s2] =	stream.linear.scatter [tilespmem:s8], [sflag:$0x2], $0x1400, $0x38;
	[tilespmem:$0x1450] =	vst v63  }
0x22: {  	_ =	swait.ge [sflag:s7], $0x1400  }
0x23: {  	s13 =	smov.u32 s15;
	s11 =	sadd.s32 $0x280, s11;
	[sflag:s7] =	ssyncset.done $0x0  }
0x24: {  	s12 =	sadd.s32 s12, s5;
	[sflag:s7] =	ssyncadd.s32 $0xFFFFEC00  }
0x25: {  	[tilespmem:s2], [sflag:$0x2] =	stream.linear.gather [hbm4b:s12+s2], $0x50, $0x38;
	[tilespmem:$0x1450] =	vst v63  }
0x26: {  	_ =	swait.ge [sflag:s7], $0x50  }
0x27: {  	[sflag:s7] =	ssyncset.done $0x0  }
0x28: {  	[sflag:s7] =	ssyncadd.s32 $0xFFFFFFB0  }
0x29: {  	[tilespmem:s8], [sflag:$0x1] =	stream.indirect.gather [hbm4b:s3+s8], $0x40, s2, s8, $0xb8;
	[tilespmem:$0x1450] =	vst v63  }
0x2a: {  	s10 =	sadd.s32 $0x1, s10;
	_ =	swait.ge [sflag:s9], $0x1400  }
0x2b: {  	p0 =	sne.s32 s10, s4;
	[sflag:s9] =	ssyncset.done $0x0  }
.Ltmp1:
0x2c: {  	[sflag:s9] =	ssyncadd.s32 $0xFFFFEC00;
	(pc) =	sbr.rel @p0 .LBB2_1-.Ltmp1, $4  }
0x2d: {  	[hbm4b:s11+s2] =	stream.linear.scatter [tilespmem:s8], [sflag:$0x2], $0x1400, $0x38;
	[tilespmem:$0x1450] =	vst v63  }
0x2e: {  	_ =	swait.ge [sflag:s7], $0x1400  }
0x2f: {  	[sflag:s7] =	ssyncset.done $0x0  }
0x30: {  	[sflag:s7] =	ssyncadd.s32 $0xFFFFEC00  }
0x31: {  	_ =	sfence.sel $0x180000  }
0x32: {  	[bflag:$0x0] =	sbarrier.arrive $0xFFFF  }
0x33: {  	p0 =	sne.s32 s1, $0x0;
	_ =	strace $0x9000004D  }
0x34: {  	s0 =	sadd.s32 @!p0 $0x100000, s0;
	[bflag:$0x2] =	sbarrier.arrive $0xFFFF  }
0x35: {  	[sflag:s0] =	ssyncadd.tile.s32 @!p0 $0x1;
	_ =	shalt  }
.Lfunc_end2:
_tile_overlayer_lowered:
.L_overlay_start_2:
0x36: {  	(tag) =	ssettag $0x2  }
0x37: {  	s0 =	rddreg [dreg:$0x0];
	s2 =	stileid.u32  }
0x38: {  	s1 =	rddreg [dreg:$0x1];
	p0 =	sne.s32 s2, $0x0  }
0x39: {  	s3 =	rddreg [dreg:$0x2];
	[bflag:$0x3] =	sbarrier.arrive $0xFFFF;
	s2 =	simm.s32 @!p0 $0x1C02  }
0x3a: {  	[timem:s3], [sflag:s2] =	dma.local @!p0 [hbm:s0], s1  }
0x3b: {  	s0 =	simm.s32 @!p0 $0x2  }
0x3c: {  	_ =	swait.ge @!p0 [sflag:s0], s1  }
0x3d: {  	s1 =	ssub.s32 @!p0 $0x0, s1;
	[sflag:s0] =	ssyncset.done @!p0 $0x0  }
0x3e: {  	[sflag:s0] =	ssyncadd.s32 @!p0 s1  }
0x3f: {  	[bflag:$0x3] =	sbarrier.arrive $0xFFFF  }
0x40: {  	_ =	shalt  }

// kernel: kernel.33.cloned.1.call-start
scs
__scs_entry_jumppad:
0x0: {  	(pc) =	sbr.rel $0x88, $3  }
0x1: {  	(tag) =	ssettag $0x0;
	lr =	simm.s32 $0x1  }
0x2: {  	[smem:$0x3F92] =	sst lr;
	_ =	strace $0xD0000000  }
0x3: {  	_ = 	snop  }
0x4: {  	_ = 	snop  }
0x5: {  	_ = 	snop  }
0x6: {  	_ = 	snop  }
0x7: {  	_ = 	snop  }
__scs_overlays_trampoline_lowered:
0x8: {  	[smem:$0x3FA1] =	sst s0  }
0x9: {  	[smem:$0x3FA2] =	sst s1  }
0xa: {  	[smem:$0x3FA3] =	sst s2  }
0xb: {  	[smem:$0x3FA4] =	sst s3  }
0xc: {  	[smem:$0x3FA5] =	sst s4  }
0xd: {  	[smem:$0x3FA6] =	sst s5  }
0xe: {  	[smem:$0x3FA7] =	sst s6  }
0xf: {  	[smem:$0x3FA8] =	sst s7  }
0x10: {  	[smem:$0x3FA9] =	sst s8  }
0x11: {  	[smem:$0x3FAA] =	sst s9;
	s0 =	simm.s32 @!p0 $0x0  }
0x12: {  	s1 =	sld [smem:$0x3F90];
	s0 =	simm.s32 @p0 $0x1  }
0x13: {  	[smem:$0x3FAB] =	sst s0;
	s0 =	simm.s32 @!p1 $0x0  }
0x14: {  	s2 =	sld [smem:$0x3F8F];
	s0 =	simm.s32 @p1 $0x1  }
0x15: {  	[smem:$0x3FAC] =	sst s0;
	s0 =	simm.s32 @!p2 $0x0  }
0x16: {  	s3 =	sld [smem:$0x3FDB];
	s0 =	simm.s32 @p2 $0x1  }
0x17: {  	s4 =	simm.s32 $0x1BF5;
	[smem:$0x3FAE] =	sst s0  }
0x18: {  	s0 =	sld [smem:$0x3F91];
	_ =	swait.ge [sflag:s4], $0x0  }
0x19: {  	s7 =	sld [smem:$0x3F92]  }
0x1a: {  	s8 =	sadd.s32 $0xFFFFE003, lr  }
0x1b: {  	s9 =	sadd.s32 $0xFFFFFEF7, lr;
	s5 =	simm.s32 $0xFFFFFFFF;
	p2 =	slt.u32 s8, $0xFFFFF086  }
0x1c: {  	p1 =	slt.u32 s9, $0xF7A;
	s5 =	simm.s32 @!p2 $0x0  }
0x1d: {  	s5 =	simm.s32 @p1 $0x1;
	p0 =	seq.s32 s7, s2  }
0x1e: {  	s7 =	smul.u32 @!p0 $0xF7A, s2;
	p2 =	seq.s32 @!p0 s5, $0x0  }
0x1f: {  	s9 =	smul.u32 $0xF7A, s1;
	s8 =	simm.s32 @!p0 $0x1BF5;
	p2 =	por !p2, p0  }
0x20: {  	[sflag:s8] =	ssyncset.s32 @!p0 $0xFFFFF086;
	s6 =	sadd.s32 @!p0 s3, s7;
	s7 =	simm.s32 @!p0 $0x108  }
0x21: {  	s3 =	sadd.s32 s3, s9;
	s6 =	sadd.s32 @!p0 $0x88, s6;
	s7 =	simm.s32 @p2 $0x1082  }
0x22: {  	[simem:s7], [sflag:s8] =	dma.local @!p0 [hbm:s6], $0xF7A  }
0x23: {  	s9 =	sor.u32 $0xD0000000, s2;
	s6 =	simm.s32 $0x108;
	_ =	swait.ge @!p0 [sflag:s8], $0x0  }
0x24: {  	s3 =	sadd.s32 $0x88, s3;
	s6 =	simm.s32 @!p1 $0x1082;
	[sflag:s4] =	ssyncset.s32 $0xFFFFF086  }
0x25: {  	[simem:s6], [sflag:s4] =	dma.local [hbm:s3], $0xF7A  }
0x26: {  	[smem:$0x3F92] =	sst s1;
	(tag) =	ssettag s2;
	_ =	strace s9  }
0x27: {  	s1 =	sld [smem:$0x3FA2]  }
0x28: {  	s2 =	sld [smem:$0x3FA3]  }
0x29: {  	s4 =	sld [smem:$0x3FA5]  }
0x2a: {  	p0 =	seq.s32 s5, $0x0;
	s5 =	sld [smem:$0x3FA6]  }
0x2b: {  	s6 =	sld [smem:$0x3FA7]  }
0x2c: {  	s7 =	sld [smem:$0x3FA8]  }
0x2d: {  	s3 =	simm.s32 $0x108;
	s8 =	sld [smem:$0x3FA9]  }
0x2e: {  	s3 =	simm.s32 @!p0 $0x1082;
	s9 =	sld [smem:$0x3FAA]  }
0x2f: {  	lr =	sadd.s32 s0, s3;
	s0 =	sld [smem:$0x3FA1]  }
0x30: {  	s3 =	sld [smem:$0x3FA4]  }
0x31: {  	[smem:$0x3FAD] =	sst s10  }
0x32: {  	s10 =	sld [smem:$0x3FAB];
	_ =	sdelay $0x3  }
0x33: {  	p0 =	seq.s32 s10, $0x1;
	s10 =	sld [smem:$0x3FAD];
	_ =	sdelay $0x3  }
0x34: {  	[smem:$0x3FAD] =	sst s10  }
0x35: {  	s10 =	sld [smem:$0x3FAC];
	_ =	sdelay $0x3  }
0x36: {  	p1 =	seq.s32 s10, $0x1;
	s10 =	sld [smem:$0x3FAD];
	_ =	sdelay $0x3  }
0x37: {  	[smem:$0x3FAD] =	sst s10  }
0x38: {  	s10 =	sld [smem:$0x3FAE]  }
0x39: {  	_ = 	snop;
	(pc) =	sbr.ind lr, $3  }
0x3a: {  	_ = 	snop  }
0x3b: {  	_ = 	snop  }
0x3c: {  	p2 =	seq.s32 s10, $0x1;
	s10 =	sld [smem:$0x3FAD]  }
0x3d: {  	_ =	shalt  }
0x3e: {  	_ =	shalt  }
0x3f: {  	_ =	shalt  }
0x40: {  	_ =	shalt  }
0x41: {  	_ =	shalt  }
0x42: {  	_ =	shalt  }
0x43: {  	_ =	shalt  }
0x44: {  	_ =	shalt  }
0x45: {  	_ =	shalt  }
0x46: {  	_ =	shalt  }
0x47: {  	_ =	shalt  }
0x48: {  	_ =	shalt  }
0x49: {  	_ =	shalt  }
0x4a: {  	_ =	shalt  }
0x4b: {  	_ =	shalt  }
0x4c: {  	_ =	shalt  }
0x4d: {  	_ =	shalt  }
0x4e: {  	_ =	shalt  }
0x4f: {  	_ =	shalt  }
0x50: {  	_ =	shalt  }
0x51: {  	_ =	shalt  }
0x52: {  	_ =	shalt  }
0x53: {  	_ =	shalt  }
0x54: {  	_ =	shalt  }
0x55: {  	_ =	shalt  }
0x56: {  	_ =	shalt  }
0x57: {  	_ =	shalt  }
0x58: {  	_ =	shalt  }
0x59: {  	_ =	shalt  }
0x5a: {  	_ =	shalt  }
0x5b: {  	_ =	shalt  }
0x5c: {  	_ =	shalt  }
0x5d: {  	_ =	shalt  }
0x5e: {  	_ =	shalt  }
0x5f: {  	_ =	shalt  }
0x60: {  	_ =	shalt  }
0x61: {  	_ =	shalt  }
0x62: {  	_ =	shalt  }
0x63: {  	_ =	shalt  }
0x64: {  	_ =	shalt  }
0x65: {  	_ =	shalt  }
0x66: {  	_ =	shalt  }
0x67: {  	_ =	shalt  }
0x68: {  	_ =	shalt  }
0x69: {  	_ =	shalt  }
0x6a: {  	_ =	shalt  }
0x6b: {  	_ =	shalt  }
0x6c: {  	_ =	shalt  }
0x6d: {  	_ =	shalt  }
0x6e: {  	_ =	shalt  }
0x6f: {  	_ =	shalt  }
0x70: {  	_ =	shalt  }
0x71: {  	_ =	shalt  }
0x72: {  	_ =	shalt  }
0x73: {  	_ =	shalt  }
0x74: {  	_ =	shalt  }
0x75: {  	_ =	shalt  }
0x76: {  	_ =	shalt  }
0x77: {  	_ =	shalt  }
0x78: {  	_ =	shalt  }
0x79: {  	_ =	shalt  }
0x7a: {  	_ =	shalt  }
0x7b: {  	_ =	shalt  }
0x7c: {  	_ =	shalt  }
0x7d: {  	_ =	shalt  }
0x7e: {  	_ =	shalt  }
0x7f: {  	_ =	shalt  }
0x80: {  	_ =	shalt  }
0x81: {  	_ =	shalt  }
0x82: {  	_ =	shalt  }
0x83: {  	_ =	shalt  }
0x84: {  	_ =	shalt  }
0x85: {  	_ =	shalt  }
0x86: {  	_ =	shalt  }
0x87: {  	_ =	shalt  }
.Lfunc_end0:
.L_simem_size_0:
called_computation.3_lowered:
.L_overlay_start_0:
0x88: {  	s2 =	sld [smem:$0x3FD9]  }
0x89: {  	s3 =	sld [smem:$0x3FFE];
	_ =	sdelay $0x1  }
0x8a: {  	s1 =	srdreg.scid  }
0x8b: {  	s0 =	sand.u32 $0x1, s1  }
0x8c: {  	s16 =	sshll.u32 s0, $0xA;
	s2 =	sadd.s32 s3, s2  }
0x8d: {  	s2 =	sadd.s32 s2, s16  }
0x8e: {  	[smem:$0x3FB9] =	sst s2  }
0x8f: {  	_ = 	snop  }
0x90: {  	(tm) =	ssettm $0x1  }
0x91: {  	s17 =	sld [smem:$0x3FFB];
	_ =	sdelay $0x3  }
0x92: {  	_ =	strace s17  }
0x93: {  	s2 =	sld [smem:$0x3FFC];
	_ =	sdelay $0x3  }
0x94: {  	_ =	strace s2  }
0x95: {  	s2 =	sld [smem:$0x3FFD];
	_ =	sdelay $0x3  }
0x96: {  	_ =	strace s2  }
0x97: {  	_ =	strace $0x8FFFFFFF  }
0x98: {  	s18 =	sld [smem:$0x3FDB];
	_ =	sdelay $0x1  }
0x99: {  	s19 =	simm.s32 $_scs_section_size  }
0x9a: {  	s4 =	simm.s32 $_size__tile_overlayer_lowered;
	s5 =	simm.s32 $_tile_overlayer_lowered  }
0x9b: {  	s22 =	simm.s32 $0x1BFF;
	s21 =	sshll.u32 s5, $0x1;
	s2 =	sadd.s32 s19, s18  }
0x9c: {  	s6 =	simm.s32 $0x0;
	s20 =	sshll.u32 s4, $0x1;
	s4 =	sadd.s32 s21, s2  }
0x9d: {  	[timem:s6], [sflag:s22] =	dma.local [hbm:s4], s20  }
0x9e: {  	_ =	swait.ge [sflag:s22], s20  }
0x9f: {  	s3 =	ssub.s32 $0x0, s20;
	[sflag:s22] =	ssyncset.done $0x0  }
0xa0: {  	[sflag:s22] =	ssyncadd.s32 s3;
	_ =	sdelay $0x1  }
0xa1: {  	s23 =	simm.s32 $0x1B8B  }
0xa2: {  	_ =	swait.ge [sflag:s23], $0x1  }
0xa3: {  	[sflag:s23] =	ssyncset.done $0x0  }
0xa4: {  	s25 =	simm.s32 $0x1B8E;
	s24 =	sld [smem:$0x3FFE];
	[sflag:s23] =	ssyncadd.s32 $0xFFFFFFFF  }
0xa5: {  	s26 =	simm.s32 $execute0_lowered;
	[smem:$0x3FD2] =	sst s25  }
0xa6: {  	s4 =	sshll.u32 s26, $0x1;
	_ =	strace $0x8000004F;
	[dreg:$0x1] =	wrdreg $0xFFFFFFFF  }
0xa7: {  	s28 =	simm.s32 $_size_execute0_lowered;
	s2 =	sadd.s32 s2, s4;
	[dreg:$0x0] =	wrdreg $0x0  }
0xa8: {  	s4 =	sshll.u32 s28, $0x1;
	[dreg:$0x2] =	wrdreg s2  }
0xa9: {  	[dreg:$0x3] =	wrdreg s4  }
0xaa: {  	[dreg:$0x4] =	wrdreg $0xC0  }
0xab: {  	_ =	task [dreg:s6], $0x5FFFF  }
0xac: {  	[dreg:$0x1] =	wrdreg $0xFFFFFFFF  }
0xad: {  	[dreg:$0x0] =	wrdreg $0x60  }
0xae: {  	[dreg:$0x2] =	wrdreg s24  }
0xaf: {  	[dreg:$0x3] =	wrdreg $0x9  }
0xb0: {  	_ =	task.clear_ibuf [dreg:s6], $0x4FFFF;
	_ =	strace $0x9000004F  }
0xb1: {  	s29 =	simm.s32 $0x9;
	_ =	strace $0x80000051  }
0xb2: {  	_ =	swait.ge [sflag:s29], $0x1  }
0xb3: {  	[sflag:s29] =	ssyncadd.s32 $0xFFFFFFFF  }
0xb4: {  	_ =	strace $0x90000051  }
0xb5: {  	_ =	sfence  }
0xb6: {  	s30 =	sld [smem:$0x0];
	_ =	sdelay $0x2  }
0xb7: {  	s31 =	sshll.u32 s1, $0xD;
	s1 =	sshrl.u32 s1, $0x2  }
0xb8: {  	s3 =	sand.u32 $0x4000, s31;
	s1 =	sadd.s32 s1, s30  }
0xb9: {  	s0 =	sor.u32 s3, s0;
	s1 =	sshll.u32 s1, $0x11  }
0xba: {  	s0 =	sor.u32 s1, s0  }
0xbb: {  	s0 =	sadd.s32 $0x8F2B, s0  }
0xbc: {  	[sflag:s0] =	ssyncadd.remote.s32 $0x1  }
0xbd: {  	_ =	sfence.sel $0xFFFF  }
0xbe: {  	[dreg:$0x0] =	wrdreg $0xFFFFFFFF;
	(pc) =	sbr.abs _section_cstart, $3  }
0xbf: {  	[dreg:$0x1] =	wrdreg $0xFFFFFFFF  }
0xc0: {  	_ =	task.clear_ibuf [dreg:s6], $0x2FFFF;
	_ =	strace $0x9FFFFFFF  }
0xc1: {  	(tm) =	ssettm $0x7FFFFFFF  }
tec
execute0_lowered:
.L_overlay_start_1:
0x0: {  	(tag) =	ssettag $0x1  }
0x1: {  	s7 =	rddreg [dreg:$0x0]  }
0x2: {  	s0 =	rddreg [dreg:$0x1]  }
0x3: {  	s1 =	simm.s32 $0x0;
	s5 =	srdreg.scid;
	s2 =	stileid.u32  }
0x4: {  	s12 =	simm.s32 $0x1;
	s13 =	simm.s32 $0x5050;
	s14 =	simm.s32 $0x5450  }
0x5: {  	s15 =	simm.s32 $0x5850;
	s16 =	simm.s32 $0x0;
	[smem:$0x7FF] =	sst s1  }
0x6: {  	s3 =	sadd.s32 $0x206200, s7;
	s6 =	sand.u32 $0x1, s5;
	s8 =	sshll.u32 s2, $0x1  }
0x7: {  	s4 =	sadd.s32 $0xC6200, s7;
	s5 =	sadd.s32 $0x286200, s7;
	s8 =	sor.u32 s6, s8  }
0x8: {  	_ =	strace $0x80000050;
	s9 =	ssub.s32 $0x2, s6;
	s10 =	sshll.u32 s8, $0x5  }
0x9: {  	s6 =	sadd.s32 $0xD0200, s7;
	s11 =	sshrl.u32 s9, $0x1;
	s10 =	sadd.s32 s10, s7  }
0xa: {  	s9 =	ssub.s32 s9, s11;
	s7 =	sshll.u32 s8, $0x9;
	s11 =	simm.s32 $0x50  }
0xb: {  	v0 =	vimm.f32 $0.0e+00;
	s8 =	sadd.s32 $0x150200, s10;
	s9 =	smax.u32 s9, $0x1;
	s10 =	simm.s32 $0x2  }
.LBB2_1:
0xc: {  	[tilespmem:$0x5850] =	vst v0  }
0xd: {  	[tilespmem:$0x5860] =	vst v0  }
0xe: {  	[tilespmem:$0x5870] =	vst v0  }
0xf: {  	[tilespmem:$0x5880] =	vst v0  }
0x10: {  	[tilespmem:$0x5890] =	vst v0  }
0x11: {  	[tilespmem:$0x58A0] =	vst v0  }
0x12: {  	[tilespmem:$0x58B0] =	vst v0  }
0x13: {  	[tilespmem:$0x58C0] =	vst v0  }
0x14: {  	[tilespmem:$0x58D0] =	vst v0  }
0x15: {  	[tilespmem:$0x58E0] =	vst v0  }
0x16: {  	[tilespmem:$0x58F0] =	vst v0  }
0x17: {  	[tilespmem:$0x5900] =	vst v0  }
0x18: {  	[tilespmem:$0x5910] =	vst v0  }
0x19: {  	[tilespmem:$0x5920] =	vst v0  }
0x1a: {  	[tilespmem:$0x5930] =	vst v0  }
0x1b: {  	[tilespmem:$0x5940] =	vst v0;
	s17 =	simm.s32 $0x0  }
.LBB2_2:
0x1c: {  	s18 =	sshll.u32 s17, $0x2  }
0x1d: {  	s18 =	sadd.s32 s7, s18  }
0x1e: {  	s19 =	smul.u32 $0x14, s18;
	_ =	sdelay $0x1  }
0x1f: {  	s19 =	sshrl.u32 s19, $0x3  }
0x20: {  	s20 =	sadd.s32 s4, s19;
	s19 =	simm.s32 $0x0  }
0x21: {  	[tilespmem:s19], [sflag:$0x2] =	stream.linear.gather [hbm4b:s20+s19], $0x50, $0x38;
	[tilespmem:$0x5950] =	vst v63  }
0x22: {  	_ =	swait.ge [sflag:s10], $0x50  }
0x23: {  	[sflag:s10] =	ssyncset.done $0x0  }
0x24: {  	[sflag:s10] =	ssyncadd.s32 $0xFFFFFFB0  }
0x25: {  	[tilespmem:s11], [sflag:$0x1] =	stream.indirect.gather [hbm4b:s3+s11], $0x100, s19, s11, $0xb8;
	[tilespmem:$0x5950] =	vst v63  }
0x26: {  	_ =	swait.ge [sflag:s12], $0x5000  }
0x27: {  	[sflag:s12] =	ssyncset.done $0x0  }
0x28: {  	[sflag:s12] =	ssyncadd.s32 $0xFFFFB000  }
.LBB2_3:
0x29: {  	s20 =	sshra.s32 s19, $0x2  }
0x2a: {  	v1 =	vld [tilespmem:s20+$0x50]  }
0x2b: {  	v2 =	vld [tilespmem:s20+$0x150]  }
0x2c: {  	v3 =	vld [tilespmem:s20+$0x250]  }
0x2d: {  	v4 =	vld [tilespmem:s20+$0x350]  }
0x2e: {  	v7 =	vld [tilespmem:s20+$0x450]  }
0x2f: {  	v41 =	vld [tilespmem:s20+$0x750]  }
0x30: {  	v43 =	vld [tilespmem:s20+$0x850]  }
0x31: {  	v47 =	vld [tilespmem:s20+$0xB50]  }
0x32: {  	v49 =	vld [tilespmem:s20+$0xC50]  }
0x33: {  	v10 =	vld [tilespmem:s20+$0x1550]  }
0x34: {  	v53 =	vld [tilespmem:s20+$0x1650]  }
0x35: {  	v54 =	vld [tilespmem:s20+$0xE50]  }
0x36: {  	v55 =	vld [tilespmem:s20+$0x1750]  }
0x37: {  	v13 =	vld [tilespmem:s20+$0x1850]  }
0x38: {  	v14 =	vld [tilespmem:s20+$0xF50]  }
0x39: {  	v59 =	vld [tilespmem:s20+$0x1950];
	v5 =	vmul.f32 v1, v1  }
0x3a: {  	v61 =	vld [tilespmem:s20+$0x1A50];
	v6 =	vmul.f32 v2, v2;
	v38 =	vmul.f32 v3, v3  }
0x3b: {  	v62 =	vld [tilespmem:s20+$0x1050];
	v39 =	vmul.f32 v4, v4;
	v40 =	vmul.f32 v7, v7  }
0x3c: {  	v17 =	vld [tilespmem:s20+$0x1B50];
	v8 =	vadd.f32 v2, v1;
	v45 =	vmul.f32 v41, v41;
	v46 =	vmul.f32 v43, v43  }
0x3d: {  	v20 =	vld [tilespmem:s20+$0x1C50];
	v51 =	vmul.f32 v47, v47;
	v52 =	vmul.f32 v49, v49  }
0x3e: {  	v21 =	vld [tilespmem:s20+$0x1150];
	v11 =	vmul.f32 v10, v10;
	v5 =	vadd.f32 v6, v5;
	v8 =	vadd.f32 v3, v8  }
0x3f: {  	v1 =	vmax.f32 v1, v2;
	v2 =	vld [tilespmem:s20+$0x550];
	v57 =	vmul.f32 v53, v53;
	v60 =	vmul.f32 v55, v55  }
0x40: {  	v23 =	vld [tilespmem:s20+$0x1D50];
	v15 =	vmul.f32 v13, v13;
	v5 =	vadd.f32 v38, v5;
	v8 =	vadd.f32 v4, v8  }
0x41: {  	v18 =	vmul.f32 v59, v59;
	v19 =	vmul.f32 v14, v14;
	v1 =	vmax.f32 v1, v3;
	v3 =	vld [tilespmem:s20+$0x650]  }
0x42: {  	v26 =	vld [tilespmem:s20+$0x1E50];
	v1 =	vmax.f32 v1, v4;
	v5 =	vadd.f32 v39, v5;
	v8 =	vadd.f32 v7, v8  }
0x43: {  	v27 =	vld [tilespmem:s20+$0x1250];
	v22 =	vmul.f32 v61, v61;
	v24 =	vmul.f32 v17, v17;
	v1 =	vmax.f32 v1, v7  }
0x44: {  	v29 =	vld [tilespmem:s20+$0x1F50];
	v42 =	vmul.f32 v2, v2;
	v5 =	vadd.f32 v40, v5;
	v8 =	vadd.f32 v2, v8  }
0x45: {  	v32 =	vld [tilespmem:s20+$0x2050];
	v25 =	vmul.f32 v62, v62;
	v28 =	vmul.f32 v20, v20;
	v1 =	vmax.f32 v1, v2  }
0x46: {  	v44 =	vmul.f32 v3, v3;
	v2 =	vld [tilespmem:s20+$0x950];
	v5 =	vadd.f32 v42, v5;
	v8 =	vadd.f32 v3, v8  }
0x47: {  	v30 =	vmul.f32 v23, v23;
	v31 =	vmul.f32 v21, v21;
	v1 =	vmax.f32 v1, v3;
	v3 =	vld [tilespmem:s20+$0xA50]  }
0x48: {  	v33 =	vld [tilespmem:s20+$0x1350];
	v34 =	vmul.f32 v26, v26;
	v5 =	vadd.f32 v44, v5;
	v8 =	vadd.f32 v41, v8  }
0x49: {  	v9 =	vld [tilespmem:s20+$0xD50];
	v37 =	vmul.f32 v29, v29;
	v4 =	vmul.f32 v54, v54;
	v1 =	vmax.f32 v1, v41  }
0x4a: {  	v35 =	vld [tilespmem:s20+$0x2150];
	v1 =	vmax.f32 v1, v43;
	v5 =	vadd.f32 v45, v5;
	v8 =	vadd.f32 v43, v8  }
0x4b: {  	v38 =	vmul.f32 v27, v27;
	v39 =	vld [tilespmem:s20+$0x2250];
	v48 =	vmul.f32 v2, v2;
	v1 =	vmax.f32 v1, v2  }
0x4c: {  	v1 =	vmax.f32 v1, v3;
	v5 =	vadd.f32 v46, v5;
	v8 =	vadd.f32 v2, v8;
	v2 =	vld [tilespmem:s20+$0x1450]  }
0x4d: {  	v40 =	vmul.f32 v32, v32;
	v42 =	vmul.f32 v33, v33;
	v1 =	vmax.f32 v1, v47  }
0x4e: {  	v50 =	vmul.f32 v3, v3;
	v1 =	vmax.f32 v1, v49;
	v5 =	vadd.f32 v48, v5  }
0x4f: {  	v41 =	vld [tilespmem:s20+$0x2350];
	v43 =	vmul.f32 v35, v35;
	v8 =	vadd.f32 v3, v8;
	v1 =	vmax.f32 v1, v9  }
0x50: {  	v44 =	vld [tilespmem:s20+$0x2950];
	v46 =	vmul.f32 v39, v39;
	v1 =	vmax.f32 v1, v54;
	v5 =	vadd.f32 v50, v5  }
0x51: {  	v3 =	vadd.f32 v47, v8;
	v1 =	vmax.f32 v1, v14;
	v56 =	vmul.f32 v2, v2  }
0x52: {  	v45 =	vld [tilespmem:s20+$0x2450];
	v12 =	vmax.f32 v2, v10;
	v2 =	vadd.f32 v10, v2;
	v1 =	vmax.f32 v1, v62  }
0x53: {  	v5 =	vadd.f32 v51, v5;
	v3 =	vadd.f32 v49, v3;
	v58 =	vmax.f32 v12, v53  }
0x54: {  	v50 =	vld [tilespmem:s20+$0x2B50];
	v1 =	vmax.f32 v1, v21;
	v49 =	vmul.f32 v41, v41;
	v7 =	vadd.f32 v11, v56  }
0x55: {  	v51 =	vld [tilespmem:s20+$0x2550];
	v2 =	vadd.f32 v53, v2;
	v1 =	vmax.f32 v1, v27;
	v53 =	vmul.f32 v44, v44  }
0x56: {  	v5 =	vadd.f32 v52, v5;
	v3 =	vadd.f32 v9, v3;
	v9 =	vmul.f32 v9, v9  }
0x57: {  	v11 =	vmul.f32 v45, v45;
	v7 =	vadd.f32 v57, v7;
	v2 =	vadd.f32 v55, v2  }
0x58: {  	v1 =	vmax.f32 v1, v33;
	v5 =	vadd.f32 v9, v5;
	v3 =	vadd.f32 v54, v3  }
0x59: {  	v9 =	vmax.f32 v58, v55;
	v58 =	vmul.f32 v50, v50;
	v63 =	vadd.f32 v60, v7  }
0x5a: {  	v54 =	vld [tilespmem:s20+$0x2C50];
	v16 =	vmax.f32 v9, v13;
	v2 =	vadd.f32 v13, v2;
	v10 =	vmul.f32 v51, v51  }
0x5b: {  	v60 =	vld [tilespmem:s20+$0x2E50];
	v4 =	vadd.f32 v4, v5;
	v3 =	vadd.f32 v14, v3;
	v5 =	vmax.f32 v16, v59  }
0x5c: {  	v16 =	vld [tilespmem:s20+$0x2A50];
	v6 =	vadd.f32 v15, v63;
	v2 =	vadd.f32 v59, v2;
	v5 =	vmax.f32 v5, v61  }
0x5d: {  	v4 =	vadd.f32 v19, v4;
	v3 =	vadd.f32 v62, v3;
	v5 =	vmax.f32 v5, v17  }
0x5e: {  	v15 =	vld [tilespmem:s20+$0x2850];
	v6 =	vadd.f32 v18, v6;
	v2 =	vadd.f32 v61, v2;
	v5 =	vmax.f32 v5, v20  }
0x5f: {  	v61 =	vmul.f32 v54, v54;
	v4 =	vadd.f32 v25, v4;
	v3 =	vadd.f32 v21, v3  }
0x60: {  	v63 =	vld [tilespmem:s20+$0x2750];
	v5 =	vmax.f32 v5, v23;
	v25 =	vmul.f32 v60, v60;
	v6 =	vadd.f32 v22, v6  }
0x61: {  	v2 =	vadd.f32 v17, v2;
	v5 =	vmax.f32 v5, v26;
	v56 =	vmul.f32 v16, v16  }
0x62: {  	v4 =	vadd.f32 v31, v4;
	v3 =	vadd.f32 v27, v3;
	v5 =	vmax.f32 v5, v29  }
0x63: {  	v57 =	vld [tilespmem:s20+$0x2D50];
	v52 =	vmul.f32 v15, v15;
	v55 =	vadd.f32 v44, v15;
	v6 =	vadd.f32 v24, v6  }
0x64: {  	v13 =	vmax.f32 v15, v44;
	v2 =	vadd.f32 v20, v2;
	v4 =	vadd.f32 v38, v4  }
0x65: {  	v62 =	vld [tilespmem:s20+$0x2F50];
	v18 =	vmul.f32 v63, v63;
	v12 =	vadd.f32 v53, v52;
	v6 =	vadd.f32 v28, v6  }
0x66: {  	v19 =	vld [tilespmem:s20+$0x3D50];
	v5 =	vmax.f32 v5, v32;
	v8 =	vadd.f32 v16, v55;
	v2 =	vadd.f32 v23, v2  }
0x67: {  	v22 =	vld [tilespmem:s20+$0x3050];
	v59 =	vmax.f32 v13, v16;
	v4 =	vadd.f32 v42, v4;
	v6 =	vadd.f32 v30, v6  }
0x68: {  	v17 =	vld [tilespmem:s20+$0x2650];
	v20 =	vmul.f32 v57, v57;
	v12 =	vadd.f32 v56, v12;
	v8 =	vadd.f32 v50, v8  }
0x69: {  	v5 =	vmax.f32 v5, v35;
	v52 =	vld [tilespmem:s20+$0x4350];
	v2 =	vadd.f32 v26, v2;
	v6 =	vadd.f32 v34, v6  }
0x6a: {  	v47 =	vmax.f32 v5, v39;
	v30 =	vld [tilespmem:s20+$0x3C50];
	v12 =	vadd.f32 v58, v12;
	v8 =	vadd.f32 v54, v8  }
0x6b: {  	v36 =	vld [tilespmem:s20+$0x5850];
	v28 =	vmul.f32 v62, v62;
	v2 =	vadd.f32 v29, v2;
	v6 =	vadd.f32 v37, v6  }
0x6c: {  	v27 =	vld [tilespmem:s20+$0x3150];
	v31 =	vmul.f32 v22, v22;
	v12 =	vadd.f32 v61, v12;
	v8 =	vadd.f32 v57, v8  }
0x6d: {  	v26 =	vmul.f32 v17, v17;
	v29 =	vld [tilespmem:s20+$0x3250];
	v2 =	vadd.f32 v32, v2;
	v6 =	vadd.f32 v40, v6  }
0x6e: {  	v34 =	vld [tilespmem:s20+$0x3E50];
	v58 =	vmul.f32 v52, v52;
	v24 =	vadd.f32 v20, v12;
	v8 =	vadd.f32 v60, v8  }
0x6f: {  	v13 =	vmax.f32 v30, v19;
	v9 =	vadd.f32 v35, v2;
	v6 =	vadd.f32 v43, v6  }
0x70: {  	v42 =	vld [tilespmem:s20+$0x4050];
	v2 =	vadd.f32 v33, v3;
	v3 =	vadd.f32 v36, v4;
	v4 =	vmax.f32 v47, v41  }
0x71: {  	v33 =	vmul.f32 v27, v27;
	v40 =	vmul.f32 v30, v30;
	v6 =	vadd.f32 v46, v6  }
0x72: {  	v32 =	vld [tilespmem:s20+$0x3350];
	v4 =	vmax.f32 v4, v45;
	v8 =	vadd.f32 v62, v8;
	v48 =	vadd.f32 v39, v9  }
0x73: {  	v38 =	vld [tilespmem:s20+$0x3F50];
	v37 =	vmul.f32 v29, v29;
	v13 =	vmax.f32 v13, v34;
	v6 =	vadd.f32 v49, v6  }
0x74: {  	v20 =	vld [tilespmem:s20+$0x4150];
	v4 =	vmax.f32 v4, v51;
	v9 =	vmax.f32 v59, v50;
	v5 =	vadd.f32 v41, v48  }
0x75: {  	v47 =	vld [tilespmem:s20+$0x3650];
	v50 =	vmul.f32 v42, v42;
	v4 =	vmax.f32 v4, v17;
	v6 =	vadd.f32 v11, v6  }
0x76: {  	v21 =	vmax.f32 v9, v54;
	v8 =	vadd.f32 v22, v8;
	v5 =	vadd.f32 v45, v5  }
0x77: {  	v44 =	vld [tilespmem:s20+$0x3550];
	[tilespmem:s20+$0x5850] =	vst v3;
	v43 =	vmul.f32 v32, v32;
	v46 =	vadd.f32 v19, v30;
	v3 =	vadd.f32 v10, v6  }
0x78: {  	v23 =	vld [tilespmem:s20+$0x5850];
	v41 =	vmul.f32 v19, v19;
	v35 =	vadd.f32 v27, v8;
	v5 =	vadd.f32 v51, v5  }
0x79: {  	v48 =	vmul.f32 v38, v38;
	v53 =	vmul.f32 v20, v20;
	v14 =	vadd.f32 v26, v3  }
0x7a: {  	v54 =	vld [tilespmem:s20+$0x4450];
	v55 =	vmul.f32 v47, v47;
	v7 =	vadd.f32 v29, v35;
	v5 =	vadd.f32 v17, v5  }
0x7b: {  	v39 =	vld [tilespmem:s20+$0x3450];
	v45 =	vmul.f32 v34, v34;
	v11 =	vadd.f32 v34, v46;
	v14 =	vadd.f32 v18, v14  }
0x7c: {  	v51 =	vmul.f32 v44, v44;
	v3 =	vmax.f32 v4, v63;
	v4 =	vadd.f32 v63, v5  }
0x7d: {  	v35 =	vld [tilespmem:s20+$0x4A50];
	v6 =	vmax.f32 v21, v57;
	v5 =	vadd.f32 v23, v14;
	v14 =	vadd.f32 v41, v40  }
0x7e: {  	v7 =	vadd.f32 v32, v7;
	v10 =	vadd.f32 v25, v24;
	v24 =	vld [tilespmem:s20+$0x3850];
	v6 =	vmax.f32 v6, v60  }
0x7f: {  	v61 =	vmul.f32 v54, v54;
	v57 =	vld [tilespmem:s20+$0x4550];
	v6 =	vmax.f32 v6, v62;
	v14 =	vadd.f32 v45, v14  }
0x80: {  	v11 =	vadd.f32 v38, v11;
	v7 =	vadd.f32 v39, v7;
	v6 =	vmax.f32 v6, v22;
	v22 =	vld [tilespmem:s20+$0x4250]  }
0x81: {  	v21 =	vmul.f32 v39, v39;
	v25 =	vld [tilespmem:s20+$0x4650];
	v10 =	vadd.f32 v28, v10;
	v49 =	vadd.f32 v48, v14  }
0x82: {  	v11 =	vadd.f32 v42, v11;
	v46 =	vmul.f32 v35, v35;
	v7 =	vadd.f32 v44, v7  }
0x83: {  	v60 =	vld [tilespmem:s20+$0x3950];
	v10 =	vadd.f32 v31, v10;
	v6 =	vmax.f32 v6, v27;
	v12 =	vadd.f32 v50, v49  }
0x84: {  	v11 =	vadd.f32 v20, v11;
	v6 =	vmax.f32 v6, v29;
	v62 =	vmul.f32 v24, v24  }
0x85: {  	v26 =	vld [tilespmem:s20+$0x4750];
	v36 =	vadd.f32 v33, v10;
	v56 =	vmul.f32 v22, v22;
	v12 =	vadd.f32 v53, v12  }
0x86: {  	v7 =	vadd.f32 v47, v7;
	v63 =	vmul.f32 v57, v57;
	v30 =	vmul.f32 v25, v25  }
0x87: {  	v28 =	vld [tilespmem:s20+$0x4850];
	v6 =	vmax.f32 v6, v32;
	v8 =	vadd.f32 v37, v36;
	v12 =	vadd.f32 v56, v12  }
0x88: {  	v31 =	vmul.f32 v60, v60;
	v10 =	vmax.f32 v13, v38;
	v11 =	vadd.f32 v22, v11  }
0x89: {  	v29 =	vld [tilespmem:s20+$0x3A50];
	v6 =	vmax.f32 v6, v39;
	v8 =	vadd.f32 v43, v8;
	v12 =	vadd.f32 v58, v12  }
0x8a: {  	v23 =	vld [tilespmem:s20+$0x3750];
	v33 =	vmul.f32 v26, v26;
	v9 =	vmax.f32 v10, v42;
	v11 =	vadd.f32 v52, v11  }
0x8b: {  	v6 =	vmax.f32 v6, v44;
	v8 =	vadd.f32 v21, v8;
	v12 =	vadd.f32 v61, v12  }
0x8c: {  	v9 =	vmax.f32 v9, v20;
	v37 =	vmul.f32 v28, v28;
	v11 =	vadd.f32 v54, v11  }
0x8d: {  	v32 =	vld [tilespmem:s20+$0x4950];
	v6 =	vmax.f32 v6, v47;
	v8 =	vadd.f32 v51, v8;
	v12 =	vadd.f32 v63, v12  }
0x8e: {  	v9 =	vmax.f32 v9, v22;
	v38 =	vmul.f32 v29, v29;
	v11 =	vadd.f32 v57, v11  }
0x8f: {  	v39 =	vld [tilespmem:s20+$0x4B50];
	v59 =	vmul.f32 v23, v23;
	v8 =	vadd.f32 v55, v8;
	v12 =	vadd.f32 v30, v12  }
0x90: {  	v36 =	vld [tilespmem:s20+$0x3B50];
	v9 =	vmax.f32 v9, v52;
	v7 =	vadd.f32 v23, v7;
	v34 =	vadd.f32 v25, v11  }
0x91: {  	v44 =	vld [tilespmem:s20+$0x4C50];
	v6 =	vmax.f32 v6, v23;
	v8 =	vadd.f32 v59, v8;
	v12 =	vadd.f32 v33, v12  }
0x92: {  	v48 =	vld [tilespmem:s20+$0x4D50];
	v40 =	vmul.f32 v32, v32;
	v42 =	vmax.f32 v9, v54;
	v10 =	vadd.f32 v26, v34  }
0x93: {  	v6 =	vmax.f32 v6, v24;
	v8 =	vadd.f32 v62, v8;
	v12 =	vadd.f32 v37, v12  }
0x94: {  	v49 =	vmul.f32 v39, v39;
	v7 =	vadd.f32 v24, v7;
	v43 =	vadd.f32 v28, v10  }
0x95: {  	[tilespmem:s20+$0x5850] =	vst v5;
	v47 =	vmul.f32 v36, v36;
	v8 =	vadd.f32 v31, v8;
	v12 =	vadd.f32 v40, v12  }
0x96: {  	v45 =	vld [tilespmem:s20+$0x5850];
	v6 =	vmax.f32 v6, v60;
	v51 =	vmul.f32 v44, v44;
	v9 =	vadd.f32 v32, v43  }
0x97: {  	v53 =	vmul.f32 v48, v48;
	v41 =	vadd.f32 v38, v8;
	v12 =	vadd.f32 v46, v12  }
0x98: {  	[tilespmem:s20+$0x5050] =	vst v1;
	v50 =	vld [tilespmem:s20+$0x4E50];
	v1 =	vadd.f32 v60, v7;
	v8 =	vmax.f32 v42, v57;
	v9 =	vadd.f32 v35, v9  }
0x99: {  	v8 =	vmax.f32 v8, v25;
	v5 =	vadd.f32 v47, v41;
	v12 =	vadd.f32 v49, v12  }
0x9a: {  	v52 =	vld [tilespmem:s20+$0x4F50];
	v56 =	vmax.f32 v6, v29;
	v8 =	vmax.f32 v8, v26;
	v9 =	vadd.f32 v39, v9  }
0x9b: {  	v8 =	vmax.f32 v8, v28;
	v5 =	vadd.f32 v45, v5;
	v12 =	vadd.f32 v51, v12  }
0x9c: {  	v1 =	vadd.f32 v29, v1;
	v8 =	vmax.f32 v8, v32;
	v55 =	vadd.f32 v44, v9  }
0x9d: {  	v58 =	vmul.f32 v50, v50;
	v8 =	vmax.f32 v8, v35;
	[tilespmem:s20+$0x5850] =	vst v5;
	v57 =	vadd.f32 v53, v12  }
0x9e: {  	[tilespmem:s20+$0x5150] =	vst v3;
	v3 =	vmax.f32 v56, v36;
	v54 =	vmax.f32 v8, v39;
	v59 =	vadd.f32 v48, v55;
	v60 =	vld [tilespmem:s20+$0x5850]  }
0x9f: {  	[tilespmem:s20+$0x5450] =	vst v2;
	v62 =	vmul.f32 v52, v52;
	v2 =	vmax.f32 v54, v44;
	v61 =	vadd.f32 v58, v57  }
0xa0: {  	p0 =	sne.s32 s19, $0x3C0;
	[tilespmem:s20+$0x5550] =	vst v4;
	v1 =	vadd.f32 v36, v1;
	v2 =	vmax.f32 v2, v48;
	v63 =	vadd.f32 v50, v59  }
.Ltmp0:
0xa1: {  	[tilespmem:s20+$0x5250] =	vst v3;
	v2 =	vmax.f32 v2, v50;
	v3 =	vadd.f32 v62, v61;
	(pc) =	sbr.rel @p0 .LBB2_3-.Ltmp0, $4  }
0xa2: {  	[tilespmem:s20+$0x5650] =	vst v1;
	v1 =	vmax.f32 v2, v52;
	v2 =	vadd.f32 v52, v63  }
0xa3: {  	[tilespmem:s20+$0x5350] =	vst v1;
	v1 =	vadd.f32 v60, v3  }
0xa4: {  	[tilespmem:s20+$0x5750] =	vst v2  }
0xa5: {  	s19 =	sadd.s32 $0x40, s19;
	[tilespmem:s20+$0x5850] =	vst v1  }
0xa6: {  	s18 =	sshll.u32 s18, $0x5  }
0xa7: {  	s19 =	sadd.s32 s5, s18  }
0xa8: {  	[hbm4b:s19+s1] =	stream.linear.scatter [tilespmem:s13], [sflag:$0x2], $0x400, $0x38;
	[tilespmem:$0x5950] =	vst v63  }
0xa9: {  	s17 =	sadd.s32 $0x1, s17;
	_ =	swait.ge [sflag:s10], $0x400  }
0xaa: {  	p0 =	sne.s32 s17, $0x80;
	[sflag:s10] =	ssyncset.done $0x0  }
.Ltmp1:
0xab: {  	s18 =	sadd.s32 s6, s18;
	[sflag:s10] =	ssyncadd.s32 $0xFFFFFC00;
	(pc) =	sbr.rel @p0 .LBB2_2-.Ltmp1, $4  }
0xac: {  	[hbm4b:s18+s1] =	stream.linear.scatter [tilespmem:s14], [sflag:$0x2], $0x400, $0x38;
	[tilespmem:$0x5950] =	vst v63  }
0xad: {  	_ =	swait.ge [sflag:s10], $0x400  }
0xae: {  	[sflag:s10] =	ssyncset.done $0x0  }
0xaf: {  	[sflag:s10] =	ssyncadd.s32 $0xFFFFFC00  }
0xb0: {  	s16 =	sadd.s32 $0x1, s16  }
0xb1: {  	p0 =	sne.s32 s16, s9  }
.Ltmp2:
0xb2: {  	_ = 	snop;
	(pc) =	sbr.rel @p0 .LBB2_1-.Ltmp2, $4  }
0xb3: {  	[hbm4b:s8+s1] =	stream.linear.scatter [tilespmem:s15], [sflag:$0x2], $0x100, $0x38;
	[tilespmem:$0x5950] =	vst v63  }
0xb4: {  	_ =	swait.ge [sflag:s10], $0x100  }
0xb5: {  	[sflag:s10] =	ssyncset.done $0x0  }
0xb6: {  	[sflag:s10] =	ssyncadd.s32 $0xFFFFFF00  }
0xb7: {  	_ =	sfence.sel $0x180000  }
0xb8: {  	[bflag:$0x0] =	sbarrier.arrive $0xFFFF  }
0xb9: {  	p0 =	sne.s32 s2, $0x0;
	_ =	strace $0x90000050  }
0xba: {  	s0 =	sadd.s32 @!p0 $0x100000, s0;
	[bflag:$0x2] =	sbarrier.arrive $0xFFFF  }
0xbb: {  	[sflag:s0] =	ssyncadd.tile.s32 @!p0 $0x1;
	_ =	shalt  }
.Lfunc_end2:
_tile_overlayer_lowered:
.L_overlay_start_2:
0xbc: {  	(tag) =	ssettag $0x2  }
0xbd: {  	s0 =	rddreg [dreg:$0x0];
	s2 =	stileid.u32  }
0xbe: {  	s1 =	rddreg [dreg:$0x1];
	p0 =	sne.s32 s2, $0x0  }
0xbf: {  	s3 =	rddreg [dreg:$0x2];
	[bflag:$0x3] =	sbarrier.arrive $0xFFFF;
	s2 =	simm.s32 @!p0 $0x1C02  }
0xc0: {  	[timem:s3], [sflag:s2] =	dma.local @!p0 [hbm:s0], s1  }
0xc1: {  	s0 =	simm.s32 @!p0 $0x2  }
0xc2: {  	_ =	swait.ge @!p0 [sflag:s0], s1  }
0xc3: {  	s1 =	ssub.s32 @!p0 $0x0, s1;
	[sflag:s0] =	ssyncset.done @!p0 $0x0  }
0xc4: {  	[sflag:s0] =	ssyncadd.s32 @!p0 s1  }
0xc5: {  	[bflag:$0x3] =	sbarrier.arrive $0xFFFF  }
0xc6: {  	_ =	shalt  }

</sc_bundles>
